<compile_context>
chip_gen: v7x
topology: tpu7x:2x2x1
jax: 0.10.2.dev20260603
libtpu: 0.0.44.dev20260713+nightly
codegen_flags: <defaults>
</compile_context>

<pallas_src>
import functools

import jax
import jax.numpy as jnp
from jax import lax
from jax.experimental import pallas as pl
from jax.experimental.pallas import tpu as pltpu
from jax.experimental.pallas import tpu_sc as plsc


F32 = jnp.float32
I32 = jnp.int32
BIGI = 2 ** 30



def _run_fps(sx, sy, sz, m, out_shape):
    r, c = sx.shape
    iota = lax.broadcasted_iota(I32, (r, c), 0) * c + lax.broadcasted_iota(I32, (r, c), 1)
    oiota = (lax.broadcasted_iota(I32, out_shape, 0) * out_shape[1]
             + lax.broadcasted_iota(I32, out_shape, 1))
    lx0 = sx[0:1, 0:1]
    ly0 = sy[0:1, 0:1]
    lz0 = sz[0:1, 0:1]
    zeros = jnp.zeros(out_shape, F32)
    ox = jnp.where(oiota == 0, lx0, zeros)
    oy = jnp.where(oiota == 0, ly0, zeros)
    oz = jnp.where(oiota == 0, lz0, zeros)
    dmin = jnp.full((r, c), jnp.inf, F32)

    def body(i, carry):
        dmin, lx, ly, lz, ox, oy, oz = carry
        dx = sx - lx
        dy = sy - ly
        dz = sz - lz
        d = dx * dx + dy * dy + dz * dz
        dmin = jnp.minimum(dmin, d)
        mx = jnp.max(jnp.max(dmin, axis=1, keepdims=True), axis=0, keepdims=True)
        cand = jnp.where(dmin == mx, iota, BIGI)
        idx = jnp.min(jnp.min(cand, axis=1, keepdims=True), axis=0, keepdims=True)
        eq = iota == idx
        nlx = jnp.sum(jnp.sum(jnp.where(eq, sx, 0.0), axis=1, keepdims=True), axis=0, keepdims=True)
        nly = jnp.sum(jnp.sum(jnp.where(eq, sy, 0.0), axis=1, keepdims=True), axis=0, keepdims=True)
        nlz = jnp.sum(jnp.sum(jnp.where(eq, sz, 0.0), axis=1, keepdims=True), axis=0, keepdims=True)
        sel = oiota == i
        ox = jnp.where(sel, nlx, ox)
        oy = jnp.where(sel, nly, oy)
        oz = jnp.where(sel, nlz, oz)
        return (dmin, nlx, nly, nlz, ox, oy, oz)

    carry = (dmin, lx0, ly0, lz0, ox, oy, oz)
    carry = lax.fori_loop(1, m, body, carry)
    return carry[4], carry[5], carry[6]


def _fps_body(px, py, pz, p1x, p1y, p1z, p2x, p2y, p2z):
    sx = px[...]
    sy = py[...]
    sz = pz[...]
    o1x, o1y, o1z = _run_fps(sx, sy, sz, 2048, (16, 128))
    p1x[...] = o1x
    p1y[...] = o1y
    p1z[...] = o1z
    o2x, o2y, o2z = _run_fps(o1x, o1y, o1z, 1024, (8, 128))
    p2x[...] = o2x
    p2y[...] = o2y
    p2z[...] = o2z


def _fps_call(px, py, pz):
    outs = [jax.ShapeDtypeStruct((16, 128), F32)] * 3 + [jax.ShapeDtypeStruct((8, 128), F32)] * 3
    return pl.pallas_call(
        _fps_body,
        out_shape=outs,
    )(px, py, pz)



def _select64_body(cx, cy, cz, px, py, pz, idx_o, d2_o):
    bc = cx.shape[0]
    n = px.shape[1]
    dx = cx[...] - px[...]
    dy = cy[...] - py[...]
    dz = cz[...] - pz[...]
    d2 = dx * dx + dy * dy + dz * dz
    col = lax.broadcasted_iota(I32, (bc, n), 1)
    k64 = lax.broadcasted_iota(I32, (bc, 64), 1)

    def rnd(k, carry):
        d2, ia, da = carry
        m = jnp.min(d2, axis=1, keepdims=True)
        cand = jnp.where(d2 == m, col, BIGI)
        win = jnp.min(cand, axis=1, keepdims=True)
        ia = jnp.where(k64 == k, win, ia)
        da = jnp.where(k64 == k, m, da)
        d2 = jnp.where(col == win, jnp.inf, d2)
        return d2, ia, da

    ia0 = jnp.zeros((bc, 64), I32)
    da0 = jnp.zeros((bc, 64), F32)
    _, ia, da = lax.fori_loop(0, 64, rnd, (d2, ia0, da0))
    idx_o[...] = ia
    d2_o[...] = da


def _select64_call(cxyz, pxyz, m, n, bc=128):
    grid = (m // bc,)
    in_specs = (
        [pl.BlockSpec((bc, 1), lambda i: (i, 0))] * 3
        + [pl.BlockSpec((1, n), lambda i: (0, 0))] * 3
    )
    out_specs = [
        pl.BlockSpec((bc, 64), lambda i: (i, 0)),
        pl.BlockSpec((bc, 64), lambda i: (i, 0)),
    ]
    return pl.pallas_call(
        _select64_body,
        grid=grid,
        in_specs=in_specs,
        out_specs=out_specs,
        out_shape=[
            jax.ShapeDtypeStruct((m, 64), I32),
            jax.ShapeDtypeStruct((m, 64), F32),
        ],
    )(*cxyz, *pxyz)



def _knn3_body(cx, cy, cz, px, py, pz, idx_o, w_o):
    bc = cx.shape[0]
    n = px.shape[1]
    dx = cx[...] - px[...]
    dy = cy[...] - py[...]
    dz = cz[...] - pz[...]
    d2 = dx * dx + dy * dy + dz * dz
    col = lax.broadcasted_iota(I32, (bc, n), 1)
    wins = []
    ms = []
    for _ in range(3):
        m = jnp.min(d2, axis=1, keepdims=True)
        cand = jnp.where(d2 == m, col, BIGI)
        win = jnp.min(cand, axis=1, keepdims=True)
        d2 = jnp.where(col == win, jnp.inf, d2)
        wins.append(win)
        ms.append(m)
    w0 = 1.0 / jnp.maximum(ms[0], 1e-16)
    w1 = 1.0 / jnp.maximum(ms[1], 1e-16)
    w2 = 1.0 / jnp.maximum(ms[2], 1e-16)
    s = (w0 + w1) + w2
    wn0, wn1, wn2 = w0 / s, w1 / s, w2 / s
    i8 = lax.broadcasted_iota(I32, (bc, 8), 1)
    w8 = jnp.where(i8 == 0, wn0,
                   jnp.where(i8 == 1, wn1,
                             jnp.where(i8 == 2, wn2, 0.0)))
    idx8 = jnp.where(i8 == 0, wins[0],
                     jnp.where(i8 == 1, wins[1],
                               jnp.where(i8 == 2, wins[2], 0)))
    idx_o[...] = idx8
    w_o[...] = w8


def _knn3_call(cxyz, pxyz, m, n, bc=128):
    grid = (m // bc,)
    in_specs = (
        [pl.BlockSpec((bc, 1), lambda i: (i, 0))] * 3
        + [pl.BlockSpec((1, n), lambda i: (0, 0))] * 3
    )
    out_specs = [
        pl.BlockSpec((bc, 8), lambda i: (i, 0)),
        pl.BlockSpec((bc, 8), lambda i: (i, 0)),
    ]
    return pl.pallas_call(
        _knn3_body,
        grid=grid,
        in_specs=in_specs,
        out_specs=out_specs,
        out_shape=[
            jax.ShapeDtypeStruct((m, 8), I32),
            jax.ShapeDtypeStruct((m, 8), F32),
        ],
    )(*cxyz, *pxyz)



def _g1_body(x0, x1c, x2c, px, py, pz, q1x, q1y, q1z, w1, b1, g_o, t_o):
    w = w1[...]
    g = (x0[...] * w[0:1, :] + x1c[...] * w[1:2, :] + x2c[...] * w[2:3, :]
         + px[...] * w[3:4, :] + py[...] * w[4:5, :] + pz[...] * w[5:6, :]
         + b1[...])
    g_o[...] = g
    t_o[...] = (q1x[...] * w[3:4, :] + q1y[...] * w[4:5, :] + q1z[...] * w[5:6, :])


def _g1_call(xcols, pcols, p1cols, w1, b1):
    return pl.pallas_call(
        _g1_body,
        out_shape=[
            jax.ShapeDtypeStruct((4096, 128), F32),
            jax.ShapeDtypeStruct((2048, 128), F32),
        ],
    )(*xcols, *pcols, *p1cols, w1, b1)


def _g2_body(x1, p1x, p1y, p1z, p2x, p2y, p2z, w1, b1, g_o, t_o):
    w = w1[...]
    wx = w[0:128, :]
    g = (jnp.dot(x1[...], wx, preferred_element_type=F32)
         + p1x[...] * w[128:129, :] + p1y[...] * w[129:130, :]
         + p1z[...] * w[130:131, :] + b1[...])
    g_o[...] = g
    t_o[...] = (p2x[...] * w[128:129, :] + p2y[...] * w[129:130, :]
                + p2z[...] * w[130:131, :])


def _g2_call(x1, p1cols, p2cols, w1, b1):
    return pl.pallas_call(
        _g2_body,
        out_shape=[
            jax.ShapeDtypeStruct((2048, 128), F32),
            jax.ShapeDtypeStruct((1024, 128), F32),
        ],
    )(x1, *p1cols, *p2cols, w1, b1)



def _sa_mlp_body(g, term, d2s, w2, b2, w3, b3, out_o, *, r2, k, din):
    bc = g.shape[0]
    h1 = jnp.maximum(g[...] - term[...], 0.0)
    h1 = h1.reshape(bc * k, din)
    h2 = jnp.maximum(jnp.dot(h1, w2[...], preferred_element_type=F32) + b2[...], 0.0)
    h3 = jnp.maximum(jnp.dot(h2, w3[...], preferred_element_type=F32) + b3[...], 0.0)
    dout = h3.shape[1]
    h3 = h3.reshape(bc, k, dout)
    d2v = d2s[...]
    acc = jnp.full((bc, dout), -jnp.inf, F32)
    for kk in range(k):
        valid = d2v[:, kk:kk + 1] <= r2
        acc = jnp.maximum(acc, jnp.where(valid, h3[:, kk, :], -jnp.inf))
    out_o[...] = acc


def _sa_mlp_call(g3d, term, d2s, w2, b2, w3, b3, r2, bc=128):
    m, k, din = g3d.shape
    dmid = w2.shape[1]
    dout = w3.shape[1]
    grid = (m // bc,)
    body = functools.partial(_sa_mlp_body, r2=r2, k=k, din=din)
    term = term.reshape(m, 1, din)
    in_specs = [
        pl.BlockSpec((bc, k, din), lambda i: (i, 0, 0)),
        pl.BlockSpec((bc, 1, din), lambda i: (i, 0, 0)),
        pl.BlockSpec((bc, k), lambda i: (i, 0)),
        pl.BlockSpec((din, dmid), lambda i: (0, 0)),
        pl.BlockSpec((1, dmid), lambda i: (0, 0)),
        pl.BlockSpec((dmid, dout), lambda i: (0, 0)),
        pl.BlockSpec((1, dout), lambda i: (0, 0)),
    ]
    return pl.pallas_call(
        body,
        grid=grid,
        in_specs=in_specs,
        out_specs=pl.BlockSpec((bc, dout), lambda i: (i, 0)),
        out_shape=jax.ShapeDtypeStruct((m, dout), F32),
    )(g3d, term, d2s, w2, b2, w3, b3)



def _sa3fp3_body(x2, p2x, p2y, p2z, w1, b1, w2, b2, w3, b3, fw1, fb1, fw2, fb2, f3_o):
    w1v = w1[...]
    h1 = jnp.maximum(
        jnp.dot(x2[...], w1v[0:256, :], preferred_element_type=F32)
        + p2x[...] * w1v[256:257, :] + p2y[...] * w1v[257:258, :]
        + p2z[...] * w1v[258:259, :] + b1[...], 0.0)
    h2 = jnp.maximum(jnp.dot(h1, w2[...], preferred_element_type=F32) + b2[...], 0.0)
    h3 = jnp.maximum(jnp.dot(h2, w3[...], preferred_element_type=F32) + b3[...], 0.0)
    x3 = jnp.max(h3, axis=0, keepdims=True)
    fw1v = fw1[...]
    f3 = jnp.maximum(
        jnp.dot(x3, fw1v[0:1024, :], preferred_element_type=F32)
        + jnp.dot(x2[...], fw1v[1024:1280, :], preferred_element_type=F32)
        + fb1[...], 0.0)
    f3 = jnp.maximum(jnp.dot(f3, fw2[...], preferred_element_type=F32) + fb2[...], 0.0)
    f3_o[...] = f3


def _sa3fp3_call(x2, p2cols, sa3, fp3):
    return pl.pallas_call(
        _sa3fp3_body,
        out_shape=jax.ShapeDtypeStruct((1024, 256), F32),
    )(x2, *p2cols,
      sa3[0]["W"], sa3[0]["b"].reshape(1, -1),
      sa3[1]["W"], sa3[1]["b"].reshape(1, -1),
      sa3[2]["W"], sa3[2]["b"].reshape(1, -1),
      fp3[0]["W"], fp3[0]["b"].reshape(1, -1),
      fp3[1]["W"], fp3[1]["b"].reshape(1, -1))



def _fp2_body(gf, w8, x1, w1, b1, w2, b2, out_o):
    g0 = gf[:, 0:256]
    g1 = gf[:, 256:512]
    g2 = gf[:, 512:768]
    w0 = w8[:, 0:1]
    wq = w8[:, 1:2]
    wr = w8[:, 2:3]
    f2pre = (g0 * w0 + g1 * wq) + g2 * wr
    w1v = w1[...]
    h = jnp.maximum(
        jnp.dot(f2pre, w1v[0:256, :], preferred_element_type=F32)
        + jnp.dot(x1[...], w1v[256:384, :], preferred_element_type=F32)
        + b1[...], 0.0)
    out_o[...] = jnp.maximum(jnp.dot(h, w2[...], preferred_element_type=F32) + b2[...], 0.0)


def _fp2_call(gf, w8, x1, fp2, bc=256):
    m = gf.shape[0]
    grid = (m // bc,)
    in_specs = [
        pl.BlockSpec((bc, 768), lambda i: (i, 0)),
        pl.BlockSpec((bc, 8), lambda i: (i, 0)),
        pl.BlockSpec((bc, 128), lambda i: (i, 0)),
        pl.BlockSpec((384, 256), lambda i: (0, 0)),
        pl.BlockSpec((1, 256), lambda i: (0, 0)),
        pl.BlockSpec((256, 128), lambda i: (0, 0)),
        pl.BlockSpec((1, 128), lambda i: (0, 0)),
    ]
    return pl.pallas_call(
        _fp2_body,
        grid=grid,
        in_specs=in_specs,
        out_specs=pl.BlockSpec((bc, 128), lambda i: (i, 0)),
        out_shape=jax.ShapeDtypeStruct((m, 128), F32),
    )(gf, w8, x1, fp2[0]["W"], fp2[0]["b"].reshape(1, -1),
      fp2[1]["W"], fp2[1]["b"].reshape(1, -1))



def _fp1_head_body(gf, w8, x0, x1c, x2c, w1, b1, w2, b2, w3, b3,
                   l1w, l1b, l2w, l2b, l3w, l3b, out_o):
    g0 = gf[:, 0:128]
    g1 = gf[:, 128:256]
    g2 = gf[:, 256:384]
    w0 = w8[:, 0:1]
    wq = w8[:, 1:2]
    wr = w8[:, 2:3]
    f1pre = (g0 * w0 + g1 * wq) + g2 * wr
    w1v = w1[...]
    h = jnp.maximum(
        jnp.dot(f1pre, w1v[0:128, :], preferred_element_type=F32)
        + x0[...] * w1v[128:129, :] + x1c[...] * w1v[129:130, :]
        + x2c[...] * w1v[130:131, :] + b1[...], 0.0)
    h = jnp.maximum(jnp.dot(h, w2[...], preferred_element_type=F32) + b2[...], 0.0)
    h = jnp.maximum(jnp.dot(h, w3[...], preferred_element_type=F32) + b3[...], 0.0)
    h = jnp.maximum(jnp.dot(h, l1w[...], preferred_element_type=F32) + l1b[...], 0.0)
    h = jnp.dot(h, l2w[...], preferred_element_type=F32) + l2b[...]
    h = jnp.dot(h, l3w[...], preferred_element_type=F32) + l3b[...]
    out_o[...] = jax.nn.sigmoid(h)


def _fp1_head_call(gf, w8, xcols, fp1, lin1, lin2, l3wp, l3bp, bc=256):
    m = gf.shape[0]
    grid = (m // bc,)
    in_specs = [
        pl.BlockSpec((bc, 384), lambda i: (i, 0)),
        pl.BlockSpec((bc, 8), lambda i: (i, 0)),
        pl.BlockSpec((bc, 1), lambda i: (i, 0)),
        pl.BlockSpec((bc, 1), lambda i: (i, 0)),
        pl.BlockSpec((bc, 1), lambda i: (i, 0)),
        pl.BlockSpec((131, 128), lambda i: (0, 0)),
        pl.BlockSpec((1, 128), lambda i: (0, 0)),
        pl.BlockSpec((128, 128), lambda i: (0, 0)),
        pl.BlockSpec((1, 128), lambda i: (0, 0)),
        pl.BlockSpec((128, 128), lambda i: (0, 0)),
        pl.BlockSpec((1, 128), lambda i: (0, 0)),
        pl.BlockSpec((128, 128), lambda i: (0, 0)),
        pl.BlockSpec((1, 128), lambda i: (0, 0)),
        pl.BlockSpec((128, 128), lambda i: (0, 0)),
        pl.BlockSpec((1, 128), lambda i: (0, 0)),
        pl.BlockSpec((128, 128), lambda i: (0, 0)),
        pl.BlockSpec((1, 128), lambda i: (0, 0)),
    ]
    return pl.pallas_call(
        _fp1_head_body,
        grid=grid,
        in_specs=in_specs,
        out_specs=pl.BlockSpec((bc, 128), lambda i: (i, 0)),
        out_shape=jax.ShapeDtypeStruct((m, 128), F32),
    )(gf, w8, *xcols,
      fp1[0]["W"], fp1[0]["b"].reshape(1, -1),
      fp1[1]["W"], fp1[1]["b"].reshape(1, -1),
      fp1[2]["W"], fp1[2]["b"].reshape(1, -1),
      lin1["W"], lin1["b"].reshape(1, -1),
      lin2["W"], lin2["b"].reshape(1, -1),
      l3wp, l3bp)



_NC, _NS = 2, 16
_NW = _NC * _NS


def _sc_gather(table, idx_flat, chunk):
    b = idx_flat.shape[0]
    d = table.shape[1]
    bpw = b // _NW
    nchunks = bpw // chunk
    assert bpw % chunk == 0 and b % (8 * _NW) == 0
    mesh = plsc.VectorSubcoreMesh(core_axis_name="c", subcore_axis_name="s")

    @functools.partial(
        pl.kernel, mesh=mesh,
        out_type=jax.ShapeDtypeStruct((b, d), F32),
        scratch_types=[
            pltpu.VMEM((chunk,), I32),
            pltpu.VMEM((chunk, d), F32),
            pltpu.SemaphoreType.DMA,
        ],
    )
    def k(table_hbm, idx_hbm, out_hbm, idx_v, rows_v, sem):
        wid = lax.axis_index("s") * _NC + lax.axis_index("c")
        base0 = wid * bpw

        def body(j, carry):
            base = base0 + j * chunk
            pltpu.sync_copy(idx_hbm.at[pl.ds(base, chunk)], idx_v)
            pltpu.async_copy(table_hbm.at[idx_v], rows_v, sem).wait()
            pltpu.sync_copy(rows_v, out_hbm.at[pl.ds(base, chunk)])
            return carry

        lax.fori_loop(0, nchunks, body, 0)

    return k(table, idx_flat)


def _gather_rows(table, idx_flat, chunk):
    return _sc_gather(table, idx_flat, chunk)



def kernel(x, pos, batch, params):
    px = pos[:, 0].reshape(32, 128)
    py = pos[:, 1].reshape(32, 128)
    pz = pos[:, 2].reshape(32, 128)

    p1x, p1y, p1z, p2x, p2y, p2z = _fps_call(px, py, pz)
    p1xf = p1x.reshape(2048, 1)
    p1yf = p1y.reshape(2048, 1)
    p1zf = p1z.reshape(2048, 1)
    p2xf = p2x.reshape(1024, 1)
    p2yf = p2y.reshape(1024, 1)
    p2zf = p2z.reshape(1024, 1)
    pxr = pos[:, 0].reshape(1, 4096)
    pyr = pos[:, 1].reshape(1, 4096)
    pzr = pos[:, 2].reshape(1, 4096)
    p1xr = p1x.reshape(1, 2048)
    p1yr = p1y.reshape(1, 2048)
    p1zr = p1z.reshape(1, 2048)
    p2xr = p2x.reshape(1, 1024)
    p2yr = p2y.reshape(1, 1024)
    p2zr = p2z.reshape(1, 1024)

    idx1, d2s1 = _select64_call((p1xf, p1yf, p1zf), (pxr, pyr, pzr), 2048, 4096)
    xcols = (x[:, 0].reshape(4096, 1), x[:, 1].reshape(4096, 1), x[:, 2].reshape(4096, 1))
    pcols = (pos[:, 0].reshape(4096, 1), pos[:, 1].reshape(4096, 1), pos[:, 2].reshape(4096, 1))
    w1p = jnp.zeros((6, 128), F32).at[:, :64].set(params["sa1"][0]["W"])
    b1p = jnp.zeros((1, 128), F32).at[:, :64].set(params["sa1"][0]["b"].reshape(1, -1))
    w2p = jnp.zeros((128, 64), F32).at[:64, :].set(params["sa1"][1]["W"])
    g1, term1 = _g1_call(xcols, pcols, (p1xf, p1yf, p1zf), w1p, b1p)
    gath1 = _gather_rows(g1, idx1.reshape(-1), 512).reshape(2048, 64, 128)
    x1 = _sa_mlp_call(gath1, term1, d2s1,
                      w2p, params["sa1"][1]["b"].reshape(1, -1),
                      params["sa1"][2]["W"], params["sa1"][2]["b"].reshape(1, -1),
                      0.1 * 0.1)

    idx2, d2s2 = _select64_call((p2xf, p2yf, p2zf), (p1xr, p1yr, p1zr), 1024, 2048)
    g2, term2 = _g2_call(x1, (p1xf, p1yf, p1zf), (p2xf, p2yf, p2zf),
                         params["sa2"][0]["W"], params["sa2"][0]["b"].reshape(1, -1))
    gath2 = _gather_rows(g2, idx2.reshape(-1), 512).reshape(1024, 64, 128)
    x2 = _sa_mlp_call(gath2, term2, d2s2,
                      params["sa2"][1]["W"], params["sa2"][1]["b"].reshape(1, -1),
                      params["sa2"][2]["W"], params["sa2"][2]["b"].reshape(1, -1),
                      0.5 * 0.5)

    f3 = _sa3fp3_call(x2, (p2xf, p2yf, p2zf), params["sa3"], params["fp3"])

    idxk2, wk2 = _knn3_call((p1xf, p1yf, p1zf), (p2xr, p2yr, p2zr), 2048, 1024)
    gk2 = _gather_rows(f3, idxk2[:, :3].reshape(-1), 192).reshape(2048, 768)
    f2 = _fp2_call(gk2, wk2, x1, params["fp2"])

    idxk1, wk1 = _knn3_call(pcols, (p1xr, p1yr, p1zr), 4096, 2048)
    gk1 = _gather_rows(f2, idxk1[:, :3].reshape(-1), 384).reshape(4096, 384)
    l3wp = jnp.zeros((128, 128), F32).at[:, :13].set(params["lin3"]["W"])
    l3bp = jnp.zeros((1, 128), F32).at[:, :13].set(params["lin3"]["b"].reshape(1, -1))
    out = _fp1_head_call(gk1, wk1, xcols, params["fp1"],
                         params["lin1"], params["lin2"], l3wp, l3bp)
    return out[:, :13]

# --- scband reference (transcript-rebuilt; emitter-appended) ---
"""Pipeline reference for scband-net-4209067950300 (READ-ONLY COPY).

The authoritative reference and input builder live on the scoring server;
editing this copy changes nothing except your own understanding.
"""

import jax, jax.numpy as jnp
import numpy as np

NUM_CLASSES = 13
N_POINTS = 4096

def _mlp_params(key, dims):
    ps = []
    for i in range(len(dims) - 1):
        key, k1 = jax.random.split(key)
        W = jax.random.normal(k1, (dims[i], dims[i + 1]), dtype=jnp.float32) * (1.0 / np.sqrt(dims[i]))
        b = jnp.zeros((dims[i + 1],), dtype=jnp.float32)
        ps.append({"W": W, "b": b})
    return ps

def _lin_params(key, din, dout):
    key, k1 = jax.random.split(key)
    return {"W": jax.random.normal(k1, (din, dout), dtype=jnp.float32) * (1.0 / np.sqrt(din)),
            "b": jnp.zeros((dout,), dtype=jnp.float32)}

def setup_inputs(seed: int = 0):
    key = jax.random.key(seed)
    ks = jax.random.split(key, 12)
    x = jax.random.normal(ks[0], (N_POINTS, 3), dtype=jnp.float32)
    pos = jax.random.uniform(ks[1], (N_POINTS, 3), dtype=jnp.float32)
    batch = jnp.zeros((N_POINTS,), dtype=jnp.int32)
    params = {
        "sa1": _mlp_params(ks[2], [6, 64, 64, 128]),
        "sa2": _mlp_params(ks[3], [131, 128, 128, 256]),
        "sa3": _mlp_params(ks[4], [259, 256, 512, 1024]),
        "fp3": _mlp_params(ks[5], [1280, 256, 256]),
        "fp2": _mlp_params(ks[6], [384, 256, 128]),
        "fp1": _mlp_params(ks[7], [131, 128, 128, 128]),
        "lin1": _lin_params(ks[8], 128, 128),
        "lin2": _lin_params(ks[9], 128, 128),
        "lin3": _lin_params(ks[10], 128, NUM_CLASSES),
    }
    return {"x": x, "pos": pos, "batch": batch, "params": params}

def _mlp(ps, h):
    for p in ps:
        h = jax.nn.relu(h @ p["W"] + p["b"])
    return h

def _fps(pos, m):
    n = pos.shape[0]
    def body(i, st):
        sel, dmin = st
        last = pos[sel[i - 1]]
        d = jnp.sum((pos - last) ** 2, axis=1)
        dmin = jnp.minimum(dmin, d)
        sel = sel.at[i].set(jnp.argmax(dmin).astype(jnp.int32))
        return (sel, dmin)
    sel0 = jnp.zeros((m,), dtype=jnp.int32)
    dmin0 = jnp.full((n,), jnp.inf, dtype=jnp.float32)
    sel, _ = jax.lax.fori_loop(1, m, body, (sel0, dmin0))
    return sel

def _sa(ps, x, pos, ratio, r, K=64):
    m = int(pos.shape[0] * ratio)
    sel = _fps(jax.lax.stop_gradient(pos), m)
    centers = pos[sel]
    cs = jax.lax.stop_gradient(centers)
    ps_ = jax.lax.stop_gradient(pos)
    d2 = jnp.sum((cs[:, None, :] - ps_[None, :, :]) ** 2, axis=-1)
    negd, idx = jax.lax.top_k(-d2, K)
    valid = (-negd) <= r * r
    rel = pos[idx] - centers[:, None, :]
    h = _mlp(ps, jnp.concatenate([x[idx], rel], axis=-1))
    h = jnp.where(valid[:, :, None], h, -jnp.inf)
    out = jnp.max(h, axis=1)
    return out, centers

def _knn_interp(x, pos, pos_skip, k):
    d2 = jnp.sum((pos_skip[:, None, :] - pos[None, :, :]) ** 2, axis=-1)
    negd, idx = jax.lax.top_k(-d2, k)
    w = 1.0 / jnp.maximum(-negd, 1e-16)
    w = w / jnp.sum(w, axis=1, keepdims=True)
    return jnp.sum(x[idx] * w[:, :, None], axis=1)

def reference(x, pos, batch, params):
    x1, p1 = _sa(params["sa1"], x, pos, 0.5, 0.1)
    x2, p2 = _sa(params["sa2"], x1, p1, 0.5, 0.5)
    h3 = _mlp(params["sa3"], jnp.concatenate([x2, p2], axis=-1))
    x3 = jnp.max(h3, axis=0, keepdims=True)
    p3 = jnp.zeros((1, 3), dtype=jnp.float32)
    f3 = _knn_interp(x3, p3, p2, 1)
    f3 = _mlp(params["fp3"], jnp.concatenate([f3, x2], axis=1))
    f2 = _knn_interp(f3, p2, p1, 3)
    f2 = _mlp(params["fp2"], jnp.concatenate([f2, x1], axis=1))
    f1 = _knn_interp(f2, p1, pos, 3)
    f1 = _mlp(params["fp1"], jnp.concatenate([f1, x], axis=1))
    h = jax.nn.relu(f1 @ params["lin1"]["W"] + params["lin1"]["b"])
    h = h @ params["lin2"]["W"] + params["lin2"]["b"]
    h = h @ params["lin3"]["W"] + params["lin3"]["b"]
    return jax.nn.sigmoid(h)

if __name__ == "__main__":
    import jax
    _d = setup_inputs()
    print(jax.jit(kernel)(*tuple(_d.values())))

</pallas_src>

<mosaic_0001>
#map = affine_map<(d0, d1) -> (0, 0)>
#map1 = affine_map<(d0, d1) -> (0)>
module attributes {stable_mosaic.version = 14 : i64} {
  func.func @k(%arg0: i32, %arg1: i32, %arg2: memref<4096x128xf32, #tpu.memory_space<hbm>>, %arg3: memref<131072xi32, #tpu.memory_space<hbm>>, %arg4: memref<131072x128xf32, #tpu.memory_space<hbm>>, %arg5: memref<512xi32, #tpu.memory_space<vmem>>, %arg6: memref<512x128xf32, #tpu.memory_space<vmem>>, %arg7: memref<!tpu.dma_semaphore, #tpu.memory_space<semaphore_mem>>) attributes {dimension_semantics = [#tpu.dimension_semantics<core_parallel>, #tpu.dimension_semantics<subcore_parallel>], iteration_bounds = array<i64: 2, 16>, scalar_prefetch = 0 : i64, scratch_operands = 3 : i64, tpu.core_type = #tpu.core_type<sc_vector_subcore>, window_params = [{transform_indices = #map}, {transform_indices = #map1}, {transform_indices = #map}]} {
    %mul3A = arith.constant 2 : i32
    %mul3A_0 = arith.muli %arg1, %mul3A : i32
    %add3A = arith.addi %mul3A_0, %arg0 : i32
    %mul3A_1 = arith.constant 4096 : i32
    %mul3A_2 = arith.muli %add3A, %mul3A_1 : i32
    %scan3A = arith.constant 0 : i32
    %scan3A_3 = arith.constant 0 : i32
    %scan3A_4 = arith.constant 8 : i32
    %scan3A_5 = arith.addi %scan3A_3, %scan3A_4 : i32
    %scan3A_6 = arith.constant 1 : i32
    scf.for %scan3A_8 = %scan3A_3 to %scan3A_5 step %scan3A_6  : i32 {
      %mul3A_9 = arith.constant 512 : i32
      %mul3A_10 = arith.muli %scan3A_8, %mul3A_9 : i32
      %add3A_11 = arith.addi %mul3A_2, %mul3A_10 : i32
      "tpu.region"() ({
        %run_scoped3A = tpu.sem_alloc : memref<!tpu.dma_semaphore, #tpu.memory_space<semaphore_mem>>
        %dma_start3A_16 = tpu.memref_slice %arg3[%add3A_11] : memref<131072xi32, #tpu.memory_space<hbm>> -> memref<512xi32, #tpu.memory_space<hbm>>
        %dma_start3A_17 = tpu.memref_slice %arg3[%add3A_11] : memref<131072xi32, #tpu.memory_space<hbm>> -> memref<512xi32, #tpu.memory_space<hbm>>
        tpu.enqueue_dma source(%dma_start3A_17 : memref<512xi32, #tpu.memory_space<hbm>>) target(%arg5 : memref<512xi32, #tpu.memory_space<vmem>>) target_semaphore(%run_scoped3A : memref<!tpu.dma_semaphore, #tpu.memory_space<semaphore_mem>>)
        %dma_wait3A_18 = tpu.memref_slice %arg3[%add3A_11] : memref<131072xi32, #tpu.memory_space<hbm>> -> memref<512xi32, #tpu.memory_space<hbm>>
        %dma_wait3A_19 = tpu.memref_slice %arg3[%add3A_11] : memref<131072xi32, #tpu.memory_space<hbm>> -> memref<512xi32, #tpu.memory_space<hbm>>
        tpu.wait_dma2 semaphore(%run_scoped3A : memref<!tpu.dma_semaphore, #tpu.memory_space<semaphore_mem>>) src(%dma_wait3A_19 : memref<512xi32, #tpu.memory_space<hbm>>) dst(%arg5 : memref<512xi32, #tpu.memory_space<vmem>>)
        tpu.yield
      }) : () -> ()
      %dma_start3A = arith.constant 0 : i32
      %dma_start3A_12 = arith.constant 0 : i32
      %dma_start3A_13 = tpu.memref_slice %arg2[%dma_start3A, %dma_start3A_12] : memref<4096x128xf32, #tpu.memory_space<hbm>> -> memref<4096x128xf32, #tpu.memory_space<hbm>>
      tpu.enqueue_indirect_dma source(%dma_start3A_13 : memref<4096x128xf32, #tpu.memory_space<hbm>>) target(%arg6 : memref<512x128xf32, #tpu.memory_space<vmem>>) offsets(%arg5 : memref<512xi32, #tpu.memory_space<vmem>>) semaphore(%arg7 : memref<!tpu.dma_semaphore, #tpu.memory_space<semaphore_mem>>)
      %dma_wait3A = arith.constant 0 : i32
      %dma_wait3A_14 = arith.constant 0 : i32
      %dma_wait3A_15 = tpu.memref_slice %arg2[%dma_wait3A, %dma_wait3A_14] : memref<4096x128xf32, #tpu.memory_space<hbm>> -> memref<4096x128xf32, #tpu.memory_space<hbm>>
      tpu.wait_indirect_dma semaphore(%arg7 : memref<!tpu.dma_semaphore, #tpu.memory_space<semaphore_mem>>) src(%dma_wait3A_15 : memref<4096x128xf32, #tpu.memory_space<hbm>>) dst(%arg6 : memref<512x128xf32, #tpu.memory_space<vmem>>)
      "tpu.region"() ({
        %run_scoped3A = tpu.sem_alloc : memref<!tpu.dma_semaphore, #tpu.memory_space<semaphore_mem>>
        %dma_start3A_16 = arith.constant 0 : i32
        %dma_start3A_17 = tpu.memref_slice %arg4[%add3A_11, %dma_start3A_16] : memref<131072x128xf32, #tpu.memory_space<hbm>> -> memref<512x128xf32, #tpu.memory_space<hbm>>
        %dma_start3A_18 = arith.constant 0 : i32
        %dma_start3A_19 = tpu.memref_slice %arg4[%add3A_11, %dma_start3A_18] : memref<131072x128xf32, #tpu.memory_space<hbm>> -> memref<512x128xf32, #tpu.memory_space<hbm>>
        tpu.enqueue_dma source(%arg6 : memref<512x128xf32, #tpu.memory_space<vmem>>) target(%dma_start3A_19 : memref<512x128xf32, #tpu.memory_space<hbm>>) target_semaphore(%run_scoped3A : memref<!tpu.dma_semaphore, #tpu.memory_space<semaphore_mem>>)
        %dma_wait3A_20 = arith.constant 0 : i32
        %dma_wait3A_21 = tpu.memref_slice %arg4[%add3A_11, %dma_wait3A_20] : memref<131072x128xf32, #tpu.memory_space<hbm>> -> memref<512x128xf32, #tpu.memory_space<hbm>>
        %dma_wait3A_22 = arith.constant 0 : i32
        %dma_wait3A_23 = tpu.memref_slice %arg4[%add3A_11, %dma_wait3A_22] : memref<131072x128xf32, #tpu.memory_space<hbm>> -> memref<512x128xf32, #tpu.memory_space<hbm>>
        tpu.wait_dma2 semaphore(%run_scoped3A : memref<!tpu.dma_semaphore, #tpu.memory_space<semaphore_mem>>) src(%arg6 : memref<512x128xf32, #tpu.memory_space<vmem>>) dst(%dma_wait3A_23 : memref<512x128xf32, #tpu.memory_space<hbm>>)
        tpu.yield
      }) : () -> ()
    }
    %scan3A_7 = arith.constant 8 : i32
    return
  }
}

#map = affine_map<(d0, d1) -> (0, 0)>
#map1 = affine_map<(d0, d1) -> (0)>
module attributes {stable_mosaic.version = 14 : i64} {
  func.func @k(%arg0: i32, %arg1: i32, %arg2: memref<2048x128xf32, #tpu.memory_space<hbm>>, %arg3: memref<12288xi32, #tpu.memory_space<hbm>>, %arg4: memref<12288x128xf32, #tpu.memory_space<hbm>>, %arg5: memref<384xi32, #tpu.memory_space<vmem>>, %arg6: memref<384x128xf32, #tpu.memory_space<vmem>>, %arg7: memref<!tpu.dma_semaphore, #tpu.memory_space<semaphore_mem>>) attributes {dimension_semantics = [#tpu.dimension_semantics<core_parallel>, #tpu.dimension_semantics<subcore_parallel>], iteration_bounds = array<i64: 2, 16>, scalar_prefetch = 0 : i64, scratch_operands = 3 : i64, tpu.core_type = #tpu.core_type<sc_vector_subcore>, window_params = [{transform_indices = #map}, {transform_indices = #map1}, {transform_indices = #map}]} {
    %mul3A = arith.constant 2 : i32
    %mul3A_0 = arith.muli %arg1, %mul3A : i32
    %add3A = arith.addi %mul3A_0, %arg0 : i32
    %mul3A_1 = arith.constant 384 : i32
    %mul3A_2 = arith.muli %add3A, %mul3A_1 : i32
    %scan3A = arith.constant 0 : i32
    %scan3A_3 = arith.constant 0 : i32
    %mul3A_4 = arith.constant 384 : i32
    %mul3A_5 = arith.muli %scan3A_3, %mul3A_4 : i32
    %add3A_6 = arith.addi %mul3A_2, %mul3A_5 : i32
    "tpu.region"() ({
      %run_scoped3A = tpu.sem_alloc : memref<!tpu.dma_semaphore, #tpu.memory_space<semaphore_mem>>
      %dma_start3A_12 = tpu.memref_slice %arg3[%add3A_6] : memref<12288xi32, #tpu.memory_space<hbm>> -> memref<384xi32, #tpu.memory_space<hbm>>
      %dma_start3A_13 = tpu.memref_slice %arg3[%add3A_6] : memref<12288xi32, #tpu.memory_space<hbm>> -> memref<384xi32, #tpu.memory_space<hbm>>
      tpu.enqueue_dma source(%dma_start3A_13 : memref<384xi32, #tpu.memory_space<hbm>>) target(%arg5 : memref<384xi32, #tpu.memory_space<vmem>>) target_semaphore(%run_scoped3A : memref<!tpu.dma_semaphore, #tpu.memory_space<semaphore_mem>>)
      %dma_wait3A_14 = tpu.memref_slice %arg3[%add3A_6] : memref<12288xi32, #tpu.memory_space<hbm>> -> memref<384xi32, #tpu.memory_space<hbm>>
      %dma_wait3A_15 = tpu.memref_slice %arg3[%add3A_6] : memref<12288xi32, #tpu.memory_space<hbm>> -> memref<384xi32, #tpu.memory_space<hbm>>
      tpu.wait_dma2 semaphore(%run_scoped3A : memref<!tpu.dma_semaphore, #tpu.memory_space<semaphore_mem>>) src(%dma_wait3A_15 : memref<384xi32, #tpu.memory_space<hbm>>) dst(%arg5 : memref<384xi32, #tpu.memory_space<vmem>>)
      tpu.yield
    }) : () -> ()
    %dma_start3A = arith.constant 0 : i32
    %dma_start3A_7 = arith.constant 0 : i32
    %dma_start3A_8 = tpu.memref_slice %arg2[%dma_start3A, %dma_start3A_7] : memref<2048x128xf32, #tpu.memory_space<hbm>> -> memref<2048x128xf32, #tpu.memory_space<hbm>>
    tpu.enqueue_indirect_dma source(%dma_start3A_8 : memref<2048x128xf32, #tpu.memory_space<hbm>>) target(%arg6 : memref<384x128xf32, #tpu.memory_space<vmem>>) offsets(%arg5 : memref<384xi32, #tpu.memory_space<vmem>>) semaphore(%arg7 : memref<!tpu.dma_semaphore, #tpu.memory_space<semaphore_mem>>)
    %dma_wait3A = arith.constant 0 : i32
    %dma_wait3A_9 = arith.constant 0 : i32
    %dma_wait3A_10 = tpu.memref_slice %arg2[%dma_wait3A, %dma_wait3A_9] : memref<2048x128xf32, #tpu.memory_space<hbm>> -> memref<2048x128xf32, #tpu.memory_space<hbm>>
    tpu.wait_indirect_dma semaphore(%arg7 : memref<!tpu.dma_semaphore, #tpu.memory_space<semaphore_mem>>) src(%dma_wait3A_10 : memref<2048x128xf32, #tpu.memory_space<hbm>>) dst(%arg6 : memref<384x128xf32, #tpu.memory_space<vmem>>)
    "tpu.region"() ({
      %run_scoped3A = tpu.sem_alloc : memref<!tpu.dma_semaphore, #tpu.memory_space<semaphore_mem>>
      %dma_start3A_12 = arith.constant 0 : i32
      %dma_start3A_13 = tpu.memref_slice %arg4[%add3A_6, %dma_start3A_12] : memref<12288x128xf32, #tpu.memory_space<hbm>> -> memref<384x128xf32, #tpu.memory_space<hbm>>
      %dma_start3A_14 = arith.constant 0 : i32
      %dma_start3A_15 = tpu.memref_slice %arg4[%add3A_6, %dma_start3A_14] : memref<12288x128xf32, #tpu.memory_space<hbm>> -> memref<384x128xf32, #tpu.memory_space<hbm>>
      tpu.enqueue_dma source(%arg6 : memref<384x128xf32, #tpu.memory_space<vmem>>) target(%dma_start3A_15 : memref<384x128xf32, #tpu.memory_space<hbm>>) target_semaphore(%run_scoped3A : memref<!tpu.dma_semaphore, #tpu.memory_space<semaphore_mem>>)
      %dma_wait3A_16 = arith.constant 0 : i32
      %dma_wait3A_17 = tpu.memref_slice %arg4[%add3A_6, %dma_wait3A_16] : memref<12288x128xf32, #tpu.memory_space<hbm>> -> memref<384x128xf32, #tpu.memory_space<hbm>>
      %dma_wait3A_18 = arith.constant 0 : i32
      %dma_wait3A_19 = tpu.memref_slice %arg4[%add3A_6, %dma_wait3A_18] : memref<12288x128xf32, #tpu.memory_space<hbm>> -> memref<384x128xf32, #tpu.memory_space<hbm>>
      tpu.wait_dma2 semaphore(%run_scoped3A : memref<!tpu.dma_semaphore, #tpu.memory_space<semaphore_mem>>) src(%arg6 : memref<384x128xf32, #tpu.memory_space<vmem>>) dst(%dma_wait3A_19 : memref<384x128xf32, #tpu.memory_space<hbm>>)
      tpu.yield
    }) : () -> ()
    %scan3A_11 = arith.constant 1 : i32
    return
  }
}

#map = affine_map<(d0, d1) -> (0, 0)>
#map1 = affine_map<(d0, d1) -> (0)>
module attributes {stable_mosaic.version = 14 : i64} {
  func.func @k(%arg0: i32, %arg1: i32, %arg2: memref<2048x128xf32, #tpu.memory_space<hbm>>, %arg3: memref<65536xi32, #tpu.memory_space<hbm>>, %arg4: memref<65536x128xf32, #tpu.memory_space<hbm>>, %arg5: memref<512xi32, #tpu.memory_space<vmem>>, %arg6: memref<512x128xf32, #tpu.memory_space<vmem>>, %arg7: memref<!tpu.dma_semaphore, #tpu.memory_space<semaphore_mem>>) attributes {dimension_semantics = [#tpu.dimension_semantics<core_parallel>, #tpu.dimension_semantics<subcore_parallel>], iteration_bounds = array<i64: 2, 16>, scalar_prefetch = 0 : i64, scratch_operands = 3 : i64, tpu.core_type = #tpu.core_type<sc_vector_subcore>, window_params = [{transform_indices = #map}, {transform_indices = #map1}, {transform_indices = #map}]} {
    %mul3A = arith.constant 2 : i32
    %mul3A_0 = arith.muli %arg1, %mul3A : i32
    %add3A = arith.addi %mul3A_0, %arg0 : i32
    %mul3A_1 = arith.constant 2048 : i32
    %mul3A_2 = arith.muli %add3A, %mul3A_1 : i32
    %scan3A = arith.constant 0 : i32
    %scan3A_3 = arith.constant 0 : i32
    %scan3A_4 = arith.constant 4 : i32
    %scan3A_5 = arith.addi %scan3A_3, %scan3A_4 : i32
    %scan3A_6 = arith.constant 1 : i32
    scf.for %scan3A_8 = %scan3A_3 to %scan3A_5 step %scan3A_6  : i32 {
      %mul3A_9 = arith.constant 512 : i32
      %mul3A_10 = arith.muli %scan3A_8, %mul3A_9 : i32
      %add3A_11 = arith.addi %mul3A_2, %mul3A_10 : i32
      "tpu.region"() ({
        %run_scoped3A = tpu.sem_alloc : memref<!tpu.dma_semaphore, #tpu.memory_space<semaphore_mem>>
        %dma_start3A_16 = tpu.memref_slice %arg3[%add3A_11] : memref<65536xi32, #tpu.memory_space<hbm>> -> memref<512xi32, #tpu.memory_space<hbm>>
        %dma_start3A_17 = tpu.memref_slice %arg3[%add3A_11] : memref<65536xi32, #tpu.memory_space<hbm>> -> memref<512xi32, #tpu.memory_space<hbm>>
        tpu.enqueue_dma source(%dma_start3A_17 : memref<512xi32, #tpu.memory_space<hbm>>) target(%arg5 : memref<512xi32, #tpu.memory_space<vmem>>) target_semaphore(%run_scoped3A : memref<!tpu.dma_semaphore, #tpu.memory_space<semaphore_mem>>)
        %dma_wait3A_18 = tpu.memref_slice %arg3[%add3A_11] : memref<65536xi32, #tpu.memory_space<hbm>> -> memref<512xi32, #tpu.memory_space<hbm>>
        %dma_wait3A_19 = tpu.memref_slice %arg3[%add3A_11] : memref<65536xi32, #tpu.memory_space<hbm>> -> memref<512xi32, #tpu.memory_space<hbm>>
        tpu.wait_dma2 semaphore(%run_scoped3A : memref<!tpu.dma_semaphore, #tpu.memory_space<semaphore_mem>>) src(%dma_wait3A_19 : memref<512xi32, #tpu.memory_space<hbm>>) dst(%arg5 : memref<512xi32, #tpu.memory_space<vmem>>)
        tpu.yield
      }) : () -> ()
      %dma_start3A = arith.constant 0 : i32
      %dma_start3A_12 = arith.constant 0 : i32
      %dma_start3A_13 = tpu.memref_slice %arg2[%dma_start3A, %dma_start3A_12] : memref<2048x128xf32, #tpu.memory_space<hbm>> -> memref<2048x128xf32, #tpu.memory_space<hbm>>
      tpu.enqueue_indirect_dma source(%dma_start3A_13 : memref<2048x128xf32, #tpu.memory_space<hbm>>) target(%arg6 : memref<512x128xf32, #tpu.memory_space<vmem>>) offsets(%arg5 : memref<512xi32, #tpu.memory_space<vmem>>) semaphore(%arg7 : memref<!tpu.dma_semaphore, #tpu.memory_space<semaphore_mem>>)
      %dma_wait3A = arith.constant 0 : i32
      %dma_wait3A_14 = arith.constant 0 : i32
      %dma_wait3A_15 = tpu.memref_slice %arg2[%dma_wait3A, %dma_wait3A_14] : memref<2048x128xf32, #tpu.memory_space<hbm>> -> memref<2048x128xf32, #tpu.memory_space<hbm>>
      tpu.wait_indirect_dma semaphore(%arg7 : memref<!tpu.dma_semaphore, #tpu.memory_space<semaphore_mem>>) src(%dma_wait3A_15 : memref<2048x128xf32, #tpu.memory_space<hbm>>) dst(%arg6 : memref<512x128xf32, #tpu.memory_space<vmem>>)
      "tpu.region"() ({
        %run_scoped3A = tpu.sem_alloc : memref<!tpu.dma_semaphore, #tpu.memory_space<semaphore_mem>>
        %dma_start3A_16 = arith.constant 0 : i32
        %dma_start3A_17 = tpu.memref_slice %arg4[%add3A_11, %dma_start3A_16] : memref<65536x128xf32, #tpu.memory_space<hbm>> -> memref<512x128xf32, #tpu.memory_space<hbm>>
        %dma_start3A_18 = arith.constant 0 : i32
        %dma_start3A_19 = tpu.memref_slice %arg4[%add3A_11, %dma_start3A_18] : memref<65536x128xf32, #tpu.memory_space<hbm>> -> memref<512x128xf32, #tpu.memory_space<hbm>>
        tpu.enqueue_dma source(%arg6 : memref<512x128xf32, #tpu.memory_space<vmem>>) target(%dma_start3A_19 : memref<512x128xf32, #tpu.memory_space<hbm>>) target_semaphore(%run_scoped3A : memref<!tpu.dma_semaphore, #tpu.memory_space<semaphore_mem>>)
        %dma_wait3A_20 = arith.constant 0 : i32
        %dma_wait3A_21 = tpu.memref_slice %arg4[%add3A_11, %dma_wait3A_20] : memref<65536x128xf32, #tpu.memory_space<hbm>> -> memref<512x128xf32, #tpu.memory_space<hbm>>
        %dma_wait3A_22 = arith.constant 0 : i32
        %dma_wait3A_23 = tpu.memref_slice %arg4[%add3A_11, %dma_wait3A_22] : memref<65536x128xf32, #tpu.memory_space<hbm>> -> memref<512x128xf32, #tpu.memory_space<hbm>>
        tpu.wait_dma2 semaphore(%run_scoped3A : memref<!tpu.dma_semaphore, #tpu.memory_space<semaphore_mem>>) src(%arg6 : memref<512x128xf32, #tpu.memory_space<vmem>>) dst(%dma_wait3A_23 : memref<512x128xf32, #tpu.memory_space<hbm>>)
        tpu.yield
      }) : () -> ()
    }
    %scan3A_7 = arith.constant 4 : i32
    return
  }
}

#map = affine_map<(d0, d1) -> (0, 0)>
#map1 = affine_map<(d0, d1) -> (0)>
module attributes {stable_mosaic.version = 14 : i64} {
  func.func @k(%arg0: i32, %arg1: i32, %arg2: memref<1024x256xf32, #tpu.memory_space<hbm>>, %arg3: memref<6144xi32, #tpu.memory_space<hbm>>, %arg4: memref<6144x256xf32, #tpu.memory_space<hbm>>, %arg5: memref<192xi32, #tpu.memory_space<vmem>>, %arg6: memref<192x256xf32, #tpu.memory_space<vmem>>, %arg7: memref<!tpu.dma_semaphore, #tpu.memory_space<semaphore_mem>>) attributes {dimension_semantics = [#tpu.dimension_semantics<core_parallel>, #tpu.dimension_semantics<subcore_parallel>], iteration_bounds = array<i64: 2, 16>, scalar_prefetch = 0 : i64, scratch_operands = 3 : i64, tpu.core_type = #tpu.core_type<sc_vector_subcore>, window_params = [{transform_indices = #map}, {transform_indices = #map1}, {transform_indices = #map}]} {
    %mul3A = arith.constant 2 : i32
    %mul3A_0 = arith.muli %arg1, %mul3A : i32
    %add3A = arith.addi %mul3A_0, %arg0 : i32
    %mul3A_1 = arith.constant 192 : i32
    %mul3A_2 = arith.muli %add3A, %mul3A_1 : i32
    %scan3A = arith.constant 0 : i32
    %scan3A_3 = arith.constant 0 : i32
    %mul3A_4 = arith.constant 192 : i32
    %mul3A_5 = arith.muli %scan3A_3, %mul3A_4 : i32
    %add3A_6 = arith.addi %mul3A_2, %mul3A_5 : i32
    "tpu.region"() ({
      %run_scoped3A = tpu.sem_alloc : memref<!tpu.dma_semaphore, #tpu.memory_space<semaphore_mem>>
      %dma_start3A_12 = tpu.memref_slice %arg3[%add3A_6] : memref<6144xi32, #tpu.memory_space<hbm>> -> memref<192xi32, #tpu.memory_space<hbm>>
      %dma_start3A_13 = tpu.memref_slice %arg3[%add3A_6] : memref<6144xi32, #tpu.memory_space<hbm>> -> memref<192xi32, #tpu.memory_space<hbm>>
      tpu.enqueue_dma source(%dma_start3A_13 : memref<192xi32, #tpu.memory_space<hbm>>) target(%arg5 : memref<192xi32, #tpu.memory_space<vmem>>) target_semaphore(%run_scoped3A : memref<!tpu.dma_semaphore, #tpu.memory_space<semaphore_mem>>)
      %dma_wait3A_14 = tpu.memref_slice %arg3[%add3A_6] : memref<6144xi32, #tpu.memory_space<hbm>> -> memref<192xi32, #tpu.memory_space<hbm>>
      %dma_wait3A_15 = tpu.memref_slice %arg3[%add3A_6] : memref<6144xi32, #tpu.memory_space<hbm>> -> memref<192xi32, #tpu.memory_space<hbm>>
      tpu.wait_dma2 semaphore(%run_scoped3A : memref<!tpu.dma_semaphore, #tpu.memory_space<semaphore_mem>>) src(%dma_wait3A_15 : memref<192xi32, #tpu.memory_space<hbm>>) dst(%arg5 : memref<192xi32, #tpu.memory_space<vmem>>)
      tpu.yield
    }) : () -> ()
    %dma_start3A = arith.constant 0 : i32
    %dma_start3A_7 = arith.constant 0 : i32
    %dma_start3A_8 = tpu.memref_slice %arg2[%dma_start3A, %dma_start3A_7] : memref<1024x256xf32, #tpu.memory_space<hbm>> -> memref<1024x256xf32, #tpu.memory_space<hbm>>
    tpu.enqueue_indirect_dma source(%dma_start3A_8 : memref<1024x256xf32, #tpu.memory_space<hbm>>) target(%arg6 : memref<192x256xf32, #tpu.memory_space<vmem>>) offsets(%arg5 : memref<192xi32, #tpu.memory_space<vmem>>) semaphore(%arg7 : memref<!tpu.dma_semaphore, #tpu.memory_space<semaphore_mem>>)
    %dma_wait3A = arith.constant 0 : i32
    %dma_wait3A_9 = arith.constant 0 : i32
    %dma_wait3A_10 = tpu.memref_slice %arg2[%dma_wait3A, %dma_wait3A_9] : memref<1024x256xf32, #tpu.memory_space<hbm>> -> memref<1024x256xf32, #tpu.memory_space<hbm>>
    tpu.wait_indirect_dma semaphore(%arg7 : memref<!tpu.dma_semaphore, #tpu.memory_space<semaphore_mem>>) src(%dma_wait3A_10 : memref<1024x256xf32, #tpu.memory_space<hbm>>) dst(%arg6 : memref<192x256xf32, #tpu.memory_space<vmem>>)
    "tpu.region"() ({
      %run_scoped3A = tpu.sem_alloc : memref<!tpu.dma_semaphore, #tpu.memory_space<semaphore_mem>>
      %dma_start3A_12 = arith.constant 0 : i32
      %dma_start3A_13 = tpu.memref_slice %arg4[%add3A_6, %dma_start3A_12] : memref<6144x256xf32, #tpu.memory_space<hbm>> -> memref<192x256xf32, #tpu.memory_space<hbm>>
      %dma_start3A_14 = arith.constant 0 : i32
      %dma_start3A_15 = tpu.memref_slice %arg4[%add3A_6, %dma_start3A_14] : memref<6144x256xf32, #tpu.memory_space<hbm>> -> memref<192x256xf32, #tpu.memory_space<hbm>>
      tpu.enqueue_dma source(%arg6 : memref<192x256xf32, #tpu.memory_space<vmem>>) target(%dma_start3A_15 : memref<192x256xf32, #tpu.memory_space<hbm>>) target_semaphore(%run_scoped3A : memref<!tpu.dma_semaphore, #tpu.memory_space<semaphore_mem>>)
      %dma_wait3A_16 = arith.constant 0 : i32
      %dma_wait3A_17 = tpu.memref_slice %arg4[%add3A_6, %dma_wait3A_16] : memref<6144x256xf32, #tpu.memory_space<hbm>> -> memref<192x256xf32, #tpu.memory_space<hbm>>
      %dma_wait3A_18 = arith.constant 0 : i32
      %dma_wait3A_19 = tpu.memref_slice %arg4[%add3A_6, %dma_wait3A_18] : memref<6144x256xf32, #tpu.memory_space<hbm>> -> memref<192x256xf32, #tpu.memory_space<hbm>>
      tpu.wait_dma2 semaphore(%run_scoped3A : memref<!tpu.dma_semaphore, #tpu.memory_space<semaphore_mem>>) src(%arg6 : memref<192x256xf32, #tpu.memory_space<vmem>>) dst(%dma_wait3A_19 : memref<192x256xf32, #tpu.memory_space<hbm>>)
      tpu.yield
    }) : () -> ()
    %scan3A_11 = arith.constant 1 : i32
    return
  }
}

module attributes {stable_mosaic.version = 14 : i64} {
  func.func @_select64_body(%arg0: i32, %arg1: memref<128x1xf32, #tpu.memory_space<vmem>>, %arg2: memref<128x1xf32, #tpu.memory_space<vmem>>, %arg3: memref<128x1xf32, #tpu.memory_space<vmem>>, %arg4: memref<1x4096xf32, #tpu.memory_space<vmem>>, %arg5: memref<1x4096xf32, #tpu.memory_space<vmem>>, %arg6: memref<1x4096xf32, #tpu.memory_space<vmem>>, %arg7: memref<128x64xi32, #tpu.memory_space<vmem>>, %arg8: memref<128x64xf32, #tpu.memory_space<vmem>>) attributes {dimension_semantics = [#tpu.dimension_semantics<arbitrary>], iteration_bounds = array<i64: 16>, scalar_prefetch = 0 : i64, scratch_operands = 0 : i64, tpu.core_type = #tpu.core_type<tc>, window_params = [{transform_indices = @transform_0, window_bounds = array<i64: 128, 1>}, {transform_indices = @transform_1, window_bounds = array<i64: 128, 1>}, {transform_indices = @transform_2, window_bounds = array<i64: 128, 1>}, {pipeline_mode = #tpu.pipeline_mode<synchronous>, transform_indices = @transform_3, window_bounds = array<i64: 1, 4096>}, {pipeline_mode = #tpu.pipeline_mode<synchronous>, transform_indices = @transform_4, window_bounds = array<i64: 1, 4096>}, {pipeline_mode = #tpu.pipeline_mode<synchronous>, transform_indices = @transform_5, window_bounds = array<i64: 1, 4096>}, {transform_indices = @transform_6, window_bounds = array<i64: 128, 64>}, {transform_indices = @transform_7, window_bounds = array<i64: 128, 64>}]} {
    %get3A = arith.constant 0 : index
    %get3A_0 = arith.constant 0 : index
    %get3A_1 = vector.load %arg1[%get3A, %get3A_0] : memref<128x1xf32, #tpu.memory_space<vmem>>, vector<128x1xf32>
    %get3A_2 = arith.constant 0 : index
    %get3A_3 = arith.constant 0 : index
    %get3A_4 = vector.load %arg4[%get3A_2, %get3A_3] : memref<1x4096xf32, #tpu.memory_space<vmem>>, vector<1x4096xf32>
    %sub3A = vector.broadcast %get3A_1 : vector<128x1xf32> to vector<128x4096xf32>
    %sub3A_5 = vector.broadcast %get3A_4 : vector<1x4096xf32> to vector<128x4096xf32>
    %sub3A_6 = arith.subf %sub3A, %sub3A_5 : vector<128x4096xf32>
    %get3A_7 = arith.constant 0 : index
    %get3A_8 = arith.constant 0 : index
    %get3A_9 = vector.load %arg2[%get3A_7, %get3A_8] : memref<128x1xf32, #tpu.memory_space<vmem>>, vector<128x1xf32>
    %get3A_10 = arith.constant 0 : index
    %get3A_11 = arith.constant 0 : index
    %get3A_12 = vector.load %arg5[%get3A_10, %get3A_11] : memref<1x4096xf32, #tpu.memory_space<vmem>>, vector<1x4096xf32>
    %sub3A_13 = vector.broadcast %get3A_9 : vector<128x1xf32> to vector<128x4096xf32>
    %sub3A_14 = vector.broadcast %get3A_12 : vector<1x4096xf32> to vector<128x4096xf32>
    %sub3A_15 = arith.subf %sub3A_13, %sub3A_14 : vector<128x4096xf32>
    %get3A_16 = arith.constant 0 : index
    %get3A_17 = arith.constant 0 : index
    %get3A_18 = vector.load %arg3[%get3A_16, %get3A_17] : memref<128x1xf32, #tpu.memory_space<vmem>>, vector<128x1xf32>
    %get3A_19 = arith.constant 0 : index
    %get3A_20 = arith.constant 0 : index
    %get3A_21 = vector.load %arg6[%get3A_19, %get3A_20] : memref<1x4096xf32, #tpu.memory_space<vmem>>, vector<1x4096xf32>
    %sub3A_22 = vector.broadcast %get3A_18 : vector<128x1xf32> to vector<128x4096xf32>
    %sub3A_23 = vector.broadcast %get3A_21 : vector<1x4096xf32> to vector<128x4096xf32>
    %sub3A_24 = arith.subf %sub3A_22, %sub3A_23 : vector<128x4096xf32>
    %mul3A = arith.mulf %sub3A_6, %sub3A_6 : vector<128x4096xf32>
    %mul3A_25 = arith.mulf %sub3A_15, %sub3A_15 : vector<128x4096xf32>
    %add3A = arith.addf %mul3A, %mul3A_25 : vector<128x4096xf32>
    %mul3A_26 = arith.mulf %sub3A_24, %sub3A_24 : vector<128x4096xf32>
    %add3A_27 = arith.addf %add3A, %mul3A_26 : vector<128x4096xf32>
    %iota3A = tpu.iota {dimensions = array<i32: 1>} : vector<128x4096xi32>
    %iota3A_28 = tpu.iota {dimensions = array<i32: 1>} : vector<128x64xi32>
    %broadcast_in_dim3A = arith.constant 0 : i32
    %broadcast_in_dim3A_29 = vector.broadcast %broadcast_in_dim3A : i32 to vector<128x64xi32>
    %broadcast_in_dim3A_30 = arith.constant 0.000000e+00 : f32
    %broadcast_in_dim3A_31 = vector.broadcast %broadcast_in_dim3A_30 : f32 to vector<128x64xf32>
    %scan3A = arith.constant 0 : i32
    %scan3A_32 = arith.constant 64 : i32
    %scan3A_33 = arith.addi %scan3A, %scan3A_32 : i32
    %scan3A_34 = arith.constant 1 : i32
    %scan3A_35:3 = scf.for %scan3A_42 = %scan3A to %scan3A_33 step %scan3A_34 iter_args(%scan3A_43 = %add3A_27, %scan3A_44 = %broadcast_in_dim3A_29, %scan3A_45 = %broadcast_in_dim3A_31) -> (vector<128x4096xf32>, vector<128x64xi32>, vector<128x64xf32>)  : i32 {
      %reduce_min3A = arith.constant dense<0x7F800000> : vector<128xf32>
      %reduce_min3A_46 = vector.multi_reduction <minimumf>, %scan3A_43, %reduce_min3A [1] : vector<128x4096xf32> to vector<128xf32>
      %broadcast_in_dim3A_47 = vector.shape_cast %reduce_min3A_46 : vector<128xf32> to vector<128x1xf32>
      %eq3A = vector.broadcast %broadcast_in_dim3A_47 : vector<128x1xf32> to vector<128x4096xf32>
      %eq3A_48 = arith.cmpf oeq, %scan3A_43, %eq3A : vector<128x4096xf32>
      %jit3A = arith.constant 1073741824 : i32
      %broadcast_in_dim3A_49 = vector.broadcast %jit3A : i32 to vector<128x4096xi32>
      %select_n3A = arith.select %eq3A_48, %iota3A, %broadcast_in_dim3A_49 : vector<128x4096xi1>, vector<128x4096xi32>
      %reduce_min3A_50 = arith.constant dense<2147483647> : vector<128xi32>
      %reduce_min3A_51 = vector.multi_reduction <minsi>, %select_n3A, %reduce_min3A_50 [1] : vector<128x4096xi32> to vector<128xi32>
      %broadcast_in_dim3A_52 = vector.shape_cast %reduce_min3A_51 : vector<128xi32> to vector<128x1xi32>
      %eq3A_53 = vector.broadcast %scan3A_42 : i32 to vector<128x64xi32>
      %eq3A_54 = arith.cmpi eq, %iota3A_28, %eq3A_53 : vector<128x64xi32>
      %broadcast_in_dim3A_55 = vector.shape_cast %broadcast_in_dim3A_52 : vector<128x1xi32> to vector<128x1xi32>
      %broadcast_in_dim3A_56 = vector.broadcast %broadcast_in_dim3A_55 : vector<128x1xi32> to vector<128x64xi32>
      %select_n3A_57 = arith.select %eq3A_54, %broadcast_in_dim3A_56, %scan3A_44 : vector<128x64xi1>, vector<128x64xi32>
      %eq3A_58 = vector.broadcast %scan3A_42 : i32 to vector<128x64xi32>
      %eq3A_59 = arith.cmpi eq, %iota3A_28, %eq3A_58 : vector<128x64xi32>
      %broadcast_in_dim3A_60 = vector.shape_cast %broadcast_in_dim3A_47 : vector<128x1xf32> to vector<128x1xf32>
      %broadcast_in_dim3A_61 = vector.broadcast %broadcast_in_dim3A_60 : vector<128x1xf32> to vector<128x64xf32>
      %select_n3A_62 = arith.select %eq3A_59, %broadcast_in_dim3A_61, %scan3A_45 : vector<128x64xi1>, vector<128x64xf32>
      %eq3A_63 = vector.broadcast %broadcast_in_dim3A_52 : vector<128x1xi32> to vector<128x4096xi32>
      %eq3A_64 = arith.cmpi eq, %iota3A, %eq3A_63 : vector<128x4096xi32>
      %jit3A_65 = arith.constant 0x7F800000 : f32
      %broadcast_in_dim3A_66 = vector.broadcast %jit3A_65 : f32 to vector<128x4096xf32>
      %select_n3A_67 = arith.select %eq3A_64, %broadcast_in_dim3A_66, %scan3A_43 : vector<128x4096xi1>, vector<128x4096xf32>
      scf.yield %select_n3A_67, %select_n3A_57, %select_n3A_62 : vector<128x4096xf32>, vector<128x64xi32>, vector<128x64xf32>
    }
    %scan3A_36 = arith.constant 64 : i32
    %swap3A = arith.constant 0 : index
    %swap3A_37 = arith.constant 0 : index
    %swap3A_38 = vector.load %arg7[%swap3A, %swap3A_37] : memref<128x64xi32, #tpu.memory_space<vmem>>, vector<128x64xi32>
    tpu.vector_store %arg7[%swap3A, %swap3A_37], %scan3A_35#1 {strides = array<i32>} : memref<128x64xi32, #tpu.memory_space<vmem>>, vector<128x64xi32>,
    %swap3A_39 = arith.constant 0 : index
    %swap3A_40 = arith.constant 0 : index
    %swap3A_41 = vector.load %arg8[%swap3A_39, %swap3A_40] : memref<128x64xf32, #tpu.memory_space<vmem>>, vector<128x64xf32>
    tpu.vector_store %arg8[%swap3A_39, %swap3A_40], %scan3A_35#2 {strides = array<i32>} : memref<128x64xf32, #tpu.memory_space<vmem>>, vector<128x64xf32>,
    return
  }
  func.func @transform_0(%arg0: i32) -> (i32, i32) {
    %c0_i32 = arith.constant 0 : i32
    %c0_i32_0 = arith.constant 0 : i32
    return %arg0, %c0_i32 : i32, i32
  }
  func.func @transform_1(%arg0: i32) -> (i32, i32) {
    %c0_i32 = arith.constant 0 : i32
    %c0_i32_0 = arith.constant 0 : i32
    return %arg0, %c0_i32 : i32, i32
  }
  func.func @transform_2(%arg0: i32) -> (i32, i32) {
    %c0_i32 = arith.constant 0 : i32
    %c0_i32_0 = arith.constant 0 : i32
    return %arg0, %c0_i32 : i32, i32
  }
  func.func @transform_3(%arg0: i32) -> (i32, i32) {
    %c0_i32 = arith.constant 0 : i32
    %c0_i32_0 = arith.constant 0 : i32
    %c0_i32_1 = arith.constant 0 : i32
    return %c0_i32, %c0_i32_0 : i32, i32
  }
  func.func @transform_4(%arg0: i32) -> (i32, i32) {
    %c0_i32 = arith.constant 0 : i32
    %c0_i32_0 = arith.constant 0 : i32
    %c0_i32_1 = arith.constant 0 : i32
    return %c0_i32, %c0_i32_0 : i32, i32
  }
  func.func @transform_5(%arg0: i32) -> (i32, i32) {
    %c0_i32 = arith.constant 0 : i32
    %c0_i32_0 = arith.constant 0 : i32
    %c0_i32_1 = arith.constant 0 : i32
    return %c0_i32, %c0_i32_0 : i32, i32
  }
  func.func @transform_6(%arg0: i32) -> (i32, i32) {
    %c0_i32 = arith.constant 0 : i32
    %c0_i32_0 = arith.constant 0 : i32
    return %arg0, %c0_i32 : i32, i32
  }
  func.func @transform_7(%arg0: i32) -> (i32, i32) {
    %c0_i32 = arith.constant 0 : i32
    %c0_i32_0 = arith.constant 0 : i32
    return %arg0, %c0_i32 : i32, i32
  }
}

module attributes {stable_mosaic.version = 14 : i64} {
  func.func @_fps_body(%arg0: memref<32x128xf32, #tpu.memory_space<vmem>>, %arg1: memref<32x128xf32, #tpu.memory_space<vmem>>, %arg2: memref<32x128xf32, #tpu.memory_space<vmem>>, %arg3: memref<16x128xf32, #tpu.memory_space<vmem>>, %arg4: memref<16x128xf32, #tpu.memory_space<vmem>>, %arg5: memref<16x128xf32, #tpu.memory_space<vmem>>, %arg6: memref<8x128xf32, #tpu.memory_space<vmem>>, %arg7: memref<8x128xf32, #tpu.memory_space<vmem>>, %arg8: memref<8x128xf32, #tpu.memory_space<vmem>>) attributes {dimension_semantics = [], scalar_prefetch = 0 : i64, scratch_operands = 0 : i64, tpu.core_type = #tpu.core_type<tc>} {
    %get3A = arith.constant 0 : index
    %get3A_0 = arith.constant 0 : index
    %get3A_1 = vector.load %arg0[%get3A, %get3A_0] : memref<32x128xf32, #tpu.memory_space<vmem>>, vector<32x128xf32>
    %get3A_2 = arith.constant 0 : index
    %get3A_3 = arith.constant 0 : index
    %get3A_4 = vector.load %arg1[%get3A_2, %get3A_3] : memref<32x128xf32, #tpu.memory_space<vmem>>, vector<32x128xf32>
    %get3A_5 = arith.constant 0 : index
    %get3A_6 = arith.constant 0 : index
    %get3A_7 = vector.load %arg2[%get3A_5, %get3A_6] : memref<32x128xf32, #tpu.memory_space<vmem>>, vector<32x128xf32>
    %iota3A = tpu.iota {dimensions = array<i32: 0>} : vector<32x128xi32>
    %mul3A = arith.constant 128 : i32
    %mul3A_8 = vector.broadcast %mul3A : i32 to vector<32x128xi32>
    %mul3A_9 = arith.muli %iota3A, %mul3A_8 : vector<32x128xi32>
    %iota3A_10 = tpu.iota {dimensions = array<i32: 1>} : vector<32x128xi32>
    %add3A = arith.addi %mul3A_9, %iota3A_10 : vector<32x128xi32>
    %iota3A_11 = tpu.iota {dimensions = array<i32: 0>} : vector<16x128xi32>
    %mul3A_12 = arith.constant 128 : i32
    %mul3A_13 = vector.broadcast %mul3A_12 : i32 to vector<16x128xi32>
    %mul3A_14 = arith.muli %iota3A_11, %mul3A_13 : vector<16x128xi32>
    %iota3A_15 = tpu.iota {dimensions = array<i32: 1>} : vector<16x128xi32>
    %add3A_16 = arith.addi %mul3A_14, %iota3A_15 : vector<16x128xi32>
    %slice3A = vector.extract_strided_slice %get3A_1 {offsets = [0, 0], sizes = [1, 1], strides = [1, 1]} : vector<32x128xf32> to vector<1x1xf32>
    %slice3A_17 = vector.extract_strided_slice %get3A_4 {offsets = [0, 0], sizes = [1, 1], strides = [1, 1]} : vector<32x128xf32> to vector<1x1xf32>
    %slice3A_18 = vector.extract_strided_slice %get3A_7 {offsets = [0, 0], sizes = [1, 1], strides = [1, 1]} : vector<32x128xf32> to vector<1x1xf32>
    %broadcast_in_dim3A = arith.constant 0.000000e+00 : f32
    %broadcast_in_dim3A_19 = vector.broadcast %broadcast_in_dim3A : f32 to vector<16x128xf32>
    %eq3A = arith.constant 0 : i32
    %eq3A_20 = vector.broadcast %eq3A : i32 to vector<16x128xi32>
    %eq3A_21 = arith.cmpi eq, %add3A_16, %eq3A_20 : vector<16x128xi32>
    %broadcast_in_dim3A_22 = vector.shape_cast %slice3A : vector<1x1xf32> to vector<1x1xf32>
    %broadcast_in_dim3A_23 = vector.broadcast %broadcast_in_dim3A_22 : vector<1x1xf32> to vector<16x128xf32>
    %select_n3A = arith.select %eq3A_21, %broadcast_in_dim3A_23, %broadcast_in_dim3A_19 : vector<16x128xi1>, vector<16x128xf32>
    %eq3A_24 = arith.constant 0 : i32
    %eq3A_25 = vector.broadcast %eq3A_24 : i32 to vector<16x128xi32>
    %eq3A_26 = arith.cmpi eq, %add3A_16, %eq3A_25 : vector<16x128xi32>
    %broadcast_in_dim3A_27 = vector.shape_cast %slice3A_17 : vector<1x1xf32> to vector<1x1xf32>
    %broadcast_in_dim3A_28 = vector.broadcast %broadcast_in_dim3A_27 : vector<1x1xf32> to vector<16x128xf32>
    %select_n3A_29 = arith.select %eq3A_26, %broadcast_in_dim3A_28, %broadcast_in_dim3A_19 : vector<16x128xi1>, vector<16x128xf32>
    %eq3A_30 = arith.constant 0 : i32
    %eq3A_31 = vector.broadcast %eq3A_30 : i32 to vector<16x128xi32>
    %eq3A_32 = arith.cmpi eq, %add3A_16, %eq3A_31 : vector<16x128xi32>
    %broadcast_in_dim3A_33 = vector.shape_cast %slice3A_18 : vector<1x1xf32> to vector<1x1xf32>
    %broadcast_in_dim3A_34 = vector.broadcast %broadcast_in_dim3A_33 : vector<1x1xf32> to vector<16x128xf32>
    %select_n3A_35 = arith.select %eq3A_32, %broadcast_in_dim3A_34, %broadcast_in_dim3A_19 : vector<16x128xi1>, vector<16x128xf32>
    %broadcast_in_dim3A_36 = arith.constant 0x7F800000 : f32
    %broadcast_in_dim3A_37 = vector.broadcast %broadcast_in_dim3A_36 : f32 to vector<32x128xf32>
    %scan3A = arith.constant 1 : i32
    %scan3A_38 = arith.constant 2047 : i32
    %scan3A_39 = arith.addi %scan3A, %scan3A_38 : i32
    %scan3A_40 = arith.constant 1 : i32
    %scan3A_41:7 = scf.for %scan3A_103 = %scan3A to %scan3A_39 step %scan3A_40 iter_args(%scan3A_104 = %broadcast_in_dim3A_37, %scan3A_105 = %slice3A, %scan3A_106 = %slice3A_17, %scan3A_107 = %slice3A_18, %scan3A_108 = %select_n3A, %scan3A_109 = %select_n3A_29, %scan3A_110 = %select_n3A_35) -> (vector<32x128xf32>, vector<1x1xf32>, vector<1x1xf32>, vector<1x1xf32>, vector<16x128xf32>, vector<16x128xf32>, vector<16x128xf32>)  : i32 {
      %sub3A = vector.broadcast %scan3A_105 : vector<1x1xf32> to vector<32x128xf32>
      %sub3A_111 = arith.subf %get3A_1, %sub3A : vector<32x128xf32>
      %sub3A_112 = vector.broadcast %scan3A_106 : vector<1x1xf32> to vector<32x128xf32>
      %sub3A_113 = arith.subf %get3A_4, %sub3A_112 : vector<32x128xf32>
      %sub3A_114 = vector.broadcast %scan3A_107 : vector<1x1xf32> to vector<32x128xf32>
      %sub3A_115 = arith.subf %get3A_7, %sub3A_114 : vector<32x128xf32>
      %mul3A_116 = arith.mulf %sub3A_111, %sub3A_111 : vector<32x128xf32>
      %mul3A_117 = arith.mulf %sub3A_113, %sub3A_113 : vector<32x128xf32>
      %add3A_118 = arith.addf %mul3A_116, %mul3A_117 : vector<32x128xf32>
      %mul3A_119 = arith.mulf %sub3A_115, %sub3A_115 : vector<32x128xf32>
      %add3A_120 = arith.addf %add3A_118, %mul3A_119 : vector<32x128xf32>
      %min3A = arith.minimumf %scan3A_104, %add3A_120 : vector<32x128xf32>
      %reduce_max3A = arith.constant dense<0xFF800000> : vector<32xf32>
      %reduce_max3A_121 = vector.multi_reduction <maximumf>, %min3A, %reduce_max3A [1] : vector<32x128xf32> to vector<32xf32>
      %broadcast_in_dim3A_122 = vector.shape_cast %reduce_max3A_121 : vector<32xf32> to vector<32x1xf32>
      %reduce_max3A_123 = arith.constant dense<0xFF800000> : vector<1xf32>
      %reduce_max3A_124 = vector.multi_reduction <maximumf>, %broadcast_in_dim3A_122, %reduce_max3A_123 [0] : vector<32x1xf32> to vector<1xf32>
      %broadcast_in_dim3A_125 = vector.shape_cast %reduce_max3A_124 : vector<1xf32> to vector<1x1xf32>
      %eq3A_126 = vector.broadcast %broadcast_in_dim3A_125 : vector<1x1xf32> to vector<32x128xf32>
      %eq3A_127 = arith.cmpf oeq, %min3A, %eq3A_126 : vector<32x128xf32>
      %jit3A = arith.constant 1073741824 : i32
      %broadcast_in_dim3A_128 = vector.broadcast %jit3A : i32 to vector<32x128xi32>
      %select_n3A_129 = arith.select %eq3A_127, %add3A, %broadcast_in_dim3A_128 : vector<32x128xi1>, vector<32x128xi32>
      %reduce_min3A = arith.constant dense<2147483647> : vector<32xi32>
      %reduce_min3A_130 = vector.multi_reduction <minsi>, %select_n3A_129, %reduce_min3A [1] : vector<32x128xi32> to vector<32xi32>
      %broadcast_in_dim3A_131 = vector.shape_cast %reduce_min3A_130 : vector<32xi32> to vector<32x1xi32>
      %reduce_min3A_132 = arith.constant dense<2147483647> : vector<1xi32>
      %reduce_min3A_133 = vector.multi_reduction <minsi>, %broadcast_in_dim3A_131, %reduce_min3A_132 [0] : vector<32x1xi32> to vector<1xi32>
      %broadcast_in_dim3A_134 = vector.shape_cast %reduce_min3A_133 : vector<1xi32> to vector<1x1xi32>
      %eq3A_135 = vector.broadcast %broadcast_in_dim3A_134 : vector<1x1xi32> to vector<32x128xi32>
      %eq3A_136 = arith.cmpi eq, %add3A, %eq3A_135 : vector<32x128xi32>
      %jit3A_137 = arith.constant 0.000000e+00 : f32
      %broadcast_in_dim3A_138 = vector.broadcast %jit3A_137 : f32 to vector<32x128xf32>
      %select_n3A_139 = arith.select %eq3A_136, %get3A_1, %broadcast_in_dim3A_138 : vector<32x128xi1>, vector<32x128xf32>
      %reduce_sum3A = arith.constant dense<0.000000e+00> : vector<32xf32>
      %reduce_sum3A_140 = vector.multi_reduction <add>, %select_n3A_139, %reduce_sum3A [1] : vector<32x128xf32> to vector<32xf32>
      %broadcast_in_dim3A_141 = vector.shape_cast %reduce_sum3A_140 : vector<32xf32> to vector<32x1xf32>
      %reduce_sum3A_142 = arith.constant dense<0.000000e+00> : vector<1xf32>
      %reduce_sum3A_143 = vector.multi_reduction <add>, %broadcast_in_dim3A_141, %reduce_sum3A_142 [0] : vector<32x1xf32> to vector<1xf32>
      %broadcast_in_dim3A_144 = vector.shape_cast %reduce_sum3A_143 : vector<1xf32> to vector<1x1xf32>
      %jit3A_145 = arith.constant 0.000000e+00 : f32
      %broadcast_in_dim3A_146 = vector.broadcast %jit3A_145 : f32 to vector<32x128xf32>
      %select_n3A_147 = arith.select %eq3A_136, %get3A_4, %broadcast_in_dim3A_146 : vector<32x128xi1>, vector<32x128xf32>
      %reduce_sum3A_148 = arith.constant dense<0.000000e+00> : vector<32xf32>
      %reduce_sum3A_149 = vector.multi_reduction <add>, %select_n3A_147, %reduce_sum3A_148 [1] : vector<32x128xf32> to vector<32xf32>
      %broadcast_in_dim3A_150 = vector.shape_cast %reduce_sum3A_149 : vector<32xf32> to vector<32x1xf32>
      %reduce_sum3A_151 = arith.constant dense<0.000000e+00> : vector<1xf32>
      %reduce_sum3A_152 = vector.multi_reduction <add>, %broadcast_in_dim3A_150, %reduce_sum3A_151 [0] : vector<32x1xf32> to vector<1xf32>
      %broadcast_in_dim3A_153 = vector.shape_cast %reduce_sum3A_152 : vector<1xf32> to vector<1x1xf32>
      %jit3A_154 = arith.constant 0.000000e+00 : f32
      %broadcast_in_dim3A_155 = vector.broadcast %jit3A_154 : f32 to vector<32x128xf32>
      %select_n3A_156 = arith.select %eq3A_136, %get3A_7, %broadcast_in_dim3A_155 : vector<32x128xi1>, vector<32x128xf32>
      %reduce_sum3A_157 = arith.constant dense<0.000000e+00> : vector<32xf32>
      %reduce_sum3A_158 = vector.multi_reduction <add>, %select_n3A_156, %reduce_sum3A_157 [1] : vector<32x128xf32> to vector<32xf32>
      %broadcast_in_dim3A_159 = vector.shape_cast %reduce_sum3A_158 : vector<32xf32> to vector<32x1xf32>
      %reduce_sum3A_160 = arith.constant dense<0.000000e+00> : vector<1xf32>
      %reduce_sum3A_161 = vector.multi_reduction <add>, %broadcast_in_dim3A_159, %reduce_sum3A_160 [0] : vector<32x1xf32> to vector<1xf32>
      %broadcast_in_dim3A_162 = vector.shape_cast %reduce_sum3A_161 : vector<1xf32> to vector<1x1xf32>
      %eq3A_163 = vector.broadcast %scan3A_103 : i32 to vector<16x128xi32>
      %eq3A_164 = arith.cmpi eq, %add3A_16, %eq3A_163 : vector<16x128xi32>
      %broadcast_in_dim3A_165 = vector.shape_cast %broadcast_in_dim3A_144 : vector<1x1xf32> to vector<1x1xf32>
      %broadcast_in_dim3A_166 = vector.broadcast %broadcast_in_dim3A_165 : vector<1x1xf32> to vector<16x128xf32>
      %select_n3A_167 = arith.select %eq3A_164, %broadcast_in_dim3A_166, %scan3A_108 : vector<16x128xi1>, vector<16x128xf32>
      %broadcast_in_dim3A_168 = vector.shape_cast %broadcast_in_dim3A_153 : vector<1x1xf32> to vector<1x1xf32>
      %broadcast_in_dim3A_169 = vector.broadcast %broadcast_in_dim3A_168 : vector<1x1xf32> to vector<16x128xf32>
      %select_n3A_170 = arith.select %eq3A_164, %broadcast_in_dim3A_169, %scan3A_109 : vector<16x128xi1>, vector<16x128xf32>
      %broadcast_in_dim3A_171 = vector.shape_cast %broadcast_in_dim3A_162 : vector<1x1xf32> to vector<1x1xf32>
      %broadcast_in_dim3A_172 = vector.broadcast %broadcast_in_dim3A_171 : vector<1x1xf32> to vector<16x128xf32>
      %select_n3A_173 = arith.select %eq3A_164, %broadcast_in_dim3A_172, %scan3A_110 : vector<16x128xi1>, vector<16x128xf32>
      scf.yield %min3A, %broadcast_in_dim3A_144, %broadcast_in_dim3A_153, %broadcast_in_dim3A_162, %select_n3A_167, %select_n3A_170, %select_n3A_173 : vector<32x128xf32>, vector<1x1xf32>, vector<1x1xf32>, vector<1x1xf32>, vector<16x128xf32>, vector<16x128xf32>, vector<16x128xf32>
    }
    %scan3A_42 = arith.constant 2047 : i32
    %swap3A = arith.constant 0 : index
    %swap3A_43 = arith.constant 0 : index
    %swap3A_44 = vector.load %arg3[%swap3A, %swap3A_43] : memref<16x128xf32, #tpu.memory_space<vmem>>, vector<16x128xf32>
    tpu.vector_store %arg3[%swap3A, %swap3A_43], %scan3A_41#4 {strides = array<i32>} : memref<16x128xf32, #tpu.memory_space<vmem>>, vector<16x128xf32>,
    %swap3A_45 = arith.constant 0 : index
    %swap3A_46 = arith.constant 0 : index
    %swap3A_47 = vector.load %arg4[%swap3A_45, %swap3A_46] : memref<16x128xf32, #tpu.memory_space<vmem>>, vector<16x128xf32>
    tpu.vector_store %arg4[%swap3A_45, %swap3A_46], %scan3A_41#5 {strides = array<i32>} : memref<16x128xf32, #tpu.memory_space<vmem>>, vector<16x128xf32>,
    %swap3A_48 = arith.constant 0 : index
    %swap3A_49 = arith.constant 0 : index
    %swap3A_50 = vector.load %arg5[%swap3A_48, %swap3A_49] : memref<16x128xf32, #tpu.memory_space<vmem>>, vector<16x128xf32>
    tpu.vector_store %arg5[%swap3A_48, %swap3A_49], %scan3A_41#6 {strides = array<i32>} : memref<16x128xf32, #tpu.memory_space<vmem>>, vector<16x128xf32>,
    %iota3A_51 = tpu.iota {dimensions = array<i32: 0>} : vector<16x128xi32>
    %mul3A_52 = arith.constant 128 : i32
    %mul3A_53 = vector.broadcast %mul3A_52 : i32 to vector<16x128xi32>
    %mul3A_54 = arith.muli %iota3A_51, %mul3A_53 : vector<16x128xi32>
    %iota3A_55 = tpu.iota {dimensions = array<i32: 1>} : vector<16x128xi32>
    %add3A_56 = arith.addi %mul3A_54, %iota3A_55 : vector<16x128xi32>
    %iota3A_57 = tpu.iota {dimensions = array<i32: 0>} : vector<8x128xi32>
    %mul3A_58 = arith.constant 128 : i32
    %mul3A_59 = vector.broadcast %mul3A_58 : i32 to vector<8x128xi32>
    %mul3A_60 = arith.muli %iota3A_57, %mul3A_59 : vector<8x128xi32>
    %iota3A_61 = tpu.iota {dimensions = array<i32: 1>} : vector<8x128xi32>
    %add3A_62 = arith.addi %mul3A_60, %iota3A_61 : vector<8x128xi32>
    %slice3A_63 = vector.extract_strided_slice %scan3A_41#4 {offsets = [0, 0], sizes = [1, 1], strides = [1, 1]} : vector<16x128xf32> to vector<1x1xf32>
    %slice3A_64 = vector.extract_strided_slice %scan3A_41#5 {offsets = [0, 0], sizes = [1, 1], strides = [1, 1]} : vector<16x128xf32> to vector<1x1xf32>
    %slice3A_65 = vector.extract_strided_slice %scan3A_41#6 {offsets = [0, 0], sizes = [1, 1], strides = [1, 1]} : vector<16x128xf32> to vector<1x1xf32>
    %broadcast_in_dim3A_66 = arith.constant 0.000000e+00 : f32
    %broadcast_in_dim3A_67 = vector.broadcast %broadcast_in_dim3A_66 : f32 to vector<8x128xf32>
    %eq3A_68 = arith.constant 0 : i32
    %eq3A_69 = vector.broadcast %eq3A_68 : i32 to vector<8x128xi32>
    %eq3A_70 = arith.cmpi eq, %add3A_62, %eq3A_69 : vector<8x128xi32>
    %broadcast_in_dim3A_71 = vector.shape_cast %slice3A_63 : vector<1x1xf32> to vector<1x1xf32>
    %broadcast_in_dim3A_72 = vector.broadcast %broadcast_in_dim3A_71 : vector<1x1xf32> to vector<8x128xf32>
    %select_n3A_73 = arith.select %eq3A_70, %broadcast_in_dim3A_72, %broadcast_in_dim3A_67 : vector<8x128xi1>, vector<8x128xf32>
    %eq3A_74 = arith.constant 0 : i32
    %eq3A_75 = vector.broadcast %eq3A_74 : i32 to vector<8x128xi32>
    %eq3A_76 = arith.cmpi eq, %add3A_62, %eq3A_75 : vector<8x128xi32>
    %broadcast_in_dim3A_77 = vector.shape_cast %slice3A_64 : vector<1x1xf32> to vector<1x1xf32>
    %broadcast_in_dim3A_78 = vector.broadcast %broadcast_in_dim3A_77 : vector<1x1xf32> to vector<8x128xf32>
    %select_n3A_79 = arith.select %eq3A_76, %broadcast_in_dim3A_78, %broadcast_in_dim3A_67 : vector<8x128xi1>, vector<8x128xf32>
    %eq3A_80 = arith.constant 0 : i32
    %eq3A_81 = vector.broadcast %eq3A_80 : i32 to vector<8x128xi32>
    %eq3A_82 = arith.cmpi eq, %add3A_62, %eq3A_81 : vector<8x128xi32>
    %broadcast_in_dim3A_83 = vector.shape_cast %slice3A_65 : vector<1x1xf32> to vector<1x1xf32>
    %broadcast_in_dim3A_84 = vector.broadcast %broadcast_in_dim3A_83 : vector<1x1xf32> to vector<8x128xf32>
    %select_n3A_85 = arith.select %eq3A_82, %broadcast_in_dim3A_84, %broadcast_in_dim3A_67 : vector<8x128xi1>, vector<8x128xf32>
    %broadcast_in_dim3A_86 = arith.constant 0x7F800000 : f32
    %broadcast_in_dim3A_87 = vector.broadcast %broadcast_in_dim3A_86 : f32 to vector<16x128xf32>
    %scan3A_88 = arith.constant 1 : i32
    %scan3A_89 = arith.constant 1023 : i32
    %scan3A_90 = arith.addi %scan3A_88, %scan3A_89 : i32
    %scan3A_91 = arith.constant 1 : i32
    %scan3A_92:7 = scf.for %scan3A_103 = %scan3A_88 to %scan3A_90 step %scan3A_91 iter_args(%scan3A_104 = %broadcast_in_dim3A_87, %scan3A_105 = %slice3A_63, %scan3A_106 = %slice3A_64, %scan3A_107 = %slice3A_65, %scan3A_108 = %select_n3A_73, %scan3A_109 = %select_n3A_79, %scan3A_110 = %select_n3A_85) -> (vector<16x128xf32>, vector<1x1xf32>, vector<1x1xf32>, vector<1x1xf32>, vector<8x128xf32>, vector<8x128xf32>, vector<8x128xf32>)  : i32 {
      %sub3A = vector.broadcast %scan3A_105 : vector<1x1xf32> to vector<16x128xf32>
      %sub3A_111 = arith.subf %scan3A_41#4, %sub3A : vector<16x128xf32>
      %sub3A_112 = vector.broadcast %scan3A_106 : vector<1x1xf32> to vector<16x128xf32>
      %sub3A_113 = arith.subf %scan3A_41#5, %sub3A_112 : vector<16x128xf32>
      %sub3A_114 = vector.broadcast %scan3A_107 : vector<1x1xf32> to vector<16x128xf32>
      %sub3A_115 = arith.subf %scan3A_41#6, %sub3A_114 : vector<16x128xf32>
      %mul3A_116 = arith.mulf %sub3A_111, %sub3A_111 : vector<16x128xf32>
      %mul3A_117 = arith.mulf %sub3A_113, %sub3A_113 : vector<16x128xf32>
      %add3A_118 = arith.addf %mul3A_116, %mul3A_117 : vector<16x128xf32>
      %mul3A_119 = arith.mulf %sub3A_115, %sub3A_115 : vector<16x128xf32>
      %add3A_120 = arith.addf %add3A_118, %mul3A_119 : vector<16x128xf32>
      %min3A = arith.minimumf %scan3A_104, %add3A_120 : vector<16x128xf32>
      %reduce_max3A = arith.constant dense<0xFF800000> : vector<16xf32>
      %reduce_max3A_121 = vector.multi_reduction <maximumf>, %min3A, %reduce_max3A [1] : vector<16x128xf32> to vector<16xf32>
      %broadcast_in_dim3A_122 = vector.shape_cast %reduce_max3A_121 : vector<16xf32> to vector<16x1xf32>
      %reduce_max3A_123 = arith.constant dense<0xFF800000> : vector<1xf32>
      %reduce_max3A_124 = vector.multi_reduction <maximumf>, %broadcast_in_dim3A_122, %reduce_max3A_123 [0] : vector<16x1xf32> to vector<1xf32>
      %broadcast_in_dim3A_125 = vector.shape_cast %reduce_max3A_124 : vector<1xf32> to vector<1x1xf32>
      %eq3A_126 = vector.broadcast %broadcast_in_dim3A_125 : vector<1x1xf32> to vector<16x128xf32>
      %eq3A_127 = arith.cmpf oeq, %min3A, %eq3A_126 : vector<16x128xf32>
      %jit3A = arith.constant 1073741824 : i32
      %broadcast_in_dim3A_128 = vector.broadcast %jit3A : i32 to vector<16x128xi32>
      %select_n3A_129 = arith.select %eq3A_127, %add3A_56, %broadcast_in_dim3A_128 : vector<16x128xi1>, vector<16x128xi32>
      %reduce_min3A = arith.constant dense<2147483647> : vector<16xi32>
      %reduce_min3A_130 = vector.multi_reduction <minsi>, %select_n3A_129, %reduce_min3A [1] : vector<16x128xi32> to vector<16xi32>
      %broadcast_in_dim3A_131 = vector.shape_cast %reduce_min3A_130 : vector<16xi32> to vector<16x1xi32>
      %reduce_min3A_132 = arith.constant dense<2147483647> : vector<1xi32>
      %reduce_min3A_133 = vector.multi_reduction <minsi>, %broadcast_in_dim3A_131, %reduce_min3A_132 [0] : vector<16x1xi32> to vector<1xi32>
      %broadcast_in_dim3A_134 = vector.shape_cast %reduce_min3A_133 : vector<1xi32> to vector<1x1xi32>
      %eq3A_135 = vector.broadcast %broadcast_in_dim3A_134 : vector<1x1xi32> to vector<16x128xi32>
      %eq3A_136 = arith.cmpi eq, %add3A_56, %eq3A_135 : vector<16x128xi32>
      %jit3A_137 = arith.constant 0.000000e+00 : f32
      %broadcast_in_dim3A_138 = vector.broadcast %jit3A_137 : f32 to vector<16x128xf32>
      %select_n3A_139 = arith.select %eq3A_136, %scan3A_41#4, %broadcast_in_dim3A_138 : vector<16x128xi1>, vector<16x128xf32>
      %reduce_sum3A = arith.constant dense<0.000000e+00> : vector<16xf32>
      %reduce_sum3A_140 = vector.multi_reduction <add>, %select_n3A_139, %reduce_sum3A [1] : vector<16x128xf32> to vector<16xf32>
      %broadcast_in_dim3A_141 = vector.shape_cast %reduce_sum3A_140 : vector<16xf32> to vector<16x1xf32>
      %reduce_sum3A_142 = arith.constant dense<0.000000e+00> : vector<1xf32>
      %reduce_sum3A_143 = vector.multi_reduction <add>, %broadcast_in_dim3A_141, %reduce_sum3A_142 [0] : vector<16x1xf32> to vector<1xf32>
      %broadcast_in_dim3A_144 = vector.shape_cast %reduce_sum3A_143 : vector<1xf32> to vector<1x1xf32>
      %jit3A_145 = arith.constant 0.000000e+00 : f32
      %broadcast_in_dim3A_146 = vector.broadcast %jit3A_145 : f32 to vector<16x128xf32>
      %select_n3A_147 = arith.select %eq3A_136, %scan3A_41#5, %broadcast_in_dim3A_146 : vector<16x128xi1>, vector<16x128xf32>
      %reduce_sum3A_148 = arith.constant dense<0.000000e+00> : vector<16xf32>
      %reduce_sum3A_149 = vector.multi_reduction <add>, %select_n3A_147, %reduce_sum3A_148 [1] : vector<16x128xf32> to vector<16xf32>
      %broadcast_in_dim3A_150 = vector.shape_cast %reduce_sum3A_149 : vector<16xf32> to vector<16x1xf32>
      %reduce_sum3A_151 = arith.constant dense<0.000000e+00> : vector<1xf32>
      %reduce_sum3A_152 = vector.multi_reduction <add>, %broadcast_in_dim3A_150, %reduce_sum3A_151 [0] : vector<16x1xf32> to vector<1xf32>
      %broadcast_in_dim3A_153 = vector.shape_cast %reduce_sum3A_152 : vector<1xf32> to vector<1x1xf32>
      %jit3A_154 = arith.constant 0.000000e+00 : f32
      %broadcast_in_dim3A_155 = vector.broadcast %jit3A_154 : f32 to vector<16x128xf32>
      %select_n3A_156 = arith.select %eq3A_136, %scan3A_41#6, %broadcast_in_dim3A_155 : vector<16x128xi1>, vector<16x128xf32>
      %reduce_sum3A_157 = arith.constant dense<0.000000e+00> : vector<16xf32>
      %reduce_sum3A_158 = vector.multi_reduction <add>, %select_n3A_156, %reduce_sum3A_157 [1] : vector<16x128xf32> to vector<16xf32>
      %broadcast_in_dim3A_159 = vector.shape_cast %reduce_sum3A_158 : vector<16xf32> to vector<16x1xf32>
      %reduce_sum3A_160 = arith.constant dense<0.000000e+00> : vector<1xf32>
      %reduce_sum3A_161 = vector.multi_reduction <add>, %broadcast_in_dim3A_159, %reduce_sum3A_160 [0] : vector<16x1xf32> to vector<1xf32>
      %broadcast_in_dim3A_162 = vector.shape_cast %reduce_sum3A_161 : vector<1xf32> to vector<1x1xf32>
      %eq3A_163 = vector.broadcast %scan3A_103 : i32 to vector<8x128xi32>
      %eq3A_164 = arith.cmpi eq, %add3A_62, %eq3A_163 : vector<8x128xi32>
      %broadcast_in_dim3A_165 = vector.shape_cast %broadcast_in_dim3A_144 : vector<1x1xf32> to vector<1x1xf32>
      %broadcast_in_dim3A_166 = vector.broadcast %broadcast_in_dim3A_165 : vector<1x1xf32> to vector<8x128xf32>
      %select_n3A_167 = arith.select %eq3A_164, %broadcast_in_dim3A_166, %scan3A_108 : vector<8x128xi1>, vector<8x128xf32>
      %broadcast_in_dim3A_168 = vector.shape_cast %broadcast_in_dim3A_153 : vector<1x1xf32> to vector<1x1xf32>
      %broadcast_in_dim3A_169 = vector.broadcast %broadcast_in_dim3A_168 : vector<1x1xf32> to vector<8x128xf32>
      %select_n3A_170 = arith.select %eq3A_164, %broadcast_in_dim3A_169, %scan3A_109 : vector<8x128xi1>, vector<8x128xf32>
      %broadcast_in_dim3A_171 = vector.shape_cast %broadcast_in_dim3A_162 : vector<1x1xf32> to vector<1x1xf32>
      %broadcast_in_dim3A_172 = vector.broadcast %broadcast_in_dim3A_171 : vector<1x1xf32> to vector<8x128xf32>
      %select_n3A_173 = arith.select %eq3A_164, %broadcast_in_dim3A_172, %scan3A_110 : vector<8x128xi1>, vector<8x128xf32>
      scf.yield %min3A, %broadcast_in_dim3A_144, %broadcast_in_dim3A_153, %broadcast_in_dim3A_162, %select_n3A_167, %select_n3A_170, %select_n3A_173 : vector<16x128xf32>, vector<1x1xf32>, vector<1x1xf32>, vector<1x1xf32>, vector<8x128xf32>, vector<8x128xf32>, vector<8x128xf32>
    }
    %scan3A_93 = arith.constant 1023 : i32
    %swap3A_94 = arith.constant 0 : index
    %swap3A_95 = arith.constant 0 : index
    %swap3A_96 = vector.load %arg6[%swap3A_94, %swap3A_95] : memref<8x128xf32, #tpu.memory_space<vmem>>, vector<8x128xf32>
    tpu.vector_store %arg6[%swap3A_94, %swap3A_95], %scan3A_92#4 {strides = array<i32>} : memref<8x128xf32, #tpu.memory_space<vmem>>, vector<8x128xf32>,
    %swap3A_97 = arith.constant 0 : index
    %swap3A_98 = arith.constant 0 : index
    %swap3A_99 = vector.load %arg7[%swap3A_97, %swap3A_98] : memref<8x128xf32, #tpu.memory_space<vmem>>, vector<8x128xf32>
    tpu.vector_store %arg7[%swap3A_97, %swap3A_98], %scan3A_92#5 {strides = array<i32>} : memref<8x128xf32, #tpu.memory_space<vmem>>, vector<8x128xf32>,
    %swap3A_100 = arith.constant 0 : index
    %swap3A_101 = arith.constant 0 : index
    %swap3A_102 = vector.load %arg8[%swap3A_100, %swap3A_101] : memref<8x128xf32, #tpu.memory_space<vmem>>, vector<8x128xf32>
    tpu.vector_store %arg8[%swap3A_100, %swap3A_101], %scan3A_92#6 {strides = array<i32>} : memref<8x128xf32, #tpu.memory_space<vmem>>, vector<8x128xf32>,
    return
  }
}

module attributes {stable_mosaic.version = 14 : i64} {
  func.func @_g1_body(%arg0: memref<4096x1xf32, #tpu.memory_space<vmem>>, %arg1: memref<4096x1xf32, #tpu.memory_space<vmem>>, %arg2: memref<4096x1xf32, #tpu.memory_space<vmem>>, %arg3: memref<4096x1xf32, #tpu.memory_space<vmem>>, %arg4: memref<4096x1xf32, #tpu.memory_space<vmem>>, %arg5: memref<4096x1xf32, #tpu.memory_space<vmem>>, %arg6: memref<2048x1xf32, #tpu.memory_space<vmem>>, %arg7: memref<2048x1xf32, #tpu.memory_space<vmem>>, %arg8: memref<2048x1xf32, #tpu.memory_space<vmem>>, %arg9: memref<6x128xf32, #tpu.memory_space<vmem>>, %arg10: memref<1x128xf32, #tpu.memory_space<vmem>>, %arg11: memref<4096x128xf32, #tpu.memory_space<vmem>>, %arg12: memref<2048x128xf32, #tpu.memory_space<vmem>>) attributes {dimension_semantics = [], scalar_prefetch = 0 : i64, scratch_operands = 0 : i64, tpu.core_type = #tpu.core_type<tc>} {
    %get3A = arith.constant 0 : index
    %get3A_0 = arith.constant 0 : index
    %get3A_1 = vector.load %arg9[%get3A, %get3A_0] : memref<6x128xf32, #tpu.memory_space<vmem>>, vector<6x128xf32>
    %get3A_2 = arith.constant 0 : index
    %get3A_3 = arith.constant 0 : index
    %get3A_4 = vector.load %arg0[%get3A_2, %get3A_3] : memref<4096x1xf32, #tpu.memory_space<vmem>>, vector<4096x1xf32>
    %slice3A = vector.extract_strided_slice %get3A_1 {offsets = [0, 0], sizes = [1, 128], strides = [1, 1]} : vector<6x128xf32> to vector<1x128xf32>
    %mul3A = vector.broadcast %get3A_4 : vector<4096x1xf32> to vector<4096x128xf32>
    %mul3A_5 = vector.broadcast %slice3A : vector<1x128xf32> to vector<4096x128xf32>
    %mul3A_6 = arith.mulf %mul3A, %mul3A_5 : vector<4096x128xf32>
    %get3A_7 = arith.constant 0 : index
    %get3A_8 = arith.constant 0 : index
    %get3A_9 = vector.load %arg1[%get3A_7, %get3A_8] : memref<4096x1xf32, #tpu.memory_space<vmem>>, vector<4096x1xf32>
    %slice3A_10 = vector.extract_strided_slice %get3A_1 {offsets = [1, 0], sizes = [1, 128], strides = [1, 1]} : vector<6x128xf32> to vector<1x128xf32>
    %mul3A_11 = vector.broadcast %get3A_9 : vector<4096x1xf32> to vector<4096x128xf32>
    %mul3A_12 = vector.broadcast %slice3A_10 : vector<1x128xf32> to vector<4096x128xf32>
    %mul3A_13 = arith.mulf %mul3A_11, %mul3A_12 : vector<4096x128xf32>
    %add3A = arith.addf %mul3A_6, %mul3A_13 : vector<4096x128xf32>
    %get3A_14 = arith.constant 0 : index
    %get3A_15 = arith.constant 0 : index
    %get3A_16 = vector.load %arg2[%get3A_14, %get3A_15] : memref<4096x1xf32, #tpu.memory_space<vmem>>, vector<4096x1xf32>
    %slice3A_17 = vector.extract_strided_slice %get3A_1 {offsets = [2, 0], sizes = [1, 128], strides = [1, 1]} : vector<6x128xf32> to vector<1x128xf32>
    %mul3A_18 = vector.broadcast %get3A_16 : vector<4096x1xf32> to vector<4096x128xf32>
    %mul3A_19 = vector.broadcast %slice3A_17 : vector<1x128xf32> to vector<4096x128xf32>
    %mul3A_20 = arith.mulf %mul3A_18, %mul3A_19 : vector<4096x128xf32>
    %add3A_21 = arith.addf %add3A, %mul3A_20 : vector<4096x128xf32>
    %get3A_22 = arith.constant 0 : index
    %get3A_23 = arith.constant 0 : index
    %get3A_24 = vector.load %arg3[%get3A_22, %get3A_23] : memref<4096x1xf32, #tpu.memory_space<vmem>>, vector<4096x1xf32>
    %slice3A_25 = vector.extract_strided_slice %get3A_1 {offsets = [3, 0], sizes = [1, 128], strides = [1, 1]} : vector<6x128xf32> to vector<1x128xf32>
    %mul3A_26 = vector.broadcast %get3A_24 : vector<4096x1xf32> to vector<4096x128xf32>
    %mul3A_27 = vector.broadcast %slice3A_25 : vector<1x128xf32> to vector<4096x128xf32>
    %mul3A_28 = arith.mulf %mul3A_26, %mul3A_27 : vector<4096x128xf32>
    %add3A_29 = arith.addf %add3A_21, %mul3A_28 : vector<4096x128xf32>
    %get3A_30 = arith.constant 0 : index
    %get3A_31 = arith.constant 0 : index
    %get3A_32 = vector.load %arg4[%get3A_30, %get3A_31] : memref<4096x1xf32, #tpu.memory_space<vmem>>, vector<4096x1xf32>
    %slice3A_33 = vector.extract_strided_slice %get3A_1 {offsets = [4, 0], sizes = [1, 128], strides = [1, 1]} : vector<6x128xf32> to vector<1x128xf32>
    %mul3A_34 = vector.broadcast %get3A_32 : vector<4096x1xf32> to vector<4096x128xf32>
    %mul3A_35 = vector.broadcast %slice3A_33 : vector<1x128xf32> to vector<4096x128xf32>
    %mul3A_36 = arith.mulf %mul3A_34, %mul3A_35 : vector<4096x128xf32>
    %add3A_37 = arith.addf %add3A_29, %mul3A_36 : vector<4096x128xf32>
    %get3A_38 = arith.constant 0 : index
    %get3A_39 = arith.constant 0 : index
    %get3A_40 = vector.load %arg5[%get3A_38, %get3A_39] : memref<4096x1xf32, #tpu.memory_space<vmem>>, vector<4096x1xf32>
    %slice3A_41 = vector.extract_strided_slice %get3A_1 {offsets = [5, 0], sizes = [1, 128], strides = [1, 1]} : vector<6x128xf32> to vector<1x128xf32>
    %mul3A_42 = vector.broadcast %get3A_40 : vector<4096x1xf32> to vector<4096x128xf32>
    %mul3A_43 = vector.broadcast %slice3A_41 : vector<1x128xf32> to vector<4096x128xf32>
    %mul3A_44 = arith.mulf %mul3A_42, %mul3A_43 : vector<4096x128xf32>
    %add3A_45 = arith.addf %add3A_37, %mul3A_44 : vector<4096x128xf32>
    %get3A_46 = arith.constant 0 : index
    %get3A_47 = arith.constant 0 : index
    %get3A_48 = vector.load %arg10[%get3A_46, %get3A_47] : memref<1x128xf32, #tpu.memory_space<vmem>>, vector<1x128xf32>
    %add3A_49 = vector.broadcast %get3A_48 : vector<1x128xf32> to vector<4096x128xf32>
    %add3A_50 = arith.addf %add3A_45, %add3A_49 : vector<4096x128xf32>
    %swap3A = arith.constant 0 : index
    %swap3A_51 = arith.constant 0 : index
    %swap3A_52 = vector.load %arg11[%swap3A, %swap3A_51] : memref<4096x128xf32, #tpu.memory_space<vmem>>, vector<4096x128xf32>
    tpu.vector_store %arg11[%swap3A, %swap3A_51], %add3A_50 {strides = array<i32>} : memref<4096x128xf32, #tpu.memory_space<vmem>>, vector<4096x128xf32>,
    %get3A_53 = arith.constant 0 : index
    %get3A_54 = arith.constant 0 : index
    %get3A_55 = vector.load %arg6[%get3A_53, %get3A_54] : memref<2048x1xf32, #tpu.memory_space<vmem>>, vector<2048x1xf32>
    %slice3A_56 = vector.extract_strided_slice %get3A_1 {offsets = [3, 0], sizes = [1, 128], strides = [1, 1]} : vector<6x128xf32> to vector<1x128xf32>
    %mul3A_57 = vector.broadcast %get3A_55 : vector<2048x1xf32> to vector<2048x128xf32>
    %mul3A_58 = vector.broadcast %slice3A_56 : vector<1x128xf32> to vector<2048x128xf32>
    %mul3A_59 = arith.mulf %mul3A_57, %mul3A_58 : vector<2048x128xf32>
    %get3A_60 = arith.constant 0 : index
    %get3A_61 = arith.constant 0 : index
    %get3A_62 = vector.load %arg7[%get3A_60, %get3A_61] : memref<2048x1xf32, #tpu.memory_space<vmem>>, vector<2048x1xf32>
    %slice3A_63 = vector.extract_strided_slice %get3A_1 {offsets = [4, 0], sizes = [1, 128], strides = [1, 1]} : vector<6x128xf32> to vector<1x128xf32>
    %mul3A_64 = vector.broadcast %get3A_62 : vector<2048x1xf32> to vector<2048x128xf32>
    %mul3A_65 = vector.broadcast %slice3A_63 : vector<1x128xf32> to vector<2048x128xf32>
    %mul3A_66 = arith.mulf %mul3A_64, %mul3A_65 : vector<2048x128xf32>
    %add3A_67 = arith.addf %mul3A_59, %mul3A_66 : vector<2048x128xf32>
    %get3A_68 = arith.constant 0 : index
    %get3A_69 = arith.constant 0 : index
    %get3A_70 = vector.load %arg8[%get3A_68, %get3A_69] : memref<2048x1xf32, #tpu.memory_space<vmem>>, vector<2048x1xf32>
    %slice3A_71 = vector.extract_strided_slice %get3A_1 {offsets = [5, 0], sizes = [1, 128], strides = [1, 1]} : vector<6x128xf32> to vector<1x128xf32>
    %mul3A_72 = vector.broadcast %get3A_70 : vector<2048x1xf32> to vector<2048x128xf32>
    %mul3A_73 = vector.broadcast %slice3A_71 : vector<1x128xf32> to vector<2048x128xf32>
    %mul3A_74 = arith.mulf %mul3A_72, %mul3A_73 : vector<2048x128xf32>
    %add3A_75 = arith.addf %add3A_67, %mul3A_74 : vector<2048x128xf32>
    %swap3A_76 = arith.constant 0 : index
    %swap3A_77 = arith.constant 0 : index
    %swap3A_78 = vector.load %arg12[%swap3A_76, %swap3A_77] : memref<2048x128xf32, #tpu.memory_space<vmem>>, vector<2048x128xf32>
    tpu.vector_store %arg12[%swap3A_76, %swap3A_77], %add3A_75 {strides = array<i32>} : memref<2048x128xf32, #tpu.memory_space<vmem>>, vector<2048x128xf32>,
    return
  }
}

module attributes {stable_mosaic.version = 14 : i64} {
  func.func @_select64_body(%arg0: i32, %arg1: memref<128x1xf32, #tpu.memory_space<vmem>>, %arg2: memref<128x1xf32, #tpu.memory_space<vmem>>, %arg3: memref<128x1xf32, #tpu.memory_space<vmem>>, %arg4: memref<1x2048xf32, #tpu.memory_space<vmem>>, %arg5: memref<1x2048xf32, #tpu.memory_space<vmem>>, %arg6: memref<1x2048xf32, #tpu.memory_space<vmem>>, %arg7: memref<128x64xi32, #tpu.memory_space<vmem>>, %arg8: memref<128x64xf32, #tpu.memory_space<vmem>>) attributes {dimension_semantics = [#tpu.dimension_semantics<arbitrary>], iteration_bounds = array<i64: 8>, scalar_prefetch = 0 : i64, scratch_operands = 0 : i64, tpu.core_type = #tpu.core_type<tc>, window_params = [{transform_indices = @transform_0, window_bounds = array<i64: 128, 1>}, {transform_indices = @transform_1, window_bounds = array<i64: 128, 1>}, {transform_indices = @transform_2, window_bounds = array<i64: 128, 1>}, {pipeline_mode = #tpu.pipeline_mode<synchronous>, transform_indices = @transform_3, window_bounds = array<i64: 1, 2048>}, {pipeline_mode = #tpu.pipeline_mode<synchronous>, transform_indices = @transform_4, window_bounds = array<i64: 1, 2048>}, {pipeline_mode = #tpu.pipeline_mode<synchronous>, transform_indices = @transform_5, window_bounds = array<i64: 1, 2048>}, {transform_indices = @transform_6, window_bounds = array<i64: 128, 64>}, {transform_indices = @transform_7, window_bounds = array<i64: 128, 64>}]} {
    %get3A = arith.constant 0 : index
    %get3A_0 = arith.constant 0 : index
    %get3A_1 = vector.load %arg1[%get3A, %get3A_0] : memref<128x1xf32, #tpu.memory_space<vmem>>, vector<128x1xf32>
    %get3A_2 = arith.constant 0 : index
    %get3A_3 = arith.constant 0 : index
    %get3A_4 = vector.load %arg4[%get3A_2, %get3A_3] : memref<1x2048xf32, #tpu.memory_space<vmem>>, vector<1x2048xf32>
    %sub3A = vector.broadcast %get3A_1 : vector<128x1xf32> to vector<128x2048xf32>
    %sub3A_5 = vector.broadcast %get3A_4 : vector<1x2048xf32> to vector<128x2048xf32>
    %sub3A_6 = arith.subf %sub3A, %sub3A_5 : vector<128x2048xf32>
    %get3A_7 = arith.constant 0 : index
    %get3A_8 = arith.constant 0 : index
    %get3A_9 = vector.load %arg2[%get3A_7, %get3A_8] : memref<128x1xf32, #tpu.memory_space<vmem>>, vector<128x1xf32>
    %get3A_10 = arith.constant 0 : index
    %get3A_11 = arith.constant 0 : index
    %get3A_12 = vector.load %arg5[%get3A_10, %get3A_11] : memref<1x2048xf32, #tpu.memory_space<vmem>>, vector<1x2048xf32>
    %sub3A_13 = vector.broadcast %get3A_9 : vector<128x1xf32> to vector<128x2048xf32>
    %sub3A_14 = vector.broadcast %get3A_12 : vector<1x2048xf32> to vector<128x2048xf32>
    %sub3A_15 = arith.subf %sub3A_13, %sub3A_14 : vector<128x2048xf32>
    %get3A_16 = arith.constant 0 : index
    %get3A_17 = arith.constant 0 : index
    %get3A_18 = vector.load %arg3[%get3A_16, %get3A_17] : memref<128x1xf32, #tpu.memory_space<vmem>>, vector<128x1xf32>
    %get3A_19 = arith.constant 0 : index
    %get3A_20 = arith.constant 0 : index
    %get3A_21 = vector.load %arg6[%get3A_19, %get3A_20] : memref<1x2048xf32, #tpu.memory_space<vmem>>, vector<1x2048xf32>
    %sub3A_22 = vector.broadcast %get3A_18 : vector<128x1xf32> to vector<128x2048xf32>
    %sub3A_23 = vector.broadcast %get3A_21 : vector<1x2048xf32> to vector<128x2048xf32>
    %sub3A_24 = arith.subf %sub3A_22, %sub3A_23 : vector<128x2048xf32>
    %mul3A = arith.mulf %sub3A_6, %sub3A_6 : vector<128x2048xf32>
    %mul3A_25 = arith.mulf %sub3A_15, %sub3A_15 : vector<128x2048xf32>
    %add3A = arith.addf %mul3A, %mul3A_25 : vector<128x2048xf32>
    %mul3A_26 = arith.mulf %sub3A_24, %sub3A_24 : vector<128x2048xf32>
    %add3A_27 = arith.addf %add3A, %mul3A_26 : vector<128x2048xf32>
    %iota3A = tpu.iota {dimensions = array<i32: 1>} : vector<128x2048xi32>
    %iota3A_28 = tpu.iota {dimensions = array<i32: 1>} : vector<128x64xi32>
    %broadcast_in_dim3A = arith.constant 0 : i32
    %broadcast_in_dim3A_29 = vector.broadcast %broadcast_in_dim3A : i32 to vector<128x64xi32>
    %broadcast_in_dim3A_30 = arith.constant 0.000000e+00 : f32
    %broadcast_in_dim3A_31 = vector.broadcast %broadcast_in_dim3A_30 : f32 to vector<128x64xf32>
    %scan3A = arith.constant 0 : i32
    %scan3A_32 = arith.constant 64 : i32
    %scan3A_33 = arith.addi %scan3A, %scan3A_32 : i32
    %scan3A_34 = arith.constant 1 : i32
    %scan3A_35:3 = scf.for %scan3A_42 = %scan3A to %scan3A_33 step %scan3A_34 iter_args(%scan3A_43 = %add3A_27, %scan3A_44 = %broadcast_in_dim3A_29, %scan3A_45 = %broadcast_in_dim3A_31) -> (vector<128x2048xf32>, vector<128x64xi32>, vector<128x64xf32>)  : i32 {
      %reduce_min3A = arith.constant dense<0x7F800000> : vector<128xf32>
      %reduce_min3A_46 = vector.multi_reduction <minimumf>, %scan3A_43, %reduce_min3A [1] : vector<128x2048xf32> to vector<128xf32>
      %broadcast_in_dim3A_47 = vector.shape_cast %reduce_min3A_46 : vector<128xf32> to vector<128x1xf32>
      %eq3A = vector.broadcast %broadcast_in_dim3A_47 : vector<128x1xf32> to vector<128x2048xf32>
      %eq3A_48 = arith.cmpf oeq, %scan3A_43, %eq3A : vector<128x2048xf32>
      %jit3A = arith.constant 1073741824 : i32
      %broadcast_in_dim3A_49 = vector.broadcast %jit3A : i32 to vector<128x2048xi32>
      %select_n3A = arith.select %eq3A_48, %iota3A, %broadcast_in_dim3A_49 : vector<128x2048xi1>, vector<128x2048xi32>
      %reduce_min3A_50 = arith.constant dense<2147483647> : vector<128xi32>
      %reduce_min3A_51 = vector.multi_reduction <minsi>, %select_n3A, %reduce_min3A_50 [1] : vector<128x2048xi32> to vector<128xi32>
      %broadcast_in_dim3A_52 = vector.shape_cast %reduce_min3A_51 : vector<128xi32> to vector<128x1xi32>
      %eq3A_53 = vector.broadcast %scan3A_42 : i32 to vector<128x64xi32>
      %eq3A_54 = arith.cmpi eq, %iota3A_28, %eq3A_53 : vector<128x64xi32>
      %broadcast_in_dim3A_55 = vector.shape_cast %broadcast_in_dim3A_52 : vector<128x1xi32> to vector<128x1xi32>
      %broadcast_in_dim3A_56 = vector.broadcast %broadcast_in_dim3A_55 : vector<128x1xi32> to vector<128x64xi32>
      %select_n3A_57 = arith.select %eq3A_54, %broadcast_in_dim3A_56, %scan3A_44 : vector<128x64xi1>, vector<128x64xi32>
      %eq3A_58 = vector.broadcast %scan3A_42 : i32 to vector<128x64xi32>
      %eq3A_59 = arith.cmpi eq, %iota3A_28, %eq3A_58 : vector<128x64xi32>
      %broadcast_in_dim3A_60 = vector.shape_cast %broadcast_in_dim3A_47 : vector<128x1xf32> to vector<128x1xf32>
      %broadcast_in_dim3A_61 = vector.broadcast %broadcast_in_dim3A_60 : vector<128x1xf32> to vector<128x64xf32>
      %select_n3A_62 = arith.select %eq3A_59, %broadcast_in_dim3A_61, %scan3A_45 : vector<128x64xi1>, vector<128x64xf32>
      %eq3A_63 = vector.broadcast %broadcast_in_dim3A_52 : vector<128x1xi32> to vector<128x2048xi32>
      %eq3A_64 = arith.cmpi eq, %iota3A, %eq3A_63 : vector<128x2048xi32>
      %jit3A_65 = arith.constant 0x7F800000 : f32
      %broadcast_in_dim3A_66 = vector.broadcast %jit3A_65 : f32 to vector<128x2048xf32>
      %select_n3A_67 = arith.select %eq3A_64, %broadcast_in_dim3A_66, %scan3A_43 : vector<128x2048xi1>, vector<128x2048xf32>
      scf.yield %select_n3A_67, %select_n3A_57, %select_n3A_62 : vector<128x2048xf32>, vector<128x64xi32>, vector<128x64xf32>
    }
    %scan3A_36 = arith.constant 64 : i32
    %swap3A = arith.constant 0 : index
    %swap3A_37 = arith.constant 0 : index
    %swap3A_38 = vector.load %arg7[%swap3A, %swap3A_37] : memref<128x64xi32, #tpu.memory_space<vmem>>, vector<128x64xi32>
    tpu.vector_store %arg7[%swap3A, %swap3A_37], %scan3A_35#1 {strides = array<i32>} : memref<128x64xi32, #tpu.memory_space<vmem>>, vector<128x64xi32>,
    %swap3A_39 = arith.constant 0 : index
    %swap3A_40 = arith.constant 0 : index
    %swap3A_41 = vector.load %arg8[%swap3A_39, %swap3A_40] : memref<128x64xf32, #tpu.memory_space<vmem>>, vector<128x64xf32>
    tpu.vector_store %arg8[%swap3A_39, %swap3A_40], %scan3A_35#2 {strides = array<i32>} : memref<128x64xf32, #tpu.memory_space<vmem>>, vector<128x64xf32>,
    return
  }
  func.func @transform_0(%arg0: i32) -> (i32, i32) {
    %c0_i32 = arith.constant 0 : i32
    %c0_i32_0 = arith.constant 0 : i32
    return %arg0, %c0_i32 : i32, i32
  }
  func.func @transform_1(%arg0: i32) -> (i32, i32) {
    %c0_i32 = arith.constant 0 : i32
    %c0_i32_0 = arith.constant 0 : i32
    return %arg0, %c0_i32 : i32, i32
  }
  func.func @transform_2(%arg0: i32) -> (i32, i32) {
    %c0_i32 = arith.constant 0 : i32
    %c0_i32_0 = arith.constant 0 : i32
    return %arg0, %c0_i32 : i32, i32
  }
  func.func @transform_3(%arg0: i32) -> (i32, i32) {
    %c0_i32 = arith.constant 0 : i32
    %c0_i32_0 = arith.constant 0 : i32
    %c0_i32_1 = arith.constant 0 : i32
    return %c0_i32, %c0_i32_0 : i32, i32
  }
  func.func @transform_4(%arg0: i32) -> (i32, i32) {
    %c0_i32 = arith.constant 0 : i32
    %c0_i32_0 = arith.constant 0 : i32
    %c0_i32_1 = arith.constant 0 : i32
    return %c0_i32, %c0_i32_0 : i32, i32
  }
  func.func @transform_5(%arg0: i32) -> (i32, i32) {
    %c0_i32 = arith.constant 0 : i32
    %c0_i32_0 = arith.constant 0 : i32
    %c0_i32_1 = arith.constant 0 : i32
    return %c0_i32, %c0_i32_0 : i32, i32
  }
  func.func @transform_6(%arg0: i32) -> (i32, i32) {
    %c0_i32 = arith.constant 0 : i32
    %c0_i32_0 = arith.constant 0 : i32
    return %arg0, %c0_i32 : i32, i32
  }
  func.func @transform_7(%arg0: i32) -> (i32, i32) {
    %c0_i32 = arith.constant 0 : i32
    %c0_i32_0 = arith.constant 0 : i32
    return %arg0, %c0_i32 : i32, i32
  }
}

module attributes {stable_mosaic.version = 14 : i64} {
  func.func @_sa_mlp_body(%arg0: i32, %arg1: memref<128x64x128xf32, #tpu.memory_space<vmem>>, %arg2: memref<128x1x128xf32, #tpu.memory_space<vmem>>, %arg3: memref<128x64xf32, #tpu.memory_space<vmem>>, %arg4: memref<128x64xf32, #tpu.memory_space<vmem>>, %arg5: memref<1x64xf32, #tpu.memory_space<vmem>>, %arg6: memref<64x128xf32, #tpu.memory_space<vmem>>, %arg7: memref<1x128xf32, #tpu.memory_space<vmem>>, %arg8: memref<128x128xf32, #tpu.memory_space<vmem>>) attributes {dimension_semantics = [#tpu.dimension_semantics<arbitrary>], iteration_bounds = array<i64: 16>, scalar_prefetch = 0 : i64, scratch_operands = 0 : i64, tpu.core_type = #tpu.core_type<tc>, window_params = [{transform_indices = @transform_0, window_bounds = array<i64: 128, 64, 128>}, {transform_indices = @transform_1, window_bounds = array<i64: 128, 1, 128>}, {transform_indices = @transform_2, window_bounds = array<i64: 128, 64>}, {pipeline_mode = #tpu.pipeline_mode<synchronous>, transform_indices = @transform_3, window_bounds = array<i64: 128, 64>}, {pipeline_mode = #tpu.pipeline_mode<synchronous>, transform_indices = @transform_4, window_bounds = array<i64: 1, 64>}, {pipeline_mode = #tpu.pipeline_mode<synchronous>, transform_indices = @transform_5, window_bounds = array<i64: 64, 128>}, {pipeline_mode = #tpu.pipeline_mode<synchronous>, transform_indices = @transform_6, window_bounds = array<i64: 1, 128>}, {transform_indices = @transform_7, window_bounds = array<i64: 128, 128>}]} {
    %get3A = arith.constant 0 : index
    %get3A_0 = arith.constant 0 : index
    %get3A_1 = arith.constant 0 : index
    %get3A_2 = vector.load %arg1[%get3A, %get3A_0, %get3A_1] : memref<128x64x128xf32, #tpu.memory_space<vmem>>, vector<128x64x128xf32>
    %get3A_3 = arith.constant 0 : index
    %get3A_4 = arith.constant 0 : index
    %get3A_5 = arith.constant 0 : index
    %get3A_6 = vector.load %arg2[%get3A_3, %get3A_4, %get3A_5] : memref<128x1x128xf32, #tpu.memory_space<vmem>>, vector<128x1x128xf32>
    %sub3A = vector.broadcast %get3A_6 : vector<128x1x128xf32> to vector<128x64x128xf32>
    %sub3A_7 = arith.subf %get3A_2, %sub3A : vector<128x64x128xf32>
    %max3A = arith.constant 0.000000e+00 : f32
    %max3A_8 = vector.broadcast %max3A : f32 to vector<128x64x128xf32>
    %max3A_9 = arith.maximumf %sub3A_7, %max3A_8 : vector<128x64x128xf32>
    %reshape3A = vector.shape_cast %max3A_9 : vector<128x64x128xf32> to vector<8192x128xf32>
    %get3A_10 = arith.constant 0 : index
    %get3A_11 = arith.constant 0 : index
    %get3A_12 = vector.load %arg4[%get3A_10, %get3A_11] : memref<128x64xf32, #tpu.memory_space<vmem>>, vector<128x64xf32>
    %dot_general3A = arith.constant dense<0.000000e+00> : vector<8192x64xf32>
    %dot_general3A_13 = tpu.matmul %reshape3A, %get3A_12, %dot_general3A {dimension_numbers = #tpu.dot_dimension_numbers<[1], [0], [0], [1], [0, 0, 1, 1], [], []>, transpose_lhs_hint = false} : vector<8192x128xf32>, vector<128x64xf32>, vector<8192x64xf32> -> vector<8192x64xf32>
    %get3A_14 = arith.constant 0 : index
    %get3A_15 = arith.constant 0 : index
    %get3A_16 = vector.load %arg5[%get3A_14, %get3A_15] : memref<1x64xf32, #tpu.memory_space<vmem>>, vector<1x64xf32>
    %add3A = vector.broadcast %get3A_16 : vector<1x64xf32> to vector<8192x64xf32>
    %add3A_17 = arith.addf %dot_general3A_13, %add3A : vector<8192x64xf32>
    %max3A_18 = arith.constant 0.000000e+00 : f32
    %max3A_19 = vector.broadcast %max3A_18 : f32 to vector<8192x64xf32>
    %max3A_20 = arith.maximumf %add3A_17, %max3A_19 : vector<8192x64xf32>
    %get3A_21 = arith.constant 0 : index
    %get3A_22 = arith.constant 0 : index
    %get3A_23 = vector.load %arg6[%get3A_21, %get3A_22] : memref<64x128xf32, #tpu.memory_space<vmem>>, vector<64x128xf32>
    %dot_general3A_24 = arith.constant dense<0.000000e+00> : vector<8192x128xf32>
    %dot_general3A_25 = tpu.matmul %max3A_20, %get3A_23, %dot_general3A_24 {dimension_numbers = #tpu.dot_dimension_numbers<[1], [0], [0], [1], [0, 0, 1, 1], [], []>, transpose_lhs_hint = false} : vector<8192x64xf32>, vector<64x128xf32>, vector<8192x128xf32> -> vector<8192x128xf32>
    %get3A_26 = arith.constant 0 : index
    %get3A_27 = arith.constant 0 : index
    %get3A_28 = vector.load %arg7[%get3A_26, %get3A_27] : memref<1x128xf32, #tpu.memory_space<vmem>>, vector<1x128xf32>
    %add3A_29 = vector.broadcast %get3A_28 : vector<1x128xf32> to vector<8192x128xf32>
    %add3A_30 = arith.addf %dot_general3A_25, %add3A_29 : vector<8192x128xf32>
    %max3A_31 = arith.constant 0.000000e+00 : f32
    %max3A_32 = vector.broadcast %max3A_31 : f32 to vector<8192x128xf32>
    %max3A_33 = arith.maximumf %add3A_30, %max3A_32 : vector<8192x128xf32>
    %reshape3A_34 = vector.shape_cast %max3A_33 : vector<8192x128xf32> to vector<128x64x128xf32>
    %get3A_35 = arith.constant 0 : index
    %get3A_36 = arith.constant 0 : index
    %get3A_37 = vector.load %arg3[%get3A_35, %get3A_36] : memref<128x64xf32, #tpu.memory_space<vmem>>, vector<128x64xf32>
    %broadcast_in_dim3A = arith.constant 0xFF800000 : f32
    %broadcast_in_dim3A_38 = vector.broadcast %broadcast_in_dim3A : f32 to vector<128x128xf32>
    %slice3A = vector.extract_strided_slice %get3A_37 {offsets = [0, 0], sizes = [128, 1], strides = [1, 1]} : vector<128x64xf32> to vector<128x1xf32>
    %le3A = arith.constant 0.00999999977 : f32
    %le3A_39 = vector.broadcast %le3A : f32 to vector<128x1xf32>
    %le3A_40 = arith.cmpf ole, %slice3A, %le3A_39 : vector<128x1xf32>
    %slice3A_41 = vector.extract_strided_slice %reshape3A_34 {offsets = [0, 0, 0], sizes = [128, 1, 128], strides = [1, 1, 1]} : vector<128x64x128xf32> to vector<128x1x128xf32>
    %squeeze3A = vector.shape_cast %slice3A_41 : vector<128x1x128xf32> to vector<128x128xf32>
    %jit3A = arith.constant 0xFF800000 : f32
    %broadcast_in_dim3A_42 = vector.shape_cast %le3A_40 : vector<128x1xi1> to vector<128x1xi1>
    %broadcast_in_dim3A_43 = vector.broadcast %broadcast_in_dim3A_42 : vector<128x1xi1> to vector<128x128xi1>
    %broadcast_in_dim3A_44 = vector.broadcast %jit3A : f32 to vector<128x128xf32>
    %select_n3A = arith.select %broadcast_in_dim3A_43, %squeeze3A, %broadcast_in_dim3A_44 : vector<128x128xi1>, vector<128x128xf32>
    %max3A_45 = arith.maximumf %broadcast_in_dim3A_38, %select_n3A : vector<128x128xf32>
    %slice3A_46 = vector.extract_strided_slice %get3A_37 {offsets = [0, 1], sizes = [128, 1], strides = [1, 1]} : vector<128x64xf32> to vector<128x1xf32>
    %le3A_47 = arith.constant 0.00999999977 : f32
    %le3A_48 = vector.broadcast %le3A_47 : f32 to vector<128x1xf32>
    %le3A_49 = arith.cmpf ole, %slice3A_46, %le3A_48 : vector<128x1xf32>
    %slice3A_50 = vector.extract_strided_slice %reshape3A_34 {offsets = [0, 1, 0], sizes = [128, 1, 128], strides = [1, 1, 1]} : vector<128x64x128xf32> to vector<128x1x128xf32>
    %squeeze3A_51 = vector.shape_cast %slice3A_50 : vector<128x1x128xf32> to vector<128x128xf32>
    %jit3A_52 = arith.constant 0xFF800000 : f32
    %broadcast_in_dim3A_53 = vector.shape_cast %le3A_49 : vector<128x1xi1> to vector<128x1xi1>
    %broadcast_in_dim3A_54 = vector.broadcast %broadcast_in_dim3A_53 : vector<128x1xi1> to vector<128x128xi1>
    %broadcast_in_dim3A_55 = vector.broadcast %jit3A_52 : f32 to vector<128x128xf32>
    %select_n3A_56 = arith.select %broadcast_in_dim3A_54, %squeeze3A_51, %broadcast_in_dim3A_55 : vector<128x128xi1>, vector<128x128xf32>
    %max3A_57 = arith.maximumf %max3A_45, %select_n3A_56 : vector<128x128xf32>
    %slice3A_58 = vector.extract_strided_slice %get3A_37 {offsets = [0, 2], sizes = [128, 1], strides = [1, 1]} : vector<128x64xf32> to vector<128x1xf32>
    %le3A_59 = arith.constant 0.00999999977 : f32
    %le3A_60 = vector.broadcast %le3A_59 : f32 to vector<128x1xf32>
    %le3A_61 = arith.cmpf ole, %slice3A_58, %le3A_60 : vector<128x1xf32>
    %slice3A_62 = vector.extract_strided_slice %reshape3A_34 {offsets = [0, 2, 0], sizes = [128, 1, 128], strides = [1, 1, 1]} : vector<128x64x128xf32> to vector<128x1x128xf32>
    %squeeze3A_63 = vector.shape_cast %slice3A_62 : vector<128x1x128xf32> to vector<128x128xf32>
    %jit3A_64 = arith.constant 0xFF800000 : f32
    %broadcast_in_dim3A_65 = vector.shape_cast %le3A_61 : vector<128x1xi1> to vector<128x1xi1>
    %broadcast_in_dim3A_66 = vector.broadcast %broadcast_in_dim3A_65 : vector<128x1xi1> to vector<128x128xi1>
    %broadcast_in_dim3A_67 = vector.broadcast %jit3A_64 : f32 to vector<128x128xf32>
    %select_n3A_68 = arith.select %broadcast_in_dim3A_66, %squeeze3A_63, %broadcast_in_dim3A_67 : vector<128x128xi1>, vector<128x128xf32>
    %max3A_69 = arith.maximumf %max3A_57, %select_n3A_68 : vector<128x128xf32>
    %slice3A_70 = vector.extract_strided_slice %get3A_37 {offsets = [0, 3], sizes = [128, 1], strides = [1, 1]} : vector<128x64xf32> to vector<128x1xf32>
    %le3A_71 = arith.constant 0.00999999977 : f32
    %le3A_72 = vector.broadcast %le3A_71 : f32 to vector<128x1xf32>
    %le3A_73 = arith.cmpf ole, %slice3A_70, %le3A_72 : vector<128x1xf32>
    %slice3A_74 = vector.extract_strided_slice %reshape3A_34 {offsets = [0, 3, 0], sizes = [128, 1, 128], strides = [1, 1, 1]} : vector<128x64x128xf32> to vector<128x1x128xf32>
    %squeeze3A_75 = vector.shape_cast %slice3A_74 : vector<128x1x128xf32> to vector<128x128xf32>
    %jit3A_76 = arith.constant 0xFF800000 : f32
    %broadcast_in_dim3A_77 = vector.shape_cast %le3A_73 : vector<128x1xi1> to vector<128x1xi1>
    %broadcast_in_dim3A_78 = vector.broadcast %broadcast_in_dim3A_77 : vector<128x1xi1> to vector<128x128xi1>
    %broadcast_in_dim3A_79 = vector.broadcast %jit3A_76 : f32 to vector<128x128xf32>
    %select_n3A_80 = arith.select %broadcast_in_dim3A_78, %squeeze3A_75, %broadcast_in_dim3A_79 : vector<128x128xi1>, vector<128x128xf32>
    %max3A_81 = arith.maximumf %max3A_69, %select_n3A_80 : vector<128x128xf32>
    %slice3A_82 = vector.extract_strided_slice %get3A_37 {offsets = [0, 4], sizes = [128, 1], strides = [1, 1]} : vector<128x64xf32> to vector<128x1xf32>
    %le3A_83 = arith.constant 0.00999999977 : f32
    %le3A_84 = vector.broadcast %le3A_83 : f32 to vector<128x1xf32>
    %le3A_85 = arith.cmpf ole, %slice3A_82, %le3A_84 : vector<128x1xf32>
    %slice3A_86 = vector.extract_strided_slice %reshape3A_34 {offsets = [0, 4, 0], sizes = [128, 1, 128], strides = [1, 1, 1]} : vector<128x64x128xf32> to vector<128x1x128xf32>
    %squeeze3A_87 = vector.shape_cast %slice3A_86 : vector<128x1x128xf32> to vector<128x128xf32>
    %jit3A_88 = arith.constant 0xFF800000 : f32
    %broadcast_in_dim3A_89 = vector.shape_cast %le3A_85 : vector<128x1xi1> to vector<128x1xi1>
    %broadcast_in_dim3A_90 = vector.broadcast %broadcast_in_dim3A_89 : vector<128x1xi1> to vector<128x128xi1>
    %broadcast_in_dim3A_91 = vector.broadcast %jit3A_88 : f32 to vector<128x128xf32>
    %select_n3A_92 = arith.select %broadcast_in_dim3A_90, %squeeze3A_87, %broadcast_in_dim3A_91 : vector<128x128xi1>, vector<128x128xf32>
    %max3A_93 = arith.maximumf %max3A_81, %select_n3A_92 : vector<128x128xf32>
    %slice3A_94 = vector.extract_strided_slice %get3A_37 {offsets = [0, 5], sizes = [128, 1], strides = [1, 1]} : vector<128x64xf32> to vector<128x1xf32>
    %le3A_95 = arith.constant 0.00999999977 : f32
    %le3A_96 = vector.broadcast %le3A_95 : f32 to vector<128x1xf32>
    %le3A_97 = arith.cmpf ole, %slice3A_94, %le3A_96 : vector<128x1xf32>
    %slice3A_98 = vector.extract_strided_slice %reshape3A_34 {offsets = [0, 5, 0], sizes = [128, 1, 128], strides = [1, 1, 1]} : vector<128x64x128xf32> to vector<128x1x128xf32>
    %squeeze3A_99 = vector.shape_cast %slice3A_98 : vector<128x1x128xf32> to vector<128x128xf32>
    %jit3A_100 = arith.constant 0xFF800000 : f32
    %broadcast_in_dim3A_101 = vector.shape_cast %le3A_97 : vector<128x1xi1> to vector<128x1xi1>
    %broadcast_in_dim3A_102 = vector.broadcast %broadcast_in_dim3A_101 : vector<128x1xi1> to vector<128x128xi1>
    %broadcast_in_dim3A_103 = vector.broadcast %jit3A_100 : f32 to vector<128x128xf32>
    %select_n3A_104 = arith.select %broadcast_in_dim3A_102, %squeeze3A_99, %broadcast_in_dim3A_103 : vector<128x128xi1>, vector<128x128xf32>
    %max3A_105 = arith.maximumf %max3A_93, %select_n3A_104 : vector<128x128xf32>
    %slice3A_106 = vector.extract_strided_slice %get3A_37 {offsets = [0, 6], sizes = [128, 1], strides = [1, 1]} : vector<128x64xf32> to vector<128x1xf32>
    %le3A_107 = arith.constant 0.00999999977 : f32
    %le3A_108 = vector.broadcast %le3A_107 : f32 to vector<128x1xf32>
    %le3A_109 = arith.cmpf ole, %slice3A_106, %le3A_108 : vector<128x1xf32>
    %slice3A_110 = vector.extract_strided_slice %reshape3A_34 {offsets = [0, 6, 0], sizes = [128, 1, 128], strides = [1, 1, 1]} : vector<128x64x128xf32> to vector<128x1x128xf32>
    %squeeze3A_111 = vector.shape_cast %slice3A_110 : vector<128x1x128xf32> to vector<128x128xf32>
    %jit3A_112 = arith.constant 0xFF800000 : f32
    %broadcast_in_dim3A_113 = vector.shape_cast %le3A_109 : vector<128x1xi1> to vector<128x1xi1>
    %broadcast_in_dim3A_114 = vector.broadcast %broadcast_in_dim3A_113 : vector<128x1xi1> to vector<128x128xi1>
    %broadcast_in_dim3A_115 = vector.broadcast %jit3A_112 : f32 to vector<128x128xf32>
    %select_n3A_116 = arith.select %broadcast_in_dim3A_114, %squeeze3A_111, %broadcast_in_dim3A_115 : vector<128x128xi1>, vector<128x128xf32>
    %max3A_117 = arith.maximumf %max3A_105, %select_n3A_116 : vector<128x128xf32>
    %slice3A_118 = vector.extract_strided_slice %get3A_37 {offsets = [0, 7], sizes = [128, 1], strides = [1, 1]} : vector<128x64xf32> to vector<128x1xf32>
    %le3A_119 = arith.constant 0.00999999977 : f32
    %le3A_120 = vector.broadcast %le3A_119 : f32 to vector<128x1xf32>
    %le3A_121 = arith.cmpf ole, %slice3A_118, %le3A_120 : vector<128x1xf32>
    %slice3A_122 = vector.extract_strided_slice %reshape3A_34 {offsets = [0, 7, 0], sizes = [128, 1, 128], strides = [1, 1, 1]} : vector<128x64x128xf32> to vector<128x1x128xf32>
    %squeeze3A_123 = vector.shape_cast %slice3A_122 : vector<128x1x128xf32> to vector<128x128xf32>
    %jit3A_124 = arith.constant 0xFF800000 : f32
    %broadcast_in_dim3A_125 = vector.shape_cast %le3A_121 : vector<128x1xi1> to vector<128x1xi1>
    %broadcast_in_dim3A_126 = vector.broadcast %broadcast_in_dim3A_125 : vector<128x1xi1> to vector<128x128xi1>
    %broadcast_in_dim3A_127 = vector.broadcast %jit3A_124 : f32 to vector<128x128xf32>
    %select_n3A_128 = arith.select %broadcast_in_dim3A_126, %squeeze3A_123, %broadcast_in_dim3A_127 : vector<128x128xi1>, vector<128x128xf32>
    %max3A_129 = arith.maximumf %max3A_117, %select_n3A_128 : vector<128x128xf32>
    %slice3A_130 = vector.extract_strided_slice %get3A_37 {offsets = [0, 8], sizes = [128, 1], strides = [1, 1]} : vector<128x64xf32> to vector<128x1xf32>
    %le3A_131 = arith.constant 0.00999999977 : f32
    %le3A_132 = vector.broadcast %le3A_131 : f32 to vector<128x1xf32>
    %le3A_133 = arith.cmpf ole, %slice3A_130, %le3A_132 : vector<128x1xf32>
    %slice3A_134 = vector.extract_strided_slice %reshape3A_34 {offsets = [0, 8, 0], sizes = [128, 1, 128], strides = [1, 1, 1]} : vector<128x64x128xf32> to vector<128x1x128xf32>
    %squeeze3A_135 = vector.shape_cast %slice3A_134 : vector<128x1x128xf32> to vector<128x128xf32>
    %jit3A_136 = arith.constant 0xFF800000 : f32
    %broadcast_in_dim3A_137 = vector.shape_cast %le3A_133 : vector<128x1xi1> to vector<128x1xi1>
    %broadcast_in_dim3A_138 = vector.broadcast %broadcast_in_dim3A_137 : vector<128x1xi1> to vector<128x128xi1>
    %broadcast_in_dim3A_139 = vector.broadcast %jit3A_136 : f32 to vector<128x128xf32>
    %select_n3A_140 = arith.select %broadcast_in_dim3A_138, %squeeze3A_135, %broadcast_in_dim3A_139 : vector<128x128xi1>, vector<128x128xf32>
    %max3A_141 = arith.maximumf %max3A_129, %select_n3A_140 : vector<128x128xf32>
    %slice3A_142 = vector.extract_strided_slice %get3A_37 {offsets = [0, 9], sizes = [128, 1], strides = [1, 1]} : vector<128x64xf32> to vector<128x1xf32>
    %le3A_143 = arith.constant 0.00999999977 : f32
    %le3A_144 = vector.broadcast %le3A_143 : f32 to vector<128x1xf32>
    %le3A_145 = arith.cmpf ole, %slice3A_142, %le3A_144 : vector<128x1xf32>
    %slice3A_146 = vector.extract_strided_slice %reshape3A_34 {offsets = [0, 9, 0], sizes = [128, 1, 128], strides = [1, 1, 1]} : vector<128x64x128xf32> to vector<128x1x128xf32>
    %squeeze3A_147 = vector.shape_cast %slice3A_146 : vector<128x1x128xf32> to vector<128x128xf32>
    %jit3A_148 = arith.constant 0xFF800000 : f32
    %broadcast_in_dim3A_149 = vector.shape_cast %le3A_145 : vector<128x1xi1> to vector<128x1xi1>
    %broadcast_in_dim3A_150 = vector.broadcast %broadcast_in_dim3A_149 : vector<128x1xi1> to vector<128x128xi1>
    %broadcast_in_dim3A_151 = vector.broadcast %jit3A_148 : f32 to vector<128x128xf32>
    %select_n3A_152 = arith.select %broadcast_in_dim3A_150, %squeeze3A_147, %broadcast_in_dim3A_151 : vector<128x128xi1>, vector<128x128xf32>
    %max3A_153 = arith.maximumf %max3A_141, %select_n3A_152 : vector<128x128xf32>
    %slice3A_154 = vector.extract_strided_slice %get3A_37 {offsets = [0, 10], sizes = [128, 1], strides = [1, 1]} : vector<128x64xf32> to vector<128x1xf32>
    %le3A_155 = arith.constant 0.00999999977 : f32
    %le3A_156 = vector.broadcast %le3A_155 : f32 to vector<128x1xf32>
    %le3A_157 = arith.cmpf ole, %slice3A_154, %le3A_156 : vector<128x1xf32>
    %slice3A_158 = vector.extract_strided_slice %reshape3A_34 {offsets = [0, 10, 0], sizes = [128, 1, 128], strides = [1, 1, 1]} : vector<128x64x128xf32> to vector<128x1x128xf32>
    %squeeze3A_159 = vector.shape_cast %slice3A_158 : vector<128x1x128xf32> to vector<128x128xf32>
    %jit3A_160 = arith.constant 0xFF800000 : f32
    %broadcast_in_dim3A_161 = vector.shape_cast %le3A_157 : vector<128x1xi1> to vector<128x1xi1>
    %broadcast_in_dim3A_162 = vector.broadcast %broadcast_in_dim3A_161 : vector<128x1xi1> to vector<128x128xi1>
    %broadcast_in_dim3A_163 = vector.broadcast %jit3A_160 : f32 to vector<128x128xf32>
    %select_n3A_164 = arith.select %broadcast_in_dim3A_162, %squeeze3A_159, %broadcast_in_dim3A_163 : vector<128x128xi1>, vector<128x128xf32>
    %max3A_165 = arith.maximumf %max3A_153, %select_n3A_164 : vector<128x128xf32>
    %slice3A_166 = vector.extract_strided_slice %get3A_37 {offsets = [0, 11], sizes = [128, 1], strides = [1, 1]} : vector<128x64xf32> to vector<128x1xf32>
    %le3A_167 = arith.constant 0.00999999977 : f32
    %le3A_168 = vector.broadcast %le3A_167 : f32 to vector<128x1xf32>
    %le3A_169 = arith.cmpf ole, %slice3A_166, %le3A_168 : vector<128x1xf32>
    %slice3A_170 = vector.extract_strided_slice %reshape3A_34 {offsets = [0, 11, 0], sizes = [128, 1, 128], strides = [1, 1, 1]} : vector<128x64x128xf32> to vector<128x1x128xf32>
    %squeeze3A_171 = vector.shape_cast %slice3A_170 : vector<128x1x128xf32> to vector<128x128xf32>
    %jit3A_172 = arith.constant 0xFF800000 : f32
    %broadcast_in_dim3A_173 = vector.shape_cast %le3A_169 : vector<128x1xi1> to vector<128x1xi1>
    %broadcast_in_dim3A_174 = vector.broadcast %broadcast_in_dim3A_173 : vector<128x1xi1> to vector<128x128xi1>
    %broadcast_in_dim3A_175 = vector.broadcast %jit3A_172 : f32 to vector<128x128xf32>
    %select_n3A_176 = arith.select %broadcast_in_dim3A_174, %squeeze3A_171, %broadcast_in_dim3A_175 : vector<128x128xi1>, vector<128x128xf32>
    %max3A_177 = arith.maximumf %max3A_165, %select_n3A_176 : vector<128x128xf32>
    %slice3A_178 = vector.extract_strided_slice %get3A_37 {offsets = [0, 12], sizes = [128, 1], strides = [1, 1]} : vector<128x64xf32> to vector<128x1xf32>
    %le3A_179 = arith.constant 0.00999999977 : f32
    %le3A_180 = vector.broadcast %le3A_179 : f32 to vector<128x1xf32>
    %le3A_181 = arith.cmpf ole, %slice3A_178, %le3A_180 : vector<128x1xf32>
    %slice3A_182 = vector.extract_strided_slice %reshape3A_34 {offsets = [0, 12, 0], sizes = [128, 1, 128], strides = [1, 1, 1]} : vector<128x64x128xf32> to vector<128x1x128xf32>
    %squeeze3A_183 = vector.shape_cast %slice3A_182 : vector<128x1x128xf32> to vector<128x128xf32>
    %jit3A_184 = arith.constant 0xFF800000 : f32
    %broadcast_in_dim3A_185 = vector.shape_cast %le3A_181 : vector<128x1xi1> to vector<128x1xi1>
    %broadcast_in_dim3A_186 = vector.broadcast %broadcast_in_dim3A_185 : vector<128x1xi1> to vector<128x128xi1>
    %broadcast_in_dim3A_187 = vector.broadcast %jit3A_184 : f32 to vector<128x128xf32>
    %select_n3A_188 = arith.select %broadcast_in_dim3A_186, %squeeze3A_183, %broadcast_in_dim3A_187 : vector<128x128xi1>, vector<128x128xf32>
    %max3A_189 = arith.maximumf %max3A_177, %select_n3A_188 : vector<128x128xf32>
    %slice3A_190 = vector.extract_strided_slice %get3A_37 {offsets = [0, 13], sizes = [128, 1], strides = [1, 1]} : vector<128x64xf32> to vector<128x1xf32>
    %le3A_191 = arith.constant 0.00999999977 : f32
    %le3A_192 = vector.broadcast %le3A_191 : f32 to vector<128x1xf32>
    %le3A_193 = arith.cmpf ole, %slice3A_190, %le3A_192 : vector<128x1xf32>
    %slice3A_194 = vector.extract_strided_slice %reshape3A_34 {offsets = [0, 13, 0], sizes = [128, 1, 128], strides = [1, 1, 1]} : vector<128x64x128xf32> to vector<128x1x128xf32>
    %squeeze3A_195 = vector.shape_cast %slice3A_194 : vector<128x1x128xf32> to vector<128x128xf32>
    %jit3A_196 = arith.constant 0xFF800000 : f32
    %broadcast_in_dim3A_197 = vector.shape_cast %le3A_193 : vector<128x1xi1> to vector<128x1xi1>
    %broadcast_in_dim3A_198 = vector.broadcast %broadcast_in_dim3A_197 : vector<128x1xi1> to vector<128x128xi1>
    %broadcast_in_dim3A_199 = vector.broadcast %jit3A_196 : f32 to vector<128x128xf32>
    %select_n3A_200 = arith.select %broadcast_in_dim3A_198, %squeeze3A_195, %broadcast_in_dim3A_199 : vector<128x128xi1>, vector<128x128xf32>
    %max3A_201 = arith.maximumf %max3A_189, %select_n3A_200 : vector<128x128xf32>
    %slice3A_202 = vector.extract_strided_slice %get3A_37 {offsets = [0, 14], sizes = [128, 1], strides = [1, 1]} : vector<128x64xf32> to vector<128x1xf32>
    %le3A_203 = arith.constant 0.00999999977 : f32
    %le3A_204 = vector.broadcast %le3A_203 : f32 to vector<128x1xf32>
    %le3A_205 = arith.cmpf ole, %slice3A_202, %le3A_204 : vector<128x1xf32>
    %slice3A_206 = vector.extract_strided_slice %reshape3A_34 {offsets = [0, 14, 0], sizes = [128, 1, 128], strides = [1, 1, 1]} : vector<128x64x128xf32> to vector<128x1x128xf32>
    %squeeze3A_207 = vector.shape_cast %slice3A_206 : vector<128x1x128xf32> to vector<128x128xf32>
    %jit3A_208 = arith.constant 0xFF800000 : f32
    %broadcast_in_dim3A_209 = vector.shape_cast %le3A_205 : vector<128x1xi1> to vector<128x1xi1>
    %broadcast_in_dim3A_210 = vector.broadcast %broadcast_in_dim3A_209 : vector<128x1xi1> to vector<128x128xi1>
    %broadcast_in_dim3A_211 = vector.broadcast %jit3A_208 : f32 to vector<128x128xf32>
    %select_n3A_212 = arith.select %broadcast_in_dim3A_210, %squeeze3A_207, %broadcast_in_dim3A_211 : vector<128x128xi1>, vector<128x128xf32>
    %max3A_213 = arith.maximumf %max3A_201, %select_n3A_212 : vector<128x128xf32>
    %slice3A_214 = vector.extract_strided_slice %get3A_37 {offsets = [0, 15], sizes = [128, 1], strides = [1, 1]} : vector<128x64xf32> to vector<128x1xf32>
    %le3A_215 = arith.constant 0.00999999977 : f32
    %le3A_216 = vector.broadcast %le3A_215 : f32 to vector<128x1xf32>
    %le3A_217 = arith.cmpf ole, %slice3A_214, %le3A_216 : vector<128x1xf32>
    %slice3A_218 = vector.extract_strided_slice %reshape3A_34 {offsets = [0, 15, 0], sizes = [128, 1, 128], strides = [1, 1, 1]} : vector<128x64x128xf32> to vector<128x1x128xf32>
    %squeeze3A_219 = vector.shape_cast %slice3A_218 : vector<128x1x128xf32> to vector<128x128xf32>
    %jit3A_220 = arith.constant 0xFF800000 : f32
    %broadcast_in_dim3A_221 = vector.shape_cast %le3A_217 : vector<128x1xi1> to vector<128x1xi1>
    %broadcast_in_dim3A_222 = vector.broadcast %broadcast_in_dim3A_221 : vector<128x1xi1> to vector<128x128xi1>
    %broadcast_in_dim3A_223 = vector.broadcast %jit3A_220 : f32 to vector<128x128xf32>
    %select_n3A_224 = arith.select %broadcast_in_dim3A_222, %squeeze3A_219, %broadcast_in_dim3A_223 : vector<128x128xi1>, vector<128x128xf32>
    %max3A_225 = arith.maximumf %max3A_213, %select_n3A_224 : vector<128x128xf32>
    %slice3A_226 = vector.extract_strided_slice %get3A_37 {offsets = [0, 16], sizes = [128, 1], strides = [1, 1]} : vector<128x64xf32> to vector<128x1xf32>
    %le3A_227 = arith.constant 0.00999999977 : f32
    %le3A_228 = vector.broadcast %le3A_227 : f32 to vector<128x1xf32>
    %le3A_229 = arith.cmpf ole, %slice3A_226, %le3A_228 : vector<128x1xf32>
    %slice3A_230 = vector.extract_strided_slice %reshape3A_34 {offsets = [0, 16, 0], sizes = [128, 1, 128], strides = [1, 1, 1]} : vector<128x64x128xf32> to vector<128x1x128xf32>
    %squeeze3A_231 = vector.shape_cast %slice3A_230 : vector<128x1x128xf32> to vector<128x128xf32>
    %jit3A_232 = arith.constant 0xFF800000 : f32
    %broadcast_in_dim3A_233 = vector.shape_cast %le3A_229 : vector<128x1xi1> to vector<128x1xi1>
    %broadcast_in_dim3A_234 = vector.broadcast %broadcast_in_dim3A_233 : vector<128x1xi1> to vector<128x128xi1>
    %broadcast_in_dim3A_235 = vector.broadcast %jit3A_232 : f32 to vector<128x128xf32>
    %select_n3A_236 = arith.select %broadcast_in_dim3A_234, %squeeze3A_231, %broadcast_in_dim3A_235 : vector<128x128xi1>, vector<128x128xf32>
    %max3A_237 = arith.maximumf %max3A_225, %select_n3A_236 : vector<128x128xf32>
    %slice3A_238 = vector.extract_strided_slice %get3A_37 {offsets = [0, 17], sizes = [128, 1], strides = [1, 1]} : vector<128x64xf32> to vector<128x1xf32>
    %le3A_239 = arith.constant 0.00999999977 : f32
    %le3A_240 = vector.broadcast %le3A_239 : f32 to vector<128x1xf32>
    %le3A_241 = arith.cmpf ole, %slice3A_238, %le3A_240 : vector<128x1xf32>
    %slice3A_242 = vector.extract_strided_slice %reshape3A_34 {offsets = [0, 17, 0], sizes = [128, 1, 128], strides = [1, 1, 1]} : vector<128x64x128xf32> to vector<128x1x128xf32>
    %squeeze3A_243 = vector.shape_cast %slice3A_242 : vector<128x1x128xf32> to vector<128x128xf32>
    %jit3A_244 = arith.constant 0xFF800000 : f32
    %broadcast_in_dim3A_245 = vector.shape_cast %le3A_241 : vector<128x1xi1> to vector<128x1xi1>
    %broadcast_in_dim3A_246 = vector.broadcast %broadcast_in_dim3A_245 : vector<128x1xi1> to vector<128x128xi1>
    %broadcast_in_dim3A_247 = vector.broadcast %jit3A_244 : f32 to vector<128x128xf32>
    %select_n3A_248 = arith.select %broadcast_in_dim3A_246, %squeeze3A_243, %broadcast_in_dim3A_247 : vector<128x128xi1>, vector<128x128xf32>
    %max3A_249 = arith.maximumf %max3A_237, %select_n3A_248 : vector<128x128xf32>
    %slice3A_250 = vector.extract_strided_slice %get3A_37 {offsets = [0, 18], sizes = [128, 1], strides = [1, 1]} : vector<128x64xf32> to vector<128x1xf32>
    %le3A_251 = arith.constant 0.00999999977 : f32
    %le3A_252 = vector.broadcast %le3A_251 : f32 to vector<128x1xf32>
    %le3A_253 = arith.cmpf ole, %slice3A_250, %le3A_252 : vector<128x1xf32>
    %slice3A_254 = vector.extract_strided_slice %reshape3A_34 {offsets = [0, 18, 0], sizes = [128, 1, 128], strides = [1, 1, 1]} : vector<128x64x128xf32> to vector<128x1x128xf32>
    %squeeze3A_255 = vector.shape_cast %slice3A_254 : vector<128x1x128xf32> to vector<128x128xf32>
    %jit3A_256 = arith.constant 0xFF800000 : f32
    %broadcast_in_dim3A_257 = vector.shape_cast %le3A_253 : vector<128x1xi1> to vector<128x1xi1>
    %broadcast_in_dim3A_258 = vector.broadcast %broadcast_in_dim3A_257 : vector<128x1xi1> to vector<128x128xi1>
    %broadcast_in_dim3A_259 = vector.broadcast %jit3A_256 : f32 to vector<128x128xf32>
    %select_n3A_260 = arith.select %broadcast_in_dim3A_258, %squeeze3A_255, %broadcast_in_dim3A_259 : vector<128x128xi1>, vector<128x128xf32>
    %max3A_261 = arith.maximumf %max3A_249, %select_n3A_260 : vector<128x128xf32>
    %slice3A_262 = vector.extract_strided_slice %get3A_37 {offsets = [0, 19], sizes = [128, 1], strides = [1, 1]} : vector<128x64xf32> to vector<128x1xf32>
    %le3A_263 = arith.constant 0.00999999977 : f32
    %le3A_264 = vector.broadcast %le3A_263 : f32 to vector<128x1xf32>
    %le3A_265 = arith.cmpf ole, %slice3A_262, %le3A_264 : vector<128x1xf32>
    %slice3A_266 = vector.extract_strided_slice %reshape3A_34 {offsets = [0, 19, 0], sizes = [128, 1, 128], strides = [1, 1, 1]} : vector<128x64x128xf32> to vector<128x1x128xf32>
    %squeeze3A_267 = vector.shape_cast %slice3A_266 : vector<128x1x128xf32> to vector<128x128xf32>
    %jit3A_268 = arith.constant 0xFF800000 : f32
    %broadcast_in_dim3A_269 = vector.shape_cast %le3A_265 : vector<128x1xi1> to vector<128x1xi1>
    %broadcast_in_dim3A_270 = vector.broadcast %broadcast_in_dim3A_269 : vector<128x1xi1> to vector<128x128xi1>
    %broadcast_in_dim3A_271 = vector.broadcast %jit3A_268 : f32 to vector<128x128xf32>
    %select_n3A_272 = arith.select %broadcast_in_dim3A_270, %squeeze3A_267, %broadcast_in_dim3A_271 : vector<128x128xi1>, vector<128x128xf32>
    %max3A_273 = arith.maximumf %max3A_261, %select_n3A_272 : vector<128x128xf32>
    %slice3A_274 = vector.extract_strided_slice %get3A_37 {offsets = [0, 20], sizes = [128, 1], strides = [1, 1]} : vector<128x64xf32> to vector<128x1xf32>
    %le3A_275 = arith.constant 0.00999999977 : f32
    %le3A_276 = vector.broadcast %le3A_275 : f32 to vector<128x1xf32>
    %le3A_277 = arith.cmpf ole, %slice3A_274, %le3A_276 : vector<128x1xf32>
    %slice3A_278 = vector.extract_strided_slice %reshape3A_34 {offsets = [0, 20, 0], sizes = [128, 1, 128], strides = [1, 1, 1]} : vector<128x64x128xf32> to vector<128x1x128xf32>
    %squeeze3A_279 = vector.shape_cast %slice3A_278 : vector<128x1x128xf32> to vector<128x128xf32>
    %jit3A_280 = arith.constant 0xFF800000 : f32
    %broadcast_in_dim3A_281 = vector.shape_cast %le3A_277 : vector<128x1xi1> to vector<128x1xi1>
    %broadcast_in_dim3A_282 = vector.broadcast %broadcast_in_dim3A_281 : vector<128x1xi1> to vector<128x128xi1>
    %broadcast_in_dim3A_283 = vector.broadcast %jit3A_280 : f32 to vector<128x128xf32>
    %select_n3A_284 = arith.select %broadcast_in_dim3A_282, %squeeze3A_279, %broadcast_in_dim3A_283 : vector<128x128xi1>, vector<128x128xf32>
    %max3A_285 = arith.maximumf %max3A_273, %select_n3A_284 : vector<128x128xf32>
    %slice3A_286 = vector.extract_strided_slice %get3A_37 {offsets = [0, 21], sizes = [128, 1], strides = [1, 1]} : vector<128x64xf32> to vector<128x1xf32>
    %le3A_287 = arith.constant 0.00999999977 : f32
    %le3A_288 = vector.broadcast %le3A_287 : f32 to vector<128x1xf32>
    %le3A_289 = arith.cmpf ole, %slice3A_286, %le3A_288 : vector<128x1xf32>
    %slice3A_290 = vector.extract_strided_slice %reshape3A_34 {offsets = [0, 21, 0], sizes = [128, 1, 128], strides = [1, 1, 1]} : vector<128x64x128xf32> to vector<128x1x128xf32>
    %squeeze3A_291 = vector.shape_cast %slice3A_290 : vector<128x1x128xf32> to vector<128x128xf32>
    %jit3A_292 = arith.constant 0xFF800000 : f32
    %broadcast_in_dim3A_293 = vector.shape_cast %le3A_289 : vector<128x1xi1> to vector<128x1xi1>
    %broadcast_in_dim3A_294 = vector.broadcast %broadcast_in_dim3A_293 : vector<128x1xi1> to vector<128x128xi1>
    %broadcast_in_dim3A_295 = vector.broadcast %jit3A_292 : f32 to vector<128x128xf32>
    %select_n3A_296 = arith.select %broadcast_in_dim3A_294, %squeeze3A_291, %broadcast_in_dim3A_295 : vector<128x128xi1>, vector<128x128xf32>
    %max3A_297 = arith.maximumf %max3A_285, %select_n3A_296 : vector<128x128xf32>
    %slice3A_298 = vector.extract_strided_slice %get3A_37 {offsets = [0, 22], sizes = [128, 1], strides = [1, 1]} : vector<128x64xf32> to vector<128x1xf32>
    %le3A_299 = arith.constant 0.00999999977 : f32
    %le3A_300 = vector.broadcast %le3A_299 : f32 to vector<128x1xf32>
    %le3A_301 = arith.cmpf ole, %slice3A_298, %le3A_300 : vector<128x1xf32>
    %slice3A_302 = vector.extract_strided_slice %reshape3A_34 {offsets = [0, 22, 0], sizes = [128, 1, 128], strides = [1, 1, 1]} : vector<128x64x128xf32> to vector<128x1x128xf32>
    %squeeze3A_303 = vector.shape_cast %slice3A_302 : vector<128x1x128xf32> to vector<128x128xf32>
    %jit3A_304 = arith.constant 0xFF800000 : f32
    %broadcast_in_dim3A_305 = vector.shape_cast %le3A_301 : vector<128x1xi1> to vector<128x1xi1>
    %broadcast_in_dim3A_306 = vector.broadcast %broadcast_in_dim3A_305 : vector<128x1xi1> to vector<128x128xi1>
    %broadcast_in_dim3A_307 = vector.broadcast %jit3A_304 : f32 to vector<128x128xf32>
    %select_n3A_308 = arith.select %broadcast_in_dim3A_306, %squeeze3A_303, %broadcast_in_dim3A_307 : vector<128x128xi1>, vector<128x128xf32>
    %max3A_309 = arith.maximumf %max3A_297, %select_n3A_308 : vector<128x128xf32>
    %slice3A_310 = vector.extract_strided_slice %get3A_37 {offsets = [0, 23], sizes = [128, 1], strides = [1, 1]} : vector<128x64xf32> to vector<128x1xf32>
    %le3A_311 = arith.constant 0.00999999977 : f32
    %le3A_312 = vector.broadcast %le3A_311 : f32 to vector<128x1xf32>
    %le3A_313 = arith.cmpf ole, %slice3A_310, %le3A_312 : vector<128x1xf32>
    %slice3A_314 = vector.extract_strided_slice %reshape3A_34 {offsets = [0, 23, 0], sizes = [128, 1, 128], strides = [1, 1, 1]} : vector<128x64x128xf32> to vector<128x1x128xf32>
    %squeeze3A_315 = vector.shape_cast %slice3A_314 : vector<128x1x128xf32> to vector<128x128xf32>
    %jit3A_316 = arith.constant 0xFF800000 : f32
    %broadcast_in_dim3A_317 = vector.shape_cast %le3A_313 : vector<128x1xi1> to vector<128x1xi1>
    %broadcast_in_dim3A_318 = vector.broadcast %broadcast_in_dim3A_317 : vector<128x1xi1> to vector<128x128xi1>
    %broadcast_in_dim3A_319 = vector.broadcast %jit3A_316 : f32 to vector<128x128xf32>
    %select_n3A_320 = arith.select %broadcast_in_dim3A_318, %squeeze3A_315, %broadcast_in_dim3A_319 : vector<128x128xi1>, vector<128x128xf32>
    %max3A_321 = arith.maximumf %max3A_309, %select_n3A_320 : vector<128x128xf32>
    %slice3A_322 = vector.extract_strided_slice %get3A_37 {offsets = [0, 24], sizes = [128, 1], strides = [1, 1]} : vector<128x64xf32> to vector<128x1xf32>
    %le3A_323 = arith.constant 0.00999999977 : f32
    %le3A_324 = vector.broadcast %le3A_323 : f32 to vector<128x1xf32>
    %le3A_325 = arith.cmpf ole, %slice3A_322, %le3A_324 : vector<128x1xf32>
    %slice3A_326 = vector.extract_strided_slice %reshape3A_34 {offsets = [0, 24, 0], sizes = [128, 1, 128], strides = [1, 1, 1]} : vector<128x64x128xf32> to vector<128x1x128xf32>
    %squeeze3A_327 = vector.shape_cast %slice3A_326 : vector<128x1x128xf32> to vector<128x128xf32>
    %jit3A_328 = arith.constant 0xFF800000 : f32
    %broadcast_in_dim3A_329 = vector.shape_cast %le3A_325 : vector<128x1xi1> to vector<128x1xi1>
    %broadcast_in_dim3A_330 = vector.broadcast %broadcast_in_dim3A_329 : vector<128x1xi1> to vector<128x128xi1>
    %broadcast_in_dim3A_331 = vector.broadcast %jit3A_328 : f32 to vector<128x128xf32>
    %select_n3A_332 = arith.select %broadcast_in_dim3A_330, %squeeze3A_327, %broadcast_in_dim3A_331 : vector<128x128xi1>, vector<128x128xf32>
    %max3A_333 = arith.maximumf %max3A_321, %select_n3A_332 : vector<128x128xf32>
    %slice3A_334 = vector.extract_strided_slice %get3A_37 {offsets = [0, 25], sizes = [128, 1], strides = [1, 1]} : vector<128x64xf32> to vector<128x1xf32>
    %le3A_335 = arith.constant 0.00999999977 : f32
    %le3A_336 = vector.broadcast %le3A_335 : f32 to vector<128x1xf32>
    %le3A_337 = arith.cmpf ole, %slice3A_334, %le3A_336 : vector<128x1xf32>
    %slice3A_338 = vector.extract_strided_slice %reshape3A_34 {offsets = [0, 25, 0], sizes = [128, 1, 128], strides = [1, 1, 1]} : vector<128x64x128xf32> to vector<128x1x128xf32>
    %squeeze3A_339 = vector.shape_cast %slice3A_338 : vector<128x1x128xf32> to vector<128x128xf32>
    %jit3A_340 = arith.constant 0xFF800000 : f32
    %broadcast_in_dim3A_341 = vector.shape_cast %le3A_337 : vector<128x1xi1> to vector<128x1xi1>
    %broadcast_in_dim3A_342 = vector.broadcast %broadcast_in_dim3A_341 : vector<128x1xi1> to vector<128x128xi1>
    %broadcast_in_dim3A_343 = vector.broadcast %jit3A_340 : f32 to vector<128x128xf32>
    %select_n3A_344 = arith.select %broadcast_in_dim3A_342, %squeeze3A_339, %broadcast_in_dim3A_343 : vector<128x128xi1>, vector<128x128xf32>
    %max3A_345 = arith.maximumf %max3A_333, %select_n3A_344 : vector<128x128xf32>
    %slice3A_346 = vector.extract_strided_slice %get3A_37 {offsets = [0, 26], sizes = [128, 1], strides = [1, 1]} : vector<128x64xf32> to vector<128x1xf32>
    %le3A_347 = arith.constant 0.00999999977 : f32
    %le3A_348 = vector.broadcast %le3A_347 : f32 to vector<128x1xf32>
    %le3A_349 = arith.cmpf ole, %slice3A_346, %le3A_348 : vector<128x1xf32>
    %slice3A_350 = vector.extract_strided_slice %reshape3A_34 {offsets = [0, 26, 0], sizes = [128, 1, 128], strides = [1, 1, 1]} : vector<128x64x128xf32> to vector<128x1x128xf32>
    %squeeze3A_351 = vector.shape_cast %slice3A_350 : vector<128x1x128xf32> to vector<128x128xf32>
    %jit3A_352 = arith.constant 0xFF800000 : f32
    %broadcast_in_dim3A_353 = vector.shape_cast %le3A_349 : vector<128x1xi1> to vector<128x1xi1>
    %broadcast_in_dim3A_354 = vector.broadcast %broadcast_in_dim3A_353 : vector<128x1xi1> to vector<128x128xi1>
    %broadcast_in_dim3A_355 = vector.broadcast %jit3A_352 : f32 to vector<128x128xf32>
    %select_n3A_356 = arith.select %broadcast_in_dim3A_354, %squeeze3A_351, %broadcast_in_dim3A_355 : vector<128x128xi1>, vector<128x128xf32>
    %max3A_357 = arith.maximumf %max3A_345, %select_n3A_356 : vector<128x128xf32>
    %slice3A_358 = vector.extract_strided_slice %get3A_37 {offsets = [0, 27], sizes = [128, 1], strides = [1, 1]} : vector<128x64xf32> to vector<128x1xf32>
    %le3A_359 = arith.constant 0.00999999977 : f32
    %le3A_360 = vector.broadcast %le3A_359 : f32 to vector<128x1xf32>
    %le3A_361 = arith.cmpf ole, %slice3A_358, %le3A_360 : vector<128x1xf32>
    %slice3A_362 = vector.extract_strided_slice %reshape3A_34 {offsets = [0, 27, 0], sizes = [128, 1, 128], strides = [1, 1, 1]} : vector<128x64x128xf32> to vector<128x1x128xf32>
    %squeeze3A_363 = vector.shape_cast %slice3A_362 : vector<128x1x128xf32> to vector<128x128xf32>
    %jit3A_364 = arith.constant 0xFF800000 : f32
    %broadcast_in_dim3A_365 = vector.shape_cast %le3A_361 : vector<128x1xi1> to vector<128x1xi1>
    %broadcast_in_dim3A_366 = vector.broadcast %broadcast_in_dim3A_365 : vector<128x1xi1> to vector<128x128xi1>
    %broadcast_in_dim3A_367 = vector.broadcast %jit3A_364 : f32 to vector<128x128xf32>
    %select_n3A_368 = arith.select %broadcast_in_dim3A_366, %squeeze3A_363, %broadcast_in_dim3A_367 : vector<128x128xi1>, vector<128x128xf32>
    %max3A_369 = arith.maximumf %max3A_357, %select_n3A_368 : vector<128x128xf32>
    %slice3A_370 = vector.extract_strided_slice %get3A_37 {offsets = [0, 28], sizes = [128, 1], strides = [1, 1]} : vector<128x64xf32> to vector<128x1xf32>
    %le3A_371 = arith.constant 0.00999999977 : f32
    %le3A_372 = vector.broadcast %le3A_371 : f32 to vector<128x1xf32>
    %le3A_373 = arith.cmpf ole, %slice3A_370, %le3A_372 : vector<128x1xf32>
    %slice3A_374 = vector.extract_strided_slice %reshape3A_34 {offsets = [0, 28, 0], sizes = [128, 1, 128], strides = [1, 1, 1]} : vector<128x64x128xf32> to vector<128x1x128xf32>
    %squeeze3A_375 = vector.shape_cast %slice3A_374 : vector<128x1x128xf32> to vector<128x128xf32>
    %jit3A_376 = arith.constant 0xFF800000 : f32
    %broadcast_in_dim3A_377 = vector.shape_cast %le3A_373 : vector<128x1xi1> to vector<128x1xi1>
    %broadcast_in_dim3A_378 = vector.broadcast %broadcast_in_dim3A_377 : vector<128x1xi1> to vector<128x128xi1>
    %broadcast_in_dim3A_379 = vector.broadcast %jit3A_376 : f32 to vector<128x128xf32>
    %select_n3A_380 = arith.select %broadcast_in_dim3A_378, %squeeze3A_375, %broadcast_in_dim3A_379 : vector<128x128xi1>, vector<128x128xf32>
    %max3A_381 = arith.maximumf %max3A_369, %select_n3A_380 : vector<128x128xf32>
    %slice3A_382 = vector.extract_strided_slice %get3A_37 {offsets = [0, 29], sizes = [128, 1], strides = [1, 1]} : vector<128x64xf32> to vector<128x1xf32>
    %le3A_383 = arith.constant 0.00999999977 : f32
    %le3A_384 = vector.broadcast %le3A_383 : f32 to vector<128x1xf32>
    %le3A_385 = arith.cmpf ole, %slice3A_382, %le3A_384 : vector<128x1xf32>
    %slice3A_386 = vector.extract_strided_slice %reshape3A_34 {offsets = [0, 29, 0], sizes = [128, 1, 128], strides = [1, 1, 1]} : vector<128x64x128xf32> to vector<128x1x128xf32>
    %squeeze3A_387 = vector.shape_cast %slice3A_386 : vector<128x1x128xf32> to vector<128x128xf32>
    %jit3A_388 = arith.constant 0xFF800000 : f32
    %broadcast_in_dim3A_389 = vector.shape_cast %le3A_385 : vector<128x1xi1> to vector<128x1xi1>
    %broadcast_in_dim3A_390 = vector.broadcast %broadcast_in_dim3A_389 : vector<128x1xi1> to vector<128x128xi1>
    %broadcast_in_dim3A_391 = vector.broadcast %jit3A_388 : f32 to vector<128x128xf32>
    %select_n3A_392 = arith.select %broadcast_in_dim3A_390, %squeeze3A_387, %broadcast_in_dim3A_391 : vector<128x128xi1>, vector<128x128xf32>
    %max3A_393 = arith.maximumf %max3A_381, %select_n3A_392 : vector<128x128xf32>
    %slice3A_394 = vector.extract_strided_slice %get3A_37 {offsets = [0, 30], sizes = [128, 1], strides = [1, 1]} : vector<128x64xf32> to vector<128x1xf32>
    %le3A_395 = arith.constant 0.00999999977 : f32
    %le3A_396 = vector.broadcast %le3A_395 : f32 to vector<128x1xf32>
    %le3A_397 = arith.cmpf ole, %slice3A_394, %le3A_396 : vector<128x1xf32>
    %slice3A_398 = vector.extract_strided_slice %reshape3A_34 {offsets = [0, 30, 0], sizes = [128, 1, 128], strides = [1, 1, 1]} : vector<128x64x128xf32> to vector<128x1x128xf32>
    %squeeze3A_399 = vector.shape_cast %slice3A_398 : vector<128x1x128xf32> to vector<128x128xf32>
    %jit3A_400 = arith.constant 0xFF800000 : f32
    %broadcast_in_dim3A_401 = vector.shape_cast %le3A_397 : vector<128x1xi1> to vector<128x1xi1>
    %broadcast_in_dim3A_402 = vector.broadcast %broadcast_in_dim3A_401 : vector<128x1xi1> to vector<128x128xi1>
    %broadcast_in_dim3A_403 = vector.broadcast %jit3A_400 : f32 to vector<128x128xf32>
    %select_n3A_404 = arith.select %broadcast_in_dim3A_402, %squeeze3A_399, %broadcast_in_dim3A_403 : vector<128x128xi1>, vector<128x128xf32>
    %max3A_405 = arith.maximumf %max3A_393, %select_n3A_404 : vector<128x128xf32>
    %slice3A_406 = vector.extract_strided_slice %get3A_37 {offsets = [0, 31], sizes = [128, 1], strides = [1, 1]} : vector<128x64xf32> to vector<128x1xf32>
    %le3A_407 = arith.constant 0.00999999977 : f32
    %le3A_408 = vector.broadcast %le3A_407 : f32 to vector<128x1xf32>
    %le3A_409 = arith.cmpf ole, %slice3A_406, %le3A_408 : vector<128x1xf32>
    %slice3A_410 = vector.extract_strided_slice %reshape3A_34 {offsets = [0, 31, 0], sizes = [128, 1, 128], strides = [1, 1, 1]} : vector<128x64x128xf32> to vector<128x1x128xf32>
    %squeeze3A_411 = vector.shape_cast %slice3A_410 : vector<128x1x128xf32> to vector<128x128xf32>
    %jit3A_412 = arith.constant 0xFF800000 : f32
    %broadcast_in_dim3A_413 = vector.shape_cast %le3A_409 : vector<128x1xi1> to vector<128x1xi1>
    %broadcast_in_dim3A_414 = vector.broadcast %broadcast_in_dim3A_413 : vector<128x1xi1> to vector<128x128xi1>
    %broadcast_in_dim3A_415 = vector.broadcast %jit3A_412 : f32 to vector<128x128xf32>
    %select_n3A_416 = arith.select %broadcast_in_dim3A_414, %squeeze3A_411, %broadcast_in_dim3A_415 : vector<128x128xi1>, vector<128x128xf32>
    %max3A_417 = arith.maximumf %max3A_405, %select_n3A_416 : vector<128x128xf32>
    %slice3A_418 = vector.extract_strided_slice %get3A_37 {offsets = [0, 32], sizes = [128, 1], strides = [1, 1]} : vector<128x64xf32> to vector<128x1xf32>
    %le3A_419 = arith.constant 0.00999999977 : f32
    %le3A_420 = vector.broadcast %le3A_419 : f32 to vector<128x1xf32>
    %le3A_421 = arith.cmpf ole, %slice3A_418, %le3A_420 : vector<128x1xf32>
    %slice3A_422 = vector.extract_strided_slice %reshape3A_34 {offsets = [0, 32, 0], sizes = [128, 1, 128], strides = [1, 1, 1]} : vector<128x64x128xf32> to vector<128x1x128xf32>
    %squeeze3A_423 = vector.shape_cast %slice3A_422 : vector<128x1x128xf32> to vector<128x128xf32>
    %jit3A_424 = arith.constant 0xFF800000 : f32
    %broadcast_in_dim3A_425 = vector.shape_cast %le3A_421 : vector<128x1xi1> to vector<128x1xi1>
    %broadcast_in_dim3A_426 = vector.broadcast %broadcast_in_dim3A_425 : vector<128x1xi1> to vector<128x128xi1>
    %broadcast_in_dim3A_427 = vector.broadcast %jit3A_424 : f32 to vector<128x128xf32>
    %select_n3A_428 = arith.select %broadcast_in_dim3A_426, %squeeze3A_423, %broadcast_in_dim3A_427 : vector<128x128xi1>, vector<128x128xf32>
    %max3A_429 = arith.maximumf %max3A_417, %select_n3A_428 : vector<128x128xf32>
    %slice3A_430 = vector.extract_strided_slice %get3A_37 {offsets = [0, 33], sizes = [128, 1], strides = [1, 1]} : vector<128x64xf32> to vector<128x1xf32>
    %le3A_431 = arith.constant 0.00999999977 : f32
    %le3A_432 = vector.broadcast %le3A_431 : f32 to vector<128x1xf32>
    %le3A_433 = arith.cmpf ole, %slice3A_430, %le3A_432 : vector<128x1xf32>
    %slice3A_434 = vector.extract_strided_slice %reshape3A_34 {offsets = [0, 33, 0], sizes = [128, 1, 128], strides = [1, 1, 1]} : vector<128x64x128xf32> to vector<128x1x128xf32>
    %squeeze3A_435 = vector.shape_cast %slice3A_434 : vector<128x1x128xf32> to vector<128x128xf32>
    %jit3A_436 = arith.constant 0xFF800000 : f32
    %broadcast_in_dim3A_437 = vector.shape_cast %le3A_433 : vector<128x1xi1> to vector<128x1xi1>
    %broadcast_in_dim3A_438 = vector.broadcast %broadcast_in_dim3A_437 : vector<128x1xi1> to vector<128x128xi1>
    %broadcast_in_dim3A_439 = vector.broadcast %jit3A_436 : f32 to vector<128x128xf32>
    %select_n3A_440 = arith.select %broadcast_in_dim3A_438, %squeeze3A_435, %broadcast_in_dim3A_439 : vector<128x128xi1>, vector<128x128xf32>
    %max3A_441 = arith.maximumf %max3A_429, %select_n3A_440 : vector<128x128xf32>
    %slice3A_442 = vector.extract_strided_slice %get3A_37 {offsets = [0, 34], sizes = [128, 1], strides = [1, 1]} : vector<128x64xf32> to vector<128x1xf32>
    %le3A_443 = arith.constant 0.00999999977 : f32
    %le3A_444 = vector.broadcast %le3A_443 : f32 to vector<128x1xf32>
    %le3A_445 = arith.cmpf ole, %slice3A_442, %le3A_444 : vector<128x1xf32>
    %slice3A_446 = vector.extract_strided_slice %reshape3A_34 {offsets = [0, 34, 0], sizes = [128, 1, 128], strides = [1, 1, 1]} : vector<128x64x128xf32> to vector<128x1x128xf32>
    %squeeze3A_447 = vector.shape_cast %slice3A_446 : vector<128x1x128xf32> to vector<128x128xf32>
    %jit3A_448 = arith.constant 0xFF800000 : f32
    %broadcast_in_dim3A_449 = vector.shape_cast %le3A_445 : vector<128x1xi1> to vector<128x1xi1>
    %broadcast_in_dim3A_450 = vector.broadcast %broadcast_in_dim3A_449 : vector<128x1xi1> to vector<128x128xi1>
    %broadcast_in_dim3A_451 = vector.broadcast %jit3A_448 : f32 to vector<128x128xf32>
    %select_n3A_452 = arith.select %broadcast_in_dim3A_450, %squeeze3A_447, %broadcast_in_dim3A_451 : vector<128x128xi1>, vector<128x128xf32>
    %max3A_453 = arith.maximumf %max3A_441, %select_n3A_452 : vector<128x128xf32>
    %slice3A_454 = vector.extract_strided_slice %get3A_37 {offsets = [0, 35], sizes = [128, 1], strides = [1, 1]} : vector<128x64xf32> to vector<128x1xf32>
    %le3A_455 = arith.constant 0.00999999977 : f32
    %le3A_456 = vector.broadcast %le3A_455 : f32 to vector<128x1xf32>
    %le3A_457 = arith.cmpf ole, %slice3A_454, %le3A_456 : vector<128x1xf32>
    %slice3A_458 = vector.extract_strided_slice %reshape3A_34 {offsets = [0, 35, 0], sizes = [128, 1, 128], strides = [1, 1, 1]} : vector<128x64x128xf32> to vector<128x1x128xf32>
    %squeeze3A_459 = vector.shape_cast %slice3A_458 : vector<128x1x128xf32> to vector<128x128xf32>
    %jit3A_460 = arith.constant 0xFF800000 : f32
    %broadcast_in_dim3A_461 = vector.shape_cast %le3A_457 : vector<128x1xi1> to vector<128x1xi1>
    %broadcast_in_dim3A_462 = vector.broadcast %broadcast_in_dim3A_461 : vector<128x1xi1> to vector<128x128xi1>
    %broadcast_in_dim3A_463 = vector.broadcast %jit3A_460 : f32 to vector<128x128xf32>
    %select_n3A_464 = arith.select %broadcast_in_dim3A_462, %squeeze3A_459, %broadcast_in_dim3A_463 : vector<128x128xi1>, vector<128x128xf32>
    %max3A_465 = arith.maximumf %max3A_453, %select_n3A_464 : vector<128x128xf32>
    %slice3A_466 = vector.extract_strided_slice %get3A_37 {offsets = [0, 36], sizes = [128, 1], strides = [1, 1]} : vector<128x64xf32> to vector<128x1xf32>
    %le3A_467 = arith.constant 0.00999999977 : f32
    %le3A_468 = vector.broadcast %le3A_467 : f32 to vector<128x1xf32>
    %le3A_469 = arith.cmpf ole, %slice3A_466, %le3A_468 : vector<128x1xf32>
    %slice3A_470 = vector.extract_strided_slice %reshape3A_34 {offsets = [0, 36, 0], sizes = [128, 1, 128], strides = [1, 1, 1]} : vector<128x64x128xf32> to vector<128x1x128xf32>
    %squeeze3A_471 = vector.shape_cast %slice3A_470 : vector<128x1x128xf32> to vector<128x128xf32>
    %jit3A_472 = arith.constant 0xFF800000 : f32
    %broadcast_in_dim3A_473 = vector.shape_cast %le3A_469 : vector<128x1xi1> to vector<128x1xi1>
    %broadcast_in_dim3A_474 = vector.broadcast %broadcast_in_dim3A_473 : vector<128x1xi1> to vector<128x128xi1>
    %broadcast_in_dim3A_475 = vector.broadcast %jit3A_472 : f32 to vector<128x128xf32>
    %select_n3A_476 = arith.select %broadcast_in_dim3A_474, %squeeze3A_471, %broadcast_in_dim3A_475 : vector<128x128xi1>, vector<128x128xf32>
    %max3A_477 = arith.maximumf %max3A_465, %select_n3A_476 : vector<128x128xf32>
    %slice3A_478 = vector.extract_strided_slice %get3A_37 {offsets = [0, 37], sizes = [128, 1], strides = [1, 1]} : vector<128x64xf32> to vector<128x1xf32>
    %le3A_479 = arith.constant 0.00999999977 : f32
    %le3A_480 = vector.broadcast %le3A_479 : f32 to vector<128x1xf32>
    %le3A_481 = arith.cmpf ole, %slice3A_478, %le3A_480 : vector<128x1xf32>
    %slice3A_482 = vector.extract_strided_slice %reshape3A_34 {offsets = [0, 37, 0], sizes = [128, 1, 128], strides = [1, 1, 1]} : vector<128x64x128xf32> to vector<128x1x128xf32>
    %squeeze3A_483 = vector.shape_cast %slice3A_482 : vector<128x1x128xf32> to vector<128x128xf32>
    %jit3A_484 = arith.constant 0xFF800000 : f32
    %broadcast_in_dim3A_485 = vector.shape_cast %le3A_481 : vector<128x1xi1> to vector<128x1xi1>
    %broadcast_in_dim3A_486 = vector.broadcast %broadcast_in_dim3A_485 : vector<128x1xi1> to vector<128x128xi1>
    %broadcast_in_dim3A_487 = vector.broadcast %jit3A_484 : f32 to vector<128x128xf32>
    %select_n3A_488 = arith.select %broadcast_in_dim3A_486, %squeeze3A_483, %broadcast_in_dim3A_487 : vector<128x128xi1>, vector<128x128xf32>
    %max3A_489 = arith.maximumf %max3A_477, %select_n3A_488 : vector<128x128xf32>
    %slice3A_490 = vector.extract_strided_slice %get3A_37 {offsets = [0, 38], sizes = [128, 1], strides = [1, 1]} : vector<128x64xf32> to vector<128x1xf32>
    %le3A_491 = arith.constant 0.00999999977 : f32
    %le3A_492 = vector.broadcast %le3A_491 : f32 to vector<128x1xf32>
    %le3A_493 = arith.cmpf ole, %slice3A_490, %le3A_492 : vector<128x1xf32>
    %slice3A_494 = vector.extract_strided_slice %reshape3A_34 {offsets = [0, 38, 0], sizes = [128, 1, 128], strides = [1, 1, 1]} : vector<128x64x128xf32> to vector<128x1x128xf32>
    %squeeze3A_495 = vector.shape_cast %slice3A_494 : vector<128x1x128xf32> to vector<128x128xf32>
    %jit3A_496 = arith.constant 0xFF800000 : f32
    %broadcast_in_dim3A_497 = vector.shape_cast %le3A_493 : vector<128x1xi1> to vector<128x1xi1>
    %broadcast_in_dim3A_498 = vector.broadcast %broadcast_in_dim3A_497 : vector<128x1xi1> to vector<128x128xi1>
    %broadcast_in_dim3A_499 = vector.broadcast %jit3A_496 : f32 to vector<128x128xf32>
    %select_n3A_500 = arith.select %broadcast_in_dim3A_498, %squeeze3A_495, %broadcast_in_dim3A_499 : vector<128x128xi1>, vector<128x128xf32>
    %max3A_501 = arith.maximumf %max3A_489, %select_n3A_500 : vector<128x128xf32>
    %slice3A_502 = vector.extract_strided_slice %get3A_37 {offsets = [0, 39], sizes = [128, 1], strides = [1, 1]} : vector<128x64xf32> to vector<128x1xf32>
    %le3A_503 = arith.constant 0.00999999977 : f32
    %le3A_504 = vector.broadcast %le3A_503 : f32 to vector<128x1xf32>
    %le3A_505 = arith.cmpf ole, %slice3A_502, %le3A_504 : vector<128x1xf32>
    %slice3A_506 = vector.extract_strided_slice %reshape3A_34 {offsets = [0, 39, 0], sizes = [128, 1, 128], strides = [1, 1, 1]} : vector<128x64x128xf32> to vector<128x1x128xf32>
    %squeeze3A_507 = vector.shape_cast %slice3A_506 : vector<128x1x128xf32> to vector<128x128xf32>
    %jit3A_508 = arith.constant 0xFF800000 : f32
    %broadcast_in_dim3A_509 = vector.shape_cast %le3A_505 : vector<128x1xi1> to vector<128x1xi1>
    %broadcast_in_dim3A_510 = vector.broadcast %broadcast_in_dim3A_509 : vector<128x1xi1> to vector<128x128xi1>
    %broadcast_in_dim3A_511 = vector.broadcast %jit3A_508 : f32 to vector<128x128xf32>
    %select_n3A_512 = arith.select %broadcast_in_dim3A_510, %squeeze3A_507, %broadcast_in_dim3A_511 : vector<128x128xi1>, vector<128x128xf32>
    %max3A_513 = arith.maximumf %max3A_501, %select_n3A_512 : vector<128x128xf32>
    %slice3A_514 = vector.extract_strided_slice %get3A_37 {offsets = [0, 40], sizes = [128, 1], strides = [1, 1]} : vector<128x64xf32> to vector<128x1xf32>
    %le3A_515 = arith.constant 0.00999999977 : f32
    %le3A_516 = vector.broadcast %le3A_515 : f32 to vector<128x1xf32>
    %le3A_517 = arith.cmpf ole, %slice3A_514, %le3A_516 : vector<128x1xf32>
    %slice3A_518 = vector.extract_strided_slice %reshape3A_34 {offsets = [0, 40, 0], sizes = [128, 1, 128], strides = [1, 1, 1]} : vector<128x64x128xf32> to vector<128x1x128xf32>
    %squeeze3A_519 = vector.shape_cast %slice3A_518 : vector<128x1x128xf32> to vector<128x128xf32>
    %jit3A_520 = arith.constant 0xFF800000 : f32
    %broadcast_in_dim3A_521 = vector.shape_cast %le3A_517 : vector<128x1xi1> to vector<128x1xi1>
    %broadcast_in_dim3A_522 = vector.broadcast %broadcast_in_dim3A_521 : vector<128x1xi1> to vector<128x128xi1>
    %broadcast_in_dim3A_523 = vector.broadcast %jit3A_520 : f32 to vector<128x128xf32>
    %select_n3A_524 = arith.select %broadcast_in_dim3A_522, %squeeze3A_519, %broadcast_in_dim3A_523 : vector<128x128xi1>, vector<128x128xf32>
    %max3A_525 = arith.maximumf %max3A_513, %select_n3A_524 : vector<128x128xf32>
    %slice3A_526 = vector.extract_strided_slice %get3A_37 {offsets = [0, 41], sizes = [128, 1], strides = [1, 1]} : vector<128x64xf32> to vector<128x1xf32>
    %le3A_527 = arith.constant 0.00999999977 : f32
    %le3A_528 = vector.broadcast %le3A_527 : f32 to vector<128x1xf32>
    %le3A_529 = arith.cmpf ole, %slice3A_526, %le3A_528 : vector<128x1xf32>
    %slice3A_530 = vector.extract_strided_slice %reshape3A_34 {offsets = [0, 41, 0], sizes = [128, 1, 128], strides = [1, 1, 1]} : vector<128x64x128xf32> to vector<128x1x128xf32>
    %squeeze3A_531 = vector.shape_cast %slice3A_530 : vector<128x1x128xf32> to vector<128x128xf32>
    %jit3A_532 = arith.constant 0xFF800000 : f32
    %broadcast_in_dim3A_533 = vector.shape_cast %le3A_529 : vector<128x1xi1> to vector<128x1xi1>
    %broadcast_in_dim3A_534 = vector.broadcast %broadcast_in_dim3A_533 : vector<128x1xi1> to vector<128x128xi1>
    %broadcast_in_dim3A_535 = vector.broadcast %jit3A_532 : f32 to vector<128x128xf32>
    %select_n3A_536 = arith.select %broadcast_in_dim3A_534, %squeeze3A_531, %broadcast_in_dim3A_535 : vector<128x128xi1>, vector<128x128xf32>
    %max3A_537 = arith.maximumf %max3A_525, %select_n3A_536 : vector<128x128xf32>
    %slice3A_538 = vector.extract_strided_slice %get3A_37 {offsets = [0, 42], sizes = [128, 1], strides = [1, 1]} : vector<128x64xf32> to vector<128x1xf32>
    %le3A_539 = arith.constant 0.00999999977 : f32
    %le3A_540 = vector.broadcast %le3A_539 : f32 to vector<128x1xf32>
    %le3A_541 = arith.cmpf ole, %slice3A_538, %le3A_540 : vector<128x1xf32>
    %slice3A_542 = vector.extract_strided_slice %reshape3A_34 {offsets = [0, 42, 0], sizes = [128, 1, 128], strides = [1, 1, 1]} : vector<128x64x128xf32> to vector<128x1x128xf32>
    %squeeze3A_543 = vector.shape_cast %slice3A_542 : vector<128x1x128xf32> to vector<128x128xf32>
    %jit3A_544 = arith.constant 0xFF800000 : f32
    %broadcast_in_dim3A_545 = vector.shape_cast %le3A_541 : vector<128x1xi1> to vector<128x1xi1>
    %broadcast_in_dim3A_546 = vector.broadcast %broadcast_in_dim3A_545 : vector<128x1xi1> to vector<128x128xi1>
    %broadcast_in_dim3A_547 = vector.broadcast %jit3A_544 : f32 to vector<128x128xf32>
    %select_n3A_548 = arith.select %broadcast_in_dim3A_546, %squeeze3A_543, %broadcast_in_dim3A_547 : vector<128x128xi1>, vector<128x128xf32>
    %max3A_549 = arith.maximumf %max3A_537, %select_n3A_548 : vector<128x128xf32>
    %slice3A_550 = vector.extract_strided_slice %get3A_37 {offsets = [0, 43], sizes = [128, 1], strides = [1, 1]} : vector<128x64xf32> to vector<128x1xf32>
    %le3A_551 = arith.constant 0.00999999977 : f32
    %le3A_552 = vector.broadcast %le3A_551 : f32 to vector<128x1xf32>
    %le3A_553 = arith.cmpf ole, %slice3A_550, %le3A_552 : vector<128x1xf32>
    %slice3A_554 = vector.extract_strided_slice %reshape3A_34 {offsets = [0, 43, 0], sizes = [128, 1, 128], strides = [1, 1, 1]} : vector<128x64x128xf32> to vector<128x1x128xf32>
    %squeeze3A_555 = vector.shape_cast %slice3A_554 : vector<128x1x128xf32> to vector<128x128xf32>
    %jit3A_556 = arith.constant 0xFF800000 : f32
    %broadcast_in_dim3A_557 = vector.shape_cast %le3A_553 : vector<128x1xi1> to vector<128x1xi1>
    %broadcast_in_dim3A_558 = vector.broadcast %broadcast_in_dim3A_557 : vector<128x1xi1> to vector<128x128xi1>
    %broadcast_in_dim3A_559 = vector.broadcast %jit3A_556 : f32 to vector<128x128xf32>
    %select_n3A_560 = arith.select %broadcast_in_dim3A_558, %squeeze3A_555, %broadcast_in_dim3A_559 : vector<128x128xi1>, vector<128x128xf32>
    %max3A_561 = arith.maximumf %max3A_549, %select_n3A_560 : vector<128x128xf32>
    %slice3A_562 = vector.extract_strided_slice %get3A_37 {offsets = [0, 44], sizes = [128, 1], strides = [1, 1]} : vector<128x64xf32> to vector<128x1xf32>
    %le3A_563 = arith.constant 0.00999999977 : f32
    %le3A_564 = vector.broadcast %le3A_563 : f32 to vector<128x1xf32>
    %le3A_565 = arith.cmpf ole, %slice3A_562, %le3A_564 : vector<128x1xf32>
    %slice3A_566 = vector.extract_strided_slice %reshape3A_34 {offsets = [0, 44, 0], sizes = [128, 1, 128], strides = [1, 1, 1]} : vector<128x64x128xf32> to vector<128x1x128xf32>
    %squeeze3A_567 = vector.shape_cast %slice3A_566 : vector<128x1x128xf32> to vector<128x128xf32>
    %jit3A_568 = arith.constant 0xFF800000 : f32
    %broadcast_in_dim3A_569 = vector.shape_cast %le3A_565 : vector<128x1xi1> to vector<128x1xi1>
    %broadcast_in_dim3A_570 = vector.broadcast %broadcast_in_dim3A_569 : vector<128x1xi1> to vector<128x128xi1>
    %broadcast_in_dim3A_571 = vector.broadcast %jit3A_568 : f32 to vector<128x128xf32>
    %select_n3A_572 = arith.select %broadcast_in_dim3A_570, %squeeze3A_567, %broadcast_in_dim3A_571 : vector<128x128xi1>, vector<128x128xf32>
    %max3A_573 = arith.maximumf %max3A_561, %select_n3A_572 : vector<128x128xf32>
    %slice3A_574 = vector.extract_strided_slice %get3A_37 {offsets = [0, 45], sizes = [128, 1], strides = [1, 1]} : vector<128x64xf32> to vector<128x1xf32>
    %le3A_575 = arith.constant 0.00999999977 : f32
    %le3A_576 = vector.broadcast %le3A_575 : f32 to vector<128x1xf32>
    %le3A_577 = arith.cmpf ole, %slice3A_574, %le3A_576 : vector<128x1xf32>
    %slice3A_578 = vector.extract_strided_slice %reshape3A_34 {offsets = [0, 45, 0], sizes = [128, 1, 128], strides = [1, 1, 1]} : vector<128x64x128xf32> to vector<128x1x128xf32>
    %squeeze3A_579 = vector.shape_cast %slice3A_578 : vector<128x1x128xf32> to vector<128x128xf32>
    %jit3A_580 = arith.constant 0xFF800000 : f32
    %broadcast_in_dim3A_581 = vector.shape_cast %le3A_577 : vector<128x1xi1> to vector<128x1xi1>
    %broadcast_in_dim3A_582 = vector.broadcast %broadcast_in_dim3A_581 : vector<128x1xi1> to vector<128x128xi1>
    %broadcast_in_dim3A_583 = vector.broadcast %jit3A_580 : f32 to vector<128x128xf32>
    %select_n3A_584 = arith.select %broadcast_in_dim3A_582, %squeeze3A_579, %broadcast_in_dim3A_583 : vector<128x128xi1>, vector<128x128xf32>
    %max3A_585 = arith.maximumf %max3A_573, %select_n3A_584 : vector<128x128xf32>
    %slice3A_586 = vector.extract_strided_slice %get3A_37 {offsets = [0, 46], sizes = [128, 1], strides = [1, 1]} : vector<128x64xf32> to vector<128x1xf32>
    %le3A_587 = arith.constant 0.00999999977 : f32
    %le3A_588 = vector.broadcast %le3A_587 : f32 to vector<128x1xf32>
    %le3A_589 = arith.cmpf ole, %slice3A_586, %le3A_588 : vector<128x1xf32>
    %slice3A_590 = vector.extract_strided_slice %reshape3A_34 {offsets = [0, 46, 0], sizes = [128, 1, 128], strides = [1, 1, 1]} : vector<128x64x128xf32> to vector<128x1x128xf32>
    %squeeze3A_591 = vector.shape_cast %slice3A_590 : vector<128x1x128xf32> to vector<128x128xf32>
    %jit3A_592 = arith.constant 0xFF800000 : f32
    %broadcast_in_dim3A_593 = vector.shape_cast %le3A_589 : vector<128x1xi1> to vector<128x1xi1>
    %broadcast_in_dim3A_594 = vector.broadcast %broadcast_in_dim3A_593 : vector<128x1xi1> to vector<128x128xi1>
    %broadcast_in_dim3A_595 = vector.broadcast %jit3A_592 : f32 to vector<128x128xf32>
    %select_n3A_596 = arith.select %broadcast_in_dim3A_594, %squeeze3A_591, %broadcast_in_dim3A_595 : vector<128x128xi1>, vector<128x128xf32>
    %max3A_597 = arith.maximumf %max3A_585, %select_n3A_596 : vector<128x128xf32>
    %slice3A_598 = vector.extract_strided_slice %get3A_37 {offsets = [0, 47], sizes = [128, 1], strides = [1, 1]} : vector<128x64xf32> to vector<128x1xf32>
    %le3A_599 = arith.constant 0.00999999977 : f32
    %le3A_600 = vector.broadcast %le3A_599 : f32 to vector<128x1xf32>
    %le3A_601 = arith.cmpf ole, %slice3A_598, %le3A_600 : vector<128x1xf32>
    %slice3A_602 = vector.extract_strided_slice %reshape3A_34 {offsets = [0, 47, 0], sizes = [128, 1, 128], strides = [1, 1, 1]} : vector<128x64x128xf32> to vector<128x1x128xf32>
    %squeeze3A_603 = vector.shape_cast %slice3A_602 : vector<128x1x128xf32> to vector<128x128xf32>
    %jit3A_604 = arith.constant 0xFF800000 : f32
    %broadcast_in_dim3A_605 = vector.shape_cast %le3A_601 : vector<128x1xi1> to vector<128x1xi1>
    %broadcast_in_dim3A_606 = vector.broadcast %broadcast_in_dim3A_605 : vector<128x1xi1> to vector<128x128xi1>
    %broadcast_in_dim3A_607 = vector.broadcast %jit3A_604 : f32 to vector<128x128xf32>
    %select_n3A_608 = arith.select %broadcast_in_dim3A_606, %squeeze3A_603, %broadcast_in_dim3A_607 : vector<128x128xi1>, vector<128x128xf32>
    %max3A_609 = arith.maximumf %max3A_597, %select_n3A_608 : vector<128x128xf32>
    %slice3A_610 = vector.extract_strided_slice %get3A_37 {offsets = [0, 48], sizes = [128, 1], strides = [1, 1]} : vector<128x64xf32> to vector<128x1xf32>
    %le3A_611 = arith.constant 0.00999999977 : f32
    %le3A_612 = vector.broadcast %le3A_611 : f32 to vector<128x1xf32>
    %le3A_613 = arith.cmpf ole, %slice3A_610, %le3A_612 : vector<128x1xf32>
    %slice3A_614 = vector.extract_strided_slice %reshape3A_34 {offsets = [0, 48, 0], sizes = [128, 1, 128], strides = [1, 1, 1]} : vector<128x64x128xf32> to vector<128x1x128xf32>
    %squeeze3A_615 = vector.shape_cast %slice3A_614 : vector<128x1x128xf32> to vector<128x128xf32>
    %jit3A_616 = arith.constant 0xFF800000 : f32
    %broadcast_in_dim3A_617 = vector.shape_cast %le3A_613 : vector<128x1xi1> to vector<128x1xi1>
    %broadcast_in_dim3A_618 = vector.broadcast %broadcast_in_dim3A_617 : vector<128x1xi1> to vector<128x128xi1>
    %broadcast_in_dim3A_619 = vector.broadcast %jit3A_616 : f32 to vector<128x128xf32>
    %select_n3A_620 = arith.select %broadcast_in_dim3A_618, %squeeze3A_615, %broadcast_in_dim3A_619 : vector<128x128xi1>, vector<128x128xf32>
    %max3A_621 = arith.maximumf %max3A_609, %select_n3A_620 : vector<128x128xf32>
    %slice3A_622 = vector.extract_strided_slice %get3A_37 {offsets = [0, 49], sizes = [128, 1], strides = [1, 1]} : vector<128x64xf32> to vector<128x1xf32>
    %le3A_623 = arith.constant 0.00999999977 : f32
    %le3A_624 = vector.broadcast %le3A_623 : f32 to vector<128x1xf32>
    %le3A_625 = arith.cmpf ole, %slice3A_622, %le3A_624 : vector<128x1xf32>
    %slice3A_626 = vector.extract_strided_slice %reshape3A_34 {offsets = [0, 49, 0], sizes = [128, 1, 128], strides = [1, 1, 1]} : vector<128x64x128xf32> to vector<128x1x128xf32>
    %squeeze3A_627 = vector.shape_cast %slice3A_626 : vector<128x1x128xf32> to vector<128x128xf32>
    %jit3A_628 = arith.constant 0xFF800000 : f32
    %broadcast_in_dim3A_629 = vector.shape_cast %le3A_625 : vector<128x1xi1> to vector<128x1xi1>
    %broadcast_in_dim3A_630 = vector.broadcast %broadcast_in_dim3A_629 : vector<128x1xi1> to vector<128x128xi1>
    %broadcast_in_dim3A_631 = vector.broadcast %jit3A_628 : f32 to vector<128x128xf32>
    %select_n3A_632 = arith.select %broadcast_in_dim3A_630, %squeeze3A_627, %broadcast_in_dim3A_631 : vector<128x128xi1>, vector<128x128xf32>
    %max3A_633 = arith.maximumf %max3A_621, %select_n3A_632 : vector<128x128xf32>
    %slice3A_634 = vector.extract_strided_slice %get3A_37 {offsets = [0, 50], sizes = [128, 1], strides = [1, 1]} : vector<128x64xf32> to vector<128x1xf32>
    %le3A_635 = arith.constant 0.00999999977 : f32
    %le3A_636 = vector.broadcast %le3A_635 : f32 to vector<128x1xf32>
    %le3A_637 = arith.cmpf ole, %slice3A_634, %le3A_636 : vector<128x1xf32>
    %slice3A_638 = vector.extract_strided_slice %reshape3A_34 {offsets = [0, 50, 0], sizes = [128, 1, 128], strides = [1, 1, 1]} : vector<128x64x128xf32> to vector<128x1x128xf32>
    %squeeze3A_639 = vector.shape_cast %slice3A_638 : vector<128x1x128xf32> to vector<128x128xf32>
    %jit3A_640 = arith.constant 0xFF800000 : f32
    %broadcast_in_dim3A_641 = vector.shape_cast %le3A_637 : vector<128x1xi1> to vector<128x1xi1>
    %broadcast_in_dim3A_642 = vector.broadcast %broadcast_in_dim3A_641 : vector<128x1xi1> to vector<128x128xi1>
    %broadcast_in_dim3A_643 = vector.broadcast %jit3A_640 : f32 to vector<128x128xf32>
    %select_n3A_644 = arith.select %broadcast_in_dim3A_642, %squeeze3A_639, %broadcast_in_dim3A_643 : vector<128x128xi1>, vector<128x128xf32>
    %max3A_645 = arith.maximumf %max3A_633, %select_n3A_644 : vector<128x128xf32>
    %slice3A_646 = vector.extract_strided_slice %get3A_37 {offsets = [0, 51], sizes = [128, 1], strides = [1, 1]} : vector<128x64xf32> to vector<128x1xf32>
    %le3A_647 = arith.constant 0.00999999977 : f32
    %le3A_648 = vector.broadcast %le3A_647 : f32 to vector<128x1xf32>
    %le3A_649 = arith.cmpf ole, %slice3A_646, %le3A_648 : vector<128x1xf32>
    %slice3A_650 = vector.extract_strided_slice %reshape3A_34 {offsets = [0, 51, 0], sizes = [128, 1, 128], strides = [1, 1, 1]} : vector<128x64x128xf32> to vector<128x1x128xf32>
    %squeeze3A_651 = vector.shape_cast %slice3A_650 : vector<128x1x128xf32> to vector<128x128xf32>
    %jit3A_652 = arith.constant 0xFF800000 : f32
    %broadcast_in_dim3A_653 = vector.shape_cast %le3A_649 : vector<128x1xi1> to vector<128x1xi1>
    %broadcast_in_dim3A_654 = vector.broadcast %broadcast_in_dim3A_653 : vector<128x1xi1> to vector<128x128xi1>
    %broadcast_in_dim3A_655 = vector.broadcast %jit3A_652 : f32 to vector<128x128xf32>
    %select_n3A_656 = arith.select %broadcast_in_dim3A_654, %squeeze3A_651, %broadcast_in_dim3A_655 : vector<128x128xi1>, vector<128x128xf32>
    %max3A_657 = arith.maximumf %max3A_645, %select_n3A_656 : vector<128x128xf32>
    %slice3A_658 = vector.extract_strided_slice %get3A_37 {offsets = [0, 52], sizes = [128, 1], strides = [1, 1]} : vector<128x64xf32> to vector<128x1xf32>
    %le3A_659 = arith.constant 0.00999999977 : f32
    %le3A_660 = vector.broadcast %le3A_659 : f32 to vector<128x1xf32>
    %le3A_661 = arith.cmpf ole, %slice3A_658, %le3A_660 : vector<128x1xf32>
    %slice3A_662 = vector.extract_strided_slice %reshape3A_34 {offsets = [0, 52, 0], sizes = [128, 1, 128], strides = [1, 1, 1]} : vector<128x64x128xf32> to vector<128x1x128xf32>
    %squeeze3A_663 = vector.shape_cast %slice3A_662 : vector<128x1x128xf32> to vector<128x128xf32>
    %jit3A_664 = arith.constant 0xFF800000 : f32
    %broadcast_in_dim3A_665 = vector.shape_cast %le3A_661 : vector<128x1xi1> to vector<128x1xi1>
    %broadcast_in_dim3A_666 = vector.broadcast %broadcast_in_dim3A_665 : vector<128x1xi1> to vector<128x128xi1>
    %broadcast_in_dim3A_667 = vector.broadcast %jit3A_664 : f32 to vector<128x128xf32>
    %select_n3A_668 = arith.select %broadcast_in_dim3A_666, %squeeze3A_663, %broadcast_in_dim3A_667 : vector<128x128xi1>, vector<128x128xf32>
    %max3A_669 = arith.maximumf %max3A_657, %select_n3A_668 : vector<128x128xf32>
    %slice3A_670 = vector.extract_strided_slice %get3A_37 {offsets = [0, 53], sizes = [128, 1], strides = [1, 1]} : vector<128x64xf32> to vector<128x1xf32>
    %le3A_671 = arith.constant 0.00999999977 : f32
    %le3A_672 = vector.broadcast %le3A_671 : f32 to vector<128x1xf32>
    %le3A_673 = arith.cmpf ole, %slice3A_670, %le3A_672 : vector<128x1xf32>
    %slice3A_674 = vector.extract_strided_slice %reshape3A_34 {offsets = [0, 53, 0], sizes = [128, 1, 128], strides = [1, 1, 1]} : vector<128x64x128xf32> to vector<128x1x128xf32>
    %squeeze3A_675 = vector.shape_cast %slice3A_674 : vector<128x1x128xf32> to vector<128x128xf32>
    %jit3A_676 = arith.constant 0xFF800000 : f32
    %broadcast_in_dim3A_677 = vector.shape_cast %le3A_673 : vector<128x1xi1> to vector<128x1xi1>
    %broadcast_in_dim3A_678 = vector.broadcast %broadcast_in_dim3A_677 : vector<128x1xi1> to vector<128x128xi1>
    %broadcast_in_dim3A_679 = vector.broadcast %jit3A_676 : f32 to vector<128x128xf32>
    %select_n3A_680 = arith.select %broadcast_in_dim3A_678, %squeeze3A_675, %broadcast_in_dim3A_679 : vector<128x128xi1>, vector<128x128xf32>
    %max3A_681 = arith.maximumf %max3A_669, %select_n3A_680 : vector<128x128xf32>
    %slice3A_682 = vector.extract_strided_slice %get3A_37 {offsets = [0, 54], sizes = [128, 1], strides = [1, 1]} : vector<128x64xf32> to vector<128x1xf32>
    %le3A_683 = arith.constant 0.00999999977 : f32
    %le3A_684 = vector.broadcast %le3A_683 : f32 to vector<128x1xf32>
    %le3A_685 = arith.cmpf ole, %slice3A_682, %le3A_684 : vector<128x1xf32>
    %slice3A_686 = vector.extract_strided_slice %reshape3A_34 {offsets = [0, 54, 0], sizes = [128, 1, 128], strides = [1, 1, 1]} : vector<128x64x128xf32> to vector<128x1x128xf32>
    %squeeze3A_687 = vector.shape_cast %slice3A_686 : vector<128x1x128xf32> to vector<128x128xf32>
    %jit3A_688 = arith.constant 0xFF800000 : f32
    %broadcast_in_dim3A_689 = vector.shape_cast %le3A_685 : vector<128x1xi1> to vector<128x1xi1>
    %broadcast_in_dim3A_690 = vector.broadcast %broadcast_in_dim3A_689 : vector<128x1xi1> to vector<128x128xi1>
    %broadcast_in_dim3A_691 = vector.broadcast %jit3A_688 : f32 to vector<128x128xf32>
    %select_n3A_692 = arith.select %broadcast_in_dim3A_690, %squeeze3A_687, %broadcast_in_dim3A_691 : vector<128x128xi1>, vector<128x128xf32>
    %max3A_693 = arith.maximumf %max3A_681, %select_n3A_692 : vector<128x128xf32>
    %slice3A_694 = vector.extract_strided_slice %get3A_37 {offsets = [0, 55], sizes = [128, 1], strides = [1, 1]} : vector<128x64xf32> to vector<128x1xf32>
    %le3A_695 = arith.constant 0.00999999977 : f32
    %le3A_696 = vector.broadcast %le3A_695 : f32 to vector<128x1xf32>
    %le3A_697 = arith.cmpf ole, %slice3A_694, %le3A_696 : vector<128x1xf32>
    %slice3A_698 = vector.extract_strided_slice %reshape3A_34 {offsets = [0, 55, 0], sizes = [128, 1, 128], strides = [1, 1, 1]} : vector<128x64x128xf32> to vector<128x1x128xf32>
    %squeeze3A_699 = vector.shape_cast %slice3A_698 : vector<128x1x128xf32> to vector<128x128xf32>
    %jit3A_700 = arith.constant 0xFF800000 : f32
    %broadcast_in_dim3A_701 = vector.shape_cast %le3A_697 : vector<128x1xi1> to vector<128x1xi1>
    %broadcast_in_dim3A_702 = vector.broadcast %broadcast_in_dim3A_701 : vector<128x1xi1> to vector<128x128xi1>
    %broadcast_in_dim3A_703 = vector.broadcast %jit3A_700 : f32 to vector<128x128xf32>
    %select_n3A_704 = arith.select %broadcast_in_dim3A_702, %squeeze3A_699, %broadcast_in_dim3A_703 : vector<128x128xi1>, vector<128x128xf32>
    %max3A_705 = arith.maximumf %max3A_693, %select_n3A_704 : vector<128x128xf32>
    %slice3A_706 = vector.extract_strided_slice %get3A_37 {offsets = [0, 56], sizes = [128, 1], strides = [1, 1]} : vector<128x64xf32> to vector<128x1xf32>
    %le3A_707 = arith.constant 0.00999999977 : f32
    %le3A_708 = vector.broadcast %le3A_707 : f32 to vector<128x1xf32>
    %le3A_709 = arith.cmpf ole, %slice3A_706, %le3A_708 : vector<128x1xf32>
    %slice3A_710 = vector.extract_strided_slice %reshape3A_34 {offsets = [0, 56, 0], sizes = [128, 1, 128], strides = [1, 1, 1]} : vector<128x64x128xf32> to vector<128x1x128xf32>
    %squeeze3A_711 = vector.shape_cast %slice3A_710 : vector<128x1x128xf32> to vector<128x128xf32>
    %jit3A_712 = arith.constant 0xFF800000 : f32
    %broadcast_in_dim3A_713 = vector.shape_cast %le3A_709 : vector<128x1xi1> to vector<128x1xi1>
    %broadcast_in_dim3A_714 = vector.broadcast %broadcast_in_dim3A_713 : vector<128x1xi1> to vector<128x128xi1>
    %broadcast_in_dim3A_715 = vector.broadcast %jit3A_712 : f32 to vector<128x128xf32>
    %select_n3A_716 = arith.select %broadcast_in_dim3A_714, %squeeze3A_711, %broadcast_in_dim3A_715 : vector<128x128xi1>, vector<128x128xf32>
    %max3A_717 = arith.maximumf %max3A_705, %select_n3A_716 : vector<128x128xf32>
    %slice3A_718 = vector.extract_strided_slice %get3A_37 {offsets = [0, 57], sizes = [128, 1], strides = [1, 1]} : vector<128x64xf32> to vector<128x1xf32>
    %le3A_719 = arith.constant 0.00999999977 : f32
    %le3A_720 = vector.broadcast %le3A_719 : f32 to vector<128x1xf32>
    %le3A_721 = arith.cmpf ole, %slice3A_718, %le3A_720 : vector<128x1xf32>
    %slice3A_722 = vector.extract_strided_slice %reshape3A_34 {offsets = [0, 57, 0], sizes = [128, 1, 128], strides = [1, 1, 1]} : vector<128x64x128xf32> to vector<128x1x128xf32>
    %squeeze3A_723 = vector.shape_cast %slice3A_722 : vector<128x1x128xf32> to vector<128x128xf32>
    %jit3A_724 = arith.constant 0xFF800000 : f32
    %broadcast_in_dim3A_725 = vector.shape_cast %le3A_721 : vector<128x1xi1> to vector<128x1xi1>
    %broadcast_in_dim3A_726 = vector.broadcast %broadcast_in_dim3A_725 : vector<128x1xi1> to vector<128x128xi1>
    %broadcast_in_dim3A_727 = vector.broadcast %jit3A_724 : f32 to vector<128x128xf32>
    %select_n3A_728 = arith.select %broadcast_in_dim3A_726, %squeeze3A_723, %broadcast_in_dim3A_727 : vector<128x128xi1>, vector<128x128xf32>
    %max3A_729 = arith.maximumf %max3A_717, %select_n3A_728 : vector<128x128xf32>
    %slice3A_730 = vector.extract_strided_slice %get3A_37 {offsets = [0, 58], sizes = [128, 1], strides = [1, 1]} : vector<128x64xf32> to vector<128x1xf32>
    %le3A_731 = arith.constant 0.00999999977 : f32
    %le3A_732 = vector.broadcast %le3A_731 : f32 to vector<128x1xf32>
    %le3A_733 = arith.cmpf ole, %slice3A_730, %le3A_732 : vector<128x1xf32>
    %slice3A_734 = vector.extract_strided_slice %reshape3A_34 {offsets = [0, 58, 0], sizes = [128, 1, 128], strides = [1, 1, 1]} : vector<128x64x128xf32> to vector<128x1x128xf32>
    %squeeze3A_735 = vector.shape_cast %slice3A_734 : vector<128x1x128xf32> to vector<128x128xf32>
    %jit3A_736 = arith.constant 0xFF800000 : f32
    %broadcast_in_dim3A_737 = vector.shape_cast %le3A_733 : vector<128x1xi1> to vector<128x1xi1>
    %broadcast_in_dim3A_738 = vector.broadcast %broadcast_in_dim3A_737 : vector<128x1xi1> to vector<128x128xi1>
    %broadcast_in_dim3A_739 = vector.broadcast %jit3A_736 : f32 to vector<128x128xf32>
    %select_n3A_740 = arith.select %broadcast_in_dim3A_738, %squeeze3A_735, %broadcast_in_dim3A_739 : vector<128x128xi1>, vector<128x128xf32>
    %max3A_741 = arith.maximumf %max3A_729, %select_n3A_740 : vector<128x128xf32>
    %slice3A_742 = vector.extract_strided_slice %get3A_37 {offsets = [0, 59], sizes = [128, 1], strides = [1, 1]} : vector<128x64xf32> to vector<128x1xf32>
    %le3A_743 = arith.constant 0.00999999977 : f32
    %le3A_744 = vector.broadcast %le3A_743 : f32 to vector<128x1xf32>
    %le3A_745 = arith.cmpf ole, %slice3A_742, %le3A_744 : vector<128x1xf32>
    %slice3A_746 = vector.extract_strided_slice %reshape3A_34 {offsets = [0, 59, 0], sizes = [128, 1, 128], strides = [1, 1, 1]} : vector<128x64x128xf32> to vector<128x1x128xf32>
    %squeeze3A_747 = vector.shape_cast %slice3A_746 : vector<128x1x128xf32> to vector<128x128xf32>
    %jit3A_748 = arith.constant 0xFF800000 : f32
    %broadcast_in_dim3A_749 = vector.shape_cast %le3A_745 : vector<128x1xi1> to vector<128x1xi1>
    %broadcast_in_dim3A_750 = vector.broadcast %broadcast_in_dim3A_749 : vector<128x1xi1> to vector<128x128xi1>
    %broadcast_in_dim3A_751 = vector.broadcast %jit3A_748 : f32 to vector<128x128xf32>
    %select_n3A_752 = arith.select %broadcast_in_dim3A_750, %squeeze3A_747, %broadcast_in_dim3A_751 : vector<128x128xi1>, vector<128x128xf32>
    %max3A_753 = arith.maximumf %max3A_741, %select_n3A_752 : vector<128x128xf32>
    %slice3A_754 = vector.extract_strided_slice %get3A_37 {offsets = [0, 60], sizes = [128, 1], strides = [1, 1]} : vector<128x64xf32> to vector<128x1xf32>
    %le3A_755 = arith.constant 0.00999999977 : f32
    %le3A_756 = vector.broadcast %le3A_755 : f32 to vector<128x1xf32>
    %le3A_757 = arith.cmpf ole, %slice3A_754, %le3A_756 : vector<128x1xf32>
    %slice3A_758 = vector.extract_strided_slice %reshape3A_34 {offsets = [0, 60, 0], sizes = [128, 1, 128], strides = [1, 1, 1]} : vector<128x64x128xf32> to vector<128x1x128xf32>
    %squeeze3A_759 = vector.shape_cast %slice3A_758 : vector<128x1x128xf32> to vector<128x128xf32>
    %jit3A_760 = arith.constant 0xFF800000 : f32
    %broadcast_in_dim3A_761 = vector.shape_cast %le3A_757 : vector<128x1xi1> to vector<128x1xi1>
    %broadcast_in_dim3A_762 = vector.broadcast %broadcast_in_dim3A_761 : vector<128x1xi1> to vector<128x128xi1>
    %broadcast_in_dim3A_763 = vector.broadcast %jit3A_760 : f32 to vector<128x128xf32>
    %select_n3A_764 = arith.select %broadcast_in_dim3A_762, %squeeze3A_759, %broadcast_in_dim3A_763 : vector<128x128xi1>, vector<128x128xf32>
    %max3A_765 = arith.maximumf %max3A_753, %select_n3A_764 : vector<128x128xf32>
    %slice3A_766 = vector.extract_strided_slice %get3A_37 {offsets = [0, 61], sizes = [128, 1], strides = [1, 1]} : vector<128x64xf32> to vector<128x1xf32>
    %le3A_767 = arith.constant 0.00999999977 : f32
    %le3A_768 = vector.broadcast %le3A_767 : f32 to vector<128x1xf32>
    %le3A_769 = arith.cmpf ole, %slice3A_766, %le3A_768 : vector<128x1xf32>
    %slice3A_770 = vector.extract_strided_slice %reshape3A_34 {offsets = [0, 61, 0], sizes = [128, 1, 128], strides = [1, 1, 1]} : vector<128x64x128xf32> to vector<128x1x128xf32>
    %squeeze3A_771 = vector.shape_cast %slice3A_770 : vector<128x1x128xf32> to vector<128x128xf32>
    %jit3A_772 = arith.constant 0xFF800000 : f32
    %broadcast_in_dim3A_773 = vector.shape_cast %le3A_769 : vector<128x1xi1> to vector<128x1xi1>
    %broadcast_in_dim3A_774 = vector.broadcast %broadcast_in_dim3A_773 : vector<128x1xi1> to vector<128x128xi1>
    %broadcast_in_dim3A_775 = vector.broadcast %jit3A_772 : f32 to vector<128x128xf32>
    %select_n3A_776 = arith.select %broadcast_in_dim3A_774, %squeeze3A_771, %broadcast_in_dim3A_775 : vector<128x128xi1>, vector<128x128xf32>
    %max3A_777 = arith.maximumf %max3A_765, %select_n3A_776 : vector<128x128xf32>
    %slice3A_778 = vector.extract_strided_slice %get3A_37 {offsets = [0, 62], sizes = [128, 1], strides = [1, 1]} : vector<128x64xf32> to vector<128x1xf32>
    %le3A_779 = arith.constant 0.00999999977 : f32
    %le3A_780 = vector.broadcast %le3A_779 : f32 to vector<128x1xf32>
    %le3A_781 = arith.cmpf ole, %slice3A_778, %le3A_780 : vector<128x1xf32>
    %slice3A_782 = vector.extract_strided_slice %reshape3A_34 {offsets = [0, 62, 0], sizes = [128, 1, 128], strides = [1, 1, 1]} : vector<128x64x128xf32> to vector<128x1x128xf32>
    %squeeze3A_783 = vector.shape_cast %slice3A_782 : vector<128x1x128xf32> to vector<128x128xf32>
    %jit3A_784 = arith.constant 0xFF800000 : f32
    %broadcast_in_dim3A_785 = vector.shape_cast %le3A_781 : vector<128x1xi1> to vector<128x1xi1>
    %broadcast_in_dim3A_786 = vector.broadcast %broadcast_in_dim3A_785 : vector<128x1xi1> to vector<128x128xi1>
    %broadcast_in_dim3A_787 = vector.broadcast %jit3A_784 : f32 to vector<128x128xf32>
    %select_n3A_788 = arith.select %broadcast_in_dim3A_786, %squeeze3A_783, %broadcast_in_dim3A_787 : vector<128x128xi1>, vector<128x128xf32>
    %max3A_789 = arith.maximumf %max3A_777, %select_n3A_788 : vector<128x128xf32>
    %slice3A_790 = vector.extract_strided_slice %get3A_37 {offsets = [0, 63], sizes = [128, 1], strides = [1, 1]} : vector<128x64xf32> to vector<128x1xf32>
    %le3A_791 = arith.constant 0.00999999977 : f32
    %le3A_792 = vector.broadcast %le3A_791 : f32 to vector<128x1xf32>
    %le3A_793 = arith.cmpf ole, %slice3A_790, %le3A_792 : vector<128x1xf32>
    %slice3A_794 = vector.extract_strided_slice %reshape3A_34 {offsets = [0, 63, 0], sizes = [128, 1, 128], strides = [1, 1, 1]} : vector<128x64x128xf32> to vector<128x1x128xf32>
    %squeeze3A_795 = vector.shape_cast %slice3A_794 : vector<128x1x128xf32> to vector<128x128xf32>
    %jit3A_796 = arith.constant 0xFF800000 : f32
    %broadcast_in_dim3A_797 = vector.shape_cast %le3A_793 : vector<128x1xi1> to vector<128x1xi1>
    %broadcast_in_dim3A_798 = vector.broadcast %broadcast_in_dim3A_797 : vector<128x1xi1> to vector<128x128xi1>
    %broadcast_in_dim3A_799 = vector.broadcast %jit3A_796 : f32 to vector<128x128xf32>
    %select_n3A_800 = arith.select %broadcast_in_dim3A_798, %squeeze3A_795, %broadcast_in_dim3A_799 : vector<128x128xi1>, vector<128x128xf32>
    %max3A_801 = arith.maximumf %max3A_789, %select_n3A_800 : vector<128x128xf32>
    %swap3A = arith.constant 0 : index
    %swap3A_802 = arith.constant 0 : index
    %swap3A_803 = vector.load %arg8[%swap3A, %swap3A_802] : memref<128x128xf32, #tpu.memory_space<vmem>>, vector<128x128xf32>
    tpu.vector_store %arg8[%swap3A, %swap3A_802], %max3A_801 {strides = array<i32>} : memref<128x128xf32, #tpu.memory_space<vmem>>, vector<128x128xf32>,
    return
  }
  func.func @transform_0(%arg0: i32) -> (i32, i32, i32) {
    %c0_i32 = arith.constant 0 : i32
    %c0_i32_0 = arith.constant 0 : i32
    %c0_i32_1 = arith.constant 0 : i32
    return %arg0, %c0_i32, %c0_i32_0 : i32, i32, i32
  }
  func.func @transform_1(%arg0: i32) -> (i32, i32, i32) {
    %c0_i32 = arith.constant 0 : i32
    %c0_i32_0 = arith.constant 0 : i32
    %c0_i32_1 = arith.constant 0 : i32
    return %arg0, %c0_i32, %c0_i32_0 : i32, i32, i32
  }
  func.func @transform_2(%arg0: i32) -> (i32, i32) {
    %c0_i32 = arith.constant 0 : i32
    %c0_i32_0 = arith.constant 0 : i32
    return %arg0, %c0_i32 : i32, i32
  }
  func.func @transform_3(%arg0: i32) -> (i32, i32) {
    %c0_i32 = arith.constant 0 : i32
    %c0_i32_0 = arith.constant 0 : i32
    %c0_i32_1 = arith.constant 0 : i32
    return %c0_i32, %c0_i32_0 : i32, i32
  }
  func.func @transform_4(%arg0: i32) -> (i32, i32) {
    %c0_i32 = arith.constant 0 : i32
    %c0_i32_0 = arith.constant 0 : i32
    %c0_i32_1 = arith.constant 0 : i32
    return %c0_i32, %c0_i32_0 : i32, i32
  }
  func.func @transform_5(%arg0: i32) -> (i32, i32) {
    %c0_i32 = arith.constant 0 : i32
    %c0_i32_0 = arith.constant 0 : i32
    %c0_i32_1 = arith.constant 0 : i32
    return %c0_i32, %c0_i32_0 : i32, i32
  }
  func.func @transform_6(%arg0: i32) -> (i32, i32) {
    %c0_i32 = arith.constant 0 : i32
    %c0_i32_0 = arith.constant 0 : i32
    %c0_i32_1 = arith.constant 0 : i32
    return %c0_i32, %c0_i32_0 : i32, i32
  }
  func.func @transform_7(%arg0: i32) -> (i32, i32) {
    %c0_i32 = arith.constant 0 : i32
    %c0_i32_0 = arith.constant 0 : i32
    return %arg0, %c0_i32 : i32, i32
  }
}

module attributes {stable_mosaic.version = 14 : i64} {
  func.func @_g2_body(%arg0: memref<2048x128xf32, #tpu.memory_space<vmem>>, %arg1: memref<2048x1xf32, #tpu.memory_space<vmem>>, %arg2: memref<2048x1xf32, #tpu.memory_space<vmem>>, %arg3: memref<2048x1xf32, #tpu.memory_space<vmem>>, %arg4: memref<1024x1xf32, #tpu.memory_space<vmem>>, %arg5: memref<1024x1xf32, #tpu.memory_space<vmem>>, %arg6: memref<1024x1xf32, #tpu.memory_space<vmem>>, %arg7: memref<131x128xf32, #tpu.memory_space<vmem>>, %arg8: memref<1x128xf32, #tpu.memory_space<vmem>>, %arg9: memref<2048x128xf32, #tpu.memory_space<vmem>>, %arg10: memref<1024x128xf32, #tpu.memory_space<vmem>>) attributes {dimension_semantics = [], scalar_prefetch = 0 : i64, scratch_operands = 0 : i64, tpu.core_type = #tpu.core_type<tc>} {
    %get3A = arith.constant 0 : index
    %get3A_0 = arith.constant 0 : index
    %get3A_1 = vector.load %arg7[%get3A, %get3A_0] : memref<131x128xf32, #tpu.memory_space<vmem>>, vector<131x128xf32>
    %slice3A = vector.extract_strided_slice %get3A_1 {offsets = [0, 0], sizes = [128, 128], strides = [1, 1]} : vector<131x128xf32> to vector<128x128xf32>
    %get3A_2 = arith.constant 0 : index
    %get3A_3 = arith.constant 0 : index
    %get3A_4 = vector.load %arg0[%get3A_2, %get3A_3] : memref<2048x128xf32, #tpu.memory_space<vmem>>, vector<2048x128xf32>
    %dot_general3A = arith.constant dense<0.000000e+00> : vector<2048x128xf32>
    %dot_general3A_5 = tpu.matmul %get3A_4, %slice3A, %dot_general3A {dimension_numbers = #tpu.dot_dimension_numbers<[1], [0], [0], [1], [0, 0, 1, 1], [], []>, transpose_lhs_hint = false} : vector<2048x128xf32>, vector<128x128xf32>, vector<2048x128xf32> -> vector<2048x128xf32>
    %get3A_6 = arith.constant 0 : index
    %get3A_7 = arith.constant 0 : index
    %get3A_8 = vector.load %arg1[%get3A_6, %get3A_7] : memref<2048x1xf32, #tpu.memory_space<vmem>>, vector<2048x1xf32>
    %slice3A_9 = vector.extract_strided_slice %get3A_1 {offsets = [128, 0], sizes = [1, 128], strides = [1, 1]} : vector<131x128xf32> to vector<1x128xf32>
    %mul3A = vector.broadcast %get3A_8 : vector<2048x1xf32> to vector<2048x128xf32>
    %mul3A_10 = vector.broadcast %slice3A_9 : vector<1x128xf32> to vector<2048x128xf32>
    %mul3A_11 = arith.mulf %mul3A, %mul3A_10 : vector<2048x128xf32>
    %add3A = arith.addf %dot_general3A_5, %mul3A_11 : vector<2048x128xf32>
    %get3A_12 = arith.constant 0 : index
    %get3A_13 = arith.constant 0 : index
    %get3A_14 = vector.load %arg2[%get3A_12, %get3A_13] : memref<2048x1xf32, #tpu.memory_space<vmem>>, vector<2048x1xf32>
    %slice3A_15 = vector.extract_strided_slice %get3A_1 {offsets = [129, 0], sizes = [1, 128], strides = [1, 1]} : vector<131x128xf32> to vector<1x128xf32>
    %mul3A_16 = vector.broadcast %get3A_14 : vector<2048x1xf32> to vector<2048x128xf32>
    %mul3A_17 = vector.broadcast %slice3A_15 : vector<1x128xf32> to vector<2048x128xf32>
    %mul3A_18 = arith.mulf %mul3A_16, %mul3A_17 : vector<2048x128xf32>
    %add3A_19 = arith.addf %add3A, %mul3A_18 : vector<2048x128xf32>
    %get3A_20 = arith.constant 0 : index
    %get3A_21 = arith.constant 0 : index
    %get3A_22 = vector.load %arg3[%get3A_20, %get3A_21] : memref<2048x1xf32, #tpu.memory_space<vmem>>, vector<2048x1xf32>
    %slice3A_23 = vector.extract_strided_slice %get3A_1 {offsets = [130, 0], sizes = [1, 128], strides = [1, 1]} : vector<131x128xf32> to vector<1x128xf32>
    %mul3A_24 = vector.broadcast %get3A_22 : vector<2048x1xf32> to vector<2048x128xf32>
    %mul3A_25 = vector.broadcast %slice3A_23 : vector<1x128xf32> to vector<2048x128xf32>
    %mul3A_26 = arith.mulf %mul3A_24, %mul3A_25 : vector<2048x128xf32>
    %add3A_27 = arith.addf %add3A_19, %mul3A_26 : vector<2048x128xf32>
    %get3A_28 = arith.constant 0 : index
    %get3A_29 = arith.constant 0 : index
    %get3A_30 = vector.load %arg8[%get3A_28, %get3A_29] : memref<1x128xf32, #tpu.memory_space<vmem>>, vector<1x128xf32>
    %add3A_31 = vector.broadcast %get3A_30 : vector<1x128xf32> to vector<2048x128xf32>
    %add3A_32 = arith.addf %add3A_27, %add3A_31 : vector<2048x128xf32>
    %swap3A = arith.constant 0 : index
    %swap3A_33 = arith.constant 0 : index
    %swap3A_34 = vector.load %arg9[%swap3A, %swap3A_33] : memref<2048x128xf32, #tpu.memory_space<vmem>>, vector<2048x128xf32>
    tpu.vector_store %arg9[%swap3A, %swap3A_33], %add3A_32 {strides = array<i32>} : memref<2048x128xf32, #tpu.memory_space<vmem>>, vector<2048x128xf32>,
    %get3A_35 = arith.constant 0 : index
    %get3A_36 = arith.constant 0 : index
    %get3A_37 = vector.load %arg4[%get3A_35, %get3A_36] : memref<1024x1xf32, #tpu.memory_space<vmem>>, vector<1024x1xf32>
    %slice3A_38 = vector.extract_strided_slice %get3A_1 {offsets = [128, 0], sizes = [1, 128], strides = [1, 1]} : vector<131x128xf32> to vector<1x128xf32>
    %mul3A_39 = vector.broadcast %get3A_37 : vector<1024x1xf32> to vector<1024x128xf32>
    %mul3A_40 = vector.broadcast %slice3A_38 : vector<1x128xf32> to vector<1024x128xf32>
    %mul3A_41 = arith.mulf %mul3A_39, %mul3A_40 : vector<1024x128xf32>
    %get3A_42 = arith.constant 0 : index
    %get3A_43 = arith.constant 0 : index
    %get3A_44 = vector.load %arg5[%get3A_42, %get3A_43] : memref<1024x1xf32, #tpu.memory_space<vmem>>, vector<1024x1xf32>
    %slice3A_45 = vector.extract_strided_slice %get3A_1 {offsets = [129, 0], sizes = [1, 128], strides = [1, 1]} : vector<131x128xf32> to vector<1x128xf32>
    %mul3A_46 = vector.broadcast %get3A_44 : vector<1024x1xf32> to vector<1024x128xf32>
    %mul3A_47 = vector.broadcast %slice3A_45 : vector<1x128xf32> to vector<1024x128xf32>
    %mul3A_48 = arith.mulf %mul3A_46, %mul3A_47 : vector<1024x128xf32>
    %add3A_49 = arith.addf %mul3A_41, %mul3A_48 : vector<1024x128xf32>
    %get3A_50 = arith.constant 0 : index
    %get3A_51 = arith.constant 0 : index
    %get3A_52 = vector.load %arg6[%get3A_50, %get3A_51] : memref<1024x1xf32, #tpu.memory_space<vmem>>, vector<1024x1xf32>
    %slice3A_53 = vector.extract_strided_slice %get3A_1 {offsets = [130, 0], sizes = [1, 128], strides = [1, 1]} : vector<131x128xf32> to vector<1x128xf32>
    %mul3A_54 = vector.broadcast %get3A_52 : vector<1024x1xf32> to vector<1024x128xf32>
    %mul3A_55 = vector.broadcast %slice3A_53 : vector<1x128xf32> to vector<1024x128xf32>
    %mul3A_56 = arith.mulf %mul3A_54, %mul3A_55 : vector<1024x128xf32>
    %add3A_57 = arith.addf %add3A_49, %mul3A_56 : vector<1024x128xf32>
    %swap3A_58 = arith.constant 0 : index
    %swap3A_59 = arith.constant 0 : index
    %swap3A_60 = vector.load %arg10[%swap3A_58, %swap3A_59] : memref<1024x128xf32, #tpu.memory_space<vmem>>, vector<1024x128xf32>
    tpu.vector_store %arg10[%swap3A_58, %swap3A_59], %add3A_57 {strides = array<i32>} : memref<1024x128xf32, #tpu.memory_space<vmem>>, vector<1024x128xf32>,
    return
  }
}

module attributes {stable_mosaic.version = 14 : i64} {
  func.func @_knn3_body(%arg0: i32, %arg1: memref<128x1xf32, #tpu.memory_space<vmem>>, %arg2: memref<128x1xf32, #tpu.memory_space<vmem>>, %arg3: memref<128x1xf32, #tpu.memory_space<vmem>>, %arg4: memref<1x1024xf32, #tpu.memory_space<vmem>>, %arg5: memref<1x1024xf32, #tpu.memory_space<vmem>>, %arg6: memref<1x1024xf32, #tpu.memory_space<vmem>>, %arg7: memref<128x8xi32, #tpu.memory_space<vmem>>, %arg8: memref<128x8xf32, #tpu.memory_space<vmem>>) attributes {dimension_semantics = [#tpu.dimension_semantics<arbitrary>], iteration_bounds = array<i64: 16>, scalar_prefetch = 0 : i64, scratch_operands = 0 : i64, tpu.core_type = #tpu.core_type<tc>, window_params = [{transform_indices = @transform_0, window_bounds = array<i64: 128, 1>}, {transform_indices = @transform_1, window_bounds = array<i64: 128, 1>}, {transform_indices = @transform_2, window_bounds = array<i64: 128, 1>}, {pipeline_mode = #tpu.pipeline_mode<synchronous>, transform_indices = @transform_3, window_bounds = array<i64: 1, 1024>}, {pipeline_mode = #tpu.pipeline_mode<synchronous>, transform_indices = @transform_4, window_bounds = array<i64: 1, 1024>}, {pipeline_mode = #tpu.pipeline_mode<synchronous>, transform_indices = @transform_5, window_bounds = array<i64: 1, 1024>}, {transform_indices = @transform_6, window_bounds = array<i64: 128, 8>}, {transform_indices = @transform_7, window_bounds = array<i64: 128, 8>}]} {
    %get3A = arith.constant 0 : index
    %get3A_0 = arith.constant 0 : index
    %get3A_1 = vector.load %arg1[%get3A, %get3A_0] : memref<128x1xf32, #tpu.memory_space<vmem>>, vector<128x1xf32>
    %get3A_2 = arith.constant 0 : index
    %get3A_3 = arith.constant 0 : index
    %get3A_4 = vector.load %arg4[%get3A_2, %get3A_3] : memref<1x1024xf32, #tpu.memory_space<vmem>>, vector<1x1024xf32>
    %sub3A = vector.broadcast %get3A_1 : vector<128x1xf32> to vector<128x1024xf32>
    %sub3A_5 = vector.broadcast %get3A_4 : vector<1x1024xf32> to vector<128x1024xf32>
    %sub3A_6 = arith.subf %sub3A, %sub3A_5 : vector<128x1024xf32>
    %get3A_7 = arith.constant 0 : index
    %get3A_8 = arith.constant 0 : index
    %get3A_9 = vector.load %arg2[%get3A_7, %get3A_8] : memref<128x1xf32, #tpu.memory_space<vmem>>, vector<128x1xf32>
    %get3A_10 = arith.constant 0 : index
    %get3A_11 = arith.constant 0 : index
    %get3A_12 = vector.load %arg5[%get3A_10, %get3A_11] : memref<1x1024xf32, #tpu.memory_space<vmem>>, vector<1x1024xf32>
    %sub3A_13 = vector.broadcast %get3A_9 : vector<128x1xf32> to vector<128x1024xf32>
    %sub3A_14 = vector.broadcast %get3A_12 : vector<1x1024xf32> to vector<128x1024xf32>
    %sub3A_15 = arith.subf %sub3A_13, %sub3A_14 : vector<128x1024xf32>
    %get3A_16 = arith.constant 0 : index
    %get3A_17 = arith.constant 0 : index
    %get3A_18 = vector.load %arg3[%get3A_16, %get3A_17] : memref<128x1xf32, #tpu.memory_space<vmem>>, vector<128x1xf32>
    %get3A_19 = arith.constant 0 : index
    %get3A_20 = arith.constant 0 : index
    %get3A_21 = vector.load %arg6[%get3A_19, %get3A_20] : memref<1x1024xf32, #tpu.memory_space<vmem>>, vector<1x1024xf32>
    %sub3A_22 = vector.broadcast %get3A_18 : vector<128x1xf32> to vector<128x1024xf32>
    %sub3A_23 = vector.broadcast %get3A_21 : vector<1x1024xf32> to vector<128x1024xf32>
    %sub3A_24 = arith.subf %sub3A_22, %sub3A_23 : vector<128x1024xf32>
    %mul3A = arith.mulf %sub3A_6, %sub3A_6 : vector<128x1024xf32>
    %mul3A_25 = arith.mulf %sub3A_15, %sub3A_15 : vector<128x1024xf32>
    %add3A = arith.addf %mul3A, %mul3A_25 : vector<128x1024xf32>
    %mul3A_26 = arith.mulf %sub3A_24, %sub3A_24 : vector<128x1024xf32>
    %add3A_27 = arith.addf %add3A, %mul3A_26 : vector<128x1024xf32>
    %iota3A = tpu.iota {dimensions = array<i32: 1>} : vector<128x1024xi32>
    %reduce_min3A = arith.constant dense<0x7F800000> : vector<128xf32>
    %reduce_min3A_28 = vector.multi_reduction <minimumf>, %add3A_27, %reduce_min3A [1] : vector<128x1024xf32> to vector<128xf32>
    %broadcast_in_dim3A = vector.shape_cast %reduce_min3A_28 : vector<128xf32> to vector<128x1xf32>
    %eq3A = vector.broadcast %broadcast_in_dim3A : vector<128x1xf32> to vector<128x1024xf32>
    %eq3A_29 = arith.cmpf oeq, %add3A_27, %eq3A : vector<128x1024xf32>
    %jit3A = arith.constant 1073741824 : i32
    %broadcast_in_dim3A_30 = vector.broadcast %jit3A : i32 to vector<128x1024xi32>
    %select_n3A = arith.select %eq3A_29, %iota3A, %broadcast_in_dim3A_30 : vector<128x1024xi1>, vector<128x1024xi32>
    %reduce_min3A_31 = arith.constant dense<2147483647> : vector<128xi32>
    %reduce_min3A_32 = vector.multi_reduction <minsi>, %select_n3A, %reduce_min3A_31 [1] : vector<128x1024xi32> to vector<128xi32>
    %broadcast_in_dim3A_33 = vector.shape_cast %reduce_min3A_32 : vector<128xi32> to vector<128x1xi32>
    %eq3A_34 = vector.broadcast %broadcast_in_dim3A_33 : vector<128x1xi32> to vector<128x1024xi32>
    %eq3A_35 = arith.cmpi eq, %iota3A, %eq3A_34 : vector<128x1024xi32>
    %jit3A_36 = arith.constant 0x7F800000 : f32
    %broadcast_in_dim3A_37 = vector.broadcast %jit3A_36 : f32 to vector<128x1024xf32>
    %select_n3A_38 = arith.select %eq3A_35, %broadcast_in_dim3A_37, %add3A_27 : vector<128x1024xi1>, vector<128x1024xf32>
    %reduce_min3A_39 = arith.constant dense<0x7F800000> : vector<128xf32>
    %reduce_min3A_40 = vector.multi_reduction <minimumf>, %select_n3A_38, %reduce_min3A_39 [1] : vector<128x1024xf32> to vector<128xf32>
    %broadcast_in_dim3A_41 = vector.shape_cast %reduce_min3A_40 : vector<128xf32> to vector<128x1xf32>
    %eq3A_42 = vector.broadcast %broadcast_in_dim3A_41 : vector<128x1xf32> to vector<128x1024xf32>
    %eq3A_43 = arith.cmpf oeq, %select_n3A_38, %eq3A_42 : vector<128x1024xf32>
    %jit3A_44 = arith.constant 1073741824 : i32
    %broadcast_in_dim3A_45 = vector.broadcast %jit3A_44 : i32 to vector<128x1024xi32>
    %select_n3A_46 = arith.select %eq3A_43, %iota3A, %broadcast_in_dim3A_45 : vector<128x1024xi1>, vector<128x1024xi32>
    %reduce_min3A_47 = arith.constant dense<2147483647> : vector<128xi32>
    %reduce_min3A_48 = vector.multi_reduction <minsi>, %select_n3A_46, %reduce_min3A_47 [1] : vector<128x1024xi32> to vector<128xi32>
    %broadcast_in_dim3A_49 = vector.shape_cast %reduce_min3A_48 : vector<128xi32> to vector<128x1xi32>
    %eq3A_50 = vector.broadcast %broadcast_in_dim3A_49 : vector<128x1xi32> to vector<128x1024xi32>
    %eq3A_51 = arith.cmpi eq, %iota3A, %eq3A_50 : vector<128x1024xi32>
    %jit3A_52 = arith.constant 0x7F800000 : f32
    %broadcast_in_dim3A_53 = vector.broadcast %jit3A_52 : f32 to vector<128x1024xf32>
    %select_n3A_54 = arith.select %eq3A_51, %broadcast_in_dim3A_53, %select_n3A_38 : vector<128x1024xi1>, vector<128x1024xf32>
    %reduce_min3A_55 = arith.constant dense<0x7F800000> : vector<128xf32>
    %reduce_min3A_56 = vector.multi_reduction <minimumf>, %select_n3A_54, %reduce_min3A_55 [1] : vector<128x1024xf32> to vector<128xf32>
    %broadcast_in_dim3A_57 = vector.shape_cast %reduce_min3A_56 : vector<128xf32> to vector<128x1xf32>
    %eq3A_58 = vector.broadcast %broadcast_in_dim3A_57 : vector<128x1xf32> to vector<128x1024xf32>
    %eq3A_59 = arith.cmpf oeq, %select_n3A_54, %eq3A_58 : vector<128x1024xf32>
    %jit3A_60 = arith.constant 1073741824 : i32
    %broadcast_in_dim3A_61 = vector.broadcast %jit3A_60 : i32 to vector<128x1024xi32>
    %select_n3A_62 = arith.select %eq3A_59, %iota3A, %broadcast_in_dim3A_61 : vector<128x1024xi1>, vector<128x1024xi32>
    %reduce_min3A_63 = arith.constant dense<2147483647> : vector<128xi32>
    %reduce_min3A_64 = vector.multi_reduction <minsi>, %select_n3A_62, %reduce_min3A_63 [1] : vector<128x1024xi32> to vector<128xi32>
    %broadcast_in_dim3A_65 = vector.shape_cast %reduce_min3A_64 : vector<128xi32> to vector<128x1xi32>
    %max3A = arith.constant 1.000000e-16 : f32
    %max3A_66 = vector.broadcast %max3A : f32 to vector<128x1xf32>
    %max3A_67 = arith.maximumf %broadcast_in_dim3A, %max3A_66 : vector<128x1xf32>
    %div3A = arith.constant 1.000000e+00 : f32
    %div3A_68 = vector.broadcast %div3A : f32 to vector<128x1xf32>
    %div3A_69 = arith.divf %div3A_68, %max3A_67 : vector<128x1xf32>
    %max3A_70 = arith.constant 1.000000e-16 : f32
    %max3A_71 = vector.broadcast %max3A_70 : f32 to vector<128x1xf32>
    %max3A_72 = arith.maximumf %broadcast_in_dim3A_41, %max3A_71 : vector<128x1xf32>
    %div3A_73 = arith.constant 1.000000e+00 : f32
    %div3A_74 = vector.broadcast %div3A_73 : f32 to vector<128x1xf32>
    %div3A_75 = arith.divf %div3A_74, %max3A_72 : vector<128x1xf32>
    %max3A_76 = arith.constant 1.000000e-16 : f32
    %max3A_77 = vector.broadcast %max3A_76 : f32 to vector<128x1xf32>
    %max3A_78 = arith.maximumf %broadcast_in_dim3A_57, %max3A_77 : vector<128x1xf32>
    %div3A_79 = arith.constant 1.000000e+00 : f32
    %div3A_80 = vector.broadcast %div3A_79 : f32 to vector<128x1xf32>
    %div3A_81 = arith.divf %div3A_80, %max3A_78 : vector<128x1xf32>
    %add3A_82 = arith.addf %div3A_69, %div3A_75 : vector<128x1xf32>
    %add3A_83 = arith.addf %add3A_82, %div3A_81 : vector<128x1xf32>
    %div3A_84 = arith.divf %div3A_69, %add3A_83 : vector<128x1xf32>
    %div3A_85 = arith.divf %div3A_75, %add3A_83 : vector<128x1xf32>
    %div3A_86 = arith.divf %div3A_81, %add3A_83 : vector<128x1xf32>
    %iota3A_87 = tpu.iota {dimensions = array<i32: 1>} : vector<128x8xi32>
    %eq3A_88 = arith.constant 0 : i32
    %eq3A_89 = vector.broadcast %eq3A_88 : i32 to vector<128x8xi32>
    %eq3A_90 = arith.cmpi eq, %iota3A_87, %eq3A_89 : vector<128x8xi32>
    %eq3A_91 = arith.constant 1 : i32
    %eq3A_92 = vector.broadcast %eq3A_91 : i32 to vector<128x8xi32>
    %eq3A_93 = arith.cmpi eq, %iota3A_87, %eq3A_92 : vector<128x8xi32>
    %eq3A_94 = arith.constant 2 : i32
    %eq3A_95 = vector.broadcast %eq3A_94 : i32 to vector<128x8xi32>
    %eq3A_96 = arith.cmpi eq, %iota3A_87, %eq3A_95 : vector<128x8xi32>
    %jit3A_97 = arith.constant 0.000000e+00 : f32
    %broadcast_in_dim3A_98 = vector.shape_cast %div3A_86 : vector<128x1xf32> to vector<128x1xf32>
    %broadcast_in_dim3A_99 = vector.broadcast %broadcast_in_dim3A_98 : vector<128x1xf32> to vector<128x8xf32>
    %broadcast_in_dim3A_100 = vector.broadcast %jit3A_97 : f32 to vector<128x8xf32>
    %select_n3A_101 = arith.select %eq3A_96, %broadcast_in_dim3A_99, %broadcast_in_dim3A_100 : vector<128x8xi1>, vector<128x8xf32>
    %broadcast_in_dim3A_102 = vector.shape_cast %div3A_85 : vector<128x1xf32> to vector<128x1xf32>
    %broadcast_in_dim3A_103 = vector.broadcast %broadcast_in_dim3A_102 : vector<128x1xf32> to vector<128x8xf32>
    %select_n3A_104 = arith.select %eq3A_93, %broadcast_in_dim3A_103, %select_n3A_101 : vector<128x8xi1>, vector<128x8xf32>
    %broadcast_in_dim3A_105 = vector.shape_cast %div3A_84 : vector<128x1xf32> to vector<128x1xf32>
    %broadcast_in_dim3A_106 = vector.broadcast %broadcast_in_dim3A_105 : vector<128x1xf32> to vector<128x8xf32>
    %select_n3A_107 = arith.select %eq3A_90, %broadcast_in_dim3A_106, %select_n3A_104 : vector<128x8xi1>, vector<128x8xf32>
    %eq3A_108 = arith.constant 0 : i32
    %eq3A_109 = vector.broadcast %eq3A_108 : i32 to vector<128x8xi32>
    %eq3A_110 = arith.cmpi eq, %iota3A_87, %eq3A_109 : vector<128x8xi32>
    %eq3A_111 = arith.constant 1 : i32
    %eq3A_112 = vector.broadcast %eq3A_111 : i32 to vector<128x8xi32>
    %eq3A_113 = arith.cmpi eq, %iota3A_87, %eq3A_112 : vector<128x8xi32>
    %eq3A_114 = arith.constant 2 : i32
    %eq3A_115 = vector.broadcast %eq3A_114 : i32 to vector<128x8xi32>
    %eq3A_116 = arith.cmpi eq, %iota3A_87, %eq3A_115 : vector<128x8xi32>
    %jit3A_117 = arith.constant 0 : i32
    %broadcast_in_dim3A_118 = vector.shape_cast %broadcast_in_dim3A_65 : vector<128x1xi32> to vector<128x1xi32>
    %broadcast_in_dim3A_119 = vector.broadcast %broadcast_in_dim3A_118 : vector<128x1xi32> to vector<128x8xi32>
    %broadcast_in_dim3A_120 = vector.broadcast %jit3A_117 : i32 to vector<128x8xi32>
    %select_n3A_121 = arith.select %eq3A_116, %broadcast_in_dim3A_119, %broadcast_in_dim3A_120 : vector<128x8xi1>, vector<128x8xi32>
    %broadcast_in_dim3A_122 = vector.shape_cast %broadcast_in_dim3A_49 : vector<128x1xi32> to vector<128x1xi32>
    %broadcast_in_dim3A_123 = vector.broadcast %broadcast_in_dim3A_122 : vector<128x1xi32> to vector<128x8xi32>
    %select_n3A_124 = arith.select %eq3A_113, %broadcast_in_dim3A_123, %select_n3A_121 : vector<128x8xi1>, vector<128x8xi32>
    %broadcast_in_dim3A_125 = vector.shape_cast %broadcast_in_dim3A_33 : vector<128x1xi32> to vector<128x1xi32>
    %broadcast_in_dim3A_126 = vector.broadcast %broadcast_in_dim3A_125 : vector<128x1xi32> to vector<128x8xi32>
    %select_n3A_127 = arith.select %eq3A_110, %broadcast_in_dim3A_126, %select_n3A_124 : vector<128x8xi1>, vector<128x8xi32>
    %swap3A = arith.constant 0 : index
    %swap3A_128 = arith.constant 0 : index
    %swap3A_129 = vector.load %arg7[%swap3A, %swap3A_128] : memref<128x8xi32, #tpu.memory_space<vmem>>, vector<128x8xi32>
    tpu.vector_store %arg7[%swap3A, %swap3A_128], %select_n3A_127 {strides = array<i32>} : memref<128x8xi32, #tpu.memory_space<vmem>>, vector<128x8xi32>,
    %swap3A_130 = arith.constant 0 : index
    %swap3A_131 = arith.constant 0 : index
    %swap3A_132 = vector.load %arg8[%swap3A_130, %swap3A_131] : memref<128x8xf32, #tpu.memory_space<vmem>>, vector<128x8xf32>
    tpu.vector_store %arg8[%swap3A_130, %swap3A_131], %select_n3A_107 {strides = array<i32>} : memref<128x8xf32, #tpu.memory_space<vmem>>, vector<128x8xf32>,
    return
  }
  func.func @transform_0(%arg0: i32) -> (i32, i32) {
    %c0_i32 = arith.constant 0 : i32
    %c0_i32_0 = arith.constant 0 : i32
    return %arg0, %c0_i32 : i32, i32
  }
  func.func @transform_1(%arg0: i32) -> (i32, i32) {
    %c0_i32 = arith.constant 0 : i32
    %c0_i32_0 = arith.constant 0 : i32
    return %arg0, %c0_i32 : i32, i32
  }
  func.func @transform_2(%arg0: i32) -> (i32, i32) {
    %c0_i32 = arith.constant 0 : i32
    %c0_i32_0 = arith.constant 0 : i32
    return %arg0, %c0_i32 : i32, i32
  }
  func.func @transform_3(%arg0: i32) -> (i32, i32) {
    %c0_i32 = arith.constant 0 : i32
    %c0_i32_0 = arith.constant 0 : i32
    %c0_i32_1 = arith.constant 0 : i32
    return %c0_i32, %c0_i32_0 : i32, i32
  }
  func.func @transform_4(%arg0: i32) -> (i32, i32) {
    %c0_i32 = arith.constant 0 : i32
    %c0_i32_0 = arith.constant 0 : i32
    %c0_i32_1 = arith.constant 0 : i32
    return %c0_i32, %c0_i32_0 : i32, i32
  }
  func.func @transform_5(%arg0: i32) -> (i32, i32) {
    %c0_i32 = arith.constant 0 : i32
    %c0_i32_0 = arith.constant 0 : i32
    %c0_i32_1 = arith.constant 0 : i32
    return %c0_i32, %c0_i32_0 : i32, i32
  }
  func.func @transform_6(%arg0: i32) -> (i32, i32) {
    %c0_i32 = arith.constant 0 : i32
    %c0_i32_0 = arith.constant 0 : i32
    return %arg0, %c0_i32 : i32, i32
  }
  func.func @transform_7(%arg0: i32) -> (i32, i32) {
    %c0_i32 = arith.constant 0 : i32
    %c0_i32_0 = arith.constant 0 : i32
    return %arg0, %c0_i32 : i32, i32
  }
}

module attributes {stable_mosaic.version = 14 : i64} {
  func.func @_sa_mlp_body(%arg0: i32, %arg1: memref<128x64x128xf32, #tpu.memory_space<vmem>>, %arg2: memref<128x1x128xf32, #tpu.memory_space<vmem>>, %arg3: memref<128x64xf32, #tpu.memory_space<vmem>>, %arg4: memref<128x128xf32, #tpu.memory_space<vmem>>, %arg5: memref<1x128xf32, #tpu.memory_space<vmem>>, %arg6: memref<128x256xf32, #tpu.memory_space<vmem>>, %arg7: memref<1x256xf32, #tpu.memory_space<vmem>>, %arg8: memref<128x256xf32, #tpu.memory_space<vmem>>) attributes {dimension_semantics = [#tpu.dimension_semantics<arbitrary>], iteration_bounds = array<i64: 8>, scalar_prefetch = 0 : i64, scratch_operands = 0 : i64, tpu.core_type = #tpu.core_type<tc>, window_params = [{transform_indices = @transform_0, window_bounds = array<i64: 128, 64, 128>}, {transform_indices = @transform_1, window_bounds = array<i64: 128, 1, 128>}, {transform_indices = @transform_2, window_bounds = array<i64: 128, 64>}, {pipeline_mode = #tpu.pipeline_mode<synchronous>, transform_indices = @transform_3, window_bounds = array<i64: 128, 128>}, {pipeline_mode = #tpu.pipeline_mode<synchronous>, transform_indices = @transform_4, window_bounds = array<i64: 1, 128>}, {pipeline_mode = #tpu.pipeline_mode<synchronous>, transform_indices = @transform_5, window_bounds = array<i64: 128, 256>}, {pipeline_mode = #tpu.pipeline_mode<synchronous>, transform_indices = @transform_6, window_bounds = array<i64: 1, 256>}, {transform_indices = @transform_7, window_bounds = array<i64: 128, 256>}]} {
    %get3A = arith.constant 0 : index
    %get3A_0 = arith.constant 0 : index
    %get3A_1 = arith.constant 0 : index
    %get3A_2 = vector.load %arg1[%get3A, %get3A_0, %get3A_1] : memref<128x64x128xf32, #tpu.memory_space<vmem>>, vector<128x64x128xf32>
    %get3A_3 = arith.constant 0 : index
    %get3A_4 = arith.constant 0 : index
    %get3A_5 = arith.constant 0 : index
    %get3A_6 = vector.load %arg2[%get3A_3, %get3A_4, %get3A_5] : memref<128x1x128xf32, #tpu.memory_space<vmem>>, vector<128x1x128xf32>
    %sub3A = vector.broadcast %get3A_6 : vector<128x1x128xf32> to vector<128x64x128xf32>
    %sub3A_7 = arith.subf %get3A_2, %sub3A : vector<128x64x128xf32>
    %max3A = arith.constant 0.000000e+00 : f32
    %max3A_8 = vector.broadcast %max3A : f32 to vector<128x64x128xf32>
    %max3A_9 = arith.maximumf %sub3A_7, %max3A_8 : vector<128x64x128xf32>
    %reshape3A = vector.shape_cast %max3A_9 : vector<128x64x128xf32> to vector<8192x128xf32>
    %get3A_10 = arith.constant 0 : index
    %get3A_11 = arith.constant 0 : index
    %get3A_12 = vector.load %arg4[%get3A_10, %get3A_11] : memref<128x128xf32, #tpu.memory_space<vmem>>, vector<128x128xf32>
    %dot_general3A = arith.constant dense<0.000000e+00> : vector<8192x128xf32>
    %dot_general3A_13 = tpu.matmul %reshape3A, %get3A_12, %dot_general3A {dimension_numbers = #tpu.dot_dimension_numbers<[1], [0], [0], [1], [0, 0, 1, 1], [], []>, transpose_lhs_hint = false} : vector<8192x128xf32>, vector<128x128xf32>, vector<8192x128xf32> -> vector<8192x128xf32>
    %get3A_14 = arith.constant 0 : index
    %get3A_15 = arith.constant 0 : index
    %get3A_16 = vector.load %arg5[%get3A_14, %get3A_15] : memref<1x128xf32, #tpu.memory_space<vmem>>, vector<1x128xf32>
    %add3A = vector.broadcast %get3A_16 : vector<1x128xf32> to vector<8192x128xf32>
    %add3A_17 = arith.addf %dot_general3A_13, %add3A : vector<8192x128xf32>
    %max3A_18 = arith.constant 0.000000e+00 : f32
    %max3A_19 = vector.broadcast %max3A_18 : f32 to vector<8192x128xf32>
    %max3A_20 = arith.maximumf %add3A_17, %max3A_19 : vector<8192x128xf32>
    %get3A_21 = arith.constant 0 : index
    %get3A_22 = arith.constant 0 : index
    %get3A_23 = vector.load %arg6[%get3A_21, %get3A_22] : memref<128x256xf32, #tpu.memory_space<vmem>>, vector<128x256xf32>
    %dot_general3A_24 = arith.constant dense<0.000000e+00> : vector<8192x256xf32>
    %dot_general3A_25 = tpu.matmul %max3A_20, %get3A_23, %dot_general3A_24 {dimension_numbers = #tpu.dot_dimension_numbers<[1], [0], [0], [1], [0, 0, 1, 1], [], []>, transpose_lhs_hint = false} : vector<8192x128xf32>, vector<128x256xf32>, vector<8192x256xf32> -> vector<8192x256xf32>
    %get3A_26 = arith.constant 0 : index
    %get3A_27 = arith.constant 0 : index
    %get3A_28 = vector.load %arg7[%get3A_26, %get3A_27] : memref<1x256xf32, #tpu.memory_space<vmem>>, vector<1x256xf32>
    %add3A_29 = vector.broadcast %get3A_28 : vector<1x256xf32> to vector<8192x256xf32>
    %add3A_30 = arith.addf %dot_general3A_25, %add3A_29 : vector<8192x256xf32>
    %max3A_31 = arith.constant 0.000000e+00 : f32
    %max3A_32 = vector.broadcast %max3A_31 : f32 to vector<8192x256xf32>
    %max3A_33 = arith.maximumf %add3A_30, %max3A_32 : vector<8192x256xf32>
    %reshape3A_34 = vector.shape_cast %max3A_33 : vector<8192x256xf32> to vector<128x64x256xf32>
    %get3A_35 = arith.constant 0 : index
    %get3A_36 = arith.constant 0 : index
    %get3A_37 = vector.load %arg3[%get3A_35, %get3A_36] : memref<128x64xf32, #tpu.memory_space<vmem>>, vector<128x64xf32>
    %broadcast_in_dim3A = arith.constant 0xFF800000 : f32
    %broadcast_in_dim3A_38 = vector.broadcast %broadcast_in_dim3A : f32 to vector<128x256xf32>
    %slice3A = vector.extract_strided_slice %get3A_37 {offsets = [0, 0], sizes = [128, 1], strides = [1, 1]} : vector<128x64xf32> to vector<128x1xf32>
    %le3A = arith.constant 2.500000e-01 : f32
    %le3A_39 = vector.broadcast %le3A : f32 to vector<128x1xf32>
    %le3A_40 = arith.cmpf ole, %slice3A, %le3A_39 : vector<128x1xf32>
    %slice3A_41 = vector.extract_strided_slice %reshape3A_34 {offsets = [0, 0, 0], sizes = [128, 1, 256], strides = [1, 1, 1]} : vector<128x64x256xf32> to vector<128x1x256xf32>
    %squeeze3A = vector.shape_cast %slice3A_41 : vector<128x1x256xf32> to vector<128x256xf32>
    %jit3A = arith.constant 0xFF800000 : f32
    %broadcast_in_dim3A_42 = vector.shape_cast %le3A_40 : vector<128x1xi1> to vector<128x1xi1>
    %broadcast_in_dim3A_43 = vector.broadcast %broadcast_in_dim3A_42 : vector<128x1xi1> to vector<128x256xi1>
    %broadcast_in_dim3A_44 = vector.broadcast %jit3A : f32 to vector<128x256xf32>
    %select_n3A = arith.select %broadcast_in_dim3A_43, %squeeze3A, %broadcast_in_dim3A_44 : vector<128x256xi1>, vector<128x256xf32>
    %max3A_45 = arith.maximumf %broadcast_in_dim3A_38, %select_n3A : vector<128x256xf32>
    %slice3A_46 = vector.extract_strided_slice %get3A_37 {offsets = [0, 1], sizes = [128, 1], strides = [1, 1]} : vector<128x64xf32> to vector<128x1xf32>
    %le3A_47 = arith.constant 2.500000e-01 : f32
    %le3A_48 = vector.broadcast %le3A_47 : f32 to vector<128x1xf32>
    %le3A_49 = arith.cmpf ole, %slice3A_46, %le3A_48 : vector<128x1xf32>
    %slice3A_50 = vector.extract_strided_slice %reshape3A_34 {offsets = [0, 1, 0], sizes = [128, 1, 256], strides = [1, 1, 1]} : vector<128x64x256xf32> to vector<128x1x256xf32>
    %squeeze3A_51 = vector.shape_cast %slice3A_50 : vector<128x1x256xf32> to vector<128x256xf32>
    %jit3A_52 = arith.constant 0xFF800000 : f32
    %broadcast_in_dim3A_53 = vector.shape_cast %le3A_49 : vector<128x1xi1> to vector<128x1xi1>
    %broadcast_in_dim3A_54 = vector.broadcast %broadcast_in_dim3A_53 : vector<128x1xi1> to vector<128x256xi1>
    %broadcast_in_dim3A_55 = vector.broadcast %jit3A_52 : f32 to vector<128x256xf32>
    %select_n3A_56 = arith.select %broadcast_in_dim3A_54, %squeeze3A_51, %broadcast_in_dim3A_55 : vector<128x256xi1>, vector<128x256xf32>
    %max3A_57 = arith.maximumf %max3A_45, %select_n3A_56 : vector<128x256xf32>
    %slice3A_58 = vector.extract_strided_slice %get3A_37 {offsets = [0, 2], sizes = [128, 1], strides = [1, 1]} : vector<128x64xf32> to vector<128x1xf32>
    %le3A_59 = arith.constant 2.500000e-01 : f32
    %le3A_60 = vector.broadcast %le3A_59 : f32 to vector<128x1xf32>
    %le3A_61 = arith.cmpf ole, %slice3A_58, %le3A_60 : vector<128x1xf32>
    %slice3A_62 = vector.extract_strided_slice %reshape3A_34 {offsets = [0, 2, 0], sizes = [128, 1, 256], strides = [1, 1, 1]} : vector<128x64x256xf32> to vector<128x1x256xf32>
    %squeeze3A_63 = vector.shape_cast %slice3A_62 : vector<128x1x256xf32> to vector<128x256xf32>
    %jit3A_64 = arith.constant 0xFF800000 : f32
    %broadcast_in_dim3A_65 = vector.shape_cast %le3A_61 : vector<128x1xi1> to vector<128x1xi1>
    %broadcast_in_dim3A_66 = vector.broadcast %broadcast_in_dim3A_65 : vector<128x1xi1> to vector<128x256xi1>
    %broadcast_in_dim3A_67 = vector.broadcast %jit3A_64 : f32 to vector<128x256xf32>
    %select_n3A_68 = arith.select %broadcast_in_dim3A_66, %squeeze3A_63, %broadcast_in_dim3A_67 : vector<128x256xi1>, vector<128x256xf32>
    %max3A_69 = arith.maximumf %max3A_57, %select_n3A_68 : vector<128x256xf32>
    %slice3A_70 = vector.extract_strided_slice %get3A_37 {offsets = [0, 3], sizes = [128, 1], strides = [1, 1]} : vector<128x64xf32> to vector<128x1xf32>
    %le3A_71 = arith.constant 2.500000e-01 : f32
    %le3A_72 = vector.broadcast %le3A_71 : f32 to vector<128x1xf32>
    %le3A_73 = arith.cmpf ole, %slice3A_70, %le3A_72 : vector<128x1xf32>
    %slice3A_74 = vector.extract_strided_slice %reshape3A_34 {offsets = [0, 3, 0], sizes = [128, 1, 256], strides = [1, 1, 1]} : vector<128x64x256xf32> to vector<128x1x256xf32>
    %squeeze3A_75 = vector.shape_cast %slice3A_74 : vector<128x1x256xf32> to vector<128x256xf32>
    %jit3A_76 = arith.constant 0xFF800000 : f32
    %broadcast_in_dim3A_77 = vector.shape_cast %le3A_73 : vector<128x1xi1> to vector<128x1xi1>
    %broadcast_in_dim3A_78 = vector.broadcast %broadcast_in_dim3A_77 : vector<128x1xi1> to vector<128x256xi1>
    %broadcast_in_dim3A_79 = vector.broadcast %jit3A_76 : f32 to vector<128x256xf32>
    %select_n3A_80 = arith.select %broadcast_in_dim3A_78, %squeeze3A_75, %broadcast_in_dim3A_79 : vector<128x256xi1>, vector<128x256xf32>
    %max3A_81 = arith.maximumf %max3A_69, %select_n3A_80 : vector<128x256xf32>
    %slice3A_82 = vector.extract_strided_slice %get3A_37 {offsets = [0, 4], sizes = [128, 1], strides = [1, 1]} : vector<128x64xf32> to vector<128x1xf32>
    %le3A_83 = arith.constant 2.500000e-01 : f32
    %le3A_84 = vector.broadcast %le3A_83 : f32 to vector<128x1xf32>
    %le3A_85 = arith.cmpf ole, %slice3A_82, %le3A_84 : vector<128x1xf32>
    %slice3A_86 = vector.extract_strided_slice %reshape3A_34 {offsets = [0, 4, 0], sizes = [128, 1, 256], strides = [1, 1, 1]} : vector<128x64x256xf32> to vector<128x1x256xf32>
    %squeeze3A_87 = vector.shape_cast %slice3A_86 : vector<128x1x256xf32> to vector<128x256xf32>
    %jit3A_88 = arith.constant 0xFF800000 : f32
    %broadcast_in_dim3A_89 = vector.shape_cast %le3A_85 : vector<128x1xi1> to vector<128x1xi1>
    %broadcast_in_dim3A_90 = vector.broadcast %broadcast_in_dim3A_89 : vector<128x1xi1> to vector<128x256xi1>
    %broadcast_in_dim3A_91 = vector.broadcast %jit3A_88 : f32 to vector<128x256xf32>
    %select_n3A_92 = arith.select %broadcast_in_dim3A_90, %squeeze3A_87, %broadcast_in_dim3A_91 : vector<128x256xi1>, vector<128x256xf32>
    %max3A_93 = arith.maximumf %max3A_81, %select_n3A_92 : vector<128x256xf32>
    %slice3A_94 = vector.extract_strided_slice %get3A_37 {offsets = [0, 5], sizes = [128, 1], strides = [1, 1]} : vector<128x64xf32> to vector<128x1xf32>
    %le3A_95 = arith.constant 2.500000e-01 : f32
    %le3A_96 = vector.broadcast %le3A_95 : f32 to vector<128x1xf32>
    %le3A_97 = arith.cmpf ole, %slice3A_94, %le3A_96 : vector<128x1xf32>
    %slice3A_98 = vector.extract_strided_slice %reshape3A_34 {offsets = [0, 5, 0], sizes = [128, 1, 256], strides = [1, 1, 1]} : vector<128x64x256xf32> to vector<128x1x256xf32>
    %squeeze3A_99 = vector.shape_cast %slice3A_98 : vector<128x1x256xf32> to vector<128x256xf32>
    %jit3A_100 = arith.constant 0xFF800000 : f32
    %broadcast_in_dim3A_101 = vector.shape_cast %le3A_97 : vector<128x1xi1> to vector<128x1xi1>
    %broadcast_in_dim3A_102 = vector.broadcast %broadcast_in_dim3A_101 : vector<128x1xi1> to vector<128x256xi1>
    %broadcast_in_dim3A_103 = vector.broadcast %jit3A_100 : f32 to vector<128x256xf32>
    %select_n3A_104 = arith.select %broadcast_in_dim3A_102, %squeeze3A_99, %broadcast_in_dim3A_103 : vector<128x256xi1>, vector<128x256xf32>
    %max3A_105 = arith.maximumf %max3A_93, %select_n3A_104 : vector<128x256xf32>
    %slice3A_106 = vector.extract_strided_slice %get3A_37 {offsets = [0, 6], sizes = [128, 1], strides = [1, 1]} : vector<128x64xf32> to vector<128x1xf32>
    %le3A_107 = arith.constant 2.500000e-01 : f32
    %le3A_108 = vector.broadcast %le3A_107 : f32 to vector<128x1xf32>
    %le3A_109 = arith.cmpf ole, %slice3A_106, %le3A_108 : vector<128x1xf32>
    %slice3A_110 = vector.extract_strided_slice %reshape3A_34 {offsets = [0, 6, 0], sizes = [128, 1, 256], strides = [1, 1, 1]} : vector<128x64x256xf32> to vector<128x1x256xf32>
    %squeeze3A_111 = vector.shape_cast %slice3A_110 : vector<128x1x256xf32> to vector<128x256xf32>
    %jit3A_112 = arith.constant 0xFF800000 : f32
    %broadcast_in_dim3A_113 = vector.shape_cast %le3A_109 : vector<128x1xi1> to vector<128x1xi1>
    %broadcast_in_dim3A_114 = vector.broadcast %broadcast_in_dim3A_113 : vector<128x1xi1> to vector<128x256xi1>
    %broadcast_in_dim3A_115 = vector.broadcast %jit3A_112 : f32 to vector<128x256xf32>
    %select_n3A_116 = arith.select %broadcast_in_dim3A_114, %squeeze3A_111, %broadcast_in_dim3A_115 : vector<128x256xi1>, vector<128x256xf32>
    %max3A_117 = arith.maximumf %max3A_105, %select_n3A_116 : vector<128x256xf32>
    %slice3A_118 = vector.extract_strided_slice %get3A_37 {offsets = [0, 7], sizes = [128, 1], strides = [1, 1]} : vector<128x64xf32> to vector<128x1xf32>
    %le3A_119 = arith.constant 2.500000e-01 : f32
    %le3A_120 = vector.broadcast %le3A_119 : f32 to vector<128x1xf32>
    %le3A_121 = arith.cmpf ole, %slice3A_118, %le3A_120 : vector<128x1xf32>
    %slice3A_122 = vector.extract_strided_slice %reshape3A_34 {offsets = [0, 7, 0], sizes = [128, 1, 256], strides = [1, 1, 1]} : vector<128x64x256xf32> to vector<128x1x256xf32>
    %squeeze3A_123 = vector.shape_cast %slice3A_122 : vector<128x1x256xf32> to vector<128x256xf32>
    %jit3A_124 = arith.constant 0xFF800000 : f32
    %broadcast_in_dim3A_125 = vector.shape_cast %le3A_121 : vector<128x1xi1> to vector<128x1xi1>
    %broadcast_in_dim3A_126 = vector.broadcast %broadcast_in_dim3A_125 : vector<128x1xi1> to vector<128x256xi1>
    %broadcast_in_dim3A_127 = vector.broadcast %jit3A_124 : f32 to vector<128x256xf32>
    %select_n3A_128 = arith.select %broadcast_in_dim3A_126, %squeeze3A_123, %broadcast_in_dim3A_127 : vector<128x256xi1>, vector<128x256xf32>
    %max3A_129 = arith.maximumf %max3A_117, %select_n3A_128 : vector<128x256xf32>
    %slice3A_130 = vector.extract_strided_slice %get3A_37 {offsets = [0, 8], sizes = [128, 1], strides = [1, 1]} : vector<128x64xf32> to vector<128x1xf32>
    %le3A_131 = arith.constant 2.500000e-01 : f32
    %le3A_132 = vector.broadcast %le3A_131 : f32 to vector<128x1xf32>
    %le3A_133 = arith.cmpf ole, %slice3A_130, %le3A_132 : vector<128x1xf32>
    %slice3A_134 = vector.extract_strided_slice %reshape3A_34 {offsets = [0, 8, 0], sizes = [128, 1, 256], strides = [1, 1, 1]} : vector<128x64x256xf32> to vector<128x1x256xf32>
    %squeeze3A_135 = vector.shape_cast %slice3A_134 : vector<128x1x256xf32> to vector<128x256xf32>
    %jit3A_136 = arith.constant 0xFF800000 : f32
    %broadcast_in_dim3A_137 = vector.shape_cast %le3A_133 : vector<128x1xi1> to vector<128x1xi1>
    %broadcast_in_dim3A_138 = vector.broadcast %broadcast_in_dim3A_137 : vector<128x1xi1> to vector<128x256xi1>
    %broadcast_in_dim3A_139 = vector.broadcast %jit3A_136 : f32 to vector<128x256xf32>
    %select_n3A_140 = arith.select %broadcast_in_dim3A_138, %squeeze3A_135, %broadcast_in_dim3A_139 : vector<128x256xi1>, vector<128x256xf32>
    %max3A_141 = arith.maximumf %max3A_129, %select_n3A_140 : vector<128x256xf32>
    %slice3A_142 = vector.extract_strided_slice %get3A_37 {offsets = [0, 9], sizes = [128, 1], strides = [1, 1]} : vector<128x64xf32> to vector<128x1xf32>
    %le3A_143 = arith.constant 2.500000e-01 : f32
    %le3A_144 = vector.broadcast %le3A_143 : f32 to vector<128x1xf32>
    %le3A_145 = arith.cmpf ole, %slice3A_142, %le3A_144 : vector<128x1xf32>
    %slice3A_146 = vector.extract_strided_slice %reshape3A_34 {offsets = [0, 9, 0], sizes = [128, 1, 256], strides = [1, 1, 1]} : vector<128x64x256xf32> to vector<128x1x256xf32>
    %squeeze3A_147 = vector.shape_cast %slice3A_146 : vector<128x1x256xf32> to vector<128x256xf32>
    %jit3A_148 = arith.constant 0xFF800000 : f32
    %broadcast_in_dim3A_149 = vector.shape_cast %le3A_145 : vector<128x1xi1> to vector<128x1xi1>
    %broadcast_in_dim3A_150 = vector.broadcast %broadcast_in_dim3A_149 : vector<128x1xi1> to vector<128x256xi1>
    %broadcast_in_dim3A_151 = vector.broadcast %jit3A_148 : f32 to vector<128x256xf32>
    %select_n3A_152 = arith.select %broadcast_in_dim3A_150, %squeeze3A_147, %broadcast_in_dim3A_151 : vector<128x256xi1>, vector<128x256xf32>
    %max3A_153 = arith.maximumf %max3A_141, %select_n3A_152 : vector<128x256xf32>
    %slice3A_154 = vector.extract_strided_slice %get3A_37 {offsets = [0, 10], sizes = [128, 1], strides = [1, 1]} : vector<128x64xf32> to vector<128x1xf32>
    %le3A_155 = arith.constant 2.500000e-01 : f32
    %le3A_156 = vector.broadcast %le3A_155 : f32 to vector<128x1xf32>
    %le3A_157 = arith.cmpf ole, %slice3A_154, %le3A_156 : vector<128x1xf32>
    %slice3A_158 = vector.extract_strided_slice %reshape3A_34 {offsets = [0, 10, 0], sizes = [128, 1, 256], strides = [1, 1, 1]} : vector<128x64x256xf32> to vector<128x1x256xf32>
    %squeeze3A_159 = vector.shape_cast %slice3A_158 : vector<128x1x256xf32> to vector<128x256xf32>
    %jit3A_160 = arith.constant 0xFF800000 : f32
    %broadcast_in_dim3A_161 = vector.shape_cast %le3A_157 : vector<128x1xi1> to vector<128x1xi1>
    %broadcast_in_dim3A_162 = vector.broadcast %broadcast_in_dim3A_161 : vector<128x1xi1> to vector<128x256xi1>
    %broadcast_in_dim3A_163 = vector.broadcast %jit3A_160 : f32 to vector<128x256xf32>
    %select_n3A_164 = arith.select %broadcast_in_dim3A_162, %squeeze3A_159, %broadcast_in_dim3A_163 : vector<128x256xi1>, vector<128x256xf32>
    %max3A_165 = arith.maximumf %max3A_153, %select_n3A_164 : vector<128x256xf32>
    %slice3A_166 = vector.extract_strided_slice %get3A_37 {offsets = [0, 11], sizes = [128, 1], strides = [1, 1]} : vector<128x64xf32> to vector<128x1xf32>
    %le3A_167 = arith.constant 2.500000e-01 : f32
    %le3A_168 = vector.broadcast %le3A_167 : f32 to vector<128x1xf32>
    %le3A_169 = arith.cmpf ole, %slice3A_166, %le3A_168 : vector<128x1xf32>
    %slice3A_170 = vector.extract_strided_slice %reshape3A_34 {offsets = [0, 11, 0], sizes = [128, 1, 256], strides = [1, 1, 1]} : vector<128x64x256xf32> to vector<128x1x256xf32>
    %squeeze3A_171 = vector.shape_cast %slice3A_170 : vector<128x1x256xf32> to vector<128x256xf32>
    %jit3A_172 = arith.constant 0xFF800000 : f32
    %broadcast_in_dim3A_173 = vector.shape_cast %le3A_169 : vector<128x1xi1> to vector<128x1xi1>
    %broadcast_in_dim3A_174 = vector.broadcast %broadcast_in_dim3A_173 : vector<128x1xi1> to vector<128x256xi1>
    %broadcast_in_dim3A_175 = vector.broadcast %jit3A_172 : f32 to vector<128x256xf32>
    %select_n3A_176 = arith.select %broadcast_in_dim3A_174, %squeeze3A_171, %broadcast_in_dim3A_175 : vector<128x256xi1>, vector<128x256xf32>
    %max3A_177 = arith.maximumf %max3A_165, %select_n3A_176 : vector<128x256xf32>
    %slice3A_178 = vector.extract_strided_slice %get3A_37 {offsets = [0, 12], sizes = [128, 1], strides = [1, 1]} : vector<128x64xf32> to vector<128x1xf32>
    %le3A_179 = arith.constant 2.500000e-01 : f32
    %le3A_180 = vector.broadcast %le3A_179 : f32 to vector<128x1xf32>
    %le3A_181 = arith.cmpf ole, %slice3A_178, %le3A_180 : vector<128x1xf32>
    %slice3A_182 = vector.extract_strided_slice %reshape3A_34 {offsets = [0, 12, 0], sizes = [128, 1, 256], strides = [1, 1, 1]} : vector<128x64x256xf32> to vector<128x1x256xf32>
    %squeeze3A_183 = vector.shape_cast %slice3A_182 : vector<128x1x256xf32> to vector<128x256xf32>
    %jit3A_184 = arith.constant 0xFF800000 : f32
    %broadcast_in_dim3A_185 = vector.shape_cast %le3A_181 : vector<128x1xi1> to vector<128x1xi1>
    %broadcast_in_dim3A_186 = vector.broadcast %broadcast_in_dim3A_185 : vector<128x1xi1> to vector<128x256xi1>
    %broadcast_in_dim3A_187 = vector.broadcast %jit3A_184 : f32 to vector<128x256xf32>
    %select_n3A_188 = arith.select %broadcast_in_dim3A_186, %squeeze3A_183, %broadcast_in_dim3A_187 : vector<128x256xi1>, vector<128x256xf32>
    %max3A_189 = arith.maximumf %max3A_177, %select_n3A_188 : vector<128x256xf32>
    %slice3A_190 = vector.extract_strided_slice %get3A_37 {offsets = [0, 13], sizes = [128, 1], strides = [1, 1]} : vector<128x64xf32> to vector<128x1xf32>
    %le3A_191 = arith.constant 2.500000e-01 : f32
    %le3A_192 = vector.broadcast %le3A_191 : f32 to vector<128x1xf32>
    %le3A_193 = arith.cmpf ole, %slice3A_190, %le3A_192 : vector<128x1xf32>
    %slice3A_194 = vector.extract_strided_slice %reshape3A_34 {offsets = [0, 13, 0], sizes = [128, 1, 256], strides = [1, 1, 1]} : vector<128x64x256xf32> to vector<128x1x256xf32>
    %squeeze3A_195 = vector.shape_cast %slice3A_194 : vector<128x1x256xf32> to vector<128x256xf32>
    %jit3A_196 = arith.constant 0xFF800000 : f32
    %broadcast_in_dim3A_197 = vector.shape_cast %le3A_193 : vector<128x1xi1> to vector<128x1xi1>
    %broadcast_in_dim3A_198 = vector.broadcast %broadcast_in_dim3A_197 : vector<128x1xi1> to vector<128x256xi1>
    %broadcast_in_dim3A_199 = vector.broadcast %jit3A_196 : f32 to vector<128x256xf32>
    %select_n3A_200 = arith.select %broadcast_in_dim3A_198, %squeeze3A_195, %broadcast_in_dim3A_199 : vector<128x256xi1>, vector<128x256xf32>
    %max3A_201 = arith.maximumf %max3A_189, %select_n3A_200 : vector<128x256xf32>
    %slice3A_202 = vector.extract_strided_slice %get3A_37 {offsets = [0, 14], sizes = [128, 1], strides = [1, 1]} : vector<128x64xf32> to vector<128x1xf32>
    %le3A_203 = arith.constant 2.500000e-01 : f32
    %le3A_204 = vector.broadcast %le3A_203 : f32 to vector<128x1xf32>
    %le3A_205 = arith.cmpf ole, %slice3A_202, %le3A_204 : vector<128x1xf32>
    %slice3A_206 = vector.extract_strided_slice %reshape3A_34 {offsets = [0, 14, 0], sizes = [128, 1, 256], strides = [1, 1, 1]} : vector<128x64x256xf32> to vector<128x1x256xf32>
    %squeeze3A_207 = vector.shape_cast %slice3A_206 : vector<128x1x256xf32> to vector<128x256xf32>
    %jit3A_208 = arith.constant 0xFF800000 : f32
    %broadcast_in_dim3A_209 = vector.shape_cast %le3A_205 : vector<128x1xi1> to vector<128x1xi1>
    %broadcast_in_dim3A_210 = vector.broadcast %broadcast_in_dim3A_209 : vector<128x1xi1> to vector<128x256xi1>
    %broadcast_in_dim3A_211 = vector.broadcast %jit3A_208 : f32 to vector<128x256xf32>
    %select_n3A_212 = arith.select %broadcast_in_dim3A_210, %squeeze3A_207, %broadcast_in_dim3A_211 : vector<128x256xi1>, vector<128x256xf32>
    %max3A_213 = arith.maximumf %max3A_201, %select_n3A_212 : vector<128x256xf32>
    %slice3A_214 = vector.extract_strided_slice %get3A_37 {offsets = [0, 15], sizes = [128, 1], strides = [1, 1]} : vector<128x64xf32> to vector<128x1xf32>
    %le3A_215 = arith.constant 2.500000e-01 : f32
    %le3A_216 = vector.broadcast %le3A_215 : f32 to vector<128x1xf32>
    %le3A_217 = arith.cmpf ole, %slice3A_214, %le3A_216 : vector<128x1xf32>
    %slice3A_218 = vector.extract_strided_slice %reshape3A_34 {offsets = [0, 15, 0], sizes = [128, 1, 256], strides = [1, 1, 1]} : vector<128x64x256xf32> to vector<128x1x256xf32>
    %squeeze3A_219 = vector.shape_cast %slice3A_218 : vector<128x1x256xf32> to vector<128x256xf32>
    %jit3A_220 = arith.constant 0xFF800000 : f32
    %broadcast_in_dim3A_221 = vector.shape_cast %le3A_217 : vector<128x1xi1> to vector<128x1xi1>
    %broadcast_in_dim3A_222 = vector.broadcast %broadcast_in_dim3A_221 : vector<128x1xi1> to vector<128x256xi1>
    %broadcast_in_dim3A_223 = vector.broadcast %jit3A_220 : f32 to vector<128x256xf32>
    %select_n3A_224 = arith.select %broadcast_in_dim3A_222, %squeeze3A_219, %broadcast_in_dim3A_223 : vector<128x256xi1>, vector<128x256xf32>
    %max3A_225 = arith.maximumf %max3A_213, %select_n3A_224 : vector<128x256xf32>
    %slice3A_226 = vector.extract_strided_slice %get3A_37 {offsets = [0, 16], sizes = [128, 1], strides = [1, 1]} : vector<128x64xf32> to vector<128x1xf32>
    %le3A_227 = arith.constant 2.500000e-01 : f32
    %le3A_228 = vector.broadcast %le3A_227 : f32 to vector<128x1xf32>
    %le3A_229 = arith.cmpf ole, %slice3A_226, %le3A_228 : vector<128x1xf32>
    %slice3A_230 = vector.extract_strided_slice %reshape3A_34 {offsets = [0, 16, 0], sizes = [128, 1, 256], strides = [1, 1, 1]} : vector<128x64x256xf32> to vector<128x1x256xf32>
    %squeeze3A_231 = vector.shape_cast %slice3A_230 : vector<128x1x256xf32> to vector<128x256xf32>
    %jit3A_232 = arith.constant 0xFF800000 : f32
    %broadcast_in_dim3A_233 = vector.shape_cast %le3A_229 : vector<128x1xi1> to vector<128x1xi1>
    %broadcast_in_dim3A_234 = vector.broadcast %broadcast_in_dim3A_233 : vector<128x1xi1> to vector<128x256xi1>
    %broadcast_in_dim3A_235 = vector.broadcast %jit3A_232 : f32 to vector<128x256xf32>
    %select_n3A_236 = arith.select %broadcast_in_dim3A_234, %squeeze3A_231, %broadcast_in_dim3A_235 : vector<128x256xi1>, vector<128x256xf32>
    %max3A_237 = arith.maximumf %max3A_225, %select_n3A_236 : vector<128x256xf32>
    %slice3A_238 = vector.extract_strided_slice %get3A_37 {offsets = [0, 17], sizes = [128, 1], strides = [1, 1]} : vector<128x64xf32> to vector<128x1xf32>
    %le3A_239 = arith.constant 2.500000e-01 : f32
    %le3A_240 = vector.broadcast %le3A_239 : f32 to vector<128x1xf32>
    %le3A_241 = arith.cmpf ole, %slice3A_238, %le3A_240 : vector<128x1xf32>
    %slice3A_242 = vector.extract_strided_slice %reshape3A_34 {offsets = [0, 17, 0], sizes = [128, 1, 256], strides = [1, 1, 1]} : vector<128x64x256xf32> to vector<128x1x256xf32>
    %squeeze3A_243 = vector.shape_cast %slice3A_242 : vector<128x1x256xf32> to vector<128x256xf32>
    %jit3A_244 = arith.constant 0xFF800000 : f32
    %broadcast_in_dim3A_245 = vector.shape_cast %le3A_241 : vector<128x1xi1> to vector<128x1xi1>
    %broadcast_in_dim3A_246 = vector.broadcast %broadcast_in_dim3A_245 : vector<128x1xi1> to vector<128x256xi1>
    %broadcast_in_dim3A_247 = vector.broadcast %jit3A_244 : f32 to vector<128x256xf32>
    %select_n3A_248 = arith.select %broadcast_in_dim3A_246, %squeeze3A_243, %broadcast_in_dim3A_247 : vector<128x256xi1>, vector<128x256xf32>
    %max3A_249 = arith.maximumf %max3A_237, %select_n3A_248 : vector<128x256xf32>
    %slice3A_250 = vector.extract_strided_slice %get3A_37 {offsets = [0, 18], sizes = [128, 1], strides = [1, 1]} : vector<128x64xf32> to vector<128x1xf32>
    %le3A_251 = arith.constant 2.500000e-01 : f32
    %le3A_252 = vector.broadcast %le3A_251 : f32 to vector<128x1xf32>
    %le3A_253 = arith.cmpf ole, %slice3A_250, %le3A_252 : vector<128x1xf32>
    %slice3A_254 = vector.extract_strided_slice %reshape3A_34 {offsets = [0, 18, 0], sizes = [128, 1, 256], strides = [1, 1, 1]} : vector<128x64x256xf32> to vector<128x1x256xf32>
    %squeeze3A_255 = vector.shape_cast %slice3A_254 : vector<128x1x256xf32> to vector<128x256xf32>
    %jit3A_256 = arith.constant 0xFF800000 : f32
    %broadcast_in_dim3A_257 = vector.shape_cast %le3A_253 : vector<128x1xi1> to vector<128x1xi1>
    %broadcast_in_dim3A_258 = vector.broadcast %broadcast_in_dim3A_257 : vector<128x1xi1> to vector<128x256xi1>
    %broadcast_in_dim3A_259 = vector.broadcast %jit3A_256 : f32 to vector<128x256xf32>
    %select_n3A_260 = arith.select %broadcast_in_dim3A_258, %squeeze3A_255, %broadcast_in_dim3A_259 : vector<128x256xi1>, vector<128x256xf32>
    %max3A_261 = arith.maximumf %max3A_249, %select_n3A_260 : vector<128x256xf32>
    %slice3A_262 = vector.extract_strided_slice %get3A_37 {offsets = [0, 19], sizes = [128, 1], strides = [1, 1]} : vector<128x64xf32> to vector<128x1xf32>
    %le3A_263 = arith.constant 2.500000e-01 : f32
    %le3A_264 = vector.broadcast %le3A_263 : f32 to vector<128x1xf32>
    %le3A_265 = arith.cmpf ole, %slice3A_262, %le3A_264 : vector<128x1xf32>
    %slice3A_266 = vector.extract_strided_slice %reshape3A_34 {offsets = [0, 19, 0], sizes = [128, 1, 256], strides = [1, 1, 1]} : vector<128x64x256xf32> to vector<128x1x256xf32>
    %squeeze3A_267 = vector.shape_cast %slice3A_266 : vector<128x1x256xf32> to vector<128x256xf32>
    %jit3A_268 = arith.constant 0xFF800000 : f32
    %broadcast_in_dim3A_269 = vector.shape_cast %le3A_265 : vector<128x1xi1> to vector<128x1xi1>
    %broadcast_in_dim3A_270 = vector.broadcast %broadcast_in_dim3A_269 : vector<128x1xi1> to vector<128x256xi1>
    %broadcast_in_dim3A_271 = vector.broadcast %jit3A_268 : f32 to vector<128x256xf32>
    %select_n3A_272 = arith.select %broadcast_in_dim3A_270, %squeeze3A_267, %broadcast_in_dim3A_271 : vector<128x256xi1>, vector<128x256xf32>
    %max3A_273 = arith.maximumf %max3A_261, %select_n3A_272 : vector<128x256xf32>
    %slice3A_274 = vector.extract_strided_slice %get3A_37 {offsets = [0, 20], sizes = [128, 1], strides = [1, 1]} : vector<128x64xf32> to vector<128x1xf32>
    %le3A_275 = arith.constant 2.500000e-01 : f32
    %le3A_276 = vector.broadcast %le3A_275 : f32 to vector<128x1xf32>
    %le3A_277 = arith.cmpf ole, %slice3A_274, %le3A_276 : vector<128x1xf32>
    %slice3A_278 = vector.extract_strided_slice %reshape3A_34 {offsets = [0, 20, 0], sizes = [128, 1, 256], strides = [1, 1, 1]} : vector<128x64x256xf32> to vector<128x1x256xf32>
    %squeeze3A_279 = vector.shape_cast %slice3A_278 : vector<128x1x256xf32> to vector<128x256xf32>
    %jit3A_280 = arith.constant 0xFF800000 : f32
    %broadcast_in_dim3A_281 = vector.shape_cast %le3A_277 : vector<128x1xi1> to vector<128x1xi1>
    %broadcast_in_dim3A_282 = vector.broadcast %broadcast_in_dim3A_281 : vector<128x1xi1> to vector<128x256xi1>
    %broadcast_in_dim3A_283 = vector.broadcast %jit3A_280 : f32 to vector<128x256xf32>
    %select_n3A_284 = arith.select %broadcast_in_dim3A_282, %squeeze3A_279, %broadcast_in_dim3A_283 : vector<128x256xi1>, vector<128x256xf32>
    %max3A_285 = arith.maximumf %max3A_273, %select_n3A_284 : vector<128x256xf32>
    %slice3A_286 = vector.extract_strided_slice %get3A_37 {offsets = [0, 21], sizes = [128, 1], strides = [1, 1]} : vector<128x64xf32> to vector<128x1xf32>
    %le3A_287 = arith.constant 2.500000e-01 : f32
    %le3A_288 = vector.broadcast %le3A_287 : f32 to vector<128x1xf32>
    %le3A_289 = arith.cmpf ole, %slice3A_286, %le3A_288 : vector<128x1xf32>
    %slice3A_290 = vector.extract_strided_slice %reshape3A_34 {offsets = [0, 21, 0], sizes = [128, 1, 256], strides = [1, 1, 1]} : vector<128x64x256xf32> to vector<128x1x256xf32>
    %squeeze3A_291 = vector.shape_cast %slice3A_290 : vector<128x1x256xf32> to vector<128x256xf32>
    %jit3A_292 = arith.constant 0xFF800000 : f32
    %broadcast_in_dim3A_293 = vector.shape_cast %le3A_289 : vector<128x1xi1> to vector<128x1xi1>
    %broadcast_in_dim3A_294 = vector.broadcast %broadcast_in_dim3A_293 : vector<128x1xi1> to vector<128x256xi1>
    %broadcast_in_dim3A_295 = vector.broadcast %jit3A_292 : f32 to vector<128x256xf32>
    %select_n3A_296 = arith.select %broadcast_in_dim3A_294, %squeeze3A_291, %broadcast_in_dim3A_295 : vector<128x256xi1>, vector<128x256xf32>
    %max3A_297 = arith.maximumf %max3A_285, %select_n3A_296 : vector<128x256xf32>
    %slice3A_298 = vector.extract_strided_slice %get3A_37 {offsets = [0, 22], sizes = [128, 1], strides = [1, 1]} : vector<128x64xf32> to vector<128x1xf32>
    %le3A_299 = arith.constant 2.500000e-01 : f32
    %le3A_300 = vector.broadcast %le3A_299 : f32 to vector<128x1xf32>
    %le3A_301 = arith.cmpf ole, %slice3A_298, %le3A_300 : vector<128x1xf32>
    %slice3A_302 = vector.extract_strided_slice %reshape3A_34 {offsets = [0, 22, 0], sizes = [128, 1, 256], strides = [1, 1, 1]} : vector<128x64x256xf32> to vector<128x1x256xf32>
    %squeeze3A_303 = vector.shape_cast %slice3A_302 : vector<128x1x256xf32> to vector<128x256xf32>
    %jit3A_304 = arith.constant 0xFF800000 : f32
    %broadcast_in_dim3A_305 = vector.shape_cast %le3A_301 : vector<128x1xi1> to vector<128x1xi1>
    %broadcast_in_dim3A_306 = vector.broadcast %broadcast_in_dim3A_305 : vector<128x1xi1> to vector<128x256xi1>
    %broadcast_in_dim3A_307 = vector.broadcast %jit3A_304 : f32 to vector<128x256xf32>
    %select_n3A_308 = arith.select %broadcast_in_dim3A_306, %squeeze3A_303, %broadcast_in_dim3A_307 : vector<128x256xi1>, vector<128x256xf32>
    %max3A_309 = arith.maximumf %max3A_297, %select_n3A_308 : vector<128x256xf32>
    %slice3A_310 = vector.extract_strided_slice %get3A_37 {offsets = [0, 23], sizes = [128, 1], strides = [1, 1]} : vector<128x64xf32> to vector<128x1xf32>
    %le3A_311 = arith.constant 2.500000e-01 : f32
    %le3A_312 = vector.broadcast %le3A_311 : f32 to vector<128x1xf32>
    %le3A_313 = arith.cmpf ole, %slice3A_310, %le3A_312 : vector<128x1xf32>
    %slice3A_314 = vector.extract_strided_slice %reshape3A_34 {offsets = [0, 23, 0], sizes = [128, 1, 256], strides = [1, 1, 1]} : vector<128x64x256xf32> to vector<128x1x256xf32>
    %squeeze3A_315 = vector.shape_cast %slice3A_314 : vector<128x1x256xf32> to vector<128x256xf32>
    %jit3A_316 = arith.constant 0xFF800000 : f32
    %broadcast_in_dim3A_317 = vector.shape_cast %le3A_313 : vector<128x1xi1> to vector<128x1xi1>
    %broadcast_in_dim3A_318 = vector.broadcast %broadcast_in_dim3A_317 : vector<128x1xi1> to vector<128x256xi1>
    %broadcast_in_dim3A_319 = vector.broadcast %jit3A_316 : f32 to vector<128x256xf32>
    %select_n3A_320 = arith.select %broadcast_in_dim3A_318, %squeeze3A_315, %broadcast_in_dim3A_319 : vector<128x256xi1>, vector<128x256xf32>
    %max3A_321 = arith.maximumf %max3A_309, %select_n3A_320 : vector<128x256xf32>
    %slice3A_322 = vector.extract_strided_slice %get3A_37 {offsets = [0, 24], sizes = [128, 1], strides = [1, 1]} : vector<128x64xf32> to vector<128x1xf32>
    %le3A_323 = arith.constant 2.500000e-01 : f32
    %le3A_324 = vector.broadcast %le3A_323 : f32 to vector<128x1xf32>
    %le3A_325 = arith.cmpf ole, %slice3A_322, %le3A_324 : vector<128x1xf32>
    %slice3A_326 = vector.extract_strided_slice %reshape3A_34 {offsets = [0, 24, 0], sizes = [128, 1, 256], strides = [1, 1, 1]} : vector<128x64x256xf32> to vector<128x1x256xf32>
    %squeeze3A_327 = vector.shape_cast %slice3A_326 : vector<128x1x256xf32> to vector<128x256xf32>
    %jit3A_328 = arith.constant 0xFF800000 : f32
    %broadcast_in_dim3A_329 = vector.shape_cast %le3A_325 : vector<128x1xi1> to vector<128x1xi1>
    %broadcast_in_dim3A_330 = vector.broadcast %broadcast_in_dim3A_329 : vector<128x1xi1> to vector<128x256xi1>
    %broadcast_in_dim3A_331 = vector.broadcast %jit3A_328 : f32 to vector<128x256xf32>
    %select_n3A_332 = arith.select %broadcast_in_dim3A_330, %squeeze3A_327, %broadcast_in_dim3A_331 : vector<128x256xi1>, vector<128x256xf32>
    %max3A_333 = arith.maximumf %max3A_321, %select_n3A_332 : vector<128x256xf32>
    %slice3A_334 = vector.extract_strided_slice %get3A_37 {offsets = [0, 25], sizes = [128, 1], strides = [1, 1]} : vector<128x64xf32> to vector<128x1xf32>
    %le3A_335 = arith.constant 2.500000e-01 : f32
    %le3A_336 = vector.broadcast %le3A_335 : f32 to vector<128x1xf32>
    %le3A_337 = arith.cmpf ole, %slice3A_334, %le3A_336 : vector<128x1xf32>
    %slice3A_338 = vector.extract_strided_slice %reshape3A_34 {offsets = [0, 25, 0], sizes = [128, 1, 256], strides = [1, 1, 1]} : vector<128x64x256xf32> to vector<128x1x256xf32>
    %squeeze3A_339 = vector.shape_cast %slice3A_338 : vector<128x1x256xf32> to vector<128x256xf32>
    %jit3A_340 = arith.constant 0xFF800000 : f32
    %broadcast_in_dim3A_341 = vector.shape_cast %le3A_337 : vector<128x1xi1> to vector<128x1xi1>
    %broadcast_in_dim3A_342 = vector.broadcast %broadcast_in_dim3A_341 : vector<128x1xi1> to vector<128x256xi1>
    %broadcast_in_dim3A_343 = vector.broadcast %jit3A_340 : f32 to vector<128x256xf32>
    %select_n3A_344 = arith.select %broadcast_in_dim3A_342, %squeeze3A_339, %broadcast_in_dim3A_343 : vector<128x256xi1>, vector<128x256xf32>
    %max3A_345 = arith.maximumf %max3A_333, %select_n3A_344 : vector<128x256xf32>
    %slice3A_346 = vector.extract_strided_slice %get3A_37 {offsets = [0, 26], sizes = [128, 1], strides = [1, 1]} : vector<128x64xf32> to vector<128x1xf32>
    %le3A_347 = arith.constant 2.500000e-01 : f32
    %le3A_348 = vector.broadcast %le3A_347 : f32 to vector<128x1xf32>
    %le3A_349 = arith.cmpf ole, %slice3A_346, %le3A_348 : vector<128x1xf32>
    %slice3A_350 = vector.extract_strided_slice %reshape3A_34 {offsets = [0, 26, 0], sizes = [128, 1, 256], strides = [1, 1, 1]} : vector<128x64x256xf32> to vector<128x1x256xf32>
    %squeeze3A_351 = vector.shape_cast %slice3A_350 : vector<128x1x256xf32> to vector<128x256xf32>
    %jit3A_352 = arith.constant 0xFF800000 : f32
    %broadcast_in_dim3A_353 = vector.shape_cast %le3A_349 : vector<128x1xi1> to vector<128x1xi1>
    %broadcast_in_dim3A_354 = vector.broadcast %broadcast_in_dim3A_353 : vector<128x1xi1> to vector<128x256xi1>
    %broadcast_in_dim3A_355 = vector.broadcast %jit3A_352 : f32 to vector<128x256xf32>
    %select_n3A_356 = arith.select %broadcast_in_dim3A_354, %squeeze3A_351, %broadcast_in_dim3A_355 : vector<128x256xi1>, vector<128x256xf32>
    %max3A_357 = arith.maximumf %max3A_345, %select_n3A_356 : vector<128x256xf32>
    %slice3A_358 = vector.extract_strided_slice %get3A_37 {offsets = [0, 27], sizes = [128, 1], strides = [1, 1]} : vector<128x64xf32> to vector<128x1xf32>
    %le3A_359 = arith.constant 2.500000e-01 : f32
    %le3A_360 = vector.broadcast %le3A_359 : f32 to vector<128x1xf32>
    %le3A_361 = arith.cmpf ole, %slice3A_358, %le3A_360 : vector<128x1xf32>
    %slice3A_362 = vector.extract_strided_slice %reshape3A_34 {offsets = [0, 27, 0], sizes = [128, 1, 256], strides = [1, 1, 1]} : vector<128x64x256xf32> to vector<128x1x256xf32>
    %squeeze3A_363 = vector.shape_cast %slice3A_362 : vector<128x1x256xf32> to vector<128x256xf32>
    %jit3A_364 = arith.constant 0xFF800000 : f32
    %broadcast_in_dim3A_365 = vector.shape_cast %le3A_361 : vector<128x1xi1> to vector<128x1xi1>
    %broadcast_in_dim3A_366 = vector.broadcast %broadcast_in_dim3A_365 : vector<128x1xi1> to vector<128x256xi1>
    %broadcast_in_dim3A_367 = vector.broadcast %jit3A_364 : f32 to vector<128x256xf32>
    %select_n3A_368 = arith.select %broadcast_in_dim3A_366, %squeeze3A_363, %broadcast_in_dim3A_367 : vector<128x256xi1>, vector<128x256xf32>
    %max3A_369 = arith.maximumf %max3A_357, %select_n3A_368 : vector<128x256xf32>
    %slice3A_370 = vector.extract_strided_slice %get3A_37 {offsets = [0, 28], sizes = [128, 1], strides = [1, 1]} : vector<128x64xf32> to vector<128x1xf32>
    %le3A_371 = arith.constant 2.500000e-01 : f32
    %le3A_372 = vector.broadcast %le3A_371 : f32 to vector<128x1xf32>
    %le3A_373 = arith.cmpf ole, %slice3A_370, %le3A_372 : vector<128x1xf32>
    %slice3A_374 = vector.extract_strided_slice %reshape3A_34 {offsets = [0, 28, 0], sizes = [128, 1, 256], strides = [1, 1, 1]} : vector<128x64x256xf32> to vector<128x1x256xf32>
    %squeeze3A_375 = vector.shape_cast %slice3A_374 : vector<128x1x256xf32> to vector<128x256xf32>
    %jit3A_376 = arith.constant 0xFF800000 : f32
    %broadcast_in_dim3A_377 = vector.shape_cast %le3A_373 : vector<128x1xi1> to vector<128x1xi1>
    %broadcast_in_dim3A_378 = vector.broadcast %broadcast_in_dim3A_377 : vector<128x1xi1> to vector<128x256xi1>
    %broadcast_in_dim3A_379 = vector.broadcast %jit3A_376 : f32 to vector<128x256xf32>
    %select_n3A_380 = arith.select %broadcast_in_dim3A_378, %squeeze3A_375, %broadcast_in_dim3A_379 : vector<128x256xi1>, vector<128x256xf32>
    %max3A_381 = arith.maximumf %max3A_369, %select_n3A_380 : vector<128x256xf32>
    %slice3A_382 = vector.extract_strided_slice %get3A_37 {offsets = [0, 29], sizes = [128, 1], strides = [1, 1]} : vector<128x64xf32> to vector<128x1xf32>
    %le3A_383 = arith.constant 2.500000e-01 : f32
    %le3A_384 = vector.broadcast %le3A_383 : f32 to vector<128x1xf32>
    %le3A_385 = arith.cmpf ole, %slice3A_382, %le3A_384 : vector<128x1xf32>
    %slice3A_386 = vector.extract_strided_slice %reshape3A_34 {offsets = [0, 29, 0], sizes = [128, 1, 256], strides = [1, 1, 1]} : vector<128x64x256xf32> to vector<128x1x256xf32>
    %squeeze3A_387 = vector.shape_cast %slice3A_386 : vector<128x1x256xf32> to vector<128x256xf32>
    %jit3A_388 = arith.constant 0xFF800000 : f32
    %broadcast_in_dim3A_389 = vector.shape_cast %le3A_385 : vector<128x1xi1> to vector<128x1xi1>
    %broadcast_in_dim3A_390 = vector.broadcast %broadcast_in_dim3A_389 : vector<128x1xi1> to vector<128x256xi1>
    %broadcast_in_dim3A_391 = vector.broadcast %jit3A_388 : f32 to vector<128x256xf32>
    %select_n3A_392 = arith.select %broadcast_in_dim3A_390, %squeeze3A_387, %broadcast_in_dim3A_391 : vector<128x256xi1>, vector<128x256xf32>
    %max3A_393 = arith.maximumf %max3A_381, %select_n3A_392 : vector<128x256xf32>
    %slice3A_394 = vector.extract_strided_slice %get3A_37 {offsets = [0, 30], sizes = [128, 1], strides = [1, 1]} : vector<128x64xf32> to vector<128x1xf32>
    %le3A_395 = arith.constant 2.500000e-01 : f32
    %le3A_396 = vector.broadcast %le3A_395 : f32 to vector<128x1xf32>
    %le3A_397 = arith.cmpf ole, %slice3A_394, %le3A_396 : vector<128x1xf32>
    %slice3A_398 = vector.extract_strided_slice %reshape3A_34 {offsets = [0, 30, 0], sizes = [128, 1, 256], strides = [1, 1, 1]} : vector<128x64x256xf32> to vector<128x1x256xf32>
    %squeeze3A_399 = vector.shape_cast %slice3A_398 : vector<128x1x256xf32> to vector<128x256xf32>
    %jit3A_400 = arith.constant 0xFF800000 : f32
    %broadcast_in_dim3A_401 = vector.shape_cast %le3A_397 : vector<128x1xi1> to vector<128x1xi1>
    %broadcast_in_dim3A_402 = vector.broadcast %broadcast_in_dim3A_401 : vector<128x1xi1> to vector<128x256xi1>
    %broadcast_in_dim3A_403 = vector.broadcast %jit3A_400 : f32 to vector<128x256xf32>
    %select_n3A_404 = arith.select %broadcast_in_dim3A_402, %squeeze3A_399, %broadcast_in_dim3A_403 : vector<128x256xi1>, vector<128x256xf32>
    %max3A_405 = arith.maximumf %max3A_393, %select_n3A_404 : vector<128x256xf32>
    %slice3A_406 = vector.extract_strided_slice %get3A_37 {offsets = [0, 31], sizes = [128, 1], strides = [1, 1]} : vector<128x64xf32> to vector<128x1xf32>
    %le3A_407 = arith.constant 2.500000e-01 : f32
    %le3A_408 = vector.broadcast %le3A_407 : f32 to vector<128x1xf32>
    %le3A_409 = arith.cmpf ole, %slice3A_406, %le3A_408 : vector<128x1xf32>
    %slice3A_410 = vector.extract_strided_slice %reshape3A_34 {offsets = [0, 31, 0], sizes = [128, 1, 256], strides = [1, 1, 1]} : vector<128x64x256xf32> to vector<128x1x256xf32>
    %squeeze3A_411 = vector.shape_cast %slice3A_410 : vector<128x1x256xf32> to vector<128x256xf32>
    %jit3A_412 = arith.constant 0xFF800000 : f32
    %broadcast_in_dim3A_413 = vector.shape_cast %le3A_409 : vector<128x1xi1> to vector<128x1xi1>
    %broadcast_in_dim3A_414 = vector.broadcast %broadcast_in_dim3A_413 : vector<128x1xi1> to vector<128x256xi1>
    %broadcast_in_dim3A_415 = vector.broadcast %jit3A_412 : f32 to vector<128x256xf32>
    %select_n3A_416 = arith.select %broadcast_in_dim3A_414, %squeeze3A_411, %broadcast_in_dim3A_415 : vector<128x256xi1>, vector<128x256xf32>
    %max3A_417 = arith.maximumf %max3A_405, %select_n3A_416 : vector<128x256xf32>
    %slice3A_418 = vector.extract_strided_slice %get3A_37 {offsets = [0, 32], sizes = [128, 1], strides = [1, 1]} : vector<128x64xf32> to vector<128x1xf32>
    %le3A_419 = arith.constant 2.500000e-01 : f32
    %le3A_420 = vector.broadcast %le3A_419 : f32 to vector<128x1xf32>
    %le3A_421 = arith.cmpf ole, %slice3A_418, %le3A_420 : vector<128x1xf32>
    %slice3A_422 = vector.extract_strided_slice %reshape3A_34 {offsets = [0, 32, 0], sizes = [128, 1, 256], strides = [1, 1, 1]} : vector<128x64x256xf32> to vector<128x1x256xf32>
    %squeeze3A_423 = vector.shape_cast %slice3A_422 : vector<128x1x256xf32> to vector<128x256xf32>
    %jit3A_424 = arith.constant 0xFF800000 : f32
    %broadcast_in_dim3A_425 = vector.shape_cast %le3A_421 : vector<128x1xi1> to vector<128x1xi1>
    %broadcast_in_dim3A_426 = vector.broadcast %broadcast_in_dim3A_425 : vector<128x1xi1> to vector<128x256xi1>
    %broadcast_in_dim3A_427 = vector.broadcast %jit3A_424 : f32 to vector<128x256xf32>
    %select_n3A_428 = arith.select %broadcast_in_dim3A_426, %squeeze3A_423, %broadcast_in_dim3A_427 : vector<128x256xi1>, vector<128x256xf32>
    %max3A_429 = arith.maximumf %max3A_417, %select_n3A_428 : vector<128x256xf32>
    %slice3A_430 = vector.extract_strided_slice %get3A_37 {offsets = [0, 33], sizes = [128, 1], strides = [1, 1]} : vector<128x64xf32> to vector<128x1xf32>
    %le3A_431 = arith.constant 2.500000e-01 : f32
    %le3A_432 = vector.broadcast %le3A_431 : f32 to vector<128x1xf32>
    %le3A_433 = arith.cmpf ole, %slice3A_430, %le3A_432 : vector<128x1xf32>
    %slice3A_434 = vector.extract_strided_slice %reshape3A_34 {offsets = [0, 33, 0], sizes = [128, 1, 256], strides = [1, 1, 1]} : vector<128x64x256xf32> to vector<128x1x256xf32>
    %squeeze3A_435 = vector.shape_cast %slice3A_434 : vector<128x1x256xf32> to vector<128x256xf32>
    %jit3A_436 = arith.constant 0xFF800000 : f32
    %broadcast_in_dim3A_437 = vector.shape_cast %le3A_433 : vector<128x1xi1> to vector<128x1xi1>
    %broadcast_in_dim3A_438 = vector.broadcast %broadcast_in_dim3A_437 : vector<128x1xi1> to vector<128x256xi1>
    %broadcast_in_dim3A_439 = vector.broadcast %jit3A_436 : f32 to vector<128x256xf32>
    %select_n3A_440 = arith.select %broadcast_in_dim3A_438, %squeeze3A_435, %broadcast_in_dim3A_439 : vector<128x256xi1>, vector<128x256xf32>
    %max3A_441 = arith.maximumf %max3A_429, %select_n3A_440 : vector<128x256xf32>
    %slice3A_442 = vector.extract_strided_slice %get3A_37 {offsets = [0, 34], sizes = [128, 1], strides = [1, 1]} : vector<128x64xf32> to vector<128x1xf32>
    %le3A_443 = arith.constant 2.500000e-01 : f32
    %le3A_444 = vector.broadcast %le3A_443 : f32 to vector<128x1xf32>
    %le3A_445 = arith.cmpf ole, %slice3A_442, %le3A_444 : vector<128x1xf32>
    %slice3A_446 = vector.extract_strided_slice %reshape3A_34 {offsets = [0, 34, 0], sizes = [128, 1, 256], strides = [1, 1, 1]} : vector<128x64x256xf32> to vector<128x1x256xf32>
    %squeeze3A_447 = vector.shape_cast %slice3A_446 : vector<128x1x256xf32> to vector<128x256xf32>
    %jit3A_448 = arith.constant 0xFF800000 : f32
    %broadcast_in_dim3A_449 = vector.shape_cast %le3A_445 : vector<128x1xi1> to vector<128x1xi1>
    %broadcast_in_dim3A_450 = vector.broadcast %broadcast_in_dim3A_449 : vector<128x1xi1> to vector<128x256xi1>
    %broadcast_in_dim3A_451 = vector.broadcast %jit3A_448 : f32 to vector<128x256xf32>
    %select_n3A_452 = arith.select %broadcast_in_dim3A_450, %squeeze3A_447, %broadcast_in_dim3A_451 : vector<128x256xi1>, vector<128x256xf32>
    %max3A_453 = arith.maximumf %max3A_441, %select_n3A_452 : vector<128x256xf32>
    %slice3A_454 = vector.extract_strided_slice %get3A_37 {offsets = [0, 35], sizes = [128, 1], strides = [1, 1]} : vector<128x64xf32> to vector<128x1xf32>
    %le3A_455 = arith.constant 2.500000e-01 : f32
    %le3A_456 = vector.broadcast %le3A_455 : f32 to vector<128x1xf32>
    %le3A_457 = arith.cmpf ole, %slice3A_454, %le3A_456 : vector<128x1xf32>
    %slice3A_458 = vector.extract_strided_slice %reshape3A_34 {offsets = [0, 35, 0], sizes = [128, 1, 256], strides = [1, 1, 1]} : vector<128x64x256xf32> to vector<128x1x256xf32>
    %squeeze3A_459 = vector.shape_cast %slice3A_458 : vector<128x1x256xf32> to vector<128x256xf32>
    %jit3A_460 = arith.constant 0xFF800000 : f32
    %broadcast_in_dim3A_461 = vector.shape_cast %le3A_457 : vector<128x1xi1> to vector<128x1xi1>
    %broadcast_in_dim3A_462 = vector.broadcast %broadcast_in_dim3A_461 : vector<128x1xi1> to vector<128x256xi1>
    %broadcast_in_dim3A_463 = vector.broadcast %jit3A_460 : f32 to vector<128x256xf32>
    %select_n3A_464 = arith.select %broadcast_in_dim3A_462, %squeeze3A_459, %broadcast_in_dim3A_463 : vector<128x256xi1>, vector<128x256xf32>
    %max3A_465 = arith.maximumf %max3A_453, %select_n3A_464 : vector<128x256xf32>
    %slice3A_466 = vector.extract_strided_slice %get3A_37 {offsets = [0, 36], sizes = [128, 1], strides = [1, 1]} : vector<128x64xf32> to vector<128x1xf32>
    %le3A_467 = arith.constant 2.500000e-01 : f32
    %le3A_468 = vector.broadcast %le3A_467 : f32 to vector<128x1xf32>
    %le3A_469 = arith.cmpf ole, %slice3A_466, %le3A_468 : vector<128x1xf32>
    %slice3A_470 = vector.extract_strided_slice %reshape3A_34 {offsets = [0, 36, 0], sizes = [128, 1, 256], strides = [1, 1, 1]} : vector<128x64x256xf32> to vector<128x1x256xf32>
    %squeeze3A_471 = vector.shape_cast %slice3A_470 : vector<128x1x256xf32> to vector<128x256xf32>
    %jit3A_472 = arith.constant 0xFF800000 : f32
    %broadcast_in_dim3A_473 = vector.shape_cast %le3A_469 : vector<128x1xi1> to vector<128x1xi1>
    %broadcast_in_dim3A_474 = vector.broadcast %broadcast_in_dim3A_473 : vector<128x1xi1> to vector<128x256xi1>
    %broadcast_in_dim3A_475 = vector.broadcast %jit3A_472 : f32 to vector<128x256xf32>
    %select_n3A_476 = arith.select %broadcast_in_dim3A_474, %squeeze3A_471, %broadcast_in_dim3A_475 : vector<128x256xi1>, vector<128x256xf32>
    %max3A_477 = arith.maximumf %max3A_465, %select_n3A_476 : vector<128x256xf32>
    %slice3A_478 = vector.extract_strided_slice %get3A_37 {offsets = [0, 37], sizes = [128, 1], strides = [1, 1]} : vector<128x64xf32> to vector<128x1xf32>
    %le3A_479 = arith.constant 2.500000e-01 : f32
    %le3A_480 = vector.broadcast %le3A_479 : f32 to vector<128x1xf32>
    %le3A_481 = arith.cmpf ole, %slice3A_478, %le3A_480 : vector<128x1xf32>
    %slice3A_482 = vector.extract_strided_slice %reshape3A_34 {offsets = [0, 37, 0], sizes = [128, 1, 256], strides = [1, 1, 1]} : vector<128x64x256xf32> to vector<128x1x256xf32>
    %squeeze3A_483 = vector.shape_cast %slice3A_482 : vector<128x1x256xf32> to vector<128x256xf32>
    %jit3A_484 = arith.constant 0xFF800000 : f32
    %broadcast_in_dim3A_485 = vector.shape_cast %le3A_481 : vector<128x1xi1> to vector<128x1xi1>
    %broadcast_in_dim3A_486 = vector.broadcast %broadcast_in_dim3A_485 : vector<128x1xi1> to vector<128x256xi1>
    %broadcast_in_dim3A_487 = vector.broadcast %jit3A_484 : f32 to vector<128x256xf32>
    %select_n3A_488 = arith.select %broadcast_in_dim3A_486, %squeeze3A_483, %broadcast_in_dim3A_487 : vector<128x256xi1>, vector<128x256xf32>
    %max3A_489 = arith.maximumf %max3A_477, %select_n3A_488 : vector<128x256xf32>
    %slice3A_490 = vector.extract_strided_slice %get3A_37 {offsets = [0, 38], sizes = [128, 1], strides = [1, 1]} : vector<128x64xf32> to vector<128x1xf32>
    %le3A_491 = arith.constant 2.500000e-01 : f32
    %le3A_492 = vector.broadcast %le3A_491 : f32 to vector<128x1xf32>
    %le3A_493 = arith.cmpf ole, %slice3A_490, %le3A_492 : vector<128x1xf32>
    %slice3A_494 = vector.extract_strided_slice %reshape3A_34 {offsets = [0, 38, 0], sizes = [128, 1, 256], strides = [1, 1, 1]} : vector<128x64x256xf32> to vector<128x1x256xf32>
    %squeeze3A_495 = vector.shape_cast %slice3A_494 : vector<128x1x256xf32> to vector<128x256xf32>
    %jit3A_496 = arith.constant 0xFF800000 : f32
    %broadcast_in_dim3A_497 = vector.shape_cast %le3A_493 : vector<128x1xi1> to vector<128x1xi1>
    %broadcast_in_dim3A_498 = vector.broadcast %broadcast_in_dim3A_497 : vector<128x1xi1> to vector<128x256xi1>
    %broadcast_in_dim3A_499 = vector.broadcast %jit3A_496 : f32 to vector<128x256xf32>
    %select_n3A_500 = arith.select %broadcast_in_dim3A_498, %squeeze3A_495, %broadcast_in_dim3A_499 : vector<128x256xi1>, vector<128x256xf32>
    %max3A_501 = arith.maximumf %max3A_489, %select_n3A_500 : vector<128x256xf32>
    %slice3A_502 = vector.extract_strided_slice %get3A_37 {offsets = [0, 39], sizes = [128, 1], strides = [1, 1]} : vector<128x64xf32> to vector<128x1xf32>
    %le3A_503 = arith.constant 2.500000e-01 : f32
    %le3A_504 = vector.broadcast %le3A_503 : f32 to vector<128x1xf32>
    %le3A_505 = arith.cmpf ole, %slice3A_502, %le3A_504 : vector<128x1xf32>
    %slice3A_506 = vector.extract_strided_slice %reshape3A_34 {offsets = [0, 39, 0], sizes = [128, 1, 256], strides = [1, 1, 1]} : vector<128x64x256xf32> to vector<128x1x256xf32>
    %squeeze3A_507 = vector.shape_cast %slice3A_506 : vector<128x1x256xf32> to vector<128x256xf32>
    %jit3A_508 = arith.constant 0xFF800000 : f32
    %broadcast_in_dim3A_509 = vector.shape_cast %le3A_505 : vector<128x1xi1> to vector<128x1xi1>
    %broadcast_in_dim3A_510 = vector.broadcast %broadcast_in_dim3A_509 : vector<128x1xi1> to vector<128x256xi1>
    %broadcast_in_dim3A_511 = vector.broadcast %jit3A_508 : f32 to vector<128x256xf32>
    %select_n3A_512 = arith.select %broadcast_in_dim3A_510, %squeeze3A_507, %broadcast_in_dim3A_511 : vector<128x256xi1>, vector<128x256xf32>
    %max3A_513 = arith.maximumf %max3A_501, %select_n3A_512 : vector<128x256xf32>
    %slice3A_514 = vector.extract_strided_slice %get3A_37 {offsets = [0, 40], sizes = [128, 1], strides = [1, 1]} : vector<128x64xf32> to vector<128x1xf32>
    %le3A_515 = arith.constant 2.500000e-01 : f32
    %le3A_516 = vector.broadcast %le3A_515 : f32 to vector<128x1xf32>
    %le3A_517 = arith.cmpf ole, %slice3A_514, %le3A_516 : vector<128x1xf32>
    %slice3A_518 = vector.extract_strided_slice %reshape3A_34 {offsets = [0, 40, 0], sizes = [128, 1, 256], strides = [1, 1, 1]} : vector<128x64x256xf32> to vector<128x1x256xf32>
    %squeeze3A_519 = vector.shape_cast %slice3A_518 : vector<128x1x256xf32> to vector<128x256xf32>
    %jit3A_520 = arith.constant 0xFF800000 : f32
    %broadcast_in_dim3A_521 = vector.shape_cast %le3A_517 : vector<128x1xi1> to vector<128x1xi1>
    %broadcast_in_dim3A_522 = vector.broadcast %broadcast_in_dim3A_521 : vector<128x1xi1> to vector<128x256xi1>
    %broadcast_in_dim3A_523 = vector.broadcast %jit3A_520 : f32 to vector<128x256xf32>
    %select_n3A_524 = arith.select %broadcast_in_dim3A_522, %squeeze3A_519, %broadcast_in_dim3A_523 : vector<128x256xi1>, vector<128x256xf32>
    %max3A_525 = arith.maximumf %max3A_513, %select_n3A_524 : vector<128x256xf32>
    %slice3A_526 = vector.extract_strided_slice %get3A_37 {offsets = [0, 41], sizes = [128, 1], strides = [1, 1]} : vector<128x64xf32> to vector<128x1xf32>
    %le3A_527 = arith.constant 2.500000e-01 : f32
    %le3A_528 = vector.broadcast %le3A_527 : f32 to vector<128x1xf32>
    %le3A_529 = arith.cmpf ole, %slice3A_526, %le3A_528 : vector<128x1xf32>
    %slice3A_530 = vector.extract_strided_slice %reshape3A_34 {offsets = [0, 41, 0], sizes = [128, 1, 256], strides = [1, 1, 1]} : vector<128x64x256xf32> to vector<128x1x256xf32>
    %squeeze3A_531 = vector.shape_cast %slice3A_530 : vector<128x1x256xf32> to vector<128x256xf32>
    %jit3A_532 = arith.constant 0xFF800000 : f32
    %broadcast_in_dim3A_533 = vector.shape_cast %le3A_529 : vector<128x1xi1> to vector<128x1xi1>
    %broadcast_in_dim3A_534 = vector.broadcast %broadcast_in_dim3A_533 : vector<128x1xi1> to vector<128x256xi1>
    %broadcast_in_dim3A_535 = vector.broadcast %jit3A_532 : f32 to vector<128x256xf32>
    %select_n3A_536 = arith.select %broadcast_in_dim3A_534, %squeeze3A_531, %broadcast_in_dim3A_535 : vector<128x256xi1>, vector<128x256xf32>
    %max3A_537 = arith.maximumf %max3A_525, %select_n3A_536 : vector<128x256xf32>
    %slice3A_538 = vector.extract_strided_slice %get3A_37 {offsets = [0, 42], sizes = [128, 1], strides = [1, 1]} : vector<128x64xf32> to vector<128x1xf32>
    %le3A_539 = arith.constant 2.500000e-01 : f32
    %le3A_540 = vector.broadcast %le3A_539 : f32 to vector<128x1xf32>
    %le3A_541 = arith.cmpf ole, %slice3A_538, %le3A_540 : vector<128x1xf32>
    %slice3A_542 = vector.extract_strided_slice %reshape3A_34 {offsets = [0, 42, 0], sizes = [128, 1, 256], strides = [1, 1, 1]} : vector<128x64x256xf32> to vector<128x1x256xf32>
    %squeeze3A_543 = vector.shape_cast %slice3A_542 : vector<128x1x256xf32> to vector<128x256xf32>
    %jit3A_544 = arith.constant 0xFF800000 : f32
    %broadcast_in_dim3A_545 = vector.shape_cast %le3A_541 : vector<128x1xi1> to vector<128x1xi1>
    %broadcast_in_dim3A_546 = vector.broadcast %broadcast_in_dim3A_545 : vector<128x1xi1> to vector<128x256xi1>
    %broadcast_in_dim3A_547 = vector.broadcast %jit3A_544 : f32 to vector<128x256xf32>
    %select_n3A_548 = arith.select %broadcast_in_dim3A_546, %squeeze3A_543, %broadcast_in_dim3A_547 : vector<128x256xi1>, vector<128x256xf32>
    %max3A_549 = arith.maximumf %max3A_537, %select_n3A_548 : vector<128x256xf32>
    %slice3A_550 = vector.extract_strided_slice %get3A_37 {offsets = [0, 43], sizes = [128, 1], strides = [1, 1]} : vector<128x64xf32> to vector<128x1xf32>
    %le3A_551 = arith.constant 2.500000e-01 : f32
    %le3A_552 = vector.broadcast %le3A_551 : f32 to vector<128x1xf32>
    %le3A_553 = arith.cmpf ole, %slice3A_550, %le3A_552 : vector<128x1xf32>
    %slice3A_554 = vector.extract_strided_slice %reshape3A_34 {offsets = [0, 43, 0], sizes = [128, 1, 256], strides = [1, 1, 1]} : vector<128x64x256xf32> to vector<128x1x256xf32>
    %squeeze3A_555 = vector.shape_cast %slice3A_554 : vector<128x1x256xf32> to vector<128x256xf32>
    %jit3A_556 = arith.constant 0xFF800000 : f32
    %broadcast_in_dim3A_557 = vector.shape_cast %le3A_553 : vector<128x1xi1> to vector<128x1xi1>
    %broadcast_in_dim3A_558 = vector.broadcast %broadcast_in_dim3A_557 : vector<128x1xi1> to vector<128x256xi1>
    %broadcast_in_dim3A_559 = vector.broadcast %jit3A_556 : f32 to vector<128x256xf32>
    %select_n3A_560 = arith.select %broadcast_in_dim3A_558, %squeeze3A_555, %broadcast_in_dim3A_559 : vector<128x256xi1>, vector<128x256xf32>
    %max3A_561 = arith.maximumf %max3A_549, %select_n3A_560 : vector<128x256xf32>
    %slice3A_562 = vector.extract_strided_slice %get3A_37 {offsets = [0, 44], sizes = [128, 1], strides = [1, 1]} : vector<128x64xf32> to vector<128x1xf32>
    %le3A_563 = arith.constant 2.500000e-01 : f32
    %le3A_564 = vector.broadcast %le3A_563 : f32 to vector<128x1xf32>
    %le3A_565 = arith.cmpf ole, %slice3A_562, %le3A_564 : vector<128x1xf32>
    %slice3A_566 = vector.extract_strided_slice %reshape3A_34 {offsets = [0, 44, 0], sizes = [128, 1, 256], strides = [1, 1, 1]} : vector<128x64x256xf32> to vector<128x1x256xf32>
    %squeeze3A_567 = vector.shape_cast %slice3A_566 : vector<128x1x256xf32> to vector<128x256xf32>
    %jit3A_568 = arith.constant 0xFF800000 : f32
    %broadcast_in_dim3A_569 = vector.shape_cast %le3A_565 : vector<128x1xi1> to vector<128x1xi1>
    %broadcast_in_dim3A_570 = vector.broadcast %broadcast_in_dim3A_569 : vector<128x1xi1> to vector<128x256xi1>
    %broadcast_in_dim3A_571 = vector.broadcast %jit3A_568 : f32 to vector<128x256xf32>
    %select_n3A_572 = arith.select %broadcast_in_dim3A_570, %squeeze3A_567, %broadcast_in_dim3A_571 : vector<128x256xi1>, vector<128x256xf32>
    %max3A_573 = arith.maximumf %max3A_561, %select_n3A_572 : vector<128x256xf32>
    %slice3A_574 = vector.extract_strided_slice %get3A_37 {offsets = [0, 45], sizes = [128, 1], strides = [1, 1]} : vector<128x64xf32> to vector<128x1xf32>
    %le3A_575 = arith.constant 2.500000e-01 : f32
    %le3A_576 = vector.broadcast %le3A_575 : f32 to vector<128x1xf32>
    %le3A_577 = arith.cmpf ole, %slice3A_574, %le3A_576 : vector<128x1xf32>
    %slice3A_578 = vector.extract_strided_slice %reshape3A_34 {offsets = [0, 45, 0], sizes = [128, 1, 256], strides = [1, 1, 1]} : vector<128x64x256xf32> to vector<128x1x256xf32>
    %squeeze3A_579 = vector.shape_cast %slice3A_578 : vector<128x1x256xf32> to vector<128x256xf32>
    %jit3A_580 = arith.constant 0xFF800000 : f32
    %broadcast_in_dim3A_581 = vector.shape_cast %le3A_577 : vector<128x1xi1> to vector<128x1xi1>
    %broadcast_in_dim3A_582 = vector.broadcast %broadcast_in_dim3A_581 : vector<128x1xi1> to vector<128x256xi1>
    %broadcast_in_dim3A_583 = vector.broadcast %jit3A_580 : f32 to vector<128x256xf32>
    %select_n3A_584 = arith.select %broadcast_in_dim3A_582, %squeeze3A_579, %broadcast_in_dim3A_583 : vector<128x256xi1>, vector<128x256xf32>
    %max3A_585 = arith.maximumf %max3A_573, %select_n3A_584 : vector<128x256xf32>
    %slice3A_586 = vector.extract_strided_slice %get3A_37 {offsets = [0, 46], sizes = [128, 1], strides = [1, 1]} : vector<128x64xf32> to vector<128x1xf32>
    %le3A_587 = arith.constant 2.500000e-01 : f32
    %le3A_588 = vector.broadcast %le3A_587 : f32 to vector<128x1xf32>
    %le3A_589 = arith.cmpf ole, %slice3A_586, %le3A_588 : vector<128x1xf32>
    %slice3A_590 = vector.extract_strided_slice %reshape3A_34 {offsets = [0, 46, 0], sizes = [128, 1, 256], strides = [1, 1, 1]} : vector<128x64x256xf32> to vector<128x1x256xf32>
    %squeeze3A_591 = vector.shape_cast %slice3A_590 : vector<128x1x256xf32> to vector<128x256xf32>
    %jit3A_592 = arith.constant 0xFF800000 : f32
    %broadcast_in_dim3A_593 = vector.shape_cast %le3A_589 : vector<128x1xi1> to vector<128x1xi1>
    %broadcast_in_dim3A_594 = vector.broadcast %broadcast_in_dim3A_593 : vector<128x1xi1> to vector<128x256xi1>
    %broadcast_in_dim3A_595 = vector.broadcast %jit3A_592 : f32 to vector<128x256xf32>
    %select_n3A_596 = arith.select %broadcast_in_dim3A_594, %squeeze3A_591, %broadcast_in_dim3A_595 : vector<128x256xi1>, vector<128x256xf32>
    %max3A_597 = arith.maximumf %max3A_585, %select_n3A_596 : vector<128x256xf32>
    %slice3A_598 = vector.extract_strided_slice %get3A_37 {offsets = [0, 47], sizes = [128, 1], strides = [1, 1]} : vector<128x64xf32> to vector<128x1xf32>
    %le3A_599 = arith.constant 2.500000e-01 : f32
    %le3A_600 = vector.broadcast %le3A_599 : f32 to vector<128x1xf32>
    %le3A_601 = arith.cmpf ole, %slice3A_598, %le3A_600 : vector<128x1xf32>
    %slice3A_602 = vector.extract_strided_slice %reshape3A_34 {offsets = [0, 47, 0], sizes = [128, 1, 256], strides = [1, 1, 1]} : vector<128x64x256xf32> to vector<128x1x256xf32>
    %squeeze3A_603 = vector.shape_cast %slice3A_602 : vector<128x1x256xf32> to vector<128x256xf32>
    %jit3A_604 = arith.constant 0xFF800000 : f32
    %broadcast_in_dim3A_605 = vector.shape_cast %le3A_601 : vector<128x1xi1> to vector<128x1xi1>
    %broadcast_in_dim3A_606 = vector.broadcast %broadcast_in_dim3A_605 : vector<128x1xi1> to vector<128x256xi1>
    %broadcast_in_dim3A_607 = vector.broadcast %jit3A_604 : f32 to vector<128x256xf32>
    %select_n3A_608 = arith.select %broadcast_in_dim3A_606, %squeeze3A_603, %broadcast_in_dim3A_607 : vector<128x256xi1>, vector<128x256xf32>
    %max3A_609 = arith.maximumf %max3A_597, %select_n3A_608 : vector<128x256xf32>
    %slice3A_610 = vector.extract_strided_slice %get3A_37 {offsets = [0, 48], sizes = [128, 1], strides = [1, 1]} : vector<128x64xf32> to vector<128x1xf32>
    %le3A_611 = arith.constant 2.500000e-01 : f32
    %le3A_612 = vector.broadcast %le3A_611 : f32 to vector<128x1xf32>
    %le3A_613 = arith.cmpf ole, %slice3A_610, %le3A_612 : vector<128x1xf32>
    %slice3A_614 = vector.extract_strided_slice %reshape3A_34 {offsets = [0, 48, 0], sizes = [128, 1, 256], strides = [1, 1, 1]} : vector<128x64x256xf32> to vector<128x1x256xf32>
    %squeeze3A_615 = vector.shape_cast %slice3A_614 : vector<128x1x256xf32> to vector<128x256xf32>
    %jit3A_616 = arith.constant 0xFF800000 : f32
    %broadcast_in_dim3A_617 = vector.shape_cast %le3A_613 : vector<128x1xi1> to vector<128x1xi1>
    %broadcast_in_dim3A_618 = vector.broadcast %broadcast_in_dim3A_617 : vector<128x1xi1> to vector<128x256xi1>
    %broadcast_in_dim3A_619 = vector.broadcast %jit3A_616 : f32 to vector<128x256xf32>
    %select_n3A_620 = arith.select %broadcast_in_dim3A_618, %squeeze3A_615, %broadcast_in_dim3A_619 : vector<128x256xi1>, vector<128x256xf32>
    %max3A_621 = arith.maximumf %max3A_609, %select_n3A_620 : vector<128x256xf32>
    %slice3A_622 = vector.extract_strided_slice %get3A_37 {offsets = [0, 49], sizes = [128, 1], strides = [1, 1]} : vector<128x64xf32> to vector<128x1xf32>
    %le3A_623 = arith.constant 2.500000e-01 : f32
    %le3A_624 = vector.broadcast %le3A_623 : f32 to vector<128x1xf32>
    %le3A_625 = arith.cmpf ole, %slice3A_622, %le3A_624 : vector<128x1xf32>
    %slice3A_626 = vector.extract_strided_slice %reshape3A_34 {offsets = [0, 49, 0], sizes = [128, 1, 256], strides = [1, 1, 1]} : vector<128x64x256xf32> to vector<128x1x256xf32>
    %squeeze3A_627 = vector.shape_cast %slice3A_626 : vector<128x1x256xf32> to vector<128x256xf32>
    %jit3A_628 = arith.constant 0xFF800000 : f32
    %broadcast_in_dim3A_629 = vector.shape_cast %le3A_625 : vector<128x1xi1> to vector<128x1xi1>
    %broadcast_in_dim3A_630 = vector.broadcast %broadcast_in_dim3A_629 : vector<128x1xi1> to vector<128x256xi1>
    %broadcast_in_dim3A_631 = vector.broadcast %jit3A_628 : f32 to vector<128x256xf32>
    %select_n3A_632 = arith.select %broadcast_in_dim3A_630, %squeeze3A_627, %broadcast_in_dim3A_631 : vector<128x256xi1>, vector<128x256xf32>
    %max3A_633 = arith.maximumf %max3A_621, %select_n3A_632 : vector<128x256xf32>
    %slice3A_634 = vector.extract_strided_slice %get3A_37 {offsets = [0, 50], sizes = [128, 1], strides = [1, 1]} : vector<128x64xf32> to vector<128x1xf32>
    %le3A_635 = arith.constant 2.500000e-01 : f32
    %le3A_636 = vector.broadcast %le3A_635 : f32 to vector<128x1xf32>
    %le3A_637 = arith.cmpf ole, %slice3A_634, %le3A_636 : vector<128x1xf32>
    %slice3A_638 = vector.extract_strided_slice %reshape3A_34 {offsets = [0, 50, 0], sizes = [128, 1, 256], strides = [1, 1, 1]} : vector<128x64x256xf32> to vector<128x1x256xf32>
    %squeeze3A_639 = vector.shape_cast %slice3A_638 : vector<128x1x256xf32> to vector<128x256xf32>
    %jit3A_640 = arith.constant 0xFF800000 : f32
    %broadcast_in_dim3A_641 = vector.shape_cast %le3A_637 : vector<128x1xi1> to vector<128x1xi1>
    %broadcast_in_dim3A_642 = vector.broadcast %broadcast_in_dim3A_641 : vector<128x1xi1> to vector<128x256xi1>
    %broadcast_in_dim3A_643 = vector.broadcast %jit3A_640 : f32 to vector<128x256xf32>
    %select_n3A_644 = arith.select %broadcast_in_dim3A_642, %squeeze3A_639, %broadcast_in_dim3A_643 : vector<128x256xi1>, vector<128x256xf32>
    %max3A_645 = arith.maximumf %max3A_633, %select_n3A_644 : vector<128x256xf32>
    %slice3A_646 = vector.extract_strided_slice %get3A_37 {offsets = [0, 51], sizes = [128, 1], strides = [1, 1]} : vector<128x64xf32> to vector<128x1xf32>
    %le3A_647 = arith.constant 2.500000e-01 : f32
    %le3A_648 = vector.broadcast %le3A_647 : f32 to vector<128x1xf32>
    %le3A_649 = arith.cmpf ole, %slice3A_646, %le3A_648 : vector<128x1xf32>
    %slice3A_650 = vector.extract_strided_slice %reshape3A_34 {offsets = [0, 51, 0], sizes = [128, 1, 256], strides = [1, 1, 1]} : vector<128x64x256xf32> to vector<128x1x256xf32>
    %squeeze3A_651 = vector.shape_cast %slice3A_650 : vector<128x1x256xf32> to vector<128x256xf32>
    %jit3A_652 = arith.constant 0xFF800000 : f32
    %broadcast_in_dim3A_653 = vector.shape_cast %le3A_649 : vector<128x1xi1> to vector<128x1xi1>
    %broadcast_in_dim3A_654 = vector.broadcast %broadcast_in_dim3A_653 : vector<128x1xi1> to vector<128x256xi1>
    %broadcast_in_dim3A_655 = vector.broadcast %jit3A_652 : f32 to vector<128x256xf32>
    %select_n3A_656 = arith.select %broadcast_in_dim3A_654, %squeeze3A_651, %broadcast_in_dim3A_655 : vector<128x256xi1>, vector<128x256xf32>
    %max3A_657 = arith.maximumf %max3A_645, %select_n3A_656 : vector<128x256xf32>
    %slice3A_658 = vector.extract_strided_slice %get3A_37 {offsets = [0, 52], sizes = [128, 1], strides = [1, 1]} : vector<128x64xf32> to vector<128x1xf32>
    %le3A_659 = arith.constant 2.500000e-01 : f32
    %le3A_660 = vector.broadcast %le3A_659 : f32 to vector<128x1xf32>
    %le3A_661 = arith.cmpf ole, %slice3A_658, %le3A_660 : vector<128x1xf32>
    %slice3A_662 = vector.extract_strided_slice %reshape3A_34 {offsets = [0, 52, 0], sizes = [128, 1, 256], strides = [1, 1, 1]} : vector<128x64x256xf32> to vector<128x1x256xf32>
    %squeeze3A_663 = vector.shape_cast %slice3A_662 : vector<128x1x256xf32> to vector<128x256xf32>
    %jit3A_664 = arith.constant 0xFF800000 : f32
    %broadcast_in_dim3A_665 = vector.shape_cast %le3A_661 : vector<128x1xi1> to vector<128x1xi1>
    %broadcast_in_dim3A_666 = vector.broadcast %broadcast_in_dim3A_665 : vector<128x1xi1> to vector<128x256xi1>
    %broadcast_in_dim3A_667 = vector.broadcast %jit3A_664 : f32 to vector<128x256xf32>
    %select_n3A_668 = arith.select %broadcast_in_dim3A_666, %squeeze3A_663, %broadcast_in_dim3A_667 : vector<128x256xi1>, vector<128x256xf32>
    %max3A_669 = arith.maximumf %max3A_657, %select_n3A_668 : vector<128x256xf32>
    %slice3A_670 = vector.extract_strided_slice %get3A_37 {offsets = [0, 53], sizes = [128, 1], strides = [1, 1]} : vector<128x64xf32> to vector<128x1xf32>
    %le3A_671 = arith.constant 2.500000e-01 : f32
    %le3A_672 = vector.broadcast %le3A_671 : f32 to vector<128x1xf32>
    %le3A_673 = arith.cmpf ole, %slice3A_670, %le3A_672 : vector<128x1xf32>
    %slice3A_674 = vector.extract_strided_slice %reshape3A_34 {offsets = [0, 53, 0], sizes = [128, 1, 256], strides = [1, 1, 1]} : vector<128x64x256xf32> to vector<128x1x256xf32>
    %squeeze3A_675 = vector.shape_cast %slice3A_674 : vector<128x1x256xf32> to vector<128x256xf32>
    %jit3A_676 = arith.constant 0xFF800000 : f32
    %broadcast_in_dim3A_677 = vector.shape_cast %le3A_673 : vector<128x1xi1> to vector<128x1xi1>
    %broadcast_in_dim3A_678 = vector.broadcast %broadcast_in_dim3A_677 : vector<128x1xi1> to vector<128x256xi1>
    %broadcast_in_dim3A_679 = vector.broadcast %jit3A_676 : f32 to vector<128x256xf32>
    %select_n3A_680 = arith.select %broadcast_in_dim3A_678, %squeeze3A_675, %broadcast_in_dim3A_679 : vector<128x256xi1>, vector<128x256xf32>
    %max3A_681 = arith.maximumf %max3A_669, %select_n3A_680 : vector<128x256xf32>
    %slice3A_682 = vector.extract_strided_slice %get3A_37 {offsets = [0, 54], sizes = [128, 1], strides = [1, 1]} : vector<128x64xf32> to vector<128x1xf32>
    %le3A_683 = arith.constant 2.500000e-01 : f32
    %le3A_684 = vector.broadcast %le3A_683 : f32 to vector<128x1xf32>
    %le3A_685 = arith.cmpf ole, %slice3A_682, %le3A_684 : vector<128x1xf32>
    %slice3A_686 = vector.extract_strided_slice %reshape3A_34 {offsets = [0, 54, 0], sizes = [128, 1, 256], strides = [1, 1, 1]} : vector<128x64x256xf32> to vector<128x1x256xf32>
    %squeeze3A_687 = vector.shape_cast %slice3A_686 : vector<128x1x256xf32> to vector<128x256xf32>
    %jit3A_688 = arith.constant 0xFF800000 : f32
    %broadcast_in_dim3A_689 = vector.shape_cast %le3A_685 : vector<128x1xi1> to vector<128x1xi1>
    %broadcast_in_dim3A_690 = vector.broadcast %broadcast_in_dim3A_689 : vector<128x1xi1> to vector<128x256xi1>
    %broadcast_in_dim3A_691 = vector.broadcast %jit3A_688 : f32 to vector<128x256xf32>
    %select_n3A_692 = arith.select %broadcast_in_dim3A_690, %squeeze3A_687, %broadcast_in_dim3A_691 : vector<128x256xi1>, vector<128x256xf32>
    %max3A_693 = arith.maximumf %max3A_681, %select_n3A_692 : vector<128x256xf32>
    %slice3A_694 = vector.extract_strided_slice %get3A_37 {offsets = [0, 55], sizes = [128, 1], strides = [1, 1]} : vector<128x64xf32> to vector<128x1xf32>
    %le3A_695 = arith.constant 2.500000e-01 : f32
    %le3A_696 = vector.broadcast %le3A_695 : f32 to vector<128x1xf32>
    %le3A_697 = arith.cmpf ole, %slice3A_694, %le3A_696 : vector<128x1xf32>
    %slice3A_698 = vector.extract_strided_slice %reshape3A_34 {offsets = [0, 55, 0], sizes = [128, 1, 256], strides = [1, 1, 1]} : vector<128x64x256xf32> to vector<128x1x256xf32>
    %squeeze3A_699 = vector.shape_cast %slice3A_698 : vector<128x1x256xf32> to vector<128x256xf32>
    %jit3A_700 = arith.constant 0xFF800000 : f32
    %broadcast_in_dim3A_701 = vector.shape_cast %le3A_697 : vector<128x1xi1> to vector<128x1xi1>
    %broadcast_in_dim3A_702 = vector.broadcast %broadcast_in_dim3A_701 : vector<128x1xi1> to vector<128x256xi1>
    %broadcast_in_dim3A_703 = vector.broadcast %jit3A_700 : f32 to vector<128x256xf32>
    %select_n3A_704 = arith.select %broadcast_in_dim3A_702, %squeeze3A_699, %broadcast_in_dim3A_703 : vector<128x256xi1>, vector<128x256xf32>
    %max3A_705 = arith.maximumf %max3A_693, %select_n3A_704 : vector<128x256xf32>
    %slice3A_706 = vector.extract_strided_slice %get3A_37 {offsets = [0, 56], sizes = [128, 1], strides = [1, 1]} : vector<128x64xf32> to vector<128x1xf32>
    %le3A_707 = arith.constant 2.500000e-01 : f32
    %le3A_708 = vector.broadcast %le3A_707 : f32 to vector<128x1xf32>
    %le3A_709 = arith.cmpf ole, %slice3A_706, %le3A_708 : vector<128x1xf32>
    %slice3A_710 = vector.extract_strided_slice %reshape3A_34 {offsets = [0, 56, 0], sizes = [128, 1, 256], strides = [1, 1, 1]} : vector<128x64x256xf32> to vector<128x1x256xf32>
    %squeeze3A_711 = vector.shape_cast %slice3A_710 : vector<128x1x256xf32> to vector<128x256xf32>
    %jit3A_712 = arith.constant 0xFF800000 : f32
    %broadcast_in_dim3A_713 = vector.shape_cast %le3A_709 : vector<128x1xi1> to vector<128x1xi1>
    %broadcast_in_dim3A_714 = vector.broadcast %broadcast_in_dim3A_713 : vector<128x1xi1> to vector<128x256xi1>
    %broadcast_in_dim3A_715 = vector.broadcast %jit3A_712 : f32 to vector<128x256xf32>
    %select_n3A_716 = arith.select %broadcast_in_dim3A_714, %squeeze3A_711, %broadcast_in_dim3A_715 : vector<128x256xi1>, vector<128x256xf32>
    %max3A_717 = arith.maximumf %max3A_705, %select_n3A_716 : vector<128x256xf32>
    %slice3A_718 = vector.extract_strided_slice %get3A_37 {offsets = [0, 57], sizes = [128, 1], strides = [1, 1]} : vector<128x64xf32> to vector<128x1xf32>
    %le3A_719 = arith.constant 2.500000e-01 : f32
    %le3A_720 = vector.broadcast %le3A_719 : f32 to vector<128x1xf32>
    %le3A_721 = arith.cmpf ole, %slice3A_718, %le3A_720 : vector<128x1xf32>
    %slice3A_722 = vector.extract_strided_slice %reshape3A_34 {offsets = [0, 57, 0], sizes = [128, 1, 256], strides = [1, 1, 1]} : vector<128x64x256xf32> to vector<128x1x256xf32>
    %squeeze3A_723 = vector.shape_cast %slice3A_722 : vector<128x1x256xf32> to vector<128x256xf32>
    %jit3A_724 = arith.constant 0xFF800000 : f32
    %broadcast_in_dim3A_725 = vector.shape_cast %le3A_721 : vector<128x1xi1> to vector<128x1xi1>
    %broadcast_in_dim3A_726 = vector.broadcast %broadcast_in_dim3A_725 : vector<128x1xi1> to vector<128x256xi1>
    %broadcast_in_dim3A_727 = vector.broadcast %jit3A_724 : f32 to vector<128x256xf32>
    %select_n3A_728 = arith.select %broadcast_in_dim3A_726, %squeeze3A_723, %broadcast_in_dim3A_727 : vector<128x256xi1>, vector<128x256xf32>
    %max3A_729 = arith.maximumf %max3A_717, %select_n3A_728 : vector<128x256xf32>
    %slice3A_730 = vector.extract_strided_slice %get3A_37 {offsets = [0, 58], sizes = [128, 1], strides = [1, 1]} : vector<128x64xf32> to vector<128x1xf32>
    %le3A_731 = arith.constant 2.500000e-01 : f32
    %le3A_732 = vector.broadcast %le3A_731 : f32 to vector<128x1xf32>
    %le3A_733 = arith.cmpf ole, %slice3A_730, %le3A_732 : vector<128x1xf32>
    %slice3A_734 = vector.extract_strided_slice %reshape3A_34 {offsets = [0, 58, 0], sizes = [128, 1, 256], strides = [1, 1, 1]} : vector<128x64x256xf32> to vector<128x1x256xf32>
    %squeeze3A_735 = vector.shape_cast %slice3A_734 : vector<128x1x256xf32> to vector<128x256xf32>
    %jit3A_736 = arith.constant 0xFF800000 : f32
    %broadcast_in_dim3A_737 = vector.shape_cast %le3A_733 : vector<128x1xi1> to vector<128x1xi1>
    %broadcast_in_dim3A_738 = vector.broadcast %broadcast_in_dim3A_737 : vector<128x1xi1> to vector<128x256xi1>
    %broadcast_in_dim3A_739 = vector.broadcast %jit3A_736 : f32 to vector<128x256xf32>
    %select_n3A_740 = arith.select %broadcast_in_dim3A_738, %squeeze3A_735, %broadcast_in_dim3A_739 : vector<128x256xi1>, vector<128x256xf32>
    %max3A_741 = arith.maximumf %max3A_729, %select_n3A_740 : vector<128x256xf32>
    %slice3A_742 = vector.extract_strided_slice %get3A_37 {offsets = [0, 59], sizes = [128, 1], strides = [1, 1]} : vector<128x64xf32> to vector<128x1xf32>
    %le3A_743 = arith.constant 2.500000e-01 : f32
    %le3A_744 = vector.broadcast %le3A_743 : f32 to vector<128x1xf32>
    %le3A_745 = arith.cmpf ole, %slice3A_742, %le3A_744 : vector<128x1xf32>
    %slice3A_746 = vector.extract_strided_slice %reshape3A_34 {offsets = [0, 59, 0], sizes = [128, 1, 256], strides = [1, 1, 1]} : vector<128x64x256xf32> to vector<128x1x256xf32>
    %squeeze3A_747 = vector.shape_cast %slice3A_746 : vector<128x1x256xf32> to vector<128x256xf32>
    %jit3A_748 = arith.constant 0xFF800000 : f32
    %broadcast_in_dim3A_749 = vector.shape_cast %le3A_745 : vector<128x1xi1> to vector<128x1xi1>
    %broadcast_in_dim3A_750 = vector.broadcast %broadcast_in_dim3A_749 : vector<128x1xi1> to vector<128x256xi1>
    %broadcast_in_dim3A_751 = vector.broadcast %jit3A_748 : f32 to vector<128x256xf32>
    %select_n3A_752 = arith.select %broadcast_in_dim3A_750, %squeeze3A_747, %broadcast_in_dim3A_751 : vector<128x256xi1>, vector<128x256xf32>
    %max3A_753 = arith.maximumf %max3A_741, %select_n3A_752 : vector<128x256xf32>
    %slice3A_754 = vector.extract_strided_slice %get3A_37 {offsets = [0, 60], sizes = [128, 1], strides = [1, 1]} : vector<128x64xf32> to vector<128x1xf32>
    %le3A_755 = arith.constant 2.500000e-01 : f32
    %le3A_756 = vector.broadcast %le3A_755 : f32 to vector<128x1xf32>
    %le3A_757 = arith.cmpf ole, %slice3A_754, %le3A_756 : vector<128x1xf32>
    %slice3A_758 = vector.extract_strided_slice %reshape3A_34 {offsets = [0, 60, 0], sizes = [128, 1, 256], strides = [1, 1, 1]} : vector<128x64x256xf32> to vector<128x1x256xf32>
    %squeeze3A_759 = vector.shape_cast %slice3A_758 : vector<128x1x256xf32> to vector<128x256xf32>
    %jit3A_760 = arith.constant 0xFF800000 : f32
    %broadcast_in_dim3A_761 = vector.shape_cast %le3A_757 : vector<128x1xi1> to vector<128x1xi1>
    %broadcast_in_dim3A_762 = vector.broadcast %broadcast_in_dim3A_761 : vector<128x1xi1> to vector<128x256xi1>
    %broadcast_in_dim3A_763 = vector.broadcast %jit3A_760 : f32 to vector<128x256xf32>
    %select_n3A_764 = arith.select %broadcast_in_dim3A_762, %squeeze3A_759, %broadcast_in_dim3A_763 : vector<128x256xi1>, vector<128x256xf32>
    %max3A_765 = arith.maximumf %max3A_753, %select_n3A_764 : vector<128x256xf32>
    %slice3A_766 = vector.extract_strided_slice %get3A_37 {offsets = [0, 61], sizes = [128, 1], strides = [1, 1]} : vector<128x64xf32> to vector<128x1xf32>
    %le3A_767 = arith.constant 2.500000e-01 : f32
    %le3A_768 = vector.broadcast %le3A_767 : f32 to vector<128x1xf32>
    %le3A_769 = arith.cmpf ole, %slice3A_766, %le3A_768 : vector<128x1xf32>
    %slice3A_770 = vector.extract_strided_slice %reshape3A_34 {offsets = [0, 61, 0], sizes = [128, 1, 256], strides = [1, 1, 1]} : vector<128x64x256xf32> to vector<128x1x256xf32>
    %squeeze3A_771 = vector.shape_cast %slice3A_770 : vector<128x1x256xf32> to vector<128x256xf32>
    %jit3A_772 = arith.constant 0xFF800000 : f32
    %broadcast_in_dim3A_773 = vector.shape_cast %le3A_769 : vector<128x1xi1> to vector<128x1xi1>
    %broadcast_in_dim3A_774 = vector.broadcast %broadcast_in_dim3A_773 : vector<128x1xi1> to vector<128x256xi1>
    %broadcast_in_dim3A_775 = vector.broadcast %jit3A_772 : f32 to vector<128x256xf32>
    %select_n3A_776 = arith.select %broadcast_in_dim3A_774, %squeeze3A_771, %broadcast_in_dim3A_775 : vector<128x256xi1>, vector<128x256xf32>
    %max3A_777 = arith.maximumf %max3A_765, %select_n3A_776 : vector<128x256xf32>
    %slice3A_778 = vector.extract_strided_slice %get3A_37 {offsets = [0, 62], sizes = [128, 1], strides = [1, 1]} : vector<128x64xf32> to vector<128x1xf32>
    %le3A_779 = arith.constant 2.500000e-01 : f32
    %le3A_780 = vector.broadcast %le3A_779 : f32 to vector<128x1xf32>
    %le3A_781 = arith.cmpf ole, %slice3A_778, %le3A_780 : vector<128x1xf32>
    %slice3A_782 = vector.extract_strided_slice %reshape3A_34 {offsets = [0, 62, 0], sizes = [128, 1, 256], strides = [1, 1, 1]} : vector<128x64x256xf32> to vector<128x1x256xf32>
    %squeeze3A_783 = vector.shape_cast %slice3A_782 : vector<128x1x256xf32> to vector<128x256xf32>
    %jit3A_784 = arith.constant 0xFF800000 : f32
    %broadcast_in_dim3A_785 = vector.shape_cast %le3A_781 : vector<128x1xi1> to vector<128x1xi1>
    %broadcast_in_dim3A_786 = vector.broadcast %broadcast_in_dim3A_785 : vector<128x1xi1> to vector<128x256xi1>
    %broadcast_in_dim3A_787 = vector.broadcast %jit3A_784 : f32 to vector<128x256xf32>
    %select_n3A_788 = arith.select %broadcast_in_dim3A_786, %squeeze3A_783, %broadcast_in_dim3A_787 : vector<128x256xi1>, vector<128x256xf32>
    %max3A_789 = arith.maximumf %max3A_777, %select_n3A_788 : vector<128x256xf32>
    %slice3A_790 = vector.extract_strided_slice %get3A_37 {offsets = [0, 63], sizes = [128, 1], strides = [1, 1]} : vector<128x64xf32> to vector<128x1xf32>
    %le3A_791 = arith.constant 2.500000e-01 : f32
    %le3A_792 = vector.broadcast %le3A_791 : f32 to vector<128x1xf32>
    %le3A_793 = arith.cmpf ole, %slice3A_790, %le3A_792 : vector<128x1xf32>
    %slice3A_794 = vector.extract_strided_slice %reshape3A_34 {offsets = [0, 63, 0], sizes = [128, 1, 256], strides = [1, 1, 1]} : vector<128x64x256xf32> to vector<128x1x256xf32>
    %squeeze3A_795 = vector.shape_cast %slice3A_794 : vector<128x1x256xf32> to vector<128x256xf32>
    %jit3A_796 = arith.constant 0xFF800000 : f32
    %broadcast_in_dim3A_797 = vector.shape_cast %le3A_793 : vector<128x1xi1> to vector<128x1xi1>
    %broadcast_in_dim3A_798 = vector.broadcast %broadcast_in_dim3A_797 : vector<128x1xi1> to vector<128x256xi1>
    %broadcast_in_dim3A_799 = vector.broadcast %jit3A_796 : f32 to vector<128x256xf32>
    %select_n3A_800 = arith.select %broadcast_in_dim3A_798, %squeeze3A_795, %broadcast_in_dim3A_799 : vector<128x256xi1>, vector<128x256xf32>
    %max3A_801 = arith.maximumf %max3A_789, %select_n3A_800 : vector<128x256xf32>
    %swap3A = arith.constant 0 : index
    %swap3A_802 = arith.constant 0 : index
    %swap3A_803 = vector.load %arg8[%swap3A, %swap3A_802] : memref<128x256xf32, #tpu.memory_space<vmem>>, vector<128x256xf32>
    tpu.vector_store %arg8[%swap3A, %swap3A_802], %max3A_801 {strides = array<i32>} : memref<128x256xf32, #tpu.memory_space<vmem>>, vector<128x256xf32>,
    return
  }
  func.func @transform_0(%arg0: i32) -> (i32, i32, i32) {
    %c0_i32 = arith.constant 0 : i32
    %c0_i32_0 = arith.constant 0 : i32
    %c0_i32_1 = arith.constant 0 : i32
    return %arg0, %c0_i32, %c0_i32_0 : i32, i32, i32
  }
  func.func @transform_1(%arg0: i32) -> (i32, i32, i32) {
    %c0_i32 = arith.constant 0 : i32
    %c0_i32_0 = arith.constant 0 : i32
    %c0_i32_1 = arith.constant 0 : i32
    return %arg0, %c0_i32, %c0_i32_0 : i32, i32, i32
  }
  func.func @transform_2(%arg0: i32) -> (i32, i32) {
    %c0_i32 = arith.constant 0 : i32
    %c0_i32_0 = arith.constant 0 : i32
    return %arg0, %c0_i32 : i32, i32
  }
  func.func @transform_3(%arg0: i32) -> (i32, i32) {
    %c0_i32 = arith.constant 0 : i32
    %c0_i32_0 = arith.constant 0 : i32
    %c0_i32_1 = arith.constant 0 : i32
    return %c0_i32, %c0_i32_0 : i32, i32
  }
  func.func @transform_4(%arg0: i32) -> (i32, i32) {
    %c0_i32 = arith.constant 0 : i32
    %c0_i32_0 = arith.constant 0 : i32
    %c0_i32_1 = arith.constant 0 : i32
    return %c0_i32, %c0_i32_0 : i32, i32
  }
  func.func @transform_5(%arg0: i32) -> (i32, i32) {
    %c0_i32 = arith.constant 0 : i32
    %c0_i32_0 = arith.constant 0 : i32
    %c0_i32_1 = arith.constant 0 : i32
    return %c0_i32, %c0_i32_0 : i32, i32
  }
  func.func @transform_6(%arg0: i32) -> (i32, i32) {
    %c0_i32 = arith.constant 0 : i32
    %c0_i32_0 = arith.constant 0 : i32
    %c0_i32_1 = arith.constant 0 : i32
    return %c0_i32, %c0_i32_0 : i32, i32
  }
  func.func @transform_7(%arg0: i32) -> (i32, i32) {
    %c0_i32 = arith.constant 0 : i32
    %c0_i32_0 = arith.constant 0 : i32
    return %arg0, %c0_i32 : i32, i32
  }
}

module attributes {stable_mosaic.version = 14 : i64} {
  func.func @_sa3fp3_body(%arg0: memref<1024x256xf32, #tpu.memory_space<vmem>>, %arg1: memref<1024x1xf32, #tpu.memory_space<vmem>>, %arg2: memref<1024x1xf32, #tpu.memory_space<vmem>>, %arg3: memref<1024x1xf32, #tpu.memory_space<vmem>>, %arg4: memref<259x256xf32, #tpu.memory_space<vmem>>, %arg5: memref<1x256xf32, #tpu.memory_space<vmem>>, %arg6: memref<256x512xf32, #tpu.memory_space<vmem>>, %arg7: memref<1x512xf32, #tpu.memory_space<vmem>>, %arg8: memref<512x1024xf32, #tpu.memory_space<vmem>>, %arg9: memref<1x1024xf32, #tpu.memory_space<vmem>>, %arg10: memref<1280x256xf32, #tpu.memory_space<vmem>>, %arg11: memref<1x256xf32, #tpu.memory_space<vmem>>, %arg12: memref<256x256xf32, #tpu.memory_space<vmem>>, %arg13: memref<1x256xf32, #tpu.memory_space<vmem>>, %arg14: memref<1024x256xf32, #tpu.memory_space<vmem>>) attributes {dimension_semantics = [], scalar_prefetch = 0 : i64, scratch_operands = 0 : i64, tpu.core_type = #tpu.core_type<tc>} {
    %get3A = arith.constant 0 : index
    %get3A_0 = arith.constant 0 : index
    %get3A_1 = vector.load %arg4[%get3A, %get3A_0] : memref<259x256xf32, #tpu.memory_space<vmem>>, vector<259x256xf32>
    %get3A_2 = arith.constant 0 : index
    %get3A_3 = arith.constant 0 : index
    %get3A_4 = vector.load %arg0[%get3A_2, %get3A_3] : memref<1024x256xf32, #tpu.memory_space<vmem>>, vector<1024x256xf32>
    %slice3A = vector.extract_strided_slice %get3A_1 {offsets = [0, 0], sizes = [256, 256], strides = [1, 1]} : vector<259x256xf32> to vector<256x256xf32>
    %dot_general3A = arith.constant dense<0.000000e+00> : vector<1024x256xf32>
    %dot_general3A_5 = tpu.matmul %get3A_4, %slice3A, %dot_general3A {dimension_numbers = #tpu.dot_dimension_numbers<[1], [0], [0], [1], [0, 0, 1, 1], [], []>, transpose_lhs_hint = false} : vector<1024x256xf32>, vector<256x256xf32>, vector<1024x256xf32> -> vector<1024x256xf32>
    %get3A_6 = arith.constant 0 : index
    %get3A_7 = arith.constant 0 : index
    %get3A_8 = vector.load %arg1[%get3A_6, %get3A_7] : memref<1024x1xf32, #tpu.memory_space<vmem>>, vector<1024x1xf32>
    %slice3A_9 = vector.extract_strided_slice %get3A_1 {offsets = [256, 0], sizes = [1, 256], strides = [1, 1]} : vector<259x256xf32> to vector<1x256xf32>
    %mul3A = vector.broadcast %get3A_8 : vector<1024x1xf32> to vector<1024x256xf32>
    %mul3A_10 = vector.broadcast %slice3A_9 : vector<1x256xf32> to vector<1024x256xf32>
    %mul3A_11 = arith.mulf %mul3A, %mul3A_10 : vector<1024x256xf32>
    %add3A = arith.addf %dot_general3A_5, %mul3A_11 : vector<1024x256xf32>
    %get3A_12 = arith.constant 0 : index
    %get3A_13 = arith.constant 0 : index
    %get3A_14 = vector.load %arg2[%get3A_12, %get3A_13] : memref<1024x1xf32, #tpu.memory_space<vmem>>, vector<1024x1xf32>
    %slice3A_15 = vector.extract_strided_slice %get3A_1 {offsets = [257, 0], sizes = [1, 256], strides = [1, 1]} : vector<259x256xf32> to vector<1x256xf32>
    %mul3A_16 = vector.broadcast %get3A_14 : vector<1024x1xf32> to vector<1024x256xf32>
    %mul3A_17 = vector.broadcast %slice3A_15 : vector<1x256xf32> to vector<1024x256xf32>
    %mul3A_18 = arith.mulf %mul3A_16, %mul3A_17 : vector<1024x256xf32>
    %add3A_19 = arith.addf %add3A, %mul3A_18 : vector<1024x256xf32>
    %get3A_20 = arith.constant 0 : index
    %get3A_21 = arith.constant 0 : index
    %get3A_22 = vector.load %arg3[%get3A_20, %get3A_21] : memref<1024x1xf32, #tpu.memory_space<vmem>>, vector<1024x1xf32>
    %slice3A_23 = vector.extract_strided_slice %get3A_1 {offsets = [258, 0], sizes = [1, 256], strides = [1, 1]} : vector<259x256xf32> to vector<1x256xf32>
    %mul3A_24 = vector.broadcast %get3A_22 : vector<1024x1xf32> to vector<1024x256xf32>
    %mul3A_25 = vector.broadcast %slice3A_23 : vector<1x256xf32> to vector<1024x256xf32>
    %mul3A_26 = arith.mulf %mul3A_24, %mul3A_25 : vector<1024x256xf32>
    %add3A_27 = arith.addf %add3A_19, %mul3A_26 : vector<1024x256xf32>
    %get3A_28 = arith.constant 0 : index
    %get3A_29 = arith.constant 0 : index
    %get3A_30 = vector.load %arg5[%get3A_28, %get3A_29] : memref<1x256xf32, #tpu.memory_space<vmem>>, vector<1x256xf32>
    %add3A_31 = vector.broadcast %get3A_30 : vector<1x256xf32> to vector<1024x256xf32>
    %add3A_32 = arith.addf %add3A_27, %add3A_31 : vector<1024x256xf32>
    %max3A = arith.constant 0.000000e+00 : f32
    %max3A_33 = vector.broadcast %max3A : f32 to vector<1024x256xf32>
    %max3A_34 = arith.maximumf %add3A_32, %max3A_33 : vector<1024x256xf32>
    %get3A_35 = arith.constant 0 : index
    %get3A_36 = arith.constant 0 : index
    %get3A_37 = vector.load %arg6[%get3A_35, %get3A_36] : memref<256x512xf32, #tpu.memory_space<vmem>>, vector<256x512xf32>
    %dot_general3A_38 = arith.constant dense<0.000000e+00> : vector<1024x512xf32>
    %dot_general3A_39 = tpu.matmul %max3A_34, %get3A_37, %dot_general3A_38 {dimension_numbers = #tpu.dot_dimension_numbers<[1], [0], [0], [1], [0, 0, 1, 1], [], []>, transpose_lhs_hint = false} : vector<1024x256xf32>, vector<256x512xf32>, vector<1024x512xf32> -> vector<1024x512xf32>
    %get3A_40 = arith.constant 0 : index
    %get3A_41 = arith.constant 0 : index
    %get3A_42 = vector.load %arg7[%get3A_40, %get3A_41] : memref<1x512xf32, #tpu.memory_space<vmem>>, vector<1x512xf32>
    %add3A_43 = vector.broadcast %get3A_42 : vector<1x512xf32> to vector<1024x512xf32>
    %add3A_44 = arith.addf %dot_general3A_39, %add3A_43 : vector<1024x512xf32>
    %max3A_45 = arith.constant 0.000000e+00 : f32
    %max3A_46 = vector.broadcast %max3A_45 : f32 to vector<1024x512xf32>
    %max3A_47 = arith.maximumf %add3A_44, %max3A_46 : vector<1024x512xf32>
    %get3A_48 = arith.constant 0 : index
    %get3A_49 = arith.constant 0 : index
    %get3A_50 = vector.load %arg8[%get3A_48, %get3A_49] : memref<512x1024xf32, #tpu.memory_space<vmem>>, vector<512x1024xf32>
    %dot_general3A_51 = arith.constant dense<0.000000e+00> : vector<1024x1024xf32>
    %dot_general3A_52 = tpu.matmul %max3A_47, %get3A_50, %dot_general3A_51 {dimension_numbers = #tpu.dot_dimension_numbers<[1], [0], [0], [1], [0, 0, 1, 1], [], []>, transpose_lhs_hint = false} : vector<1024x512xf32>, vector<512x1024xf32>, vector<1024x1024xf32> -> vector<1024x1024xf32>
    %get3A_53 = arith.constant 0 : index
    %get3A_54 = arith.constant 0 : index
    %get3A_55 = vector.load %arg9[%get3A_53, %get3A_54] : memref<1x1024xf32, #tpu.memory_space<vmem>>, vector<1x1024xf32>
    %add3A_56 = vector.broadcast %get3A_55 : vector<1x1024xf32> to vector<1024x1024xf32>
    %add3A_57 = arith.addf %dot_general3A_52, %add3A_56 : vector<1024x1024xf32>
    %max3A_58 = arith.constant 0.000000e+00 : f32
    %max3A_59 = vector.broadcast %max3A_58 : f32 to vector<1024x1024xf32>
    %max3A_60 = arith.maximumf %add3A_57, %max3A_59 : vector<1024x1024xf32>
    %reduce_max3A = arith.constant dense<0xFF800000> : vector<1024xf32>
    %reduce_max3A_61 = vector.multi_reduction <maximumf>, %max3A_60, %reduce_max3A [0] : vector<1024x1024xf32> to vector<1024xf32>
    %broadcast_in_dim3A = vector.shape_cast %reduce_max3A_61 : vector<1024xf32> to vector<1x1024xf32>
    %get3A_62 = arith.constant 0 : index
    %get3A_63 = arith.constant 0 : index
    %get3A_64 = vector.load %arg10[%get3A_62, %get3A_63] : memref<1280x256xf32, #tpu.memory_space<vmem>>, vector<1280x256xf32>
    %slice3A_65 = vector.extract_strided_slice %get3A_64 {offsets = [0, 0], sizes = [1024, 256], strides = [1, 1]} : vector<1280x256xf32> to vector<1024x256xf32>
    %dot_general3A_66 = arith.constant dense<0.000000e+00> : vector<1x256xf32>
    %dot_general3A_67 = tpu.matmul %broadcast_in_dim3A, %slice3A_65, %dot_general3A_66 {dimension_numbers = #tpu.dot_dimension_numbers<[1], [0], [0], [1], [0, 0, 1, 1], [], []>, transpose_lhs_hint = false} : vector<1x1024xf32>, vector<1024x256xf32>, vector<1x256xf32> -> vector<1x256xf32>
    %get3A_68 = arith.constant 0 : index
    %get3A_69 = arith.constant 0 : index
    %get3A_70 = vector.load %arg0[%get3A_68, %get3A_69] : memref<1024x256xf32, #tpu.memory_space<vmem>>, vector<1024x256xf32>
    %slice3A_71 = vector.extract_strided_slice %get3A_64 {offsets = [1024, 0], sizes = [256, 256], strides = [1, 1]} : vector<1280x256xf32> to vector<256x256xf32>
    %dot_general3A_72 = arith.constant dense<0.000000e+00> : vector<1024x256xf32>
    %dot_general3A_73 = tpu.matmul %get3A_70, %slice3A_71, %dot_general3A_72 {dimension_numbers = #tpu.dot_dimension_numbers<[1], [0], [0], [1], [0, 0, 1, 1], [], []>, transpose_lhs_hint = false} : vector<1024x256xf32>, vector<256x256xf32>, vector<1024x256xf32> -> vector<1024x256xf32>
    %add3A_74 = vector.broadcast %dot_general3A_67 : vector<1x256xf32> to vector<1024x256xf32>
    %add3A_75 = arith.addf %add3A_74, %dot_general3A_73 : vector<1024x256xf32>
    %get3A_76 = arith.constant 0 : index
    %get3A_77 = arith.constant 0 : index
    %get3A_78 = vector.load %arg11[%get3A_76, %get3A_77] : memref<1x256xf32, #tpu.memory_space<vmem>>, vector<1x256xf32>
    %add3A_79 = vector.broadcast %get3A_78 : vector<1x256xf32> to vector<1024x256xf32>
    %add3A_80 = arith.addf %add3A_75, %add3A_79 : vector<1024x256xf32>
    %max3A_81 = arith.constant 0.000000e+00 : f32
    %max3A_82 = vector.broadcast %max3A_81 : f32 to vector<1024x256xf32>
    %max3A_83 = arith.maximumf %add3A_80, %max3A_82 : vector<1024x256xf32>
    %get3A_84 = arith.constant 0 : index
    %get3A_85 = arith.constant 0 : index
    %get3A_86 = vector.load %arg12[%get3A_84, %get3A_85] : memref<256x256xf32, #tpu.memory_space<vmem>>, vector<256x256xf32>
    %dot_general3A_87 = arith.constant dense<0.000000e+00> : vector<1024x256xf32>
    %dot_general3A_88 = tpu.matmul %max3A_83, %get3A_86, %dot_general3A_87 {dimension_numbers = #tpu.dot_dimension_numbers<[1], [0], [0], [1], [0, 0, 1, 1], [], []>, transpose_lhs_hint = false} : vector<1024x256xf32>, vector<256x256xf32>, vector<1024x256xf32> -> vector<1024x256xf32>
    %get3A_89 = arith.constant 0 : index
    %get3A_90 = arith.constant 0 : index
    %get3A_91 = vector.load %arg13[%get3A_89, %get3A_90] : memref<1x256xf32, #tpu.memory_space<vmem>>, vector<1x256xf32>
    %add3A_92 = vector.broadcast %get3A_91 : vector<1x256xf32> to vector<1024x256xf32>
    %add3A_93 = arith.addf %dot_general3A_88, %add3A_92 : vector<1024x256xf32>
    %max3A_94 = arith.constant 0.000000e+00 : f32
    %max3A_95 = vector.broadcast %max3A_94 : f32 to vector<1024x256xf32>
    %max3A_96 = arith.maximumf %add3A_93, %max3A_95 : vector<1024x256xf32>
    %swap3A = arith.constant 0 : index
    %swap3A_97 = arith.constant 0 : index
    %swap3A_98 = vector.load %arg14[%swap3A, %swap3A_97] : memref<1024x256xf32, #tpu.memory_space<vmem>>, vector<1024x256xf32>
    tpu.vector_store %arg14[%swap3A, %swap3A_97], %max3A_96 {strides = array<i32>} : memref<1024x256xf32, #tpu.memory_space<vmem>>, vector<1024x256xf32>,
    return
  }
}

module attributes {stable_mosaic.version = 14 : i64} {
  func.func @_knn3_body(%arg0: i32, %arg1: memref<128x1xf32, #tpu.memory_space<vmem>>, %arg2: memref<128x1xf32, #tpu.memory_space<vmem>>, %arg3: memref<128x1xf32, #tpu.memory_space<vmem>>, %arg4: memref<1x2048xf32, #tpu.memory_space<vmem>>, %arg5: memref<1x2048xf32, #tpu.memory_space<vmem>>, %arg6: memref<1x2048xf32, #tpu.memory_space<vmem>>, %arg7: memref<128x8xi32, #tpu.memory_space<vmem>>, %arg8: memref<128x8xf32, #tpu.memory_space<vmem>>) attributes {dimension_semantics = [#tpu.dimension_semantics<arbitrary>], iteration_bounds = array<i64: 32>, scalar_prefetch = 0 : i64, scratch_operands = 0 : i64, tpu.core_type = #tpu.core_type<tc>, window_params = [{transform_indices = @transform_0, window_bounds = array<i64: 128, 1>}, {transform_indices = @transform_1, window_bounds = array<i64: 128, 1>}, {transform_indices = @transform_2, window_bounds = array<i64: 128, 1>}, {pipeline_mode = #tpu.pipeline_mode<synchronous>, transform_indices = @transform_3, window_bounds = array<i64: 1, 2048>}, {pipeline_mode = #tpu.pipeline_mode<synchronous>, transform_indices = @transform_4, window_bounds = array<i64: 1, 2048>}, {pipeline_mode = #tpu.pipeline_mode<synchronous>, transform_indices = @transform_5, window_bounds = array<i64: 1, 2048>}, {transform_indices = @transform_6, window_bounds = array<i64: 128, 8>}, {transform_indices = @transform_7, window_bounds = array<i64: 128, 8>}]} {
    %get3A = arith.constant 0 : index
    %get3A_0 = arith.constant 0 : index
    %get3A_1 = vector.load %arg1[%get3A, %get3A_0] : memref<128x1xf32, #tpu.memory_space<vmem>>, vector<128x1xf32>
    %get3A_2 = arith.constant 0 : index
    %get3A_3 = arith.constant 0 : index
    %get3A_4 = vector.load %arg4[%get3A_2, %get3A_3] : memref<1x2048xf32, #tpu.memory_space<vmem>>, vector<1x2048xf32>
    %sub3A = vector.broadcast %get3A_1 : vector<128x1xf32> to vector<128x2048xf32>
    %sub3A_5 = vector.broadcast %get3A_4 : vector<1x2048xf32> to vector<128x2048xf32>
    %sub3A_6 = arith.subf %sub3A, %sub3A_5 : vector<128x2048xf32>
    %get3A_7 = arith.constant 0 : index
    %get3A_8 = arith.constant 0 : index
    %get3A_9 = vector.load %arg2[%get3A_7, %get3A_8] : memref<128x1xf32, #tpu.memory_space<vmem>>, vector<128x1xf32>
    %get3A_10 = arith.constant 0 : index
    %get3A_11 = arith.constant 0 : index
    %get3A_12 = vector.load %arg5[%get3A_10, %get3A_11] : memref<1x2048xf32, #tpu.memory_space<vmem>>, vector<1x2048xf32>
    %sub3A_13 = vector.broadcast %get3A_9 : vector<128x1xf32> to vector<128x2048xf32>
    %sub3A_14 = vector.broadcast %get3A_12 : vector<1x2048xf32> to vector<128x2048xf32>
    %sub3A_15 = arith.subf %sub3A_13, %sub3A_14 : vector<128x2048xf32>
    %get3A_16 = arith.constant 0 : index
    %get3A_17 = arith.constant 0 : index
    %get3A_18 = vector.load %arg3[%get3A_16, %get3A_17] : memref<128x1xf32, #tpu.memory_space<vmem>>, vector<128x1xf32>
    %get3A_19 = arith.constant 0 : index
    %get3A_20 = arith.constant 0 : index
    %get3A_21 = vector.load %arg6[%get3A_19, %get3A_20] : memref<1x2048xf32, #tpu.memory_space<vmem>>, vector<1x2048xf32>
    %sub3A_22 = vector.broadcast %get3A_18 : vector<128x1xf32> to vector<128x2048xf32>
    %sub3A_23 = vector.broadcast %get3A_21 : vector<1x2048xf32> to vector<128x2048xf32>
    %sub3A_24 = arith.subf %sub3A_22, %sub3A_23 : vector<128x2048xf32>
    %mul3A = arith.mulf %sub3A_6, %sub3A_6 : vector<128x2048xf32>
    %mul3A_25 = arith.mulf %sub3A_15, %sub3A_15 : vector<128x2048xf32>
    %add3A = arith.addf %mul3A, %mul3A_25 : vector<128x2048xf32>
    %mul3A_26 = arith.mulf %sub3A_24, %sub3A_24 : vector<128x2048xf32>
    %add3A_27 = arith.addf %add3A, %mul3A_26 : vector<128x2048xf32>
    %iota3A = tpu.iota {dimensions = array<i32: 1>} : vector<128x2048xi32>
    %reduce_min3A = arith.constant dense<0x7F800000> : vector<128xf32>
    %reduce_min3A_28 = vector.multi_reduction <minimumf>, %add3A_27, %reduce_min3A [1] : vector<128x2048xf32> to vector<128xf32>
    %broadcast_in_dim3A = vector.shape_cast %reduce_min3A_28 : vector<128xf32> to vector<128x1xf32>
    %eq3A = vector.broadcast %broadcast_in_dim3A : vector<128x1xf32> to vector<128x2048xf32>
    %eq3A_29 = arith.cmpf oeq, %add3A_27, %eq3A : vector<128x2048xf32>
    %jit3A = arith.constant 1073741824 : i32
    %broadcast_in_dim3A_30 = vector.broadcast %jit3A : i32 to vector<128x2048xi32>
    %select_n3A = arith.select %eq3A_29, %iota3A, %broadcast_in_dim3A_30 : vector<128x2048xi1>, vector<128x2048xi32>
    %reduce_min3A_31 = arith.constant dense<2147483647> : vector<128xi32>
    %reduce_min3A_32 = vector.multi_reduction <minsi>, %select_n3A, %reduce_min3A_31 [1] : vector<128x2048xi32> to vector<128xi32>
    %broadcast_in_dim3A_33 = vector.shape_cast %reduce_min3A_32 : vector<128xi32> to vector<128x1xi32>
    %eq3A_34 = vector.broadcast %broadcast_in_dim3A_33 : vector<128x1xi32> to vector<128x2048xi32>
    %eq3A_35 = arith.cmpi eq, %iota3A, %eq3A_34 : vector<128x2048xi32>
    %jit3A_36 = arith.constant 0x7F800000 : f32
    %broadcast_in_dim3A_37 = vector.broadcast %jit3A_36 : f32 to vector<128x2048xf32>
    %select_n3A_38 = arith.select %eq3A_35, %broadcast_in_dim3A_37, %add3A_27 : vector<128x2048xi1>, vector<128x2048xf32>
    %reduce_min3A_39 = arith.constant dense<0x7F800000> : vector<128xf32>
    %reduce_min3A_40 = vector.multi_reduction <minimumf>, %select_n3A_38, %reduce_min3A_39 [1] : vector<128x2048xf32> to vector<128xf32>
    %broadcast_in_dim3A_41 = vector.shape_cast %reduce_min3A_40 : vector<128xf32> to vector<128x1xf32>
    %eq3A_42 = vector.broadcast %broadcast_in_dim3A_41 : vector<128x1xf32> to vector<128x2048xf32>
    %eq3A_43 = arith.cmpf oeq, %select_n3A_38, %eq3A_42 : vector<128x2048xf32>
    %jit3A_44 = arith.constant 1073741824 : i32
    %broadcast_in_dim3A_45 = vector.broadcast %jit3A_44 : i32 to vector<128x2048xi32>
    %select_n3A_46 = arith.select %eq3A_43, %iota3A, %broadcast_in_dim3A_45 : vector<128x2048xi1>, vector<128x2048xi32>
    %reduce_min3A_47 = arith.constant dense<2147483647> : vector<128xi32>
    %reduce_min3A_48 = vector.multi_reduction <minsi>, %select_n3A_46, %reduce_min3A_47 [1] : vector<128x2048xi32> to vector<128xi32>
    %broadcast_in_dim3A_49 = vector.shape_cast %reduce_min3A_48 : vector<128xi32> to vector<128x1xi32>
    %eq3A_50 = vector.broadcast %broadcast_in_dim3A_49 : vector<128x1xi32> to vector<128x2048xi32>
    %eq3A_51 = arith.cmpi eq, %iota3A, %eq3A_50 : vector<128x2048xi32>
    %jit3A_52 = arith.constant 0x7F800000 : f32
    %broadcast_in_dim3A_53 = vector.broadcast %jit3A_52 : f32 to vector<128x2048xf32>
    %select_n3A_54 = arith.select %eq3A_51, %broadcast_in_dim3A_53, %select_n3A_38 : vector<128x2048xi1>, vector<128x2048xf32>
    %reduce_min3A_55 = arith.constant dense<0x7F800000> : vector<128xf32>
    %reduce_min3A_56 = vector.multi_reduction <minimumf>, %select_n3A_54, %reduce_min3A_55 [1] : vector<128x2048xf32> to vector<128xf32>
    %broadcast_in_dim3A_57 = vector.shape_cast %reduce_min3A_56 : vector<128xf32> to vector<128x1xf32>
    %eq3A_58 = vector.broadcast %broadcast_in_dim3A_57 : vector<128x1xf32> to vector<128x2048xf32>
    %eq3A_59 = arith.cmpf oeq, %select_n3A_54, %eq3A_58 : vector<128x2048xf32>
    %jit3A_60 = arith.constant 1073741824 : i32
    %broadcast_in_dim3A_61 = vector.broadcast %jit3A_60 : i32 to vector<128x2048xi32>
    %select_n3A_62 = arith.select %eq3A_59, %iota3A, %broadcast_in_dim3A_61 : vector<128x2048xi1>, vector<128x2048xi32>
    %reduce_min3A_63 = arith.constant dense<2147483647> : vector<128xi32>
    %reduce_min3A_64 = vector.multi_reduction <minsi>, %select_n3A_62, %reduce_min3A_63 [1] : vector<128x2048xi32> to vector<128xi32>
    %broadcast_in_dim3A_65 = vector.shape_cast %reduce_min3A_64 : vector<128xi32> to vector<128x1xi32>
    %max3A = arith.constant 1.000000e-16 : f32
    %max3A_66 = vector.broadcast %max3A : f32 to vector<128x1xf32>
    %max3A_67 = arith.maximumf %broadcast_in_dim3A, %max3A_66 : vector<128x1xf32>
    %div3A = arith.constant 1.000000e+00 : f32
    %div3A_68 = vector.broadcast %div3A : f32 to vector<128x1xf32>
    %div3A_69 = arith.divf %div3A_68, %max3A_67 : vector<128x1xf32>
    %max3A_70 = arith.constant 1.000000e-16 : f32
    %max3A_71 = vector.broadcast %max3A_70 : f32 to vector<128x1xf32>
    %max3A_72 = arith.maximumf %broadcast_in_dim3A_41, %max3A_71 : vector<128x1xf32>
    %div3A_73 = arith.constant 1.000000e+00 : f32
    %div3A_74 = vector.broadcast %div3A_73 : f32 to vector<128x1xf32>
    %div3A_75 = arith.divf %div3A_74, %max3A_72 : vector<128x1xf32>
    %max3A_76 = arith.constant 1.000000e-16 : f32
    %max3A_77 = vector.broadcast %max3A_76 : f32 to vector<128x1xf32>
    %max3A_78 = arith.maximumf %broadcast_in_dim3A_57, %max3A_77 : vector<128x1xf32>
    %div3A_79 = arith.constant 1.000000e+00 : f32
    %div3A_80 = vector.broadcast %div3A_79 : f32 to vector<128x1xf32>
    %div3A_81 = arith.divf %div3A_80, %max3A_78 : vector<128x1xf32>
    %add3A_82 = arith.addf %div3A_69, %div3A_75 : vector<128x1xf32>
    %add3A_83 = arith.addf %add3A_82, %div3A_81 : vector<128x1xf32>
    %div3A_84 = arith.divf %div3A_69, %add3A_83 : vector<128x1xf32>
    %div3A_85 = arith.divf %div3A_75, %add3A_83 : vector<128x1xf32>
    %div3A_86 = arith.divf %div3A_81, %add3A_83 : vector<128x1xf32>
    %iota3A_87 = tpu.iota {dimensions = array<i32: 1>} : vector<128x8xi32>
    %eq3A_88 = arith.constant 0 : i32
    %eq3A_89 = vector.broadcast %eq3A_88 : i32 to vector<128x8xi32>
    %eq3A_90 = arith.cmpi eq, %iota3A_87, %eq3A_89 : vector<128x8xi32>
    %eq3A_91 = arith.constant 1 : i32
    %eq3A_92 = vector.broadcast %eq3A_91 : i32 to vector<128x8xi32>
    %eq3A_93 = arith.cmpi eq, %iota3A_87, %eq3A_92 : vector<128x8xi32>
    %eq3A_94 = arith.constant 2 : i32
    %eq3A_95 = vector.broadcast %eq3A_94 : i32 to vector<128x8xi32>
    %eq3A_96 = arith.cmpi eq, %iota3A_87, %eq3A_95 : vector<128x8xi32>
    %jit3A_97 = arith.constant 0.000000e+00 : f32
    %broadcast_in_dim3A_98 = vector.shape_cast %div3A_86 : vector<128x1xf32> to vector<128x1xf32>
    %broadcast_in_dim3A_99 = vector.broadcast %broadcast_in_dim3A_98 : vector<128x1xf32> to vector<128x8xf32>
    %broadcast_in_dim3A_100 = vector.broadcast %jit3A_97 : f32 to vector<128x8xf32>
    %select_n3A_101 = arith.select %eq3A_96, %broadcast_in_dim3A_99, %broadcast_in_dim3A_100 : vector<128x8xi1>, vector<128x8xf32>
    %broadcast_in_dim3A_102 = vector.shape_cast %div3A_85 : vector<128x1xf32> to vector<128x1xf32>
    %broadcast_in_dim3A_103 = vector.broadcast %broadcast_in_dim3A_102 : vector<128x1xf32> to vector<128x8xf32>
    %select_n3A_104 = arith.select %eq3A_93, %broadcast_in_dim3A_103, %select_n3A_101 : vector<128x8xi1>, vector<128x8xf32>
    %broadcast_in_dim3A_105 = vector.shape_cast %div3A_84 : vector<128x1xf32> to vector<128x1xf32>
    %broadcast_in_dim3A_106 = vector.broadcast %broadcast_in_dim3A_105 : vector<128x1xf32> to vector<128x8xf32>
    %select_n3A_107 = arith.select %eq3A_90, %broadcast_in_dim3A_106, %select_n3A_104 : vector<128x8xi1>, vector<128x8xf32>
    %eq3A_108 = arith.constant 0 : i32
    %eq3A_109 = vector.broadcast %eq3A_108 : i32 to vector<128x8xi32>
    %eq3A_110 = arith.cmpi eq, %iota3A_87, %eq3A_109 : vector<128x8xi32>
    %eq3A_111 = arith.constant 1 : i32
    %eq3A_112 = vector.broadcast %eq3A_111 : i32 to vector<128x8xi32>
    %eq3A_113 = arith.cmpi eq, %iota3A_87, %eq3A_112 : vector<128x8xi32>
    %eq3A_114 = arith.constant 2 : i32
    %eq3A_115 = vector.broadcast %eq3A_114 : i32 to vector<128x8xi32>
    %eq3A_116 = arith.cmpi eq, %iota3A_87, %eq3A_115 : vector<128x8xi32>
    %jit3A_117 = arith.constant 0 : i32
    %broadcast_in_dim3A_118 = vector.shape_cast %broadcast_in_dim3A_65 : vector<128x1xi32> to vector<128x1xi32>
    %broadcast_in_dim3A_119 = vector.broadcast %broadcast_in_dim3A_118 : vector<128x1xi32> to vector<128x8xi32>
    %broadcast_in_dim3A_120 = vector.broadcast %jit3A_117 : i32 to vector<128x8xi32>
    %select_n3A_121 = arith.select %eq3A_116, %broadcast_in_dim3A_119, %broadcast_in_dim3A_120 : vector<128x8xi1>, vector<128x8xi32>
    %broadcast_in_dim3A_122 = vector.shape_cast %broadcast_in_dim3A_49 : vector<128x1xi32> to vector<128x1xi32>
    %broadcast_in_dim3A_123 = vector.broadcast %broadcast_in_dim3A_122 : vector<128x1xi32> to vector<128x8xi32>
    %select_n3A_124 = arith.select %eq3A_113, %broadcast_in_dim3A_123, %select_n3A_121 : vector<128x8xi1>, vector<128x8xi32>
    %broadcast_in_dim3A_125 = vector.shape_cast %broadcast_in_dim3A_33 : vector<128x1xi32> to vector<128x1xi32>
    %broadcast_in_dim3A_126 = vector.broadcast %broadcast_in_dim3A_125 : vector<128x1xi32> to vector<128x8xi32>
    %select_n3A_127 = arith.select %eq3A_110, %broadcast_in_dim3A_126, %select_n3A_124 : vector<128x8xi1>, vector<128x8xi32>
    %swap3A = arith.constant 0 : index
    %swap3A_128 = arith.constant 0 : index
    %swap3A_129 = vector.load %arg7[%swap3A, %swap3A_128] : memref<128x8xi32, #tpu.memory_space<vmem>>, vector<128x8xi32>
    tpu.vector_store %arg7[%swap3A, %swap3A_128], %select_n3A_127 {strides = array<i32>} : memref<128x8xi32, #tpu.memory_space<vmem>>, vector<128x8xi32>,
    %swap3A_130 = arith.constant 0 : index
    %swap3A_131 = arith.constant 0 : index
    %swap3A_132 = vector.load %arg8[%swap3A_130, %swap3A_131] : memref<128x8xf32, #tpu.memory_space<vmem>>, vector<128x8xf32>
    tpu.vector_store %arg8[%swap3A_130, %swap3A_131], %select_n3A_107 {strides = array<i32>} : memref<128x8xf32, #tpu.memory_space<vmem>>, vector<128x8xf32>,
    return
  }
  func.func @transform_0(%arg0: i32) -> (i32, i32) {
    %c0_i32 = arith.constant 0 : i32
    %c0_i32_0 = arith.constant 0 : i32
    return %arg0, %c0_i32 : i32, i32
  }
  func.func @transform_1(%arg0: i32) -> (i32, i32) {
    %c0_i32 = arith.constant 0 : i32
    %c0_i32_0 = arith.constant 0 : i32
    return %arg0, %c0_i32 : i32, i32
  }
  func.func @transform_2(%arg0: i32) -> (i32, i32) {
    %c0_i32 = arith.constant 0 : i32
    %c0_i32_0 = arith.constant 0 : i32
    return %arg0, %c0_i32 : i32, i32
  }
  func.func @transform_3(%arg0: i32) -> (i32, i32) {
    %c0_i32 = arith.constant 0 : i32
    %c0_i32_0 = arith.constant 0 : i32
    %c0_i32_1 = arith.constant 0 : i32
    return %c0_i32, %c0_i32_0 : i32, i32
  }
  func.func @transform_4(%arg0: i32) -> (i32, i32) {
    %c0_i32 = arith.constant 0 : i32
    %c0_i32_0 = arith.constant 0 : i32
    %c0_i32_1 = arith.constant 0 : i32
    return %c0_i32, %c0_i32_0 : i32, i32
  }
  func.func @transform_5(%arg0: i32) -> (i32, i32) {
    %c0_i32 = arith.constant 0 : i32
    %c0_i32_0 = arith.constant 0 : i32
    %c0_i32_1 = arith.constant 0 : i32
    return %c0_i32, %c0_i32_0 : i32, i32
  }
  func.func @transform_6(%arg0: i32) -> (i32, i32) {
    %c0_i32 = arith.constant 0 : i32
    %c0_i32_0 = arith.constant 0 : i32
    return %arg0, %c0_i32 : i32, i32
  }
  func.func @transform_7(%arg0: i32) -> (i32, i32) {
    %c0_i32 = arith.constant 0 : i32
    %c0_i32_0 = arith.constant 0 : i32
    return %arg0, %c0_i32 : i32, i32
  }
}

module attributes {stable_mosaic.version = 14 : i64} {
  func.func @_fp2_body(%arg0: i32, %arg1: memref<256x768xf32, #tpu.memory_space<vmem>>, %arg2: memref<256x8xf32, #tpu.memory_space<vmem>>, %arg3: memref<256x128xf32, #tpu.memory_space<vmem>>, %arg4: memref<384x256xf32, #tpu.memory_space<vmem>>, %arg5: memref<1x256xf32, #tpu.memory_space<vmem>>, %arg6: memref<256x128xf32, #tpu.memory_space<vmem>>, %arg7: memref<1x128xf32, #tpu.memory_space<vmem>>, %arg8: memref<256x128xf32, #tpu.memory_space<vmem>>) attributes {dimension_semantics = [#tpu.dimension_semantics<arbitrary>], iteration_bounds = array<i64: 8>, scalar_prefetch = 0 : i64, scratch_operands = 0 : i64, tpu.core_type = #tpu.core_type<tc>, window_params = [{transform_indices = @transform_0, window_bounds = array<i64: 256, 768>}, {transform_indices = @transform_1, window_bounds = array<i64: 256, 8>}, {transform_indices = @transform_2, window_bounds = array<i64: 256, 128>}, {pipeline_mode = #tpu.pipeline_mode<synchronous>, transform_indices = @transform_3, window_bounds = array<i64: 384, 256>}, {pipeline_mode = #tpu.pipeline_mode<synchronous>, transform_indices = @transform_4, window_bounds = array<i64: 1, 256>}, {pipeline_mode = #tpu.pipeline_mode<synchronous>, transform_indices = @transform_5, window_bounds = array<i64: 256, 128>}, {pipeline_mode = #tpu.pipeline_mode<synchronous>, transform_indices = @transform_6, window_bounds = array<i64: 1, 128>}, {transform_indices = @transform_7, window_bounds = array<i64: 256, 128>}]} {
    %get3A = arith.constant 0 : index
    %get3A_0 = arith.constant 0 : index
    %get3A_1 = vector.load %arg1[%get3A, %get3A_0] : memref<256x768xf32, #tpu.memory_space<vmem>>, vector<256x256xf32>
    %get3A_2 = arith.constant 0 : index
    %get3A_3 = arith.constant 256 : index
    %get3A_4 = vector.load %arg1[%get3A_2, %get3A_3] : memref<256x768xf32, #tpu.memory_space<vmem>>, vector<256x256xf32>
    %get3A_5 = arith.constant 0 : index
    %get3A_6 = arith.constant 512 : index
    %get3A_7 = vector.load %arg1[%get3A_5, %get3A_6] : memref<256x768xf32, #tpu.memory_space<vmem>>, vector<256x256xf32>
    %get3A_8 = arith.constant 0 : index
    %get3A_9 = arith.constant 0 : index
    %get3A_10 = vector.load %arg2[%get3A_8, %get3A_9] : memref<256x8xf32, #tpu.memory_space<vmem>>, vector<256x1xf32>
    %get3A_11 = arith.constant 0 : index
    %get3A_12 = arith.constant 1 : index
    %get3A_13 = vector.load %arg2[%get3A_11, %get3A_12] : memref<256x8xf32, #tpu.memory_space<vmem>>, vector<256x1xf32>
    %get3A_14 = arith.constant 0 : index
    %get3A_15 = arith.constant 2 : index
    %get3A_16 = vector.load %arg2[%get3A_14, %get3A_15] : memref<256x8xf32, #tpu.memory_space<vmem>>, vector<256x1xf32>
    %mul3A = vector.broadcast %get3A_10 : vector<256x1xf32> to vector<256x256xf32>
    %mul3A_17 = arith.mulf %get3A_1, %mul3A : vector<256x256xf32>
    %mul3A_18 = vector.broadcast %get3A_13 : vector<256x1xf32> to vector<256x256xf32>
    %mul3A_19 = arith.mulf %get3A_4, %mul3A_18 : vector<256x256xf32>
    %add3A = arith.addf %mul3A_17, %mul3A_19 : vector<256x256xf32>
    %mul3A_20 = vector.broadcast %get3A_16 : vector<256x1xf32> to vector<256x256xf32>
    %mul3A_21 = arith.mulf %get3A_7, %mul3A_20 : vector<256x256xf32>
    %add3A_22 = arith.addf %add3A, %mul3A_21 : vector<256x256xf32>
    %get3A_23 = arith.constant 0 : index
    %get3A_24 = arith.constant 0 : index
    %get3A_25 = vector.load %arg4[%get3A_23, %get3A_24] : memref<384x256xf32, #tpu.memory_space<vmem>>, vector<384x256xf32>
    %slice3A = vector.extract_strided_slice %get3A_25 {offsets = [0, 0], sizes = [256, 256], strides = [1, 1]} : vector<384x256xf32> to vector<256x256xf32>
    %dot_general3A = arith.constant dense<0.000000e+00> : vector<256x256xf32>
    %dot_general3A_26 = tpu.matmul %add3A_22, %slice3A, %dot_general3A {dimension_numbers = #tpu.dot_dimension_numbers<[1], [0], [0], [1], [0, 0, 1, 1], [], []>, transpose_lhs_hint = false} : vector<256x256xf32>, vector<256x256xf32>, vector<256x256xf32> -> vector<256x256xf32>
    %get3A_27 = arith.constant 0 : index
    %get3A_28 = arith.constant 0 : index
    %get3A_29 = vector.load %arg3[%get3A_27, %get3A_28] : memref<256x128xf32, #tpu.memory_space<vmem>>, vector<256x128xf32>
    %slice3A_30 = vector.extract_strided_slice %get3A_25 {offsets = [256, 0], sizes = [128, 256], strides = [1, 1]} : vector<384x256xf32> to vector<128x256xf32>
    %dot_general3A_31 = arith.constant dense<0.000000e+00> : vector<256x256xf32>
    %dot_general3A_32 = tpu.matmul %get3A_29, %slice3A_30, %dot_general3A_31 {dimension_numbers = #tpu.dot_dimension_numbers<[1], [0], [0], [1], [0, 0, 1, 1], [], []>, transpose_lhs_hint = false} : vector<256x128xf32>, vector<128x256xf32>, vector<256x256xf32> -> vector<256x256xf32>
    %add3A_33 = arith.addf %dot_general3A_26, %dot_general3A_32 : vector<256x256xf32>
    %get3A_34 = arith.constant 0 : index
    %get3A_35 = arith.constant 0 : index
    %get3A_36 = vector.load %arg5[%get3A_34, %get3A_35] : memref<1x256xf32, #tpu.memory_space<vmem>>, vector<1x256xf32>
    %add3A_37 = vector.broadcast %get3A_36 : vector<1x256xf32> to vector<256x256xf32>
    %add3A_38 = arith.addf %add3A_33, %add3A_37 : vector<256x256xf32>
    %max3A = arith.constant 0.000000e+00 : f32
    %max3A_39 = vector.broadcast %max3A : f32 to vector<256x256xf32>
    %max3A_40 = arith.maximumf %add3A_38, %max3A_39 : vector<256x256xf32>
    %get3A_41 = arith.constant 0 : index
    %get3A_42 = arith.constant 0 : index
    %get3A_43 = vector.load %arg6[%get3A_41, %get3A_42] : memref<256x128xf32, #tpu.memory_space<vmem>>, vector<256x128xf32>
    %dot_general3A_44 = arith.constant dense<0.000000e+00> : vector<256x128xf32>
    %dot_general3A_45 = tpu.matmul %max3A_40, %get3A_43, %dot_general3A_44 {dimension_numbers = #tpu.dot_dimension_numbers<[1], [0], [0], [1], [0, 0, 1, 1], [], []>, transpose_lhs_hint = false} : vector<256x256xf32>, vector<256x128xf32>, vector<256x128xf32> -> vector<256x128xf32>
    %get3A_46 = arith.constant 0 : index
    %get3A_47 = arith.constant 0 : index
    %get3A_48 = vector.load %arg7[%get3A_46, %get3A_47] : memref<1x128xf32, #tpu.memory_space<vmem>>, vector<1x128xf32>
    %add3A_49 = vector.broadcast %get3A_48 : vector<1x128xf32> to vector<256x128xf32>
    %add3A_50 = arith.addf %dot_general3A_45, %add3A_49 : vector<256x128xf32>
    %max3A_51 = arith.constant 0.000000e+00 : f32
    %max3A_52 = vector.broadcast %max3A_51 : f32 to vector<256x128xf32>
    %max3A_53 = arith.maximumf %add3A_50, %max3A_52 : vector<256x128xf32>
    %swap3A = arith.constant 0 : index
    %swap3A_54 = arith.constant 0 : index
    %swap3A_55 = vector.load %arg8[%swap3A, %swap3A_54] : memref<256x128xf32, #tpu.memory_space<vmem>>, vector<256x128xf32>
    tpu.vector_store %arg8[%swap3A, %swap3A_54], %max3A_53 {strides = array<i32>} : memref<256x128xf32, #tpu.memory_space<vmem>>, vector<256x128xf32>,
    return
  }
  func.func @transform_0(%arg0: i32) -> (i32, i32) {
    %c0_i32 = arith.constant 0 : i32
    %c0_i32_0 = arith.constant 0 : i32
    return %arg0, %c0_i32 : i32, i32
  }
  func.func @transform_1(%arg0: i32) -> (i32, i32) {
    %c0_i32 = arith.constant 0 : i32
    %c0_i32_0 = arith.constant 0 : i32
    return %arg0, %c0_i32 : i32, i32
  }
  func.func @transform_2(%arg0: i32) -> (i32, i32) {
    %c0_i32 = arith.constant 0 : i32
    %c0_i32_0 = arith.constant 0 : i32
    return %arg0, %c0_i32 : i32, i32
  }
  func.func @transform_3(%arg0: i32) -> (i32, i32) {
    %c0_i32 = arith.constant 0 : i32
    %c0_i32_0 = arith.constant 0 : i32
    %c0_i32_1 = arith.constant 0 : i32
    return %c0_i32, %c0_i32_0 : i32, i32
  }
  func.func @transform_4(%arg0: i32) -> (i32, i32) {
    %c0_i32 = arith.constant 0 : i32
    %c0_i32_0 = arith.constant 0 : i32
    %c0_i32_1 = arith.constant 0 : i32
    return %c0_i32, %c0_i32_0 : i32, i32
  }
  func.func @transform_5(%arg0: i32) -> (i32, i32) {
    %c0_i32 = arith.constant 0 : i32
    %c0_i32_0 = arith.constant 0 : i32
    %c0_i32_1 = arith.constant 0 : i32
    return %c0_i32, %c0_i32_0 : i32, i32
  }
  func.func @transform_6(%arg0: i32) -> (i32, i32) {
    %c0_i32 = arith.constant 0 : i32
    %c0_i32_0 = arith.constant 0 : i32
    %c0_i32_1 = arith.constant 0 : i32
    return %c0_i32, %c0_i32_0 : i32, i32
  }
  func.func @transform_7(%arg0: i32) -> (i32, i32) {
    %c0_i32 = arith.constant 0 : i32
    %c0_i32_0 = arith.constant 0 : i32
    return %arg0, %c0_i32 : i32, i32
  }
}

module attributes {stable_mosaic.version = 14 : i64} {
  func.func @_fp1_head_body(%arg0: i32, %arg1: memref<256x384xf32, #tpu.memory_space<vmem>>, %arg2: memref<256x8xf32, #tpu.memory_space<vmem>>, %arg3: memref<256x1xf32, #tpu.memory_space<vmem>>, %arg4: memref<256x1xf32, #tpu.memory_space<vmem>>, %arg5: memref<256x1xf32, #tpu.memory_space<vmem>>, %arg6: memref<131x128xf32, #tpu.memory_space<vmem>>, %arg7: memref<1x128xf32, #tpu.memory_space<vmem>>, %arg8: memref<128x128xf32, #tpu.memory_space<vmem>>, %arg9: memref<1x128xf32, #tpu.memory_space<vmem>>, %arg10: memref<128x128xf32, #tpu.memory_space<vmem>>, %arg11: memref<1x128xf32, #tpu.memory_space<vmem>>, %arg12: memref<128x128xf32, #tpu.memory_space<vmem>>, %arg13: memref<1x128xf32, #tpu.memory_space<vmem>>, %arg14: memref<128x128xf32, #tpu.memory_space<vmem>>, %arg15: memref<1x128xf32, #tpu.memory_space<vmem>>, %arg16: memref<128x128xf32, #tpu.memory_space<vmem>>, %arg17: memref<1x128xf32, #tpu.memory_space<vmem>>, %arg18: memref<256x128xf32, #tpu.memory_space<vmem>>) attributes {dimension_semantics = [#tpu.dimension_semantics<arbitrary>], iteration_bounds = array<i64: 16>, scalar_prefetch = 0 : i64, scratch_operands = 0 : i64, tpu.core_type = #tpu.core_type<tc>, window_params = [{transform_indices = @transform_0, window_bounds = array<i64: 256, 384>}, {transform_indices = @transform_1, window_bounds = array<i64: 256, 8>}, {transform_indices = @transform_2, window_bounds = array<i64: 256, 1>}, {transform_indices = @transform_3, window_bounds = array<i64: 256, 1>}, {transform_indices = @transform_4, window_bounds = array<i64: 256, 1>}, {pipeline_mode = #tpu.pipeline_mode<synchronous>, transform_indices = @transform_5, window_bounds = array<i64: 131, 128>}, {pipeline_mode = #tpu.pipeline_mode<synchronous>, transform_indices = @transform_6, window_bounds = array<i64: 1, 128>}, {pipeline_mode = #tpu.pipeline_mode<synchronous>, transform_indices = @transform_7, window_bounds = array<i64: 128, 128>}, {pipeline_mode = #tpu.pipeline_mode<synchronous>, transform_indices = @transform_8, window_bounds = array<i64: 1, 128>}, {pipeline_mode = #tpu.pipeline_mode<synchronous>, transform_indices = @transform_9, window_bounds = array<i64: 128, 128>}, {pipeline_mode = #tpu.pipeline_mode<synchronous>, transform_indices = @transform_10, window_bounds = array<i64: 1, 128>}, {pipeline_mode = #tpu.pipeline_mode<synchronous>, transform_indices = @transform_11, window_bounds = array<i64: 128, 128>}, {pipeline_mode = #tpu.pipeline_mode<synchronous>, transform_indices = @transform_12, window_bounds = array<i64: 1, 128>}, {pipeline_mode = #tpu.pipeline_mode<synchronous>, transform_indices = @transform_13, window_bounds = array<i64: 128, 128>}, {pipeline_mode = #tpu.pipeline_mode<synchronous>, transform_indices = @transform_14, window_bounds = array<i64: 1, 128>}, {pipeline_mode = #tpu.pipeline_mode<synchronous>, transform_indices = @transform_15, window_bounds = array<i64: 128, 128>}, {pipeline_mode = #tpu.pipeline_mode<synchronous>, transform_indices = @transform_16, window_bounds = array<i64: 1, 128>}, {transform_indices = @transform_17, window_bounds = array<i64: 256, 128>}]} {
    %get3A = arith.constant 0 : index
    %get3A_0 = arith.constant 0 : index
    %get3A_1 = vector.load %arg1[%get3A, %get3A_0] : memref<256x384xf32, #tpu.memory_space<vmem>>, vector<256x128xf32>
    %get3A_2 = arith.constant 0 : index
    %get3A_3 = arith.constant 128 : index
    %get3A_4 = vector.load %arg1[%get3A_2, %get3A_3] : memref<256x384xf32, #tpu.memory_space<vmem>>, vector<256x128xf32>
    %get3A_5 = arith.constant 0 : index
    %get3A_6 = arith.constant 256 : index
    %get3A_7 = vector.load %arg1[%get3A_5, %get3A_6] : memref<256x384xf32, #tpu.memory_space<vmem>>, vector<256x128xf32>
    %get3A_8 = arith.constant 0 : index
    %get3A_9 = arith.constant 0 : index
    %get3A_10 = vector.load %arg2[%get3A_8, %get3A_9] : memref<256x8xf32, #tpu.memory_space<vmem>>, vector<256x1xf32>
    %get3A_11 = arith.constant 0 : index
    %get3A_12 = arith.constant 1 : index
    %get3A_13 = vector.load %arg2[%get3A_11, %get3A_12] : memref<256x8xf32, #tpu.memory_space<vmem>>, vector<256x1xf32>
    %get3A_14 = arith.constant 0 : index
    %get3A_15 = arith.constant 2 : index
    %get3A_16 = vector.load %arg2[%get3A_14, %get3A_15] : memref<256x8xf32, #tpu.memory_space<vmem>>, vector<256x1xf32>
    %mul3A = vector.broadcast %get3A_10 : vector<256x1xf32> to vector<256x128xf32>
    %mul3A_17 = arith.mulf %get3A_1, %mul3A : vector<256x128xf32>
    %mul3A_18 = vector.broadcast %get3A_13 : vector<256x1xf32> to vector<256x128xf32>
    %mul3A_19 = arith.mulf %get3A_4, %mul3A_18 : vector<256x128xf32>
    %add3A = arith.addf %mul3A_17, %mul3A_19 : vector<256x128xf32>
    %mul3A_20 = vector.broadcast %get3A_16 : vector<256x1xf32> to vector<256x128xf32>
    %mul3A_21 = arith.mulf %get3A_7, %mul3A_20 : vector<256x128xf32>
    %add3A_22 = arith.addf %add3A, %mul3A_21 : vector<256x128xf32>
    %get3A_23 = arith.constant 0 : index
    %get3A_24 = arith.constant 0 : index
    %get3A_25 = vector.load %arg6[%get3A_23, %get3A_24] : memref<131x128xf32, #tpu.memory_space<vmem>>, vector<131x128xf32>
    %slice3A = vector.extract_strided_slice %get3A_25 {offsets = [0, 0], sizes = [128, 128], strides = [1, 1]} : vector<131x128xf32> to vector<128x128xf32>
    %dot_general3A = arith.constant dense<0.000000e+00> : vector<256x128xf32>
    %dot_general3A_26 = tpu.matmul %add3A_22, %slice3A, %dot_general3A {dimension_numbers = #tpu.dot_dimension_numbers<[1], [0], [0], [1], [0, 0, 1, 1], [], []>, transpose_lhs_hint = false} : vector<256x128xf32>, vector<128x128xf32>, vector<256x128xf32> -> vector<256x128xf32>
    %get3A_27 = arith.constant 0 : index
    %get3A_28 = arith.constant 0 : index
    %get3A_29 = vector.load %arg3[%get3A_27, %get3A_28] : memref<256x1xf32, #tpu.memory_space<vmem>>, vector<256x1xf32>
    %slice3A_30 = vector.extract_strided_slice %get3A_25 {offsets = [128, 0], sizes = [1, 128], strides = [1, 1]} : vector<131x128xf32> to vector<1x128xf32>
    %mul3A_31 = vector.broadcast %get3A_29 : vector<256x1xf32> to vector<256x128xf32>
    %mul3A_32 = vector.broadcast %slice3A_30 : vector<1x128xf32> to vector<256x128xf32>
    %mul3A_33 = arith.mulf %mul3A_31, %mul3A_32 : vector<256x128xf32>
    %add3A_34 = arith.addf %dot_general3A_26, %mul3A_33 : vector<256x128xf32>
    %get3A_35 = arith.constant 0 : index
    %get3A_36 = arith.constant 0 : index
    %get3A_37 = vector.load %arg4[%get3A_35, %get3A_36] : memref<256x1xf32, #tpu.memory_space<vmem>>, vector<256x1xf32>
    %slice3A_38 = vector.extract_strided_slice %get3A_25 {offsets = [129, 0], sizes = [1, 128], strides = [1, 1]} : vector<131x128xf32> to vector<1x128xf32>
    %mul3A_39 = vector.broadcast %get3A_37 : vector<256x1xf32> to vector<256x128xf32>
    %mul3A_40 = vector.broadcast %slice3A_38 : vector<1x128xf32> to vector<256x128xf32>
    %mul3A_41 = arith.mulf %mul3A_39, %mul3A_40 : vector<256x128xf32>
    %add3A_42 = arith.addf %add3A_34, %mul3A_41 : vector<256x128xf32>
    %get3A_43 = arith.constant 0 : index
    %get3A_44 = arith.constant 0 : index
    %get3A_45 = vector.load %arg5[%get3A_43, %get3A_44] : memref<256x1xf32, #tpu.memory_space<vmem>>, vector<256x1xf32>
    %slice3A_46 = vector.extract_strided_slice %get3A_25 {offsets = [130, 0], sizes = [1, 128], strides = [1, 1]} : vector<131x128xf32> to vector<1x128xf32>
    %mul3A_47 = vector.broadcast %get3A_45 : vector<256x1xf32> to vector<256x128xf32>
    %mul3A_48 = vector.broadcast %slice3A_46 : vector<1x128xf32> to vector<256x128xf32>
    %mul3A_49 = arith.mulf %mul3A_47, %mul3A_48 : vector<256x128xf32>
    %add3A_50 = arith.addf %add3A_42, %mul3A_49 : vector<256x128xf32>
    %get3A_51 = arith.constant 0 : index
    %get3A_52 = arith.constant 0 : index
    %get3A_53 = vector.load %arg7[%get3A_51, %get3A_52] : memref<1x128xf32, #tpu.memory_space<vmem>>, vector<1x128xf32>
    %add3A_54 = vector.broadcast %get3A_53 : vector<1x128xf32> to vector<256x128xf32>
    %add3A_55 = arith.addf %add3A_50, %add3A_54 : vector<256x128xf32>
    %max3A = arith.constant 0.000000e+00 : f32
    %max3A_56 = vector.broadcast %max3A : f32 to vector<256x128xf32>
    %max3A_57 = arith.maximumf %add3A_55, %max3A_56 : vector<256x128xf32>
    %get3A_58 = arith.constant 0 : index
    %get3A_59 = arith.constant 0 : index
    %get3A_60 = vector.load %arg8[%get3A_58, %get3A_59] : memref<128x128xf32, #tpu.memory_space<vmem>>, vector<128x128xf32>
    %dot_general3A_61 = arith.constant dense<0.000000e+00> : vector<256x128xf32>
    %dot_general3A_62 = tpu.matmul %max3A_57, %get3A_60, %dot_general3A_61 {dimension_numbers = #tpu.dot_dimension_numbers<[1], [0], [0], [1], [0, 0, 1, 1], [], []>, transpose_lhs_hint = false} : vector<256x128xf32>, vector<128x128xf32>, vector<256x128xf32> -> vector<256x128xf32>
    %get3A_63 = arith.constant 0 : index
    %get3A_64 = arith.constant 0 : index
    %get3A_65 = vector.load %arg9[%get3A_63, %get3A_64] : memref<1x128xf32, #tpu.memory_space<vmem>>, vector<1x128xf32>
    %add3A_66 = vector.broadcast %get3A_65 : vector<1x128xf32> to vector<256x128xf32>
    %add3A_67 = arith.addf %dot_general3A_62, %add3A_66 : vector<256x128xf32>
    %max3A_68 = arith.constant 0.000000e+00 : f32
    %max3A_69 = vector.broadcast %max3A_68 : f32 to vector<256x128xf32>
    %max3A_70 = arith.maximumf %add3A_67, %max3A_69 : vector<256x128xf32>
    %get3A_71 = arith.constant 0 : index
    %get3A_72 = arith.constant 0 : index
    %get3A_73 = vector.load %arg10[%get3A_71, %get3A_72] : memref<128x128xf32, #tpu.memory_space<vmem>>, vector<128x128xf32>
    %dot_general3A_74 = arith.constant dense<0.000000e+00> : vector<256x128xf32>
    %dot_general3A_75 = tpu.matmul %max3A_70, %get3A_73, %dot_general3A_74 {dimension_numbers = #tpu.dot_dimension_numbers<[1], [0], [0], [1], [0, 0, 1, 1], [], []>, transpose_lhs_hint = false} : vector<256x128xf32>, vector<128x128xf32>, vector<256x128xf32> -> vector<256x128xf32>
    %get3A_76 = arith.constant 0 : index
    %get3A_77 = arith.constant 0 : index
    %get3A_78 = vector.load %arg11[%get3A_76, %get3A_77] : memref<1x128xf32, #tpu.memory_space<vmem>>, vector<1x128xf32>
    %add3A_79 = vector.broadcast %get3A_78 : vector<1x128xf32> to vector<256x128xf32>
    %add3A_80 = arith.addf %dot_general3A_75, %add3A_79 : vector<256x128xf32>
    %max3A_81 = arith.constant 0.000000e+00 : f32
    %max3A_82 = vector.broadcast %max3A_81 : f32 to vector<256x128xf32>
    %max3A_83 = arith.maximumf %add3A_80, %max3A_82 : vector<256x128xf32>
    %get3A_84 = arith.constant 0 : index
    %get3A_85 = arith.constant 0 : index
    %get3A_86 = vector.load %arg12[%get3A_84, %get3A_85] : memref<128x128xf32, #tpu.memory_space<vmem>>, vector<128x128xf32>
    %dot_general3A_87 = arith.constant dense<0.000000e+00> : vector<256x128xf32>
    %dot_general3A_88 = tpu.matmul %max3A_83, %get3A_86, %dot_general3A_87 {dimension_numbers = #tpu.dot_dimension_numbers<[1], [0], [0], [1], [0, 0, 1, 1], [], []>, transpose_lhs_hint = false} : vector<256x128xf32>, vector<128x128xf32>, vector<256x128xf32> -> vector<256x128xf32>
    %get3A_89 = arith.constant 0 : index
    %get3A_90 = arith.constant 0 : index
    %get3A_91 = vector.load %arg13[%get3A_89, %get3A_90] : memref<1x128xf32, #tpu.memory_space<vmem>>, vector<1x128xf32>
    %add3A_92 = vector.broadcast %get3A_91 : vector<1x128xf32> to vector<256x128xf32>
    %add3A_93 = arith.addf %dot_general3A_88, %add3A_92 : vector<256x128xf32>
    %max3A_94 = arith.constant 0.000000e+00 : f32
    %max3A_95 = vector.broadcast %max3A_94 : f32 to vector<256x128xf32>
    %max3A_96 = arith.maximumf %add3A_93, %max3A_95 : vector<256x128xf32>
    %get3A_97 = arith.constant 0 : index
    %get3A_98 = arith.constant 0 : index
    %get3A_99 = vector.load %arg14[%get3A_97, %get3A_98] : memref<128x128xf32, #tpu.memory_space<vmem>>, vector<128x128xf32>
    %dot_general3A_100 = arith.constant dense<0.000000e+00> : vector<256x128xf32>
    %dot_general3A_101 = tpu.matmul %max3A_96, %get3A_99, %dot_general3A_100 {dimension_numbers = #tpu.dot_dimension_numbers<[1], [0], [0], [1], [0, 0, 1, 1], [], []>, transpose_lhs_hint = false} : vector<256x128xf32>, vector<128x128xf32>, vector<256x128xf32> -> vector<256x128xf32>
    %get3A_102 = arith.constant 0 : index
    %get3A_103 = arith.constant 0 : index
    %get3A_104 = vector.load %arg15[%get3A_102, %get3A_103] : memref<1x128xf32, #tpu.memory_space<vmem>>, vector<1x128xf32>
    %add3A_105 = vector.broadcast %get3A_104 : vector<1x128xf32> to vector<256x128xf32>
    %add3A_106 = arith.addf %dot_general3A_101, %add3A_105 : vector<256x128xf32>
    %get3A_107 = arith.constant 0 : index
    %get3A_108 = arith.constant 0 : index
    %get3A_109 = vector.load %arg16[%get3A_107, %get3A_108] : memref<128x128xf32, #tpu.memory_space<vmem>>, vector<128x128xf32>
    %dot_general3A_110 = arith.constant dense<0.000000e+00> : vector<256x128xf32>
    %dot_general3A_111 = tpu.matmul %add3A_106, %get3A_109, %dot_general3A_110 {dimension_numbers = #tpu.dot_dimension_numbers<[1], [0], [0], [1], [0, 0, 1, 1], [], []>, transpose_lhs_hint = false} : vector<256x128xf32>, vector<128x128xf32>, vector<256x128xf32> -> vector<256x128xf32>
    %get3A_112 = arith.constant 0 : index
    %get3A_113 = arith.constant 0 : index
    %get3A_114 = vector.load %arg17[%get3A_112, %get3A_113] : memref<1x128xf32, #tpu.memory_space<vmem>>, vector<1x128xf32>
    %add3A_115 = vector.broadcast %get3A_114 : vector<1x128xf32> to vector<256x128xf32>
    %add3A_116 = arith.addf %dot_general3A_111, %add3A_115 : vector<256x128xf32>
    %logistic3A = arith.negf %add3A_116 : vector<256x128xf32>
    %logistic3A_117 = math.exp %logistic3A : vector<256x128xf32>
    %logistic3A_118 = arith.constant 1.000000e+00 : f32
    %logistic3A_119 = vector.broadcast %logistic3A_118 : f32 to vector<256x128xf32>
    %logistic3A_120 = arith.addf %logistic3A_119, %logistic3A_117 : vector<256x128xf32>
    %logistic3A_121 = arith.divf %logistic3A_119, %logistic3A_120 : vector<256x128xf32>
    %swap3A = arith.constant 0 : index
    %swap3A_122 = arith.constant 0 : index
    %swap3A_123 = vector.load %arg18[%swap3A, %swap3A_122] : memref<256x128xf32, #tpu.memory_space<vmem>>, vector<256x128xf32>
    tpu.vector_store %arg18[%swap3A, %swap3A_122], %logistic3A_121 {strides = array<i32>} : memref<256x128xf32, #tpu.memory_space<vmem>>, vector<256x128xf32>,
    return
  }
  func.func @transform_0(%arg0: i32) -> (i32, i32) {
    %c0_i32 = arith.constant 0 : i32
    %c0_i32_0 = arith.constant 0 : i32
    return %arg0, %c0_i32 : i32, i32
  }
  func.func @transform_1(%arg0: i32) -> (i32, i32) {
    %c0_i32 = arith.constant 0 : i32
    %c0_i32_0 = arith.constant 0 : i32
    return %arg0, %c0_i32 : i32, i32
  }
  func.func @transform_2(%arg0: i32) -> (i32, i32) {
    %c0_i32 = arith.constant 0 : i32
    %c0_i32_0 = arith.constant 0 : i32
    return %arg0, %c0_i32 : i32, i32
  }
  func.func @transform_3(%arg0: i32) -> (i32, i32) {
    %c0_i32 = arith.constant 0 : i32
    %c0_i32_0 = arith.constant 0 : i32
    return %arg0, %c0_i32 : i32, i32
  }
  func.func @transform_4(%arg0: i32) -> (i32, i32) {
    %c0_i32 = arith.constant 0 : i32
    %c0_i32_0 = arith.constant 0 : i32
    return %arg0, %c0_i32 : i32, i32
  }
  func.func @transform_5(%arg0: i32) -> (i32, i32) {
    %c0_i32 = arith.constant 0 : i32
    %c0_i32_0 = arith.constant 0 : i32
    %c0_i32_1 = arith.constant 0 : i32
    return %c0_i32, %c0_i32_0 : i32, i32
  }
  func.func @transform_6(%arg0: i32) -> (i32, i32) {
    %c0_i32 = arith.constant 0 : i32
    %c0_i32_0 = arith.constant 0 : i32
    %c0_i32_1 = arith.constant 0 : i32
    return %c0_i32, %c0_i32_0 : i32, i32
  }
  func.func @transform_7(%arg0: i32) -> (i32, i32) {
    %c0_i32 = arith.constant 0 : i32
    %c0_i32_0 = arith.constant 0 : i32
    %c0_i32_1 = arith.constant 0 : i32
    return %c0_i32, %c0_i32_0 : i32, i32
  }
  func.func @transform_8(%arg0: i32) -> (i32, i32) {
    %c0_i32 = arith.constant 0 : i32
    %c0_i32_0 = arith.constant 0 : i32
    %c0_i32_1 = arith.constant 0 : i32
    return %c0_i32, %c0_i32_0 : i32, i32
  }
  func.func @transform_9(%arg0: i32) -> (i32, i32) {
    %c0_i32 = arith.constant 0 : i32
    %c0_i32_0 = arith.constant 0 : i32
    %c0_i32_1 = arith.constant 0 : i32
    return %c0_i32, %c0_i32_0 : i32, i32
  }
  func.func @transform_10(%arg0: i32) -> (i32, i32) {
    %c0_i32 = arith.constant 0 : i32
    %c0_i32_0 = arith.constant 0 : i32
    %c0_i32_1 = arith.constant 0 : i32
    return %c0_i32, %c0_i32_0 : i32, i32
  }
  func.func @transform_11(%arg0: i32) -> (i32, i32) {
    %c0_i32 = arith.constant 0 : i32
    %c0_i32_0 = arith.constant 0 : i32
    %c0_i32_1 = arith.constant 0 : i32
    return %c0_i32, %c0_i32_0 : i32, i32
  }
  func.func @transform_12(%arg0: i32) -> (i32, i32) {
    %c0_i32 = arith.constant 0 : i32
    %c0_i32_0 = arith.constant 0 : i32
    %c0_i32_1 = arith.constant 0 : i32
    return %c0_i32, %c0_i32_0 : i32, i32
  }
  func.func @transform_13(%arg0: i32) -> (i32, i32) {
    %c0_i32 = arith.constant 0 : i32
    %c0_i32_0 = arith.constant 0 : i32
    %c0_i32_1 = arith.constant 0 : i32
    return %c0_i32, %c0_i32_0 : i32, i32
  }
  func.func @transform_14(%arg0: i32) -> (i32, i32) {
    %c0_i32 = arith.constant 0 : i32
    %c0_i32_0 = arith.constant 0 : i32
    %c0_i32_1 = arith.constant 0 : i32
    return %c0_i32, %c0_i32_0 : i32, i32
  }
  func.func @transform_15(%arg0: i32) -> (i32, i32) {
    %c0_i32 = arith.constant 0 : i32
    %c0_i32_0 = arith.constant 0 : i32
    %c0_i32_1 = arith.constant 0 : i32
    return %c0_i32, %c0_i32_0 : i32, i32
  }
  func.func @transform_16(%arg0: i32) -> (i32, i32) {
    %c0_i32 = arith.constant 0 : i32
    %c0_i32_0 = arith.constant 0 : i32
    %c0_i32_1 = arith.constant 0 : i32
    return %c0_i32, %c0_i32_0 : i32, i32
  }
  func.func @transform_17(%arg0: i32) -> (i32, i32) {
    %c0_i32 = arith.constant 0 : i32
    %c0_i32_0 = arith.constant 0 : i32
    return %arg0, %c0_i32 : i32, i32
  }
}

</mosaic_0001>

<sc_bundles>
// kernel: kernel.18.cloned.1.call-start
scs
__scs_entry_jumppad:
0x0: {  	(pc) =	sbr.rel $0x88, $3  }
0x1: {  	(tag) =	ssettag $0x0;
	lr =	simm.s32 $0x1  }
0x2: {  	[smem:$0x3F79] =	sst lr;
	_ =	strace $0xD0000000  }
0x3: {  	_ = 	snop  }
0x4: {  	_ = 	snop  }
0x5: {  	_ = 	snop  }
0x6: {  	_ = 	snop  }
0x7: {  	_ = 	snop  }
__scs_overlays_trampoline_lowered:
0x8: {  	[smem:$0x3F88] =	sst s0  }
0x9: {  	[smem:$0x3F89] =	sst s1  }
0xa: {  	[smem:$0x3F8A] =	sst s2  }
0xb: {  	[smem:$0x3F8B] =	sst s3  }
0xc: {  	[smem:$0x3F8C] =	sst s4  }
0xd: {  	[smem:$0x3F8D] =	sst s5  }
0xe: {  	[smem:$0x3F8E] =	sst s6  }
0xf: {  	[smem:$0x3F8F] =	sst s7  }
0x10: {  	[smem:$0x3F90] =	sst s8  }
0x11: {  	[smem:$0x3F91] =	sst s9;
	s0 =	simm.s32 @!p0 $0x0  }
0x12: {  	s1 =	sld [smem:$0x3F77];
	s0 =	simm.s32 @p0 $0x1  }
0x13: {  	[smem:$0x3F92] =	sst s0;
	s0 =	simm.s32 @!p1 $0x0  }
0x14: {  	s2 =	sld [smem:$0x3F76];
	s0 =	simm.s32 @p1 $0x1  }
0x15: {  	[smem:$0x3F93] =	sst s0;
	s0 =	simm.s32 @!p2 $0x0  }
0x16: {  	s3 =	sld [smem:$0x3FDB];
	s0 =	simm.s32 @p2 $0x1  }
0x17: {  	s4 =	simm.s32 $0x1BF5;
	[smem:$0x3F95] =	sst s0  }
0x18: {  	s0 =	sld [smem:$0x3F78];
	_ =	swait.ge [sflag:s4], $0x0  }
0x19: {  	s7 =	sld [smem:$0x3F79]  }
0x1a: {  	s8 =	sadd.s32 $0xFFFFE003, lr  }
0x1b: {  	s9 =	sadd.s32 $0xFFFFFEF7, lr;
	s5 =	simm.s32 $0xFFFFFFFF;
	p2 =	slt.u32 s8, $0xFFFFF086  }
0x1c: {  	p1 =	slt.u32 s9, $0xF7A;
	s5 =	simm.s32 @!p2 $0x0  }
0x1d: {  	s5 =	simm.s32 @p1 $0x1;
	p0 =	seq.s32 s7, s2  }
0x1e: {  	s7 =	smul.u32 @!p0 $0xF7A, s2;
	p2 =	seq.s32 @!p0 s5, $0x0  }
0x1f: {  	s9 =	smul.u32 $0xF7A, s1;
	s8 =	simm.s32 @!p0 $0x1BF5;
	p2 =	por !p2, p0  }
0x20: {  	[sflag:s8] =	ssyncset.s32 @!p0 $0xFFFFF086;
	s6 =	sadd.s32 @!p0 s3, s7;
	s7 =	simm.s32 @!p0 $0x108  }
0x21: {  	s3 =	sadd.s32 s3, s9;
	s6 =	sadd.s32 @!p0 $0x88, s6;
	s7 =	simm.s32 @p2 $0x1082  }
0x22: {  	[simem:s7], [sflag:s8] =	dma.local @!p0 [hbm:s6], $0xF7A  }
0x23: {  	s9 =	sor.u32 $0xD0000000, s2;
	s6 =	simm.s32 $0x108;
	_ =	swait.ge @!p0 [sflag:s8], $0x0  }
0x24: {  	s3 =	sadd.s32 $0x88, s3;
	s6 =	simm.s32 @!p1 $0x1082;
	[sflag:s4] =	ssyncset.s32 $0xFFFFF086  }
0x25: {  	[simem:s6], [sflag:s4] =	dma.local [hbm:s3], $0xF7A  }
0x26: {  	[smem:$0x3F79] =	sst s1;
	(tag) =	ssettag s2;
	_ =	strace s9  }
0x27: {  	s1 =	sld [smem:$0x3F89]  }
0x28: {  	s2 =	sld [smem:$0x3F8A]  }
0x29: {  	s4 =	sld [smem:$0x3F8C]  }
0x2a: {  	p0 =	seq.s32 s5, $0x0;
	s5 =	sld [smem:$0x3F8D]  }
0x2b: {  	s6 =	sld [smem:$0x3F8E]  }
0x2c: {  	s7 =	sld [smem:$0x3F8F]  }
0x2d: {  	s3 =	simm.s32 $0x108;
	s8 =	sld [smem:$0x3F90]  }
0x2e: {  	s3 =	simm.s32 @!p0 $0x1082;
	s9 =	sld [smem:$0x3F91]  }
0x2f: {  	lr =	sadd.s32 s0, s3;
	s0 =	sld [smem:$0x3F88]  }
0x30: {  	s3 =	sld [smem:$0x3F8B]  }
0x31: {  	[smem:$0x3F94] =	sst s10  }
0x32: {  	s10 =	sld [smem:$0x3F92];
	_ =	sdelay $0x3  }
0x33: {  	p0 =	seq.s32 s10, $0x1;
	s10 =	sld [smem:$0x3F94];
	_ =	sdelay $0x3  }
0x34: {  	[smem:$0x3F94] =	sst s10  }
0x35: {  	s10 =	sld [smem:$0x3F93];
	_ =	sdelay $0x3  }
0x36: {  	p1 =	seq.s32 s10, $0x1;
	s10 =	sld [smem:$0x3F94];
	_ =	sdelay $0x3  }
0x37: {  	[smem:$0x3F94] =	sst s10  }
0x38: {  	s10 =	sld [smem:$0x3F95]  }
0x39: {  	_ = 	snop;
	(pc) =	sbr.ind lr, $3  }
0x3a: {  	_ = 	snop  }
0x3b: {  	_ = 	snop  }
0x3c: {  	p2 =	seq.s32 s10, $0x1;
	s10 =	sld [smem:$0x3F94]  }
0x3d: {  	_ =	shalt  }
0x3e: {  	_ =	shalt  }
0x3f: {  	_ =	shalt  }
0x40: {  	_ =	shalt  }
0x41: {  	_ =	shalt  }
0x42: {  	_ =	shalt  }
0x43: {  	_ =	shalt  }
0x44: {  	_ =	shalt  }
0x45: {  	_ =	shalt  }
0x46: {  	_ =	shalt  }
0x47: {  	_ =	shalt  }
0x48: {  	_ =	shalt  }
0x49: {  	_ =	shalt  }
0x4a: {  	_ =	shalt  }
0x4b: {  	_ =	shalt  }
0x4c: {  	_ =	shalt  }
0x4d: {  	_ =	shalt  }
0x4e: {  	_ =	shalt  }
0x4f: {  	_ =	shalt  }
0x50: {  	_ =	shalt  }
0x51: {  	_ =	shalt  }
0x52: {  	_ =	shalt  }
0x53: {  	_ =	shalt  }
0x54: {  	_ =	shalt  }
0x55: {  	_ =	shalt  }
0x56: {  	_ =	shalt  }
0x57: {  	_ =	shalt  }
0x58: {  	_ =	shalt  }
0x59: {  	_ =	shalt  }
0x5a: {  	_ =	shalt  }
0x5b: {  	_ =	shalt  }
0x5c: {  	_ =	shalt  }
0x5d: {  	_ =	shalt  }
0x5e: {  	_ =	shalt  }
0x5f: {  	_ =	shalt  }
0x60: {  	_ =	shalt  }
0x61: {  	_ =	shalt  }
0x62: {  	_ =	shalt  }
0x63: {  	_ =	shalt  }
0x64: {  	_ =	shalt  }
0x65: {  	_ =	shalt  }
0x66: {  	_ =	shalt  }
0x67: {  	_ =	shalt  }
0x68: {  	_ =	shalt  }
0x69: {  	_ =	shalt  }
0x6a: {  	_ =	shalt  }
0x6b: {  	_ =	shalt  }
0x6c: {  	_ =	shalt  }
0x6d: {  	_ =	shalt  }
0x6e: {  	_ =	shalt  }
0x6f: {  	_ =	shalt  }
0x70: {  	_ =	shalt  }
0x71: {  	_ =	shalt  }
0x72: {  	_ =	shalt  }
0x73: {  	_ =	shalt  }
0x74: {  	_ =	shalt  }
0x75: {  	_ =	shalt  }
0x76: {  	_ =	shalt  }
0x77: {  	_ =	shalt  }
0x78: {  	_ =	shalt  }
0x79: {  	_ =	shalt  }
0x7a: {  	_ =	shalt  }
0x7b: {  	_ =	shalt  }
0x7c: {  	_ =	shalt  }
0x7d: {  	_ =	shalt  }
0x7e: {  	_ =	shalt  }
0x7f: {  	_ =	shalt  }
0x80: {  	_ =	shalt  }
0x81: {  	_ =	shalt  }
0x82: {  	_ =	shalt  }
0x83: {  	_ =	shalt  }
0x84: {  	_ =	shalt  }
0x85: {  	_ =	shalt  }
0x86: {  	_ =	shalt  }
0x87: {  	_ =	shalt  }
.Lfunc_end0:
.L_simem_size_0:
called_computation_lowered:
.L_overlay_start_0:
0x88: {  	s2 =	sld [smem:$0x3FD9]  }
0x89: {  	s3 =	sld [smem:$0x3FFE];
	_ =	sdelay $0x1  }
0x8a: {  	s1 =	srdreg.scid  }
0x8b: {  	s0 =	sand.u32 $0x1, s1  }
0x8c: {  	s16 =	sshll.u32 s0, $0xA;
	s2 =	sadd.s32 s3, s2  }
0x8d: {  	s2 =	sadd.s32 s2, s16  }
0x8e: {  	[smem:$0x3FA0] =	sst s2  }
0x8f: {  	_ = 	snop  }
0x90: {  	(tm) =	ssettm $0x1  }
0x91: {  	s17 =	sld [smem:$0x3FFB];
	_ =	sdelay $0x3  }
0x92: {  	_ =	strace s17  }
0x93: {  	s2 =	sld [smem:$0x3FFC];
	_ =	sdelay $0x3  }
0x94: {  	_ =	strace s2  }
0x95: {  	s2 =	sld [smem:$0x3FFD];
	_ =	sdelay $0x3  }
0x96: {  	_ =	strace s2  }
0x97: {  	_ =	strace $0x8FFFFFFF  }
0x98: {  	s18 =	sld [smem:$0x3FDB];
	_ =	sdelay $0x1  }
0x99: {  	s19 =	simm.s32 $_scs_section_size  }
0x9a: {  	s4 =	simm.s32 $_size__tile_overlayer_lowered;
	s5 =	simm.s32 $_tile_overlayer_lowered  }
0x9b: {  	s22 =	simm.s32 $0x1BFF;
	s21 =	sshll.u32 s5, $0x1;
	s2 =	sadd.s32 s19, s18  }
0x9c: {  	s6 =	simm.s32 $0x0;
	s20 =	sshll.u32 s4, $0x1;
	s4 =	sadd.s32 s21, s2  }
0x9d: {  	[timem:s6], [sflag:s22] =	dma.local [hbm:s4], s20  }
0x9e: {  	_ =	swait.ge [sflag:s22], s20  }
0x9f: {  	s3 =	ssub.s32 $0x0, s20;
	[sflag:s22] =	ssyncset.done $0x0  }
0xa0: {  	[sflag:s22] =	ssyncadd.s32 s3;
	_ =	sdelay $0x1  }
0xa1: {  	s23 =	simm.s32 $0x1B8B  }
0xa2: {  	_ =	swait.ge [sflag:s23], $0x1  }
0xa3: {  	[sflag:s23] =	ssyncset.done $0x0  }
0xa4: {  	s25 =	simm.s32 $0x1B8E;
	s24 =	sld [smem:$0x3FFE];
	[sflag:s23] =	ssyncadd.s32 $0xFFFFFFFF  }
0xa5: {  	s26 =	simm.s32 $execute0_lowered;
	[smem:$0x3FD2] =	sst s25  }
0xa6: {  	s4 =	sshll.u32 s26, $0x1;
	_ =	strace $0x80000046;
	[dreg:$0x1] =	wrdreg $0xFFFFFFFF  }
0xa7: {  	s28 =	simm.s32 $_size_execute0_lowered;
	s2 =	sadd.s32 s2, s4;
	[dreg:$0x0] =	wrdreg $0x0  }
0xa8: {  	s4 =	sshll.u32 s28, $0x1;
	[dreg:$0x2] =	wrdreg s2  }
0xa9: {  	[dreg:$0x3] =	wrdreg s4  }
0xaa: {  	[dreg:$0x4] =	wrdreg $0xC0  }
0xab: {  	_ =	task [dreg:s6], $0x5FFFF  }
0xac: {  	[dreg:$0x1] =	wrdreg $0xFFFFFFFF  }
0xad: {  	[dreg:$0x0] =	wrdreg $0x60  }
0xae: {  	[dreg:$0x2] =	wrdreg s24  }
0xaf: {  	[dreg:$0x3] =	wrdreg $0x9  }
0xb0: {  	_ =	task.clear_ibuf [dreg:s6], $0x4FFFF;
	_ =	strace $0x90000046  }
0xb1: {  	s29 =	simm.s32 $0x9;
	_ =	strace $0x80000048  }
0xb2: {  	_ =	swait.ge [sflag:s29], $0x1  }
0xb3: {  	[sflag:s29] =	ssyncadd.s32 $0xFFFFFFFF  }
0xb4: {  	_ =	strace $0x90000048  }
0xb5: {  	_ =	sfence  }
0xb6: {  	s30 =	sld [smem:$0x0];
	_ =	sdelay $0x2  }
0xb7: {  	s31 =	sshll.u32 s1, $0xD;
	s1 =	sshrl.u32 s1, $0x2  }
0xb8: {  	s3 =	sand.u32 $0x4000, s31;
	s1 =	sadd.s32 s1, s30  }
0xb9: {  	s0 =	sor.u32 s3, s0;
	s1 =	sshll.u32 s1, $0x11  }
0xba: {  	s0 =	sor.u32 s1, s0  }
0xbb: {  	s0 =	sadd.s32 $0x8F2B, s0  }
0xbc: {  	[sflag:s0] =	ssyncadd.remote.s32 $0x1  }
0xbd: {  	_ =	sfence.sel $0xFFFF  }
0xbe: {  	[dreg:$0x0] =	wrdreg $0xFFFFFFFF;
	(pc) =	sbr.abs _section_cstart, $3  }
0xbf: {  	[dreg:$0x1] =	wrdreg $0xFFFFFFFF  }
0xc0: {  	_ =	task.clear_ibuf [dreg:s6], $0x2FFFF;
	_ =	strace $0x9FFFFFFF  }
0xc1: {  	(tm) =	ssettm $0x7FFFFFFF  }
tec
execute0_lowered:
.L_overlay_start_1:
0x0: {  	(tag) =	ssettag $0x1  }
0x1: {  	s4 =	rddreg [dreg:$0x0]  }
0x2: {  	s0 =	rddreg [dreg:$0x1];
	s2 =	simm.s32 $0x0;
	s3 =	srdreg.scid  }
0x3: {  	s1 =	stileid.u32;
	s10 =	simm.s32 $0x0;
	[smem:$0x7FF] =	sst s2  }
0x4: {  	s5 =	sand.u32 $0x1, s3;
	s6 =	sshll.u32 s1, $0xD;
	s3 =	sadd.s32 $0x6C000, s4  }
0x5: {  	s8 =	sshll.u32 s1, $0x11;
	_ =	strace $0x80000047;
	s7 =	sshll.u32 s5, $0xC  }
0x6: {  	s31 =	ssub.s32 $0x2, s5;
	s8 =	sadd.s32 s8, s4;
	s5 =	sshll.u32 s5, $0x10  }
0x7: {  	s6 =	sor.u32 s7, s6;
	s9 =	sshrl.u32 s31, $0x1;
	s5 =	sadd.s32 s5, s8  }
0x8: {  	s8 =	simm.s32 $0x200;
	s6 =	sshrl.u32 s6, $0x3;
	s7 =	ssub.s32 s31, s9  }
0x9: {  	s5 =	sadd.s32 $0x7C000, s5;
	s9 =	simm.s32 $0x1;
	s6 =	sadd.s32 s6, s4  }
0xa: {  	s4 =	smax.u32 s7, $0x1;
	s7 =	simm.s32 $0x2;
	s6 =	sadd.s32 $0x38000, s6  }
.LBB2_1:
0xb: {  	s11 =	sadd.s32 $0x0, s6  }
0xc: {  	[tilespmem:s2], [sflag:$0x2] =	stream.linear.gather [hbm4b:s11+s2], $0x200, $0x38;
	[tilespmem:$0x10200] =	vst v63  }
0xd: {  	_ =	swait.ge [sflag:s7], $0x200  }
0xe: {  	[sflag:s7] =	ssyncset.done $0x0  }
0xf: {  	[sflag:s7] =	ssyncadd.s32 $0xFFFFFE00  }
0x10: {  	[tilespmem:s8], [sflag:$0x1] =	stream.indirect.gather [hbm4b:s3+s8], $0x80, s2, s8, $0xb8;
	[tilespmem:$0x10200] =	vst v63  }
0x11: {  	_ =	swait.ge [sflag:s9], $0x10000  }
0x12: {  	[sflag:s9] =	ssyncset.done $0x0  }
0x13: {  	[sflag:s9] =	ssyncadd.s32 $0xFFFF0000  }
0x14: {  	[hbm4b:s5+s2] =	stream.linear.scatter [tilespmem:s8], [sflag:$0x2], $0x10000, $0x38;
	[tilespmem:$0x10200] =	vst v63  }
0x15: {  	s12 =	simm.s32 $0x40;
	_ =	swait.ge [sflag:s7], $0x10000  }
0x16: {  	s13 =	simm.s32 $0x80;
	s11 =	sadd.s32 $0x2000, s5;
	[sflag:s7] =	ssyncset.done $0x0  }
.LBB2_2:
0x17: {  	s14 =	sadd.s32 s12, s6  }
0x18: {  	[sflag:s7] =	ssyncadd.s32 $0xFFFF0000;
	s12 =	smov.u32 s13;
	s15 =	sadd.s32 $0x40, s13  }
0x19: {  	[tilespmem:s2], [sflag:$0x2] =	stream.linear.gather [hbm4b:s14+s2], $0x200, $0x38;
	[tilespmem:$0x10200] =	vst v63  }
0x1a: {  	p0 =	sne.s32 s13, $0x1C0;
	_ =	swait.ge [sflag:s7], $0x200  }
0x1b: {  	[sflag:s7] =	ssyncset.done $0x0  }
0x1c: {  	[sflag:s7] =	ssyncadd.s32 $0xFFFFFE00  }
0x1d: {  	[tilespmem:s8], [sflag:$0x1] =	stream.indirect.gather [hbm4b:s3+s8], $0x80, s2, s8, $0xb8;
	[tilespmem:$0x10200] =	vst v63  }
0x1e: {  	_ =	swait.ge [sflag:s9], $0x10000  }
.Ltmp0:
0x1f: {  	[sflag:s9] =	ssyncset.done $0x0;
	(pc) =	sbr.rel @p0 .LBB2_2-.Ltmp0, $4  }
0x20: {  	[sflag:s9] =	ssyncadd.s32 $0xFFFF0000  }
0x21: {  	[hbm4b:s11+s2] =	stream.linear.scatter [tilespmem:s8], [sflag:$0x2], $0x10000, $0x38;
	[tilespmem:$0x10200] =	vst v63  }
0x22: {  	_ =	swait.ge [sflag:s7], $0x10000  }
0x23: {  	s13 =	smov.u32 s15;
	s11 =	sadd.s32 $0x2000, s11;
	[sflag:s7] =	ssyncset.done $0x0  }
0x24: {  	s12 =	sadd.s32 s12, s6;
	[sflag:s7] =	ssyncadd.s32 $0xFFFF0000  }
0x25: {  	[tilespmem:s2], [sflag:$0x2] =	stream.linear.gather [hbm4b:s12+s2], $0x200, $0x38;
	[tilespmem:$0x10200] =	vst v63  }
0x26: {  	_ =	swait.ge [sflag:s7], $0x200  }
0x27: {  	[sflag:s7] =	ssyncset.done $0x0  }
0x28: {  	[sflag:s7] =	ssyncadd.s32 $0xFFFFFE00  }
0x29: {  	[tilespmem:s8], [sflag:$0x1] =	stream.indirect.gather [hbm4b:s3+s8], $0x80, s2, s8, $0xb8;
	[tilespmem:$0x10200] =	vst v63  }
0x2a: {  	s10 =	sadd.s32 $0x1, s10;
	_ =	swait.ge [sflag:s9], $0x10000  }
0x2b: {  	p0 =	sne.s32 s10, s4;
	[sflag:s9] =	ssyncset.done $0x0  }
.Ltmp1:
0x2c: {  	[sflag:s9] =	ssyncadd.s32 $0xFFFF0000;
	(pc) =	sbr.rel @p0 .LBB2_1-.Ltmp1, $4  }
0x2d: {  	[hbm4b:s11+s2] =	stream.linear.scatter [tilespmem:s8], [sflag:$0x2], $0x10000, $0x38;
	[tilespmem:$0x10200] =	vst v63  }
0x2e: {  	_ =	swait.ge [sflag:s7], $0x10000  }
0x2f: {  	[sflag:s7] =	ssyncset.done $0x0  }
0x30: {  	[sflag:s7] =	ssyncadd.s32 $0xFFFF0000  }
0x31: {  	_ =	sfence.sel $0x180000  }
0x32: {  	[bflag:$0x0] =	sbarrier.arrive $0xFFFF  }
0x33: {  	p0 =	sne.s32 s1, $0x0;
	_ =	strace $0x90000047  }
0x34: {  	s0 =	sadd.s32 @!p0 $0x100000, s0;
	[bflag:$0x2] =	sbarrier.arrive $0xFFFF  }
0x35: {  	[sflag:s0] =	ssyncadd.tile.s32 @!p0 $0x1;
	_ =	shalt  }
.Lfunc_end2:
_tile_overlayer_lowered:
.L_overlay_start_2:
0x36: {  	(tag) =	ssettag $0x2  }
0x37: {  	s0 =	rddreg [dreg:$0x0];
	s2 =	stileid.u32  }
0x38: {  	s1 =	rddreg [dreg:$0x1];
	p0 =	sne.s32 s2, $0x0  }
0x39: {  	s3 =	rddreg [dreg:$0x2];
	[bflag:$0x3] =	sbarrier.arrive $0xFFFF;
	s2 =	simm.s32 @!p0 $0x1C02  }
0x3a: {  	[timem:s3], [sflag:s2] =	dma.local @!p0 [hbm:s0], s1  }
0x3b: {  	s0 =	simm.s32 @!p0 $0x2  }
0x3c: {  	_ =	swait.ge @!p0 [sflag:s0], s1  }
0x3d: {  	s1 =	ssub.s32 @!p0 $0x0, s1;
	[sflag:s0] =	ssyncset.done @!p0 $0x0  }
0x3e: {  	[sflag:s0] =	ssyncadd.s32 @!p0 s1  }
0x3f: {  	[bflag:$0x3] =	sbarrier.arrive $0xFFFF  }
0x40: {  	_ =	shalt  }

// kernel: kernel.21.cloned.1.call-start
scs
__scs_entry_jumppad:
0x0: {  	(pc) =	sbr.rel $0x88, $3  }
0x1: {  	(tag) =	ssettag $0x0;
	lr =	simm.s32 $0x1  }
0x2: {  	[smem:$0x3F79] =	sst lr;
	_ =	strace $0xD0000000  }
0x3: {  	_ = 	snop  }
0x4: {  	_ = 	snop  }
0x5: {  	_ = 	snop  }
0x6: {  	_ = 	snop  }
0x7: {  	_ = 	snop  }
__scs_overlays_trampoline_lowered:
0x8: {  	[smem:$0x3F88] =	sst s0  }
0x9: {  	[smem:$0x3F89] =	sst s1  }
0xa: {  	[smem:$0x3F8A] =	sst s2  }
0xb: {  	[smem:$0x3F8B] =	sst s3  }
0xc: {  	[smem:$0x3F8C] =	sst s4  }
0xd: {  	[smem:$0x3F8D] =	sst s5  }
0xe: {  	[smem:$0x3F8E] =	sst s6  }
0xf: {  	[smem:$0x3F8F] =	sst s7  }
0x10: {  	[smem:$0x3F90] =	sst s8  }
0x11: {  	[smem:$0x3F91] =	sst s9;
	s0 =	simm.s32 @!p0 $0x0  }
0x12: {  	s1 =	sld [smem:$0x3F77];
	s0 =	simm.s32 @p0 $0x1  }
0x13: {  	[smem:$0x3F92] =	sst s0;
	s0 =	simm.s32 @!p1 $0x0  }
0x14: {  	s2 =	sld [smem:$0x3F76];
	s0 =	simm.s32 @p1 $0x1  }
0x15: {  	[smem:$0x3F93] =	sst s0;
	s0 =	simm.s32 @!p2 $0x0  }
0x16: {  	s3 =	sld [smem:$0x3FDB];
	s0 =	simm.s32 @p2 $0x1  }
0x17: {  	s4 =	simm.s32 $0x1BF5;
	[smem:$0x3F95] =	sst s0  }
0x18: {  	s0 =	sld [smem:$0x3F78];
	_ =	swait.ge [sflag:s4], $0x0  }
0x19: {  	s7 =	sld [smem:$0x3F79]  }
0x1a: {  	s8 =	sadd.s32 $0xFFFFE003, lr  }
0x1b: {  	s9 =	sadd.s32 $0xFFFFFEF7, lr;
	s5 =	simm.s32 $0xFFFFFFFF;
	p2 =	slt.u32 s8, $0xFFFFF086  }
0x1c: {  	p1 =	slt.u32 s9, $0xF7A;
	s5 =	simm.s32 @!p2 $0x0  }
0x1d: {  	s5 =	simm.s32 @p1 $0x1;
	p0 =	seq.s32 s7, s2  }
0x1e: {  	s7 =	smul.u32 @!p0 $0xF7A, s2;
	p2 =	seq.s32 @!p0 s5, $0x0  }
0x1f: {  	s9 =	smul.u32 $0xF7A, s1;
	s8 =	simm.s32 @!p0 $0x1BF5;
	p2 =	por !p2, p0  }
0x20: {  	[sflag:s8] =	ssyncset.s32 @!p0 $0xFFFFF086;
	s6 =	sadd.s32 @!p0 s3, s7;
	s7 =	simm.s32 @!p0 $0x108  }
0x21: {  	s3 =	sadd.s32 s3, s9;
	s6 =	sadd.s32 @!p0 $0x88, s6;
	s7 =	simm.s32 @p2 $0x1082  }
0x22: {  	[simem:s7], [sflag:s8] =	dma.local @!p0 [hbm:s6], $0xF7A  }
0x23: {  	s9 =	sor.u32 $0xD0000000, s2;
	s6 =	simm.s32 $0x108;
	_ =	swait.ge @!p0 [sflag:s8], $0x0  }
0x24: {  	s3 =	sadd.s32 $0x88, s3;
	s6 =	simm.s32 @!p1 $0x1082;
	[sflag:s4] =	ssyncset.s32 $0xFFFFF086  }
0x25: {  	[simem:s6], [sflag:s4] =	dma.local [hbm:s3], $0xF7A  }
0x26: {  	[smem:$0x3F79] =	sst s1;
	(tag) =	ssettag s2;
	_ =	strace s9  }
0x27: {  	s1 =	sld [smem:$0x3F89]  }
0x28: {  	s2 =	sld [smem:$0x3F8A]  }
0x29: {  	s4 =	sld [smem:$0x3F8C]  }
0x2a: {  	p0 =	seq.s32 s5, $0x0;
	s5 =	sld [smem:$0x3F8D]  }
0x2b: {  	s6 =	sld [smem:$0x3F8E]  }
0x2c: {  	s7 =	sld [smem:$0x3F8F]  }
0x2d: {  	s3 =	simm.s32 $0x108;
	s8 =	sld [smem:$0x3F90]  }
0x2e: {  	s3 =	simm.s32 @!p0 $0x1082;
	s9 =	sld [smem:$0x3F91]  }
0x2f: {  	lr =	sadd.s32 s0, s3;
	s0 =	sld [smem:$0x3F88]  }
0x30: {  	s3 =	sld [smem:$0x3F8B]  }
0x31: {  	[smem:$0x3F94] =	sst s10  }
0x32: {  	s10 =	sld [smem:$0x3F92];
	_ =	sdelay $0x3  }
0x33: {  	p0 =	seq.s32 s10, $0x1;
	s10 =	sld [smem:$0x3F94];
	_ =	sdelay $0x3  }
0x34: {  	[smem:$0x3F94] =	sst s10  }
0x35: {  	s10 =	sld [smem:$0x3F93];
	_ =	sdelay $0x3  }
0x36: {  	p1 =	seq.s32 s10, $0x1;
	s10 =	sld [smem:$0x3F94];
	_ =	sdelay $0x3  }
0x37: {  	[smem:$0x3F94] =	sst s10  }
0x38: {  	s10 =	sld [smem:$0x3F95]  }
0x39: {  	_ = 	snop;
	(pc) =	sbr.ind lr, $3  }
0x3a: {  	_ = 	snop  }
0x3b: {  	_ = 	snop  }
0x3c: {  	p2 =	seq.s32 s10, $0x1;
	s10 =	sld [smem:$0x3F94]  }
0x3d: {  	_ =	shalt  }
0x3e: {  	_ =	shalt  }
0x3f: {  	_ =	shalt  }
0x40: {  	_ =	shalt  }
0x41: {  	_ =	shalt  }
0x42: {  	_ =	shalt  }
0x43: {  	_ =	shalt  }
0x44: {  	_ =	shalt  }
0x45: {  	_ =	shalt  }
0x46: {  	_ =	shalt  }
0x47: {  	_ =	shalt  }
0x48: {  	_ =	shalt  }
0x49: {  	_ =	shalt  }
0x4a: {  	_ =	shalt  }
0x4b: {  	_ =	shalt  }
0x4c: {  	_ =	shalt  }
0x4d: {  	_ =	shalt  }
0x4e: {  	_ =	shalt  }
0x4f: {  	_ =	shalt  }
0x50: {  	_ =	shalt  }
0x51: {  	_ =	shalt  }
0x52: {  	_ =	shalt  }
0x53: {  	_ =	shalt  }
0x54: {  	_ =	shalt  }
0x55: {  	_ =	shalt  }
0x56: {  	_ =	shalt  }
0x57: {  	_ =	shalt  }
0x58: {  	_ =	shalt  }
0x59: {  	_ =	shalt  }
0x5a: {  	_ =	shalt  }
0x5b: {  	_ =	shalt  }
0x5c: {  	_ =	shalt  }
0x5d: {  	_ =	shalt  }
0x5e: {  	_ =	shalt  }
0x5f: {  	_ =	shalt  }
0x60: {  	_ =	shalt  }
0x61: {  	_ =	shalt  }
0x62: {  	_ =	shalt  }
0x63: {  	_ =	shalt  }
0x64: {  	_ =	shalt  }
0x65: {  	_ =	shalt  }
0x66: {  	_ =	shalt  }
0x67: {  	_ =	shalt  }
0x68: {  	_ =	shalt  }
0x69: {  	_ =	shalt  }
0x6a: {  	_ =	shalt  }
0x6b: {  	_ =	shalt  }
0x6c: {  	_ =	shalt  }
0x6d: {  	_ =	shalt  }
0x6e: {  	_ =	shalt  }
0x6f: {  	_ =	shalt  }
0x70: {  	_ =	shalt  }
0x71: {  	_ =	shalt  }
0x72: {  	_ =	shalt  }
0x73: {  	_ =	shalt  }
0x74: {  	_ =	shalt  }
0x75: {  	_ =	shalt  }
0x76: {  	_ =	shalt  }
0x77: {  	_ =	shalt  }
0x78: {  	_ =	shalt  }
0x79: {  	_ =	shalt  }
0x7a: {  	_ =	shalt  }
0x7b: {  	_ =	shalt  }
0x7c: {  	_ =	shalt  }
0x7d: {  	_ =	shalt  }
0x7e: {  	_ =	shalt  }
0x7f: {  	_ =	shalt  }
0x80: {  	_ =	shalt  }
0x81: {  	_ =	shalt  }
0x82: {  	_ =	shalt  }
0x83: {  	_ =	shalt  }
0x84: {  	_ =	shalt  }
0x85: {  	_ =	shalt  }
0x86: {  	_ =	shalt  }
0x87: {  	_ =	shalt  }
.Lfunc_end0:
.L_simem_size_0:
called_computation.1_lowered:
.L_overlay_start_0:
0x88: {  	s2 =	sld [smem:$0x3FD9]  }
0x89: {  	s3 =	sld [smem:$0x3FFE];
	_ =	sdelay $0x1  }
0x8a: {  	s1 =	srdreg.scid  }
0x8b: {  	s0 =	sand.u32 $0x1, s1  }
0x8c: {  	s17 =	sshll.u32 s0, $0xA;
	s2 =	sadd.s32 s3, s2  }
0x8d: {  	s2 =	sadd.s32 s2, s17  }
0x8e: {  	[smem:$0x3FA0] =	sst s2  }
0x8f: {  	_ = 	snop  }
0x90: {  	s2 =	sld [smem:$0x3FD0];
	(tm) =	ssettm $0x1  }
0x91: {  	s18 =	sld [smem:$0x3FFB];
	_ =	sdelay $0x3  }
0x92: {  	_ =	strace s18  }
0x93: {  	s3 =	sld [smem:$0x3FFC];
	_ =	sdelay $0x3  }
0x94: {  	_ =	strace s3  }
0x95: {  	s3 =	sld [smem:$0x3FFD];
	_ =	sdelay $0x3  }
0x96: {  	_ =	strace s3  }
0x97: {  	_ =	strace $0x8FFFFFFF  }
0x98: {  	s19 =	sld [smem:$0x3FDB];
	_ =	sdelay $0x1  }
0x99: {  	s4 =	simm.s32 $_scs_section_size  }
0x9a: {  	s5 =	simm.s32 $_size__tile_overlayer_lowered;
	s6 =	simm.s32 $_tile_overlayer_lowered  }
0x9b: {  	s22 =	simm.s32 $0x1BFF;
	s21 =	sshll.u32 s6, $0x1;
	s3 =	sadd.s32 s4, s19  }
0x9c: {  	s7 =	simm.s32 $0x0;
	s20 =	sshll.u32 s5, $0x1;
	s5 =	sadd.s32 s21, s3  }
0x9d: {  	[timem:s7], [sflag:s22] =	dma.local [hbm:s5], s20  }
0x9e: {  	_ =	swait.ge [sflag:s22], s20  }
0x9f: {  	s4 =	ssub.s32 $0x0, s20;
	[sflag:s22] =	ssyncset.done $0x0  }
0xa0: {  	[sflag:s22] =	ssyncadd.s32 s4;
	_ =	sdelay $0x1  }
0xa1: {  	s23 =	simm.s32 $0x1B8B  }
0xa2: {  	_ =	swait.ge [sflag:s23], $0x1  }
0xa3: {  	[sflag:s23] =	ssyncset.done $0x0  }
0xa4: {  	s25 =	simm.s32 $0x1B8E;
	s24 =	sld [smem:$0x3FFE];
	[sflag:s23] =	ssyncadd.s32 $0xFFFFFFFF  }
0xa5: {  	s26 =	simm.s32 $execute0_lowered;
	[smem:$0x3FD2] =	sst s25  }
0xa6: {  	s5 =	sshll.u32 s26, $0x1;
	_ =	strace $0x80000049;
	[dreg:$0x1] =	wrdreg $0xFFFFFFFF  }
0xa7: {  	s28 =	simm.s32 $_size_execute0_lowered;
	s3 =	sadd.s32 s3, s5;
	[dreg:$0x0] =	wrdreg $0x0  }
0xa8: {  	s5 =	sshll.u32 s28, $0x1;
	[dreg:$0x2] =	wrdreg s3  }
0xa9: {  	[dreg:$0x3] =	wrdreg s5  }
0xaa: {  	[dreg:$0x4] =	wrdreg $0xC0  }
0xab: {  	_ =	task [dreg:s7], $0x5FFFF  }
0xac: {  	[dreg:$0x1] =	wrdreg $0xFFFFFFFF  }
0xad: {  	[dreg:$0x0] =	wrdreg $0x60  }
0xae: {  	[dreg:$0x2] =	wrdreg s24  }
0xaf: {  	[dreg:$0x3] =	wrdreg s2  }
0xb0: {  	[dreg:$0x4] =	wrdreg $0x9  }
0xb1: {  	_ =	task.clear_ibuf [dreg:s7], $0x5FFFF;
	_ =	strace $0x90000049  }
0xb2: {  	s29 =	simm.s32 $0x9;
	_ =	strace $0x8000004B  }
0xb3: {  	_ =	swait.ge [sflag:s29], $0x1  }
0xb4: {  	[sflag:s29] =	ssyncadd.s32 $0xFFFFFFFF  }
0xb5: {  	_ =	strace $0x9000004B  }
0xb6: {  	_ =	sfence  }
0xb7: {  	s30 =	sld [smem:$0x0];
	_ =	sdelay $0x2  }
0xb8: {  	s31 =	sshll.u32 s1, $0xD;
	s1 =	sshrl.u32 s1, $0x2  }
0xb9: {  	s3 =	sand.u32 $0x4000, s31;
	s1 =	sadd.s32 s1, s30  }
0xba: {  	s0 =	sor.u32 s3, s0;
	s1 =	sshll.u32 s1, $0x11  }
0xbb: {  	s0 =	sor.u32 s1, s0  }
0xbc: {  	s0 =	sadd.s32 $0x8F2B, s0  }
0xbd: {  	[sflag:s0] =	ssyncadd.remote.s32 $0x1  }
0xbe: {  	_ =	sfence.sel $0xFFFF  }
0xbf: {  	[dreg:$0x0] =	wrdreg $0xFFFFFFFF;
	(pc) =	sbr.abs _section_cstart, $3  }
0xc0: {  	[dreg:$0x1] =	wrdreg $0xFFFFFFFF  }
0xc1: {  	_ =	task.clear_ibuf [dreg:s7], $0x2FFFF;
	_ =	strace $0x9FFFFFFF  }
0xc2: {  	(tm) =	ssettm $0x7FFFFFFF  }
0xc3: {  	_ =	shalt  }
tec
execute0_lowered:
.L_overlay_start_1:
0x0: {  	(tag) =	ssettag $0x1  }
0x1: {  	s1 =	srdreg.scid  }
0x2: {  	s8 =	rddreg [dreg:$0x0];
	s0 =	stileid.u32;
	s14 =	sand.u32 $0x1, s1  }
0x3: {  	s13 =	rddreg [dreg:$0x1];
	s3 =	sshll.u32 s0, $0xC;
	s4 =	sshll.u32 s14, $0xB  }
0x4: {  	s2 =	simm.s32 $0x0;
	s1 =	rddreg [dreg:$0x2];
	s15 =	sor.u32 s4, s3  }
0x5: {  	[smem:$0x7FF] =	sst s2;
	s3 =	sshrl.u32 s15, $0x3  }
0x6: {  	_ =	strace $0x8000004A;
	s4 =	sadd.s32 s13, s3;
	s3 =	simm.s32 $0x2  }
0x7: {  	[tilespmem:s2], [sflag:$0x2] =	stream.linear.gather [hbm4b:s4+s2], $0x200, $0x38;
	[tilespmem:$0x10200] =	vst v63  }
0x8: {  	_ =	swait.ge [sflag:s3], $0x200  }
0x9: {  	s6 =	simm.s32 $0x200;
	[sflag:s3] =	ssyncset.done $0x0  }
0xa: {  	s7 =	simm.s32 $0x1;
	s5 =	sadd.s32 $0x6C000, s8;
	[sflag:s3] =	ssyncadd.s32 $0xFFFFFE00  }
0xb: {  	[tilespmem:s6], [sflag:$0x1] =	stream.indirect.gather [hbm4b:s5+s6], $0x80, s2, s6, $0xb8;
	[tilespmem:$0x10200] =	vst v63  }
0xc: {  	_ =	swait.ge [sflag:s7], $0x10000  }
0xd: {  	s16 =	sadd.s32 $0x74000, s8;
	s28 =	sshll.u32 s15, $0x4;
	[sflag:s7] =	ssyncset.done $0x0  }
0xe: {  	s8 =	sadd.s32 s16, s28;
	[sflag:s7] =	ssyncadd.s32 $0xFFFF0000  }
0xf: {  	[hbm4b:s8+s2] =	stream.linear.scatter [tilespmem:s6], [sflag:$0x2], $0x10000, $0x38;
	[tilespmem:$0x10200] =	vst v63  }
0x10: {  	s10 =	sor.u32 $0x200, s15;
	_ =	swait.ge [sflag:s3], $0x10000  }
0x11: {  	s9 =	sshrl.u32 s10, $0x3;
	[sflag:s3] =	ssyncset.done $0x0  }
0x12: {  	s9 =	sadd.s32 s13, s9;
	[sflag:s3] =	ssyncadd.s32 $0xFFFF0000  }
0x13: {  	[tilespmem:s2], [sflag:$0x2] =	stream.linear.gather [hbm4b:s9+s2], $0x200, $0x38;
	[tilespmem:$0x10200] =	vst v63  }
0x14: {  	_ =	swait.ge [sflag:s3], $0x200  }
0x15: {  	[sflag:s3] =	ssyncset.done $0x0  }
0x16: {  	[sflag:s3] =	ssyncadd.s32 $0xFFFFFE00  }
0x17: {  	[tilespmem:s6], [sflag:$0x1] =	stream.indirect.gather [hbm4b:s5+s6], $0x80, s2, s6, $0xb8;
	[tilespmem:$0x10200] =	vst v63  }
0x18: {  	_ =	swait.ge [sflag:s7], $0x10000  }
0x19: {  	s10 =	sshll.u32 s10, $0x4;
	[sflag:s7] =	ssyncset.done $0x0  }
0x1a: {  	s10 =	sadd.s32 s16, s10;
	[sflag:s7] =	ssyncadd.s32 $0xFFFF0000  }
0x1b: {  	[hbm4b:s10+s2] =	stream.linear.scatter [tilespmem:s6], [sflag:$0x2], $0x10000, $0x38;
	[tilespmem:$0x10200] =	vst v63  }
0x1c: {  	s12 =	sor.u32 $0x400, s15;
	_ =	swait.ge [sflag:s3], $0x10000  }
0x1d: {  	s11 =	sshrl.u32 s12, $0x3;
	[sflag:s3] =	ssyncset.done $0x0  }
0x1e: {  	s11 =	sadd.s32 s13, s11;
	[sflag:s3] =	ssyncadd.s32 $0xFFFF0000  }
0x1f: {  	[tilespmem:s2], [sflag:$0x2] =	stream.linear.gather [hbm4b:s11+s2], $0x200, $0x38;
	[tilespmem:$0x10200] =	vst v63  }
0x20: {  	_ =	swait.ge [sflag:s3], $0x200  }
0x21: {  	[sflag:s3] =	ssyncset.done $0x0  }
0x22: {  	[sflag:s3] =	ssyncadd.s32 $0xFFFFFE00  }
0x23: {  	[tilespmem:s6], [sflag:$0x1] =	stream.indirect.gather [hbm4b:s5+s6], $0x80, s2, s6, $0xb8;
	[tilespmem:$0x10200] =	vst v63  }
0x24: {  	_ =	swait.ge [sflag:s7], $0x10000  }
0x25: {  	s12 =	sshll.u32 s12, $0x4;
	[sflag:s7] =	ssyncset.done $0x0  }
0x26: {  	s12 =	sadd.s32 s16, s12;
	[sflag:s7] =	ssyncadd.s32 $0xFFFF0000  }
0x27: {  	[hbm4b:s12+s2] =	stream.linear.scatter [tilespmem:s6], [sflag:$0x2], $0x10000, $0x38;
	[tilespmem:$0x10200] =	vst v63  }
0x28: {  	s15 =	sor.u32 $0x600, s15;
	_ =	swait.ge [sflag:s3], $0x10000  }
0x29: {  	s17 =	sshrl.u32 s15, $0x3;
	[sflag:s3] =	ssyncset.done $0x0  }
0x2a: {  	s14 =	ssub.s32 $0x2, s14;
	s13 =	sadd.s32 s13, s17;
	[sflag:s3] =	ssyncadd.s32 $0xFFFF0000  }
0x2b: {  	[tilespmem:s2], [sflag:$0x2] =	stream.linear.gather [hbm4b:s13+s2], $0x200, $0x38;
	[tilespmem:$0x10200] =	vst v63  }
0x2c: {  	s29 =	sshrl.u32 s14, $0x1;
	_ =	swait.ge [sflag:s3], $0x200  }
0x2d: {  	s17 =	ssub.s32 s14, s29;
	[sflag:s3] =	ssyncset.done $0x0  }
0x2e: {  	s31 =	smax.u32 s17, $0x1;
	[sflag:s3] =	ssyncadd.s32 $0xFFFFFE00  }
0x2f: {  	[tilespmem:s6], [sflag:$0x1] =	stream.indirect.gather [hbm4b:s5+s6], $0x80, s2, s6, $0xb8;
	[tilespmem:$0x10200] =	vst v63  }
0x30: {  	p0 =	sne.s32 s31, $0x1;
	_ =	swait.ge [sflag:s7], $0x10000  }
.Ltmp0:
0x31: {  	s30 =	sshll.u32 s15, $0x4;
	[sflag:s7] =	ssyncset.done $0x0;
	(pc) =	sbr.rel @!p0 .LBB2_2-.Ltmp0, $4  }
0x32: {  	s14 =	sadd.s32 s16, s30;
	[sflag:s7] =	ssyncadd.s32 $0xFFFF0000  }
0x33: {  	[hbm4b:s14+s2] =	stream.linear.scatter [tilespmem:s6], [sflag:$0x2], $0x10000, $0x38;
	[tilespmem:$0x10200] =	vst v63  }
0x34: {  	_ =	swait.ge [sflag:s3], $0x10000  }
0x35: {  	s15 =	sadd.s32 $0xFFFFFFFF, s31;
	[sflag:s3] =	ssyncset.done $0x0  }
.LBB2_1:
0x36: {  	p0 =	sne.s32 s15, $0x1;
	s15 =	sadd.s32 $0xFFFFFFFF, s15;
	[sflag:s3] =	ssyncadd.s32 $0xFFFF0000  }
0x37: {  	[tilespmem:s2], [sflag:$0x2] =	stream.linear.gather [hbm4b:s4+s2], $0x200, $0x38;
	[tilespmem:$0x10200] =	vst v63  }
0x38: {  	_ =	swait.ge [sflag:s3], $0x200  }
0x39: {  	[sflag:s3] =	ssyncset.done $0x0  }
0x3a: {  	[sflag:s3] =	ssyncadd.s32 $0xFFFFFE00  }
0x3b: {  	[tilespmem:s6], [sflag:$0x1] =	stream.indirect.gather [hbm4b:s5+s6], $0x80, s2, s6, $0xb8;
	[tilespmem:$0x10200] =	vst v63  }
0x3c: {  	_ =	swait.ge [sflag:s7], $0x10000  }
0x3d: {  	[sflag:s7] =	ssyncset.done $0x0  }
0x3e: {  	[sflag:s7] =	ssyncadd.s32 $0xFFFF0000  }
0x3f: {  	[hbm4b:s8+s2] =	stream.linear.scatter [tilespmem:s6], [sflag:$0x2], $0x10000, $0x38;
	[tilespmem:$0x10200] =	vst v63  }
0x40: {  	_ =	swait.ge [sflag:s3], $0x10000  }
0x41: {  	[sflag:s3] =	ssyncset.done $0x0  }
0x42: {  	[sflag:s3] =	ssyncadd.s32 $0xFFFF0000  }
0x43: {  	[tilespmem:s2], [sflag:$0x2] =	stream.linear.gather [hbm4b:s9+s2], $0x200, $0x38;
	[tilespmem:$0x10200] =	vst v63  }
0x44: {  	_ =	swait.ge [sflag:s3], $0x200  }
0x45: {  	[sflag:s3] =	ssyncset.done $0x0  }
0x46: {  	[sflag:s3] =	ssyncadd.s32 $0xFFFFFE00  }
0x47: {  	[tilespmem:s6], [sflag:$0x1] =	stream.indirect.gather [hbm4b:s5+s6], $0x80, s2, s6, $0xb8;
	[tilespmem:$0x10200] =	vst v63  }
0x48: {  	_ =	swait.ge [sflag:s7], $0x10000  }
0x49: {  	[sflag:s7] =	ssyncset.done $0x0  }
0x4a: {  	[sflag:s7] =	ssyncadd.s32 $0xFFFF0000  }
0x4b: {  	[hbm4b:s10+s2] =	stream.linear.scatter [tilespmem:s6], [sflag:$0x2], $0x10000, $0x38;
	[tilespmem:$0x10200] =	vst v63  }
0x4c: {  	_ =	swait.ge [sflag:s3], $0x10000  }
0x4d: {  	[sflag:s3] =	ssyncset.done $0x0  }
0x4e: {  	[sflag:s3] =	ssyncadd.s32 $0xFFFF0000  }
0x4f: {  	[tilespmem:s2], [sflag:$0x2] =	stream.linear.gather [hbm4b:s11+s2], $0x200, $0x38;
	[tilespmem:$0x10200] =	vst v63  }
0x50: {  	_ =	swait.ge [sflag:s3], $0x200  }
0x51: {  	[sflag:s3] =	ssyncset.done $0x0  }
0x52: {  	[sflag:s3] =	ssyncadd.s32 $0xFFFFFE00  }
0x53: {  	[tilespmem:s6], [sflag:$0x1] =	stream.indirect.gather [hbm4b:s5+s6], $0x80, s2, s6, $0xb8;
	[tilespmem:$0x10200] =	vst v63  }
0x54: {  	_ =	swait.ge [sflag:s7], $0x10000  }
0x55: {  	[sflag:s7] =	ssyncset.done $0x0  }
0x56: {  	[sflag:s7] =	ssyncadd.s32 $0xFFFF0000  }
0x57: {  	[hbm4b:s12+s2] =	stream.linear.scatter [tilespmem:s6], [sflag:$0x2], $0x10000, $0x38;
	[tilespmem:$0x10200] =	vst v63  }
0x58: {  	_ =	swait.ge [sflag:s3], $0x10000  }
0x59: {  	[sflag:s3] =	ssyncset.done $0x0  }
0x5a: {  	[sflag:s3] =	ssyncadd.s32 $0xFFFF0000  }
0x5b: {  	[tilespmem:s2], [sflag:$0x2] =	stream.linear.gather [hbm4b:s13+s2], $0x200, $0x38;
	[tilespmem:$0x10200] =	vst v63  }
0x5c: {  	_ =	swait.ge [sflag:s3], $0x200  }
0x5d: {  	[sflag:s3] =	ssyncset.done $0x0  }
0x5e: {  	[sflag:s3] =	ssyncadd.s32 $0xFFFFFE00  }
0x5f: {  	[tilespmem:s6], [sflag:$0x1] =	stream.indirect.gather [hbm4b:s5+s6], $0x80, s2, s6, $0xb8;
	[tilespmem:$0x10200] =	vst v63  }
0x60: {  	_ =	swait.ge [sflag:s7], $0x10000  }
.Ltmp1:
0x61: {  	[sflag:s7] =	ssyncset.done $0x0;
	(pc) =	sbr.rel @p0 .LBB2_1-.Ltmp1, $4  }
0x62: {  	[sflag:s7] =	ssyncadd.s32 $0xFFFF0000  }
0x63: {  	[hbm4b:s14+s2] =	stream.linear.scatter [tilespmem:s6], [sflag:$0x2], $0x10000, $0x38;
	[tilespmem:$0x10200] =	vst v63  }
0x64: {  	_ =	swait.ge [sflag:s3], $0x10000  }
0x65: {  	[sflag:s3] =	ssyncset.done $0x0  }
.LBB2_2:
0x66: {  	[sflag:s3] =	ssyncadd.s32 $0xFFFF0000  }
0x67: {  	_ =	sfence.sel $0x180000  }
0x68: {  	[bflag:$0x0] =	sbarrier.arrive $0xFFFF  }
0x69: {  	p0 =	sne.s32 s0, $0x0;
	_ =	strace $0x9000004A  }
0x6a: {  	s0 =	sadd.s32 @!p0 $0x100000, s1;
	[bflag:$0x2] =	sbarrier.arrive $0xFFFF  }
0x6b: {  	[sflag:s0] =	ssyncadd.tile.s32 @!p0 $0x1;
	_ =	shalt  }
.Lfunc_end2:
_tile_overlayer_lowered:
.L_overlay_start_2:
0x6c: {  	(tag) =	ssettag $0x2  }
0x6d: {  	s0 =	rddreg [dreg:$0x0];
	s2 =	stileid.u32  }
0x6e: {  	s1 =	rddreg [dreg:$0x1];
	p0 =	sne.s32 s2, $0x0  }
0x6f: {  	s3 =	rddreg [dreg:$0x2];
	[bflag:$0x3] =	sbarrier.arrive $0xFFFF;
	s2 =	simm.s32 @!p0 $0x1C02  }
0x70: {  	[timem:s3], [sflag:s2] =	dma.local @!p0 [hbm:s0], s1  }
0x71: {  	s0 =	simm.s32 @!p0 $0x2  }
0x72: {  	_ =	swait.ge @!p0 [sflag:s0], s1  }
0x73: {  	s1 =	ssub.s32 @!p0 $0x0, s1;
	[sflag:s0] =	ssyncset.done @!p0 $0x0  }
0x74: {  	[sflag:s0] =	ssyncadd.s32 @!p0 s1  }
0x75: {  	[bflag:$0x3] =	sbarrier.arrive $0xFFFF  }
0x76: {  	_ =	shalt  }

// kernel: kernel.24.cloned.1.call-start
scs
__scs_entry_jumppad:
0x0: {  	(pc) =	sbr.rel $0x88, $3  }
0x1: {  	(tag) =	ssettag $0x0;
	lr =	simm.s32 $0x1  }
0x2: {  	[smem:$0x3F79] =	sst lr;
	_ =	strace $0xD0000000  }
0x3: {  	_ = 	snop  }
0x4: {  	_ = 	snop  }
0x5: {  	_ = 	snop  }
0x6: {  	_ = 	snop  }
0x7: {  	_ = 	snop  }
__scs_overlays_trampoline_lowered:
0x8: {  	[smem:$0x3F88] =	sst s0  }
0x9: {  	[smem:$0x3F89] =	sst s1  }
0xa: {  	[smem:$0x3F8A] =	sst s2  }
0xb: {  	[smem:$0x3F8B] =	sst s3  }
0xc: {  	[smem:$0x3F8C] =	sst s4  }
0xd: {  	[smem:$0x3F8D] =	sst s5  }
0xe: {  	[smem:$0x3F8E] =	sst s6  }
0xf: {  	[smem:$0x3F8F] =	sst s7  }
0x10: {  	[smem:$0x3F90] =	sst s8  }
0x11: {  	[smem:$0x3F91] =	sst s9;
	s0 =	simm.s32 @!p0 $0x0  }
0x12: {  	s1 =	sld [smem:$0x3F77];
	s0 =	simm.s32 @p0 $0x1  }
0x13: {  	[smem:$0x3F92] =	sst s0;
	s0 =	simm.s32 @!p1 $0x0  }
0x14: {  	s2 =	sld [smem:$0x3F76];
	s0 =	simm.s32 @p1 $0x1  }
0x15: {  	[smem:$0x3F93] =	sst s0;
	s0 =	simm.s32 @!p2 $0x0  }
0x16: {  	s3 =	sld [smem:$0x3FDB];
	s0 =	simm.s32 @p2 $0x1  }
0x17: {  	s4 =	simm.s32 $0x1BF5;
	[smem:$0x3F95] =	sst s0  }
0x18: {  	s0 =	sld [smem:$0x3F78];
	_ =	swait.ge [sflag:s4], $0x0  }
0x19: {  	s7 =	sld [smem:$0x3F79]  }
0x1a: {  	s8 =	sadd.s32 $0xFFFFE003, lr  }
0x1b: {  	s9 =	sadd.s32 $0xFFFFFEF7, lr;
	s5 =	simm.s32 $0xFFFFFFFF;
	p2 =	slt.u32 s8, $0xFFFFF086  }
0x1c: {  	p1 =	slt.u32 s9, $0xF7A;
	s5 =	simm.s32 @!p2 $0x0  }
0x1d: {  	s5 =	simm.s32 @p1 $0x1;
	p0 =	seq.s32 s7, s2  }
0x1e: {  	s7 =	smul.u32 @!p0 $0xF7A, s2;
	p2 =	seq.s32 @!p0 s5, $0x0  }
0x1f: {  	s9 =	smul.u32 $0xF7A, s1;
	s8 =	simm.s32 @!p0 $0x1BF5;
	p2 =	por !p2, p0  }
0x20: {  	[sflag:s8] =	ssyncset.s32 @!p0 $0xFFFFF086;
	s6 =	sadd.s32 @!p0 s3, s7;
	s7 =	simm.s32 @!p0 $0x108  }
0x21: {  	s3 =	sadd.s32 s3, s9;
	s6 =	sadd.s32 @!p0 $0x88, s6;
	s7 =	simm.s32 @p2 $0x1082  }
0x22: {  	[simem:s7], [sflag:s8] =	dma.local @!p0 [hbm:s6], $0xF7A  }
0x23: {  	s9 =	sor.u32 $0xD0000000, s2;
	s6 =	simm.s32 $0x108;
	_ =	swait.ge @!p0 [sflag:s8], $0x0  }
0x24: {  	s3 =	sadd.s32 $0x88, s3;
	s6 =	simm.s32 @!p1 $0x1082;
	[sflag:s4] =	ssyncset.s32 $0xFFFFF086  }
0x25: {  	[simem:s6], [sflag:s4] =	dma.local [hbm:s3], $0xF7A  }
0x26: {  	[smem:$0x3F79] =	sst s1;
	(tag) =	ssettag s2;
	_ =	strace s9  }
0x27: {  	s1 =	sld [smem:$0x3F89]  }
0x28: {  	s2 =	sld [smem:$0x3F8A]  }
0x29: {  	s4 =	sld [smem:$0x3F8C]  }
0x2a: {  	p0 =	seq.s32 s5, $0x0;
	s5 =	sld [smem:$0x3F8D]  }
0x2b: {  	s6 =	sld [smem:$0x3F8E]  }
0x2c: {  	s7 =	sld [smem:$0x3F8F]  }
0x2d: {  	s3 =	simm.s32 $0x108;
	s8 =	sld [smem:$0x3F90]  }
0x2e: {  	s3 =	simm.s32 @!p0 $0x1082;
	s9 =	sld [smem:$0x3F91]  }
0x2f: {  	lr =	sadd.s32 s0, s3;
	s0 =	sld [smem:$0x3F88]  }
0x30: {  	s3 =	sld [smem:$0x3F8B]  }
0x31: {  	[smem:$0x3F94] =	sst s10  }
0x32: {  	s10 =	sld [smem:$0x3F92];
	_ =	sdelay $0x3  }
0x33: {  	p0 =	seq.s32 s10, $0x1;
	s10 =	sld [smem:$0x3F94];
	_ =	sdelay $0x3  }
0x34: {  	[smem:$0x3F94] =	sst s10  }
0x35: {  	s10 =	sld [smem:$0x3F93];
	_ =	sdelay $0x3  }
0x36: {  	p1 =	seq.s32 s10, $0x1;
	s10 =	sld [smem:$0x3F94];
	_ =	sdelay $0x3  }
0x37: {  	[smem:$0x3F94] =	sst s10  }
0x38: {  	s10 =	sld [smem:$0x3F95]  }
0x39: {  	_ = 	snop;
	(pc) =	sbr.ind lr, $3  }
0x3a: {  	_ = 	snop  }
0x3b: {  	_ = 	snop  }
0x3c: {  	p2 =	seq.s32 s10, $0x1;
	s10 =	sld [smem:$0x3F94]  }
0x3d: {  	_ =	shalt  }
0x3e: {  	_ =	shalt  }
0x3f: {  	_ =	shalt  }
0x40: {  	_ =	shalt  }
0x41: {  	_ =	shalt  }
0x42: {  	_ =	shalt  }
0x43: {  	_ =	shalt  }
0x44: {  	_ =	shalt  }
0x45: {  	_ =	shalt  }
0x46: {  	_ =	shalt  }
0x47: {  	_ =	shalt  }
0x48: {  	_ =	shalt  }
0x49: {  	_ =	shalt  }
0x4a: {  	_ =	shalt  }
0x4b: {  	_ =	shalt  }
0x4c: {  	_ =	shalt  }
0x4d: {  	_ =	shalt  }
0x4e: {  	_ =	shalt  }
0x4f: {  	_ =	shalt  }
0x50: {  	_ =	shalt  }
0x51: {  	_ =	shalt  }
0x52: {  	_ =	shalt  }
0x53: {  	_ =	shalt  }
0x54: {  	_ =	shalt  }
0x55: {  	_ =	shalt  }
0x56: {  	_ =	shalt  }
0x57: {  	_ =	shalt  }
0x58: {  	_ =	shalt  }
0x59: {  	_ =	shalt  }
0x5a: {  	_ =	shalt  }
0x5b: {  	_ =	shalt  }
0x5c: {  	_ =	shalt  }
0x5d: {  	_ =	shalt  }
0x5e: {  	_ =	shalt  }
0x5f: {  	_ =	shalt  }
0x60: {  	_ =	shalt  }
0x61: {  	_ =	shalt  }
0x62: {  	_ =	shalt  }
0x63: {  	_ =	shalt  }
0x64: {  	_ =	shalt  }
0x65: {  	_ =	shalt  }
0x66: {  	_ =	shalt  }
0x67: {  	_ =	shalt  }
0x68: {  	_ =	shalt  }
0x69: {  	_ =	shalt  }
0x6a: {  	_ =	shalt  }
0x6b: {  	_ =	shalt  }
0x6c: {  	_ =	shalt  }
0x6d: {  	_ =	shalt  }
0x6e: {  	_ =	shalt  }
0x6f: {  	_ =	shalt  }
0x70: {  	_ =	shalt  }
0x71: {  	_ =	shalt  }
0x72: {  	_ =	shalt  }
0x73: {  	_ =	shalt  }
0x74: {  	_ =	shalt  }
0x75: {  	_ =	shalt  }
0x76: {  	_ =	shalt  }
0x77: {  	_ =	shalt  }
0x78: {  	_ =	shalt  }
0x79: {  	_ =	shalt  }
0x7a: {  	_ =	shalt  }
0x7b: {  	_ =	shalt  }
0x7c: {  	_ =	shalt  }
0x7d: {  	_ =	shalt  }
0x7e: {  	_ =	shalt  }
0x7f: {  	_ =	shalt  }
0x80: {  	_ =	shalt  }
0x81: {  	_ =	shalt  }
0x82: {  	_ =	shalt  }
0x83: {  	_ =	shalt  }
0x84: {  	_ =	shalt  }
0x85: {  	_ =	shalt  }
0x86: {  	_ =	shalt  }
0x87: {  	_ =	shalt  }
.Lfunc_end0:
.L_simem_size_0:
called_computation.2_lowered:
.L_overlay_start_0:
0x88: {  	s2 =	sld [smem:$0x3FD9]  }
0x89: {  	s3 =	sld [smem:$0x3FFE];
	_ =	sdelay $0x1  }
0x8a: {  	s1 =	srdreg.scid  }
0x8b: {  	s0 =	sand.u32 $0x1, s1  }
0x8c: {  	s16 =	sshll.u32 s0, $0xA;
	s2 =	sadd.s32 s3, s2  }
0x8d: {  	s2 =	sadd.s32 s2, s16  }
0x8e: {  	[smem:$0x3FA0] =	sst s2  }
0x8f: {  	_ = 	snop  }
0x90: {  	(tm) =	ssettm $0x1  }
0x91: {  	s17 =	sld [smem:$0x3FFB];
	_ =	sdelay $0x3  }
0x92: {  	_ =	strace s17  }
0x93: {  	s2 =	sld [smem:$0x3FFC];
	_ =	sdelay $0x3  }
0x94: {  	_ =	strace s2  }
0x95: {  	s2 =	sld [smem:$0x3FFD];
	_ =	sdelay $0x3  }
0x96: {  	_ =	strace s2  }
0x97: {  	_ =	strace $0x8FFFFFFF  }
0x98: {  	s18 =	sld [smem:$0x3FDB];
	_ =	sdelay $0x1  }
0x99: {  	s19 =	simm.s32 $_scs_section_size  }
0x9a: {  	s4 =	simm.s32 $_size__tile_overlayer_lowered;
	s5 =	simm.s32 $_tile_overlayer_lowered  }
0x9b: {  	s22 =	simm.s32 $0x1BFF;
	s21 =	sshll.u32 s5, $0x1;
	s2 =	sadd.s32 s19, s18  }
0x9c: {  	s6 =	simm.s32 $0x0;
	s20 =	sshll.u32 s4, $0x1;
	s4 =	sadd.s32 s21, s2  }
0x9d: {  	[timem:s6], [sflag:s22] =	dma.local [hbm:s4], s20  }
0x9e: {  	_ =	swait.ge [sflag:s22], s20  }
0x9f: {  	s3 =	ssub.s32 $0x0, s20;
	[sflag:s22] =	ssyncset.done $0x0  }
0xa0: {  	[sflag:s22] =	ssyncadd.s32 s3;
	_ =	sdelay $0x1  }
0xa1: {  	s23 =	simm.s32 $0x1B8B  }
0xa2: {  	_ =	swait.ge [sflag:s23], $0x1  }
0xa3: {  	[sflag:s23] =	ssyncset.done $0x0  }
0xa4: {  	s25 =	simm.s32 $0x1B8E;
	s24 =	sld [smem:$0x3FFE];
	[sflag:s23] =	ssyncadd.s32 $0xFFFFFFFF  }
0xa5: {  	s26 =	simm.s32 $execute0_lowered;
	[smem:$0x3FD2] =	sst s25  }
0xa6: {  	s4 =	sshll.u32 s26, $0x1;
	_ =	strace $0x8000004C;
	[dreg:$0x1] =	wrdreg $0xFFFFFFFF  }
0xa7: {  	s28 =	simm.s32 $_size_execute0_lowered;
	s2 =	sadd.s32 s2, s4;
	[dreg:$0x0] =	wrdreg $0x0  }
0xa8: {  	s4 =	sshll.u32 s28, $0x1;
	[dreg:$0x2] =	wrdreg s2  }
0xa9: {  	[dreg:$0x3] =	wrdreg s4  }
0xaa: {  	[dreg:$0x4] =	wrdreg $0xC0  }
0xab: {  	_ =	task [dreg:s6], $0x5FFFF  }
0xac: {  	[dreg:$0x1] =	wrdreg $0xFFFFFFFF  }
0xad: {  	[dreg:$0x0] =	wrdreg $0x60  }
0xae: {  	[dreg:$0x2] =	wrdreg s24  }
0xaf: {  	[dreg:$0x3] =	wrdreg $0x9  }
0xb0: {  	_ =	task.clear_ibuf [dreg:s6], $0x4FFFF;
	_ =	strace $0x9000004C  }
0xb1: {  	s29 =	simm.s32 $0x9;
	_ =	strace $0x8000004E  }
0xb2: {  	_ =	swait.ge [sflag:s29], $0x1  }
0xb3: {  	[sflag:s29] =	ssyncadd.s32 $0xFFFFFFFF  }
0xb4: {  	_ =	strace $0x9000004E  }
0xb5: {  	_ =	sfence  }
0xb6: {  	s30 =	sld [smem:$0x0];
	_ =	sdelay $0x2  }
0xb7: {  	s31 =	sshll.u32 s1, $0xD;
	s1 =	sshrl.u32 s1, $0x2  }
0xb8: {  	s3 =	sand.u32 $0x4000, s31;
	s1 =	sadd.s32 s1, s30  }
0xb9: {  	s0 =	sor.u32 s3, s0;
	s1 =	sshll.u32 s1, $0x11  }
0xba: {  	s0 =	sor.u32 s1, s0  }
0xbb: {  	s0 =	sadd.s32 $0x8F2B, s0  }
0xbc: {  	[sflag:s0] =	ssyncadd.remote.s32 $0x1  }
0xbd: {  	_ =	sfence.sel $0xFFFF  }
0xbe: {  	[dreg:$0x0] =	wrdreg $0xFFFFFFFF;
	(pc) =	sbr.abs _section_cstart, $3  }
0xbf: {  	[dreg:$0x1] =	wrdreg $0xFFFFFFFF  }
0xc0: {  	_ =	task.clear_ibuf [dreg:s6], $0x2FFFF;
	_ =	strace $0x9FFFFFFF  }
0xc1: {  	(tm) =	ssettm $0x7FFFFFFF  }
tec
execute0_lowered:
.L_overlay_start_1:
0x0: {  	(tag) =	ssettag $0x1  }
0x1: {  	s1 =	srdreg.scid;
	s0 =	stileid.u32  }
0x2: {  	s4 =	rddreg [dreg:$0x0];
	s2 =	simm.s32 $0x0;
	s7 =	simm.s32 $0x100  }
0x3: {  	s8 =	simm.s32 $0x900;
	s9 =	simm.s32 $0x1100;
	s10 =	simm.s32 $0x1900  }
0x4: {  	s11 =	simm.s32 $0x2100;
	s12 =	simm.s32 $0x2900;
	s13 =	simm.s32 $0x3100  }
0x5: {  	s14 =	simm.s32 $0x3900;
	s15 =	simm.s32 $0x4100;
	s16 =	simm.s32 $0x4900  }
0x6: {  	s17 =	simm.s32 $0x5100;
	s18 =	simm.s32 $0x5900;
	s19 =	simm.s32 $0x6100  }
0x7: {  	s20 =	simm.s32 $0x6900;
	s21 =	simm.s32 $0x7100;
	s22 =	simm.s32 $0x7900  }
0x8: {  	s23 =	simm.s32 $0x8100;
	s24 =	simm.s32 $0x8900;
	s25 =	simm.s32 $0x9100  }
0x9: {  	s28 =	simm.s32 $0xA100;
	s1 =	sand.u32 $0x1, s1;
	s3 =	sshll.u32 s0, $0x1  }
0xa: {  	s29 =	simm.s32 $0xA900;
	s30 =	simm.s32 $0xB100;
	s3 =	sor.u32 s1, s3  }
0xb: {  	s31 =	simm.s32 $0xB900;
	s1 =	ssub.s32 $0x2, s1;
	s5 =	smul.u32 $0x18, s3  }
0xc: {  	[smem:$0x7FF] =	sst s2;
	s6 =	smul.u32 $0x1800, s3;
	s26 =	sshrl.u32 s1, $0x1  }
0xd: {  	_ =	strace $0x8000004D;
	s3 =	sadd.s32 $0x6C000, s4;
	s1 =	ssub.s32 s1, s26  }
0xe: {  	v2 =	vlaneseq.u32;
	s26 =	simm.s32 $0x9900;
	s5 =	sadd.s32 s5, s4;
	s4 =	sadd.s32 s6, s4  }
0xf: {  	vm0 =	vmmov $0xffff;
	v1 =	vshrl.u32 v2, $0x3;
	s6 =	simm.s32 $0x2;
	s5 =	sadd.s32 $0x38000, s5;
	s4 =	sadd.s32 $0x74000, s4  }
0x10: {  	v0 =	vand.u32 $0x7, v2;
	v2 =	vor.u32 $0x8, v2;
	v1 =	vmul.u32 $0x8, v1;
	[dreg:$0x2] =	wrdreg s5;
	s5 =	smax.u32 s1, $0x1;
	s1 =	simm.s32 $0x1  }
.LBB2_1:
0x11: {  	s0 =	rddreg [dreg:$0x2]  }
0x12: {  	[tilespmem:s2], [sflag:$0x2] =	stream.linear.gather [hbm4b:s0+s2], $0xC0, $0x38;
	[tilespmem:$0xC100] =	vst v63  }
0x13: {  	_ =	swait.ge [sflag:s6], $0xC0  }
0x14: {  	[sflag:s6] =	ssyncset.done $0x0  }
0x15: {  	[sflag:s6] =	ssyncadd.s32 $0xFFFFFF40  }
0x16: {  	v3 =	vld [tilespmem:$0x0];
	_ =	sdelay $0x4  }
0x17: {  	v4 =	vshll.u32 v3, $0x1  }
0x18: {  	v3 =	vand.u32 $0x7, v3;
	v4 =	vand.u32 $0xFFFFFFF0, v4  }
0x19: {  	v3 =	vor.u32 v3, v4  }
0x1a: {  	v4 =	vperm.xlane v3, v0;
	_ =	sdelay $0x1  }
0x1b: {  	v3 =	vperm.xlane v3, v2;
	v4 =	vadd.s32 v1, v4;
	_ =	sdelay $0x1  }
0x1c: {  	v3 =	vadd.s32 v1, v3;
	_ =	sdelay $0x2  }
0x1d: {  	[tilespmem:s7], [sflag:$0x1] =	stream.indirect_vreg.gather [hbm4b:s3+s2], $0x80, v4, vm0, $0xb8;
	[tilespmem:$0xC100] =	vst v63  }
0x1e: {  	_ = 	snop  }
0x1f: {  	[tilespmem:s8], [sflag:$0x1] =	stream.indirect_vreg.gather [hbm4b:s3+s2], $0x80, v3, vm0, $0xb8;
	[tilespmem:$0xC100] =	vst v63  }
0x20: {  	v3 =	vld [tilespmem:$0x10];
	_ =	sdelay $0x4  }
0x21: {  	v53 =	vshll.u32 v3, $0x1  }
0x22: {  	v3 =	vand.u32 $0x7, v3;
	v4 =	vand.u32 $0xFFFFFFF0, v53  }
0x23: {  	v3 =	vor.u32 v3, v4  }
0x24: {  	v4 =	vperm.xlane v3, v0;
	_ =	sdelay $0x1  }
0x25: {  	v3 =	vperm.xlane v3, v2;
	v4 =	vadd.s32 v1, v4;
	_ =	sdelay $0x1  }
0x26: {  	v3 =	vadd.s32 v1, v3;
	_ =	sdelay $0x2  }
0x27: {  	[tilespmem:s9], [sflag:$0x1] =	stream.indirect_vreg.gather [hbm4b:s3+s2], $0x80, v4, vm0, $0xb8;
	[tilespmem:$0xC100] =	vst v63  }
0x28: {  	_ = 	snop  }
0x29: {  	[tilespmem:s10], [sflag:$0x1] =	stream.indirect_vreg.gather [hbm4b:s3+s2], $0x80, v3, vm0, $0xb8;
	[tilespmem:$0xC100] =	vst v63  }
0x2a: {  	v3 =	vld [tilespmem:$0x20];
	_ =	sdelay $0x4  }
0x2b: {  	v54 =	vshll.u32 v3, $0x1  }
0x2c: {  	v3 =	vand.u32 $0x7, v3;
	v4 =	vand.u32 $0xFFFFFFF0, v54  }
0x2d: {  	v3 =	vor.u32 v3, v4  }
0x2e: {  	v4 =	vperm.xlane v3, v0;
	_ =	sdelay $0x1  }
0x2f: {  	v3 =	vperm.xlane v3, v2;
	v4 =	vadd.s32 v1, v4;
	_ =	sdelay $0x1  }
0x30: {  	v3 =	vadd.s32 v1, v3;
	_ =	sdelay $0x2  }
0x31: {  	[tilespmem:s11], [sflag:$0x1] =	stream.indirect_vreg.gather [hbm4b:s3+s2], $0x80, v4, vm0, $0xb8;
	[tilespmem:$0xC100] =	vst v63  }
0x32: {  	_ = 	snop  }
0x33: {  	[tilespmem:s12], [sflag:$0x1] =	stream.indirect_vreg.gather [hbm4b:s3+s2], $0x80, v3, vm0, $0xb8;
	[tilespmem:$0xC100] =	vst v63  }
0x34: {  	v3 =	vld [tilespmem:$0x30];
	_ =	sdelay $0x4  }
0x35: {  	v55 =	vshll.u32 v3, $0x1  }
0x36: {  	v3 =	vand.u32 $0x7, v3;
	v4 =	vand.u32 $0xFFFFFFF0, v55  }
0x37: {  	v3 =	vor.u32 v3, v4  }
0x38: {  	v4 =	vperm.xlane v3, v0;
	_ =	sdelay $0x1  }
0x39: {  	v3 =	vperm.xlane v3, v2;
	v4 =	vadd.s32 v1, v4;
	_ =	sdelay $0x1  }
0x3a: {  	v3 =	vadd.s32 v1, v3;
	_ =	sdelay $0x2  }
0x3b: {  	[tilespmem:s13], [sflag:$0x1] =	stream.indirect_vreg.gather [hbm4b:s3+s2], $0x80, v4, vm0, $0xb8;
	[tilespmem:$0xC100] =	vst v63  }
0x3c: {  	_ = 	snop  }
0x3d: {  	[tilespmem:s14], [sflag:$0x1] =	stream.indirect_vreg.gather [hbm4b:s3+s2], $0x80, v3, vm0, $0xb8;
	[tilespmem:$0xC100] =	vst v63  }
0x3e: {  	v3 =	vld [tilespmem:$0x40];
	_ =	sdelay $0x4  }
0x3f: {  	v56 =	vshll.u32 v3, $0x1  }
0x40: {  	v3 =	vand.u32 $0x7, v3;
	v4 =	vand.u32 $0xFFFFFFF0, v56  }
0x41: {  	v3 =	vor.u32 v3, v4  }
0x42: {  	v4 =	vperm.xlane v3, v0;
	_ =	sdelay $0x1  }
0x43: {  	v3 =	vperm.xlane v3, v2;
	v4 =	vadd.s32 v1, v4;
	_ =	sdelay $0x1  }
0x44: {  	v3 =	vadd.s32 v1, v3;
	_ =	sdelay $0x2  }
0x45: {  	[tilespmem:s15], [sflag:$0x1] =	stream.indirect_vreg.gather [hbm4b:s3+s2], $0x80, v4, vm0, $0xb8;
	[tilespmem:$0xC100] =	vst v63  }
0x46: {  	_ = 	snop  }
0x47: {  	[tilespmem:s16], [sflag:$0x1] =	stream.indirect_vreg.gather [hbm4b:s3+s2], $0x80, v3, vm0, $0xb8;
	[tilespmem:$0xC100] =	vst v63  }
0x48: {  	v3 =	vld [tilespmem:$0x50];
	_ =	sdelay $0x4  }
0x49: {  	v57 =	vshll.u32 v3, $0x1  }
0x4a: {  	v3 =	vand.u32 $0x7, v3;
	v4 =	vand.u32 $0xFFFFFFF0, v57  }
0x4b: {  	v3 =	vor.u32 v3, v4  }
0x4c: {  	v4 =	vperm.xlane v3, v0;
	_ =	sdelay $0x1  }
0x4d: {  	v3 =	vperm.xlane v3, v2;
	v4 =	vadd.s32 v1, v4;
	_ =	sdelay $0x1  }
0x4e: {  	v3 =	vadd.s32 v1, v3;
	_ =	sdelay $0x2  }
0x4f: {  	[tilespmem:s17], [sflag:$0x1] =	stream.indirect_vreg.gather [hbm4b:s3+s2], $0x80, v4, vm0, $0xb8;
	[tilespmem:$0xC100] =	vst v63  }
0x50: {  	_ = 	snop  }
0x51: {  	[tilespmem:s18], [sflag:$0x1] =	stream.indirect_vreg.gather [hbm4b:s3+s2], $0x80, v3, vm0, $0xb8;
	[tilespmem:$0xC100] =	vst v63  }
0x52: {  	v3 =	vld [tilespmem:$0x60];
	_ =	sdelay $0x4  }
0x53: {  	v58 =	vshll.u32 v3, $0x1  }
0x54: {  	v3 =	vand.u32 $0x7, v3;
	v4 =	vand.u32 $0xFFFFFFF0, v58  }
0x55: {  	v3 =	vor.u32 v3, v4  }
0x56: {  	v4 =	vperm.xlane v3, v0;
	_ =	sdelay $0x1  }
0x57: {  	v3 =	vperm.xlane v3, v2;
	v4 =	vadd.s32 v1, v4;
	_ =	sdelay $0x1  }
0x58: {  	v3 =	vadd.s32 v1, v3;
	_ =	sdelay $0x2  }
0x59: {  	[tilespmem:s19], [sflag:$0x1] =	stream.indirect_vreg.gather [hbm4b:s3+s2], $0x80, v4, vm0, $0xb8;
	[tilespmem:$0xC100] =	vst v63  }
0x5a: {  	_ = 	snop  }
0x5b: {  	[tilespmem:s20], [sflag:$0x1] =	stream.indirect_vreg.gather [hbm4b:s3+s2], $0x80, v3, vm0, $0xb8;
	[tilespmem:$0xC100] =	vst v63  }
0x5c: {  	v3 =	vld [tilespmem:$0x70];
	_ =	sdelay $0x4  }
0x5d: {  	v59 =	vshll.u32 v3, $0x1  }
0x5e: {  	v3 =	vand.u32 $0x7, v3;
	v4 =	vand.u32 $0xFFFFFFF0, v59  }
0x5f: {  	v3 =	vor.u32 v3, v4  }
0x60: {  	v4 =	vperm.xlane v3, v0;
	_ =	sdelay $0x1  }
0x61: {  	v3 =	vperm.xlane v3, v2;
	v4 =	vadd.s32 v1, v4;
	_ =	sdelay $0x1  }
0x62: {  	v3 =	vadd.s32 v1, v3;
	_ =	sdelay $0x2  }
0x63: {  	[tilespmem:s21], [sflag:$0x1] =	stream.indirect_vreg.gather [hbm4b:s3+s2], $0x80, v4, vm0, $0xb8;
	[tilespmem:$0xC100] =	vst v63  }
0x64: {  	_ = 	snop  }
0x65: {  	[tilespmem:s22], [sflag:$0x1] =	stream.indirect_vreg.gather [hbm4b:s3+s2], $0x80, v3, vm0, $0xb8;
	[tilespmem:$0xC100] =	vst v63  }
0x66: {  	v3 =	vld [tilespmem:$0x80];
	_ =	sdelay $0x4  }
0x67: {  	v60 =	vshll.u32 v3, $0x1  }
0x68: {  	v3 =	vand.u32 $0x7, v3;
	v4 =	vand.u32 $0xFFFFFFF0, v60  }
0x69: {  	v3 =	vor.u32 v3, v4  }
0x6a: {  	v4 =	vperm.xlane v3, v0;
	_ =	sdelay $0x1  }
0x6b: {  	v3 =	vperm.xlane v3, v2;
	v4 =	vadd.s32 v1, v4;
	_ =	sdelay $0x1  }
0x6c: {  	v3 =	vadd.s32 v1, v3;
	_ =	sdelay $0x2  }
0x6d: {  	[tilespmem:s23], [sflag:$0x1] =	stream.indirect_vreg.gather [hbm4b:s3+s2], $0x80, v4, vm0, $0xb8;
	[tilespmem:$0xC100] =	vst v63  }
0x6e: {  	_ = 	snop  }
0x6f: {  	[tilespmem:s24], [sflag:$0x1] =	stream.indirect_vreg.gather [hbm4b:s3+s2], $0x80, v3, vm0, $0xb8;
	[tilespmem:$0xC100] =	vst v63  }
0x70: {  	v3 =	vld [tilespmem:$0x90];
	_ =	sdelay $0x4  }
0x71: {  	v61 =	vshll.u32 v3, $0x1  }
0x72: {  	v3 =	vand.u32 $0x7, v3;
	v4 =	vand.u32 $0xFFFFFFF0, v61  }
0x73: {  	v3 =	vor.u32 v3, v4  }
0x74: {  	v4 =	vperm.xlane v3, v0;
	_ =	sdelay $0x1  }
0x75: {  	v3 =	vperm.xlane v3, v2;
	v4 =	vadd.s32 v1, v4;
	_ =	sdelay $0x1  }
0x76: {  	v3 =	vadd.s32 v1, v3;
	_ =	sdelay $0x2  }
0x77: {  	[tilespmem:s25], [sflag:$0x1] =	stream.indirect_vreg.gather [hbm4b:s3+s2], $0x80, v4, vm0, $0xb8;
	[tilespmem:$0xC100] =	vst v63  }
0x78: {  	_ = 	snop  }
0x79: {  	[tilespmem:s26], [sflag:$0x1] =	stream.indirect_vreg.gather [hbm4b:s3+s2], $0x80, v3, vm0, $0xb8;
	[tilespmem:$0xC100] =	vst v63  }
0x7a: {  	v3 =	vld [tilespmem:$0xA0];
	_ =	sdelay $0x4  }
0x7b: {  	v62 =	vshll.u32 v3, $0x1  }
0x7c: {  	v3 =	vand.u32 $0x7, v3;
	v4 =	vand.u32 $0xFFFFFFF0, v62  }
0x7d: {  	v3 =	vor.u32 v3, v4  }
0x7e: {  	v4 =	vperm.xlane v3, v0;
	_ =	sdelay $0x1  }
0x7f: {  	v3 =	vperm.xlane v3, v2;
	v4 =	vadd.s32 v1, v4;
	_ =	sdelay $0x1  }
0x80: {  	v3 =	vadd.s32 v1, v3;
	_ =	sdelay $0x2  }
0x81: {  	[tilespmem:s28], [sflag:$0x1] =	stream.indirect_vreg.gather [hbm4b:s3+s2], $0x80, v4, vm0, $0xb8;
	[tilespmem:$0xC100] =	vst v63  }
0x82: {  	_ = 	snop  }
0x83: {  	[tilespmem:s29], [sflag:$0x1] =	stream.indirect_vreg.gather [hbm4b:s3+s2], $0x80, v3, vm0, $0xb8;
	[tilespmem:$0xC100] =	vst v63  }
0x84: {  	v3 =	vld [tilespmem:$0xB0];
	_ =	sdelay $0x4  }
0x85: {  	v63 =	vshll.u32 v3, $0x1  }
0x86: {  	v3 =	vand.u32 $0x7, v3;
	v4 =	vand.u32 $0xFFFFFFF0, v63  }
0x87: {  	v3 =	vor.u32 v3, v4  }
0x88: {  	v4 =	vperm.xlane v3, v0;
	_ =	sdelay $0x1  }
0x89: {  	v3 =	vperm.xlane v3, v2;
	v4 =	vadd.s32 v1, v4;
	_ =	sdelay $0x1  }
0x8a: {  	v3 =	vadd.s32 v1, v3;
	_ =	sdelay $0x2  }
0x8b: {  	[tilespmem:s30], [sflag:$0x1] =	stream.indirect_vreg.gather [hbm4b:s3+s2], $0x80, v4, vm0, $0xb8;
	[tilespmem:$0xC100] =	vst v63  }
0x8c: {  	_ = 	snop  }
0x8d: {  	[tilespmem:s31], [sflag:$0x1] =	stream.indirect_vreg.gather [hbm4b:s3+s2], $0x80, v3, vm0, $0xb8;
	[tilespmem:$0xC100] =	vst v63  }
0x8e: {  	_ =	swait.ge [sflag:s1], $0xC000  }
0x8f: {  	p0 =	sne.s32 s5, $0x1;
	[sflag:s1] =	ssyncset.done $0x0  }
.Ltmp0:
0x90: {  	[sflag:s1] =	ssyncadd.s32 $0xFFFF4000;
	(pc) =	sbr.rel @p0 .LBB2_1-.Ltmp0, $4  }
0x91: {  	[hbm4b:s4+s2] =	stream.linear.scatter [tilespmem:s7], [sflag:$0x2], $0xC000, $0x38;
	[tilespmem:$0xC100] =	vst v63  }
0x92: {  	_ =	swait.ge [sflag:s6], $0xC000  }
0x93: {  	[sflag:s6] =	ssyncset.done $0x0  }
0x94: {  	s5 =	sadd.s32 $0xFFFFFFFF, s5;
	[sflag:s6] =	ssyncadd.s32 $0xFFFF4000  }
0x95: {  	_ =	sfence.sel $0x180000  }
0x96: {  	[bflag:$0x0] =	sbarrier.arrive $0xFFFF  }
0x97: {  	_ =	strace $0x9000004D  }
0x98: {  	s0 =	stileid.u32;
	[bflag:$0x2] =	sbarrier.arrive $0xFFFF  }
0x99: {  	p0 =	sne.s32 s0, $0x0;
	s0 =	rddreg [dreg:$0x1]  }
0x9a: {  	s0 =	sadd.s32 @!p0 $0x100000, s0  }
0x9b: {  	[sflag:s0] =	ssyncadd.tile.s32 @!p0 $0x1;
	_ =	shalt  }
.Lfunc_end2:
_tile_overlayer_lowered:
.L_overlay_start_2:
0x9c: {  	(tag) =	ssettag $0x2  }
0x9d: {  	s0 =	rddreg [dreg:$0x0];
	s2 =	stileid.u32  }
0x9e: {  	s1 =	rddreg [dreg:$0x1];
	p0 =	sne.s32 s2, $0x0  }
0x9f: {  	s3 =	rddreg [dreg:$0x2];
	[bflag:$0x3] =	sbarrier.arrive $0xFFFF;
	s2 =	simm.s32 @!p0 $0x1C02  }
0xa0: {  	[timem:s3], [sflag:s2] =	dma.local @!p0 [hbm:s0], s1  }
0xa1: {  	s0 =	simm.s32 @!p0 $0x2  }
0xa2: {  	_ =	swait.ge @!p0 [sflag:s0], s1  }
0xa3: {  	s1 =	ssub.s32 @!p0 $0x0, s1;
	[sflag:s0] =	ssyncset.done @!p0 $0x0  }
0xa4: {  	[sflag:s0] =	ssyncadd.s32 @!p0 s1  }
0xa5: {  	[bflag:$0x3] =	sbarrier.arrive $0xFFFF  }
0xa6: {  	_ =	shalt  }

// kernel: kernel.27.cloned.1.call-start
scs
__scs_entry_jumppad:
0x0: {  	(pc) =	sbr.rel $0x88, $3  }
0x1: {  	(tag) =	ssettag $0x0;
	lr =	simm.s32 $0x1  }
0x2: {  	[smem:$0x3F79] =	sst lr;
	_ =	strace $0xD0000000  }
0x3: {  	_ = 	snop  }
0x4: {  	_ = 	snop  }
0x5: {  	_ = 	snop  }
0x6: {  	_ = 	snop  }
0x7: {  	_ = 	snop  }
__scs_overlays_trampoline_lowered:
0x8: {  	[smem:$0x3F88] =	sst s0  }
0x9: {  	[smem:$0x3F89] =	sst s1  }
0xa: {  	[smem:$0x3F8A] =	sst s2  }
0xb: {  	[smem:$0x3F8B] =	sst s3  }
0xc: {  	[smem:$0x3F8C] =	sst s4  }
0xd: {  	[smem:$0x3F8D] =	sst s5  }
0xe: {  	[smem:$0x3F8E] =	sst s6  }
0xf: {  	[smem:$0x3F8F] =	sst s7  }
0x10: {  	[smem:$0x3F90] =	sst s8  }
0x11: {  	[smem:$0x3F91] =	sst s9;
	s0 =	simm.s32 @!p0 $0x0  }
0x12: {  	s1 =	sld [smem:$0x3F77];
	s0 =	simm.s32 @p0 $0x1  }
0x13: {  	[smem:$0x3F92] =	sst s0;
	s0 =	simm.s32 @!p1 $0x0  }
0x14: {  	s2 =	sld [smem:$0x3F76];
	s0 =	simm.s32 @p1 $0x1  }
0x15: {  	[smem:$0x3F93] =	sst s0;
	s0 =	simm.s32 @!p2 $0x0  }
0x16: {  	s3 =	sld [smem:$0x3FDB];
	s0 =	simm.s32 @p2 $0x1  }
0x17: {  	s4 =	simm.s32 $0x1BF5;
	[smem:$0x3F95] =	sst s0  }
0x18: {  	s0 =	sld [smem:$0x3F78];
	_ =	swait.ge [sflag:s4], $0x0  }
0x19: {  	s7 =	sld [smem:$0x3F79]  }
0x1a: {  	s8 =	sadd.s32 $0xFFFFE003, lr  }
0x1b: {  	s9 =	sadd.s32 $0xFFFFFEF7, lr;
	s5 =	simm.s32 $0xFFFFFFFF;
	p2 =	slt.u32 s8, $0xFFFFF086  }
0x1c: {  	p1 =	slt.u32 s9, $0xF7A;
	s5 =	simm.s32 @!p2 $0x0  }
0x1d: {  	s5 =	simm.s32 @p1 $0x1;
	p0 =	seq.s32 s7, s2  }
0x1e: {  	s7 =	smul.u32 @!p0 $0xF7A, s2;
	p2 =	seq.s32 @!p0 s5, $0x0  }
0x1f: {  	s9 =	smul.u32 $0xF7A, s1;
	s8 =	simm.s32 @!p0 $0x1BF5;
	p2 =	por !p2, p0  }
0x20: {  	[sflag:s8] =	ssyncset.s32 @!p0 $0xFFFFF086;
	s6 =	sadd.s32 @!p0 s3, s7;
	s7 =	simm.s32 @!p0 $0x108  }
0x21: {  	s3 =	sadd.s32 s3, s9;
	s6 =	sadd.s32 @!p0 $0x88, s6;
	s7 =	simm.s32 @p2 $0x1082  }
0x22: {  	[simem:s7], [sflag:s8] =	dma.local @!p0 [hbm:s6], $0xF7A  }
0x23: {  	s9 =	sor.u32 $0xD0000000, s2;
	s6 =	simm.s32 $0x108;
	_ =	swait.ge @!p0 [sflag:s8], $0x0  }
0x24: {  	s3 =	sadd.s32 $0x88, s3;
	s6 =	simm.s32 @!p1 $0x1082;
	[sflag:s4] =	ssyncset.s32 $0xFFFFF086  }
0x25: {  	[simem:s6], [sflag:s4] =	dma.local [hbm:s3], $0xF7A  }
0x26: {  	[smem:$0x3F79] =	sst s1;
	(tag) =	ssettag s2;
	_ =	strace s9  }
0x27: {  	s1 =	sld [smem:$0x3F89]  }
0x28: {  	s2 =	sld [smem:$0x3F8A]  }
0x29: {  	s4 =	sld [smem:$0x3F8C]  }
0x2a: {  	p0 =	seq.s32 s5, $0x0;
	s5 =	sld [smem:$0x3F8D]  }
0x2b: {  	s6 =	sld [smem:$0x3F8E]  }
0x2c: {  	s7 =	sld [smem:$0x3F8F]  }
0x2d: {  	s3 =	simm.s32 $0x108;
	s8 =	sld [smem:$0x3F90]  }
0x2e: {  	s3 =	simm.s32 @!p0 $0x1082;
	s9 =	sld [smem:$0x3F91]  }
0x2f: {  	lr =	sadd.s32 s0, s3;
	s0 =	sld [smem:$0x3F88]  }
0x30: {  	s3 =	sld [smem:$0x3F8B]  }
0x31: {  	[smem:$0x3F94] =	sst s10  }
0x32: {  	s10 =	sld [smem:$0x3F92];
	_ =	sdelay $0x3  }
0x33: {  	p0 =	seq.s32 s10, $0x1;
	s10 =	sld [smem:$0x3F94];
	_ =	sdelay $0x3  }
0x34: {  	[smem:$0x3F94] =	sst s10  }
0x35: {  	s10 =	sld [smem:$0x3F93];
	_ =	sdelay $0x3  }
0x36: {  	p1 =	seq.s32 s10, $0x1;
	s10 =	sld [smem:$0x3F94];
	_ =	sdelay $0x3  }
0x37: {  	[smem:$0x3F94] =	sst s10  }
0x38: {  	s10 =	sld [smem:$0x3F95]  }
0x39: {  	_ = 	snop;
	(pc) =	sbr.ind lr, $3  }
0x3a: {  	_ = 	snop  }
0x3b: {  	_ = 	snop  }
0x3c: {  	p2 =	seq.s32 s10, $0x1;
	s10 =	sld [smem:$0x3F94]  }
0x3d: {  	_ =	shalt  }
0x3e: {  	_ =	shalt  }
0x3f: {  	_ =	shalt  }
0x40: {  	_ =	shalt  }
0x41: {  	_ =	shalt  }
0x42: {  	_ =	shalt  }
0x43: {  	_ =	shalt  }
0x44: {  	_ =	shalt  }
0x45: {  	_ =	shalt  }
0x46: {  	_ =	shalt  }
0x47: {  	_ =	shalt  }
0x48: {  	_ =	shalt  }
0x49: {  	_ =	shalt  }
0x4a: {  	_ =	shalt  }
0x4b: {  	_ =	shalt  }
0x4c: {  	_ =	shalt  }
0x4d: {  	_ =	shalt  }
0x4e: {  	_ =	shalt  }
0x4f: {  	_ =	shalt  }
0x50: {  	_ =	shalt  }
0x51: {  	_ =	shalt  }
0x52: {  	_ =	shalt  }
0x53: {  	_ =	shalt  }
0x54: {  	_ =	shalt  }
0x55: {  	_ =	shalt  }
0x56: {  	_ =	shalt  }
0x57: {  	_ =	shalt  }
0x58: {  	_ =	shalt  }
0x59: {  	_ =	shalt  }
0x5a: {  	_ =	shalt  }
0x5b: {  	_ =	shalt  }
0x5c: {  	_ =	shalt  }
0x5d: {  	_ =	shalt  }
0x5e: {  	_ =	shalt  }
0x5f: {  	_ =	shalt  }
0x60: {  	_ =	shalt  }
0x61: {  	_ =	shalt  }
0x62: {  	_ =	shalt  }
0x63: {  	_ =	shalt  }
0x64: {  	_ =	shalt  }
0x65: {  	_ =	shalt  }
0x66: {  	_ =	shalt  }
0x67: {  	_ =	shalt  }
0x68: {  	_ =	shalt  }
0x69: {  	_ =	shalt  }
0x6a: {  	_ =	shalt  }
0x6b: {  	_ =	shalt  }
0x6c: {  	_ =	shalt  }
0x6d: {  	_ =	shalt  }
0x6e: {  	_ =	shalt  }
0x6f: {  	_ =	shalt  }
0x70: {  	_ =	shalt  }
0x71: {  	_ =	shalt  }
0x72: {  	_ =	shalt  }
0x73: {  	_ =	shalt  }
0x74: {  	_ =	shalt  }
0x75: {  	_ =	shalt  }
0x76: {  	_ =	shalt  }
0x77: {  	_ =	shalt  }
0x78: {  	_ =	shalt  }
0x79: {  	_ =	shalt  }
0x7a: {  	_ =	shalt  }
0x7b: {  	_ =	shalt  }
0x7c: {  	_ =	shalt  }
0x7d: {  	_ =	shalt  }
0x7e: {  	_ =	shalt  }
0x7f: {  	_ =	shalt  }
0x80: {  	_ =	shalt  }
0x81: {  	_ =	shalt  }
0x82: {  	_ =	shalt  }
0x83: {  	_ =	shalt  }
0x84: {  	_ =	shalt  }
0x85: {  	_ =	shalt  }
0x86: {  	_ =	shalt  }
0x87: {  	_ =	shalt  }
.Lfunc_end0:
.L_simem_size_0:
called_computation.3_lowered:
.L_overlay_start_0:
0x88: {  	s2 =	sld [smem:$0x3FD9]  }
0x89: {  	s3 =	sld [smem:$0x3FFE];
	_ =	sdelay $0x1  }
0x8a: {  	s1 =	srdreg.scid  }
0x8b: {  	s0 =	sand.u32 $0x1, s1  }
0x8c: {  	s17 =	sshll.u32 s0, $0xA;
	s2 =	sadd.s32 s3, s2  }
0x8d: {  	s2 =	sadd.s32 s2, s17  }
0x8e: {  	[smem:$0x3FA0] =	sst s2  }
0x8f: {  	_ = 	snop  }
0x90: {  	s2 =	sld [smem:$0x3FD0];
	(tm) =	ssettm $0x1  }
0x91: {  	s18 =	sld [smem:$0x3FFB];
	_ =	sdelay $0x3  }
0x92: {  	_ =	strace s18  }
0x93: {  	s3 =	sld [smem:$0x3FFC];
	_ =	sdelay $0x3  }
0x94: {  	_ =	strace s3  }
0x95: {  	s3 =	sld [smem:$0x3FFD];
	_ =	sdelay $0x3  }
0x96: {  	_ =	strace s3  }
0x97: {  	_ =	strace $0x8FFFFFFF  }
0x98: {  	s19 =	sld [smem:$0x3FDB];
	_ =	sdelay $0x1  }
0x99: {  	s4 =	simm.s32 $_scs_section_size  }
0x9a: {  	s5 =	simm.s32 $_size__tile_overlayer_lowered;
	s6 =	simm.s32 $_tile_overlayer_lowered  }
0x9b: {  	s22 =	simm.s32 $0x1BFF;
	s21 =	sshll.u32 s6, $0x1;
	s3 =	sadd.s32 s4, s19  }
0x9c: {  	s7 =	simm.s32 $0x0;
	s20 =	sshll.u32 s5, $0x1;
	s5 =	sadd.s32 s21, s3  }
0x9d: {  	[timem:s7], [sflag:s22] =	dma.local [hbm:s5], s20  }
0x9e: {  	_ =	swait.ge [sflag:s22], s20  }
0x9f: {  	s4 =	ssub.s32 $0x0, s20;
	[sflag:s22] =	ssyncset.done $0x0  }
0xa0: {  	[sflag:s22] =	ssyncadd.s32 s4;
	_ =	sdelay $0x1  }
0xa1: {  	s23 =	simm.s32 $0x1B8B  }
0xa2: {  	_ =	swait.ge [sflag:s23], $0x1  }
0xa3: {  	[sflag:s23] =	ssyncset.done $0x0  }
0xa4: {  	s25 =	simm.s32 $0x1B8E;
	s24 =	sld [smem:$0x3FFE];
	[sflag:s23] =	ssyncadd.s32 $0xFFFFFFFF  }
0xa5: {  	s26 =	simm.s32 $execute0_lowered;
	[smem:$0x3FD2] =	sst s25  }
0xa6: {  	s5 =	sshll.u32 s26, $0x1;
	_ =	strace $0x8000004F;
	[dreg:$0x1] =	wrdreg $0xFFFFFFFF  }
0xa7: {  	s28 =	simm.s32 $_size_execute0_lowered;
	s3 =	sadd.s32 s3, s5;
	[dreg:$0x0] =	wrdreg $0x0  }
0xa8: {  	s5 =	sshll.u32 s28, $0x1;
	[dreg:$0x2] =	wrdreg s3  }
0xa9: {  	[dreg:$0x3] =	wrdreg s5  }
0xaa: {  	[dreg:$0x4] =	wrdreg $0xC0  }
0xab: {  	_ =	task [dreg:s7], $0x5FFFF  }
0xac: {  	[dreg:$0x1] =	wrdreg $0xFFFFFFFF  }
0xad: {  	[dreg:$0x0] =	wrdreg $0x60  }
0xae: {  	[dreg:$0x2] =	wrdreg s24  }
0xaf: {  	[dreg:$0x3] =	wrdreg s2  }
0xb0: {  	[dreg:$0x4] =	wrdreg $0x9  }
0xb1: {  	_ =	task.clear_ibuf [dreg:s7], $0x5FFFF;
	_ =	strace $0x9000004F  }
0xb2: {  	s29 =	simm.s32 $0x9;
	_ =	strace $0x80000051  }
0xb3: {  	_ =	swait.ge [sflag:s29], $0x1  }
0xb4: {  	[sflag:s29] =	ssyncadd.s32 $0xFFFFFFFF  }
0xb5: {  	_ =	strace $0x90000051  }
0xb6: {  	_ =	sfence  }
0xb7: {  	s30 =	sld [smem:$0x0];
	_ =	sdelay $0x2  }
0xb8: {  	s31 =	sshll.u32 s1, $0xD;
	s1 =	sshrl.u32 s1, $0x2  }
0xb9: {  	s3 =	sand.u32 $0x4000, s31;
	s1 =	sadd.s32 s1, s30  }
0xba: {  	s0 =	sor.u32 s3, s0;
	s1 =	sshll.u32 s1, $0x11  }
0xbb: {  	s0 =	sor.u32 s1, s0  }
0xbc: {  	s0 =	sadd.s32 $0x8F2B, s0  }
0xbd: {  	[sflag:s0] =	ssyncadd.remote.s32 $0x1  }
0xbe: {  	_ =	sfence.sel $0xFFFF  }
0xbf: {  	[dreg:$0x0] =	wrdreg $0xFFFFFFFF;
	(pc) =	sbr.abs _section_cstart, $3  }
0xc0: {  	[dreg:$0x1] =	wrdreg $0xFFFFFFFF  }
0xc1: {  	_ =	task.clear_ibuf [dreg:s7], $0x2FFFF;
	_ =	strace $0x9FFFFFFF  }
0xc2: {  	(tm) =	ssettm $0x7FFFFFFF  }
0xc3: {  	_ =	shalt  }
tec
execute0_lowered:
.L_overlay_start_1:
0x0: {  	(tag) =	ssettag $0x1  }
0x1: {  	s1 =	srdreg.scid  }
0x2: {  	s0 =	stileid.u32;
	s8 =	rddreg [dreg:$0x0]  }
0x3: {  	s3 =	rddreg [dreg:$0x1];
	s6 =	sand.u32 $0x1, s1;
	s30 =	sshll.u32 s0, $0x1  }
0x4: {  	s2 =	simm.s32 $0x0;
	s1 =	rddreg [dreg:$0x2];
	s7 =	sor.u32 s6, s30  }
0x5: {  	[smem:$0x7FF] =	sst s2;
	s4 =	smul.u32 $0x30, s7  }
0x6: {  	s5 =	sadd.s32 $0x8000, s8;
	_ =	strace $0x80000050;
	s10 =	ssub.s32 $0x2, s6  }
0x7: {  	s6 =	simm.s32 $0x180;
	s4 =	sadd.s32 s3, s4;
	s3 =	simm.s32 $0x2  }
0x8: {  	[tilespmem:s2], [sflag:$0x2] =	stream.linear.gather [hbm4b:s4+s2], $0x180, $0x38;
	[tilespmem:$0xC180] =	vst v63  }
0x9: {  	s9 =	smul.u32 $0x1800, s7;
	s11 =	sshrl.u32 s10, $0x1;
	_ =	swait.ge [sflag:s3], $0x180  }
0xa: {  	s7 =	simm.s32 $0x1;
	s31 =	ssub.s32 s10, s11;
	[sflag:s3] =	ssyncset.done $0x0  }
0xb: {  	s8 =	sadd.s32 s9, s8;
	s9 =	smax.u32 s31, $0x1;
	[sflag:s3] =	ssyncadd.s32 $0xFFFFFE80  }
0xc: {  	[tilespmem:s6], [sflag:$0x1] =	stream.indirect.gather [hbm4b:s5+s6], $0x80, s2, s6, $0xb8;
	[tilespmem:$0xC180] =	vst v63  }
0xd: {  	p0 =	sne.s32 s9, $0x1;
	_ =	swait.ge [sflag:s7], $0xC000  }
.Ltmp0:
0xe: {  	[sflag:s7] =	ssyncset.done $0x0;
	(pc) =	sbr.rel @!p0 .LBB2_2-.Ltmp0, $4  }
0xf: {  	s8 =	sadd.s32 $0x6C000, s8;
	[sflag:s7] =	ssyncadd.s32 $0xFFFF4000  }
0x10: {  	[hbm4b:s8+s2] =	stream.linear.scatter [tilespmem:s6], [sflag:$0x2], $0xC000, $0x38;
	[tilespmem:$0xC180] =	vst v63  }
0x11: {  	_ =	swait.ge [sflag:s3], $0xC000  }
0x12: {  	s9 =	sadd.s32 $0xFFFFFFFF, s9;
	[sflag:s3] =	ssyncset.done $0x0  }
.LBB2_1:
0x13: {  	p0 =	sne.s32 s9, $0x1;
	s9 =	sadd.s32 $0xFFFFFFFF, s9;
	[sflag:s3] =	ssyncadd.s32 $0xFFFF4000  }
0x14: {  	[tilespmem:s2], [sflag:$0x2] =	stream.linear.gather [hbm4b:s4+s2], $0x180, $0x38;
	[tilespmem:$0xC180] =	vst v63  }
0x15: {  	_ =	swait.ge [sflag:s3], $0x180  }
0x16: {  	[sflag:s3] =	ssyncset.done $0x0  }
0x17: {  	[sflag:s3] =	ssyncadd.s32 $0xFFFFFE80  }
0x18: {  	[tilespmem:s6], [sflag:$0x1] =	stream.indirect.gather [hbm4b:s5+s6], $0x80, s2, s6, $0xb8;
	[tilespmem:$0xC180] =	vst v63  }
0x19: {  	_ =	swait.ge [sflag:s7], $0xC000  }
.Ltmp1:
0x1a: {  	[sflag:s7] =	ssyncset.done $0x0;
	(pc) =	sbr.rel @p0 .LBB2_1-.Ltmp1, $4  }
0x1b: {  	[sflag:s7] =	ssyncadd.s32 $0xFFFF4000  }
0x1c: {  	[hbm4b:s8+s2] =	stream.linear.scatter [tilespmem:s6], [sflag:$0x2], $0xC000, $0x38;
	[tilespmem:$0xC180] =	vst v63  }
0x1d: {  	_ =	swait.ge [sflag:s3], $0xC000  }
0x1e: {  	[sflag:s3] =	ssyncset.done $0x0  }
.LBB2_2:
0x1f: {  	[sflag:s3] =	ssyncadd.s32 $0xFFFF4000  }
0x20: {  	_ =	sfence.sel $0x180000  }
0x21: {  	[bflag:$0x0] =	sbarrier.arrive $0xFFFF  }
0x22: {  	p0 =	sne.s32 s0, $0x0;
	_ =	strace $0x90000050  }
0x23: {  	s0 =	sadd.s32 @!p0 $0x100000, s1;
	[bflag:$0x2] =	sbarrier.arrive $0xFFFF  }
0x24: {  	[sflag:s0] =	ssyncadd.tile.s32 @!p0 $0x1;
	_ =	shalt  }
.Lfunc_end2:
_tile_overlayer_lowered:
.L_overlay_start_2:
0x25: {  	(tag) =	ssettag $0x2  }
0x26: {  	s0 =	rddreg [dreg:$0x0];
	s2 =	stileid.u32  }
0x27: {  	s1 =	rddreg [dreg:$0x1];
	p0 =	sne.s32 s2, $0x0  }
0x28: {  	s3 =	rddreg [dreg:$0x2];
	[bflag:$0x3] =	sbarrier.arrive $0xFFFF;
	s2 =	simm.s32 @!p0 $0x1C02  }
0x29: {  	[timem:s3], [sflag:s2] =	dma.local @!p0 [hbm:s0], s1  }
0x2a: {  	s0 =	simm.s32 @!p0 $0x2  }
0x2b: {  	_ =	swait.ge @!p0 [sflag:s0], s1  }
0x2c: {  	s1 =	ssub.s32 @!p0 $0x0, s1;
	[sflag:s0] =	ssyncset.done @!p0 $0x0  }
0x2d: {  	[sflag:s0] =	ssyncadd.s32 @!p0 s1  }
0x2e: {  	[bflag:$0x3] =	sbarrier.arrive $0xFFFF  }
0x2f: {  	_ =	shalt  }

</sc_bundles>
